<compile_context>
chip_gen: v7x
topology: tpu7x:2x2x1
jax: 0.10.2.dev20260603
libtpu: 0.0.44.dev20260713+nightly
codegen_flags: <defaults>
</compile_context>

<pallas_src>
import functools

import jax
import jax.numpy as jnp
from jax import lax
from jax.experimental import pallas as pl
from jax.experimental.pallas import tpu as pltpu
from jax.experimental.pallas import tpu_sc as plsc

NC = 2
NS = 16
L = 16
NW = NC * NS
B = 16384
D = 64
BPW = B // NW
RING = 32
PF = 6
PFB = 8
NBINS = 272

NU = 1000000
NI = 100000


def _gather_sub(idx_hbm, tbl_hbm, vals_hbm, n_rows,
                idx_v, wl_pk, grp_pk, hist, offs_cur, offs_start,
                blkbuf, rowring, fsem, sem):
    nb = (n_rows + 127) // 128
    bpw = (nb + NW - 1) // NW

    wid = lax.axis_index("s") * NC + lax.axis_index("c")
    lo = wid * bpw
    iota = jax.lax.iota(jnp.int32, L)
    gdn = lax.GatherDimensionNumbers(
        offset_dims=(), collapsed_slice_dims=(0,), start_index_map=(0,))

    def lane_shuffle(x, perm):
        return lax.gather(x, perm[:, None], dimension_numbers=gdn,
                          slice_sizes=(1,),
                          mode=lax.GatherScatterMode.PROMISE_IN_BOUNDS)

    pltpu.sync_copy(idx_hbm, idx_v)

    zeros = jnp.zeros((L,), jnp.int32)
    for t in range(NBINS // L):
        hist[pl.ds(t * L, L)] = zeros

    def scan_body(v, off):
        idx16 = idx_v[pl.ds(v * L, L)]
        blk = idx16 >> 7
        m = (blk >= lo) & (blk < lo + bpw)
        packed = ((blk - lo) << 21) | ((idx16 & 127) << 14) | (v * L + iota)
        plsc.store_compressed(wl_pk.at[pl.ds(off, L)], packed, mask=m)
        return off + jnp.sum(m.astype(jnp.int32))

    n_w = lax.fori_loop(0, B // L, scan_body, 0)
    nv = (n_w + L - 1) // L

    def hist_body(v, carry):
        valid = (v * L + iota) < n_w
        blkloc = wl_pk[pl.ds(v * L, L)] >> 21
        blkloc = jnp.where(valid, blkloc, NBINS - 1)
        plsc.addupdate_scatter(hist, [blkloc],
                               jnp.ones((L,), jnp.int32), mask=valid)
        return carry

    lax.fori_loop(0, nv, hist_body, 0)

    def pfx_body(t, run):
        h = hist[pl.ds(t * L, L)]
        s = plsc.cumsum(h)
        offs_cur[pl.ds(t * L, L)] = s - h + run
        offs_start[pl.ds(t * L, L)] = s - h + run
        return run + s[L - 1]

    lax.fori_loop(0, NBINS // L, pfx_body, 0)

    def grp_body(v, carry):
        valid = (v * L + iota) < n_w
        w = wl_pk[pl.ds(v * L, L)]
        blkloc = jnp.where(valid, w >> 21, NBINS - 1)
        rank = jnp.zeros((L,), jnp.int32)
        for sh in range(1, L):
            perm = jnp.maximum(iota - sh, 0)
            same = (lane_shuffle(blkloc, perm) == blkloc) & (iota >= sh)
            rank = rank + same.astype(jnp.int32)
        pos = plsc.load_gather(offs_cur, [blkloc]) + rank
        plsc.store_scatter(grp_pk, [pos], w, mask=valid)
        plsc.addupdate_scatter(offs_cur, [blkloc],
                               jnp.ones((L,), jnp.int32), mask=valid)
        return carry

    lax.fori_loop(0, nv, grp_body, 0)

    def ent_body(e, gg_par):
        gg, ppar = gg_par
        w = grp_pk[pl.ds(e, L)][0]
        rl = (w >> 14) & 127
        pid = w & 16383
        slot = gg % RING
        pvec = jnp.full((L,), ppar, jnp.int32)
        cvec = jnp.full((L,), rl, jnp.int32)
        for k in range(D // L):
            rowring[slot, pl.ds(k * L, L)] = plsc.load_gather(
                blkbuf, [pvec, iota + k * L, cvec])
        pltpu.async_copy(
            rowring.at[slot],
            vals_hbm.at[pl.ds(pl.multiple_of(pid * D, 8), D)], sem)

        @pl.when(gg >= RING - 8)
        def _():
            pltpu.make_async_copy(
                rowring.at[0], vals_hbm.at[pl.ds(0, D)], sem).wait()
        return (gg + 1, ppar)

    def fire(bx):
        cnt = hist[pl.ds(bx, L)][0]

        @pl.when((bx < bpw) & (cnt > 0))
        def _():
            col0 = pl.multiple_of((lo + bx) * 128, 128)
            pltpu.async_copy(tbl_hbm.at[:, pl.ds(col0, 128)],
                             blkbuf.at[lax.rem(bx, PFB)], fsem)

    for bx in range(PF):
        fire(jnp.int32(bx))

    def blk_body(bl, g):
        fire(bl + PF)
        par = lax.rem(bl, PFB)
        cnt = hist[pl.ds(bl, L)][0]
        start = offs_start[pl.ds(bl, L)][0]

        @pl.when(cnt > 0)
        def _():
            pltpu.make_async_copy(tbl_hbm.at[:, pl.ds(0, 128)],
                                  blkbuf.at[par], fsem).wait()

        g2, _unused = lax.fori_loop(start, start + cnt, ent_body, (g, par))
        return g2

    g_end = lax.fori_loop(0, bpw, blk_body, 0)

    n_drain = jnp.minimum(g_end, RING - 8)

    def drain_body(i, carry):
        pltpu.make_async_copy(rowring.at[0],
                              vals_hbm.at[pl.ds(0, D)], sem).wait()
        return carry

    lax.fori_loop(0, n_drain, drain_body, 0)


@functools.partial(
    pl.kernel,
    out_type=(jax.ShapeDtypeStruct((B * D,), jnp.float32),
              jax.ShapeDtypeStruct((B * D,), jnp.float32)),
    mesh=plsc.VectorSubcoreMesh(core_axis_name="c", subcore_axis_name="s",
                                num_cores=NC, num_subcores=NS),
    scratch_types=[
        pltpu.VMEM((B,), jnp.int32),
        pltpu.VMEM((B + L,), jnp.int32),
        pltpu.VMEM((B + L,), jnp.int32),
        pltpu.VMEM((NBINS,), jnp.int32),
        pltpu.VMEM((NBINS,), jnp.int32),
        pltpu.VMEM((NBINS,), jnp.int32),
        pltpu.VMEM((PFB, D, 128), jnp.float32),
        pltpu.VMEM((RING, D), jnp.float32),
        pltpu.SemaphoreType.DMA,
        pltpu.SemaphoreType.DMA,
    ],
    compiler_params=pltpu.CompilerParams(needs_layout_passes=False),
)
def _gather_both(uidx, iidx, ufT, ifT, uvals, ivals, *scratch):
    _gather_sub(uidx, ufT, uvals, NU, *scratch)
    _gather_sub(iidx, ifT, ivals, NI, *scratch)


def _dot_body(uvals_hbm, ivals_hbm, out_hbm, uv_v, iv_v, out_v, sem):
    wid = lax.axis_index("s") * NC + lax.axis_index("c")
    base = wid * BPW
    pltpu.sync_copy(uvals_hbm.at[pl.ds(base * D, BPW * D)], uv_v)
    pltpu.sync_copy(ivals_hbm.at[pl.ds(base * D, BPW * D)], iv_v)

    iota = jax.lax.iota(jnp.int32, L)
    perms = [iota ^ sh for sh in (8, 4, 2, 1)]
    gdn = lax.GatherDimensionNumbers(offset_dims=(), collapsed_slice_dims=(0,),
                                     start_index_map=(0,))

    def lane_shuffle(x, perm):
        return lax.gather(x, perm[:, None], dimension_numbers=gdn,
                          slice_sizes=(1,),
                          mode=lax.GatherScatterMode.PROMISE_IN_BOUNDS)

    def body(g, carry):
        res = jnp.zeros((L,), jnp.float32)
        for l in range(L):
            p = (g * L + l) * D
            acc = uv_v[pl.ds(p, L)] * iv_v[pl.ds(p, L)]
            for k in range(1, D // L):
                acc = acc + uv_v[pl.ds(p + k * L, L)] * iv_v[pl.ds(p + k * L, L)]
            for perm in perms:
                acc = acc + lane_shuffle(acc, perm)
            res = jnp.where(iota == l, acc, res)
        out_v[pl.ds(g * L, L)] = res
        return carry

    lax.fori_loop(0, BPW // L, body, 0)
    pltpu.sync_copy(out_v, out_hbm.at[pl.ds(base, BPW)])


@functools.partial(
    pl.kernel,
    out_type=jax.ShapeDtypeStruct((B,), jnp.float32),
    mesh=plsc.VectorSubcoreMesh(core_axis_name="c", subcore_axis_name="s",
                                num_cores=NC, num_subcores=NS),
    scratch_types=[
        pltpu.VMEM((BPW * D,), jnp.float32),
        pltpu.VMEM((BPW * D,), jnp.float32),
        pltpu.VMEM((BPW,), jnp.float32),
        pltpu.SemaphoreType.DMA,
    ],
    compiler_params=pltpu.CompilerParams(needs_layout_passes=False),
)
def _dot(uvals, ivals, out, *scratch):
    _dot_body(uvals, ivals, out, *scratch)


def kernel(user, item, user_factors, item_factors):
    ufT = user_factors.T
    ifT = item_factors.T
    uvals, ivals = _gather_both(user.astype(jnp.int32),
                                item.astype(jnp.int32), ufT, ifT)
    return _dot(uvals, ivals)

# --- scband reference (transcript-rebuilt; emitter-appended) ---
"""Pipeline reference for scband-torch-als-63522566308338 (READ-ONLY COPY).

The authoritative reference and input builder live on the scoring server;
editing this copy changes nothing except your own understanding.
"""

import jax, jax.numpy as jnp
import numpy as np

N_USERS = 1000000
N_ITEMS = 100000
N_FACTORS = 64
BATCH = 16384


def setup_inputs(seed: int = 0) -> dict:
    key = jax.random.key(seed)
    k1, k2, k3, k4 = jax.random.split(key, 4)
    user = jax.random.randint(k1, (BATCH,), 0, N_USERS, dtype=jnp.int64 if jax.config.jax_enable_x64 else jnp.int32)
    item = jax.random.randint(k2, (BATCH,), 0, N_ITEMS, dtype=jnp.int64 if jax.config.jax_enable_x64 else jnp.int32)
    user_factors = jax.random.normal(k3, (N_USERS, N_FACTORS), dtype=jnp.float32) * 0.01
    item_factors = jax.random.normal(k4, (N_ITEMS, N_FACTORS), dtype=jnp.float32) * 0.01
    return {"user": user, "item": item, "user_factors": user_factors, "item_factors": item_factors}


def reference(user, item, user_factors, item_factors):
    # forward: (self.user_factors[user] * self.item_factors[item]).sum(1)
    u = jnp.take(user_factors, user, axis=0)
    v = jnp.take(item_factors, item, axis=0)
    return (u * v).sum(axis=1)

if __name__ == "__main__":
    import jax
    _d = setup_inputs()
    print(jax.jit(kernel)(*tuple(_d.values())))

</pallas_src>

<mosaic_0001>
#map = affine_map<(d0, d1) -> (0)>
#map1 = affine_map<(d0, d1) -> (0, 0)>
module attributes {stable_mosaic.version = 14 : i64} {
  func.func @_gather_both(%arg0: i32, %arg1: i32, %arg2: memref<16384xi32, #tpu.memory_space<hbm>>, %arg3: memref<16384xi32, #tpu.memory_space<hbm>>, %arg4: memref<64x1000000xf32, #tpu.memory_space<hbm>>, %arg5: memref<64x100000xf32, #tpu.memory_space<hbm>>, %arg6: memref<1048576xf32, #tpu.memory_space<hbm>>, %arg7: memref<1048576xf32, #tpu.memory_space<hbm>>, %arg8: memref<16384xi32, #tpu.memory_space<vmem>>, %arg9: memref<16400xi32, #tpu.memory_space<vmem>>, %arg10: memref<16400xi32, #tpu.memory_space<vmem>>, %arg11: memref<272xi32, #tpu.memory_space<vmem>>, %arg12: memref<272xi32, #tpu.memory_space<vmem>>, %arg13: memref<272xi32, #tpu.memory_space<vmem>>, %arg14: memref<8x64x128xf32, #tpu.memory_space<vmem>>, %arg15: memref<32x64xf32, #tpu.memory_space<vmem>>, %arg16: memref<!tpu.dma_semaphore, #tpu.memory_space<semaphore_mem>>, %arg17: memref<!tpu.dma_semaphore, #tpu.memory_space<semaphore_mem>>) attributes {dimension_semantics = [#tpu.dimension_semantics<core_parallel>, #tpu.dimension_semantics<subcore_parallel>], iteration_bounds = array<i64: 2, 16>, scalar_prefetch = 0 : i64, scratch_operands = 10 : i64, tpu.core_type = #tpu.core_type<sc_vector_subcore>, window_params = [{transform_indices = #map}, {transform_indices = #map}, {transform_indices = #map1}, {transform_indices = #map1}, {transform_indices = #map}, {transform_indices = #map}]} {
    %mul3A = arith.constant 2 : i32
    %mul3A_0 = arith.muli %arg1, %mul3A : i32
    %add3A = arith.addi %mul3A_0, %arg0 : i32
    %mul3A_1 = arith.constant 245 : i32
    %mul3A_2 = arith.muli %add3A, %mul3A_1 : i32
    %iota3A = tpu.iota {dimensions = array<i32: 0>} : vector<16xi32>
    "tpu.region"() ({
      %run_scoped3A = tpu.sem_alloc : memref<!tpu.dma_semaphore, #tpu.memory_space<semaphore_mem>>
      tpu.enqueue_dma source(%arg2 : memref<16384xi32, #tpu.memory_space<hbm>>) target(%arg8 : memref<16384xi32, #tpu.memory_space<vmem>>) target_semaphore(%run_scoped3A : memref<!tpu.dma_semaphore, #tpu.memory_space<semaphore_mem>>)
      tpu.wait_dma2 semaphore(%run_scoped3A : memref<!tpu.dma_semaphore, #tpu.memory_space<semaphore_mem>>) src(%arg2 : memref<16384xi32, #tpu.memory_space<hbm>>) dst(%arg8 : memref<16384xi32, #tpu.memory_space<vmem>>)
      tpu.yield
    }) : () -> ()
    %broadcast_in_dim3A = arith.constant 0 : i32
    %broadcast_in_dim3A_3 = vector.broadcast %broadcast_in_dim3A : i32 to vector<16xi32>
    %swap3A = arith.constant 0 : index
    %swap3A_4 = tpu.vector_load %arg11[%swap3A] {strides = array<i32>} : memref<272xi32, #tpu.memory_space<vmem>>, vector<16xi32>,
    tpu.vector_store %arg11[%swap3A], %broadcast_in_dim3A_3 {strides = array<i32>} : memref<272xi32, #tpu.memory_space<vmem>>, vector<16xi32>,
    %swap3A_5 = arith.constant 16 : index
    %swap3A_6 = tpu.vector_load %arg11[%swap3A_5] {strides = array<i32>} : memref<272xi32, #tpu.memory_space<vmem>>, vector<16xi32>,
    tpu.vector_store %arg11[%swap3A_5], %broadcast_in_dim3A_3 {strides = array<i32>} : memref<272xi32, #tpu.memory_space<vmem>>, vector<16xi32>,
    %swap3A_7 = arith.constant 32 : index
    %swap3A_8 = tpu.vector_load %arg11[%swap3A_7] {strides = array<i32>} : memref<272xi32, #tpu.memory_space<vmem>>, vector<16xi32>,
    tpu.vector_store %arg11[%swap3A_7], %broadcast_in_dim3A_3 {strides = array<i32>} : memref<272xi32, #tpu.memory_space<vmem>>, vector<16xi32>,
    %swap3A_9 = arith.constant 48 : index
    %swap3A_10 = tpu.vector_load %arg11[%swap3A_9] {strides = array<i32>} : memref<272xi32, #tpu.memory_space<vmem>>, vector<16xi32>,
    tpu.vector_store %arg11[%swap3A_9], %broadcast_in_dim3A_3 {strides = array<i32>} : memref<272xi32, #tpu.memory_space<vmem>>, vector<16xi32>,
    %swap3A_11 = arith.constant 64 : index
    %swap3A_12 = tpu.vector_load %arg11[%swap3A_11] {strides = array<i32>} : memref<272xi32, #tpu.memory_space<vmem>>, vector<16xi32>,
    tpu.vector_store %arg11[%swap3A_11], %broadcast_in_dim3A_3 {strides = array<i32>} : memref<272xi32, #tpu.memory_space<vmem>>, vector<16xi32>,
    %swap3A_13 = arith.constant 80 : index
    %swap3A_14 = tpu.vector_load %arg11[%swap3A_13] {strides = array<i32>} : memref<272xi32, #tpu.memory_space<vmem>>, vector<16xi32>,
    tpu.vector_store %arg11[%swap3A_13], %broadcast_in_dim3A_3 {strides = array<i32>} : memref<272xi32, #tpu.memory_space<vmem>>, vector<16xi32>,
    %swap3A_15 = arith.constant 96 : index
    %swap3A_16 = tpu.vector_load %arg11[%swap3A_15] {strides = array<i32>} : memref<272xi32, #tpu.memory_space<vmem>>, vector<16xi32>,
    tpu.vector_store %arg11[%swap3A_15], %broadcast_in_dim3A_3 {strides = array<i32>} : memref<272xi32, #tpu.memory_space<vmem>>, vector<16xi32>,
    %swap3A_17 = arith.constant 112 : index
    %swap3A_18 = tpu.vector_load %arg11[%swap3A_17] {strides = array<i32>} : memref<272xi32, #tpu.memory_space<vmem>>, vector<16xi32>,
    tpu.vector_store %arg11[%swap3A_17], %broadcast_in_dim3A_3 {strides = array<i32>} : memref<272xi32, #tpu.memory_space<vmem>>, vector<16xi32>,
    %swap3A_19 = arith.constant 128 : index
    %swap3A_20 = tpu.vector_load %arg11[%swap3A_19] {strides = array<i32>} : memref<272xi32, #tpu.memory_space<vmem>>, vector<16xi32>,
    tpu.vector_store %arg11[%swap3A_19], %broadcast_in_dim3A_3 {strides = array<i32>} : memref<272xi32, #tpu.memory_space<vmem>>, vector<16xi32>,
    %swap3A_21 = arith.constant 144 : index
    %swap3A_22 = tpu.vector_load %arg11[%swap3A_21] {strides = array<i32>} : memref<272xi32, #tpu.memory_space<vmem>>, vector<16xi32>,
    tpu.vector_store %arg11[%swap3A_21], %broadcast_in_dim3A_3 {strides = array<i32>} : memref<272xi32, #tpu.memory_space<vmem>>, vector<16xi32>,
    %swap3A_23 = arith.constant 160 : index
    %swap3A_24 = tpu.vector_load %arg11[%swap3A_23] {strides = array<i32>} : memref<272xi32, #tpu.memory_space<vmem>>, vector<16xi32>,
    tpu.vector_store %arg11[%swap3A_23], %broadcast_in_dim3A_3 {strides = array<i32>} : memref<272xi32, #tpu.memory_space<vmem>>, vector<16xi32>,
    %swap3A_25 = arith.constant 176 : index
    %swap3A_26 = tpu.vector_load %arg11[%swap3A_25] {strides = array<i32>} : memref<272xi32, #tpu.memory_space<vmem>>, vector<16xi32>,
    tpu.vector_store %arg11[%swap3A_25], %broadcast_in_dim3A_3 {strides = array<i32>} : memref<272xi32, #tpu.memory_space<vmem>>, vector<16xi32>,
    %swap3A_27 = arith.constant 192 : index
    %swap3A_28 = tpu.vector_load %arg11[%swap3A_27] {strides = array<i32>} : memref<272xi32, #tpu.memory_space<vmem>>, vector<16xi32>,
    tpu.vector_store %arg11[%swap3A_27], %broadcast_in_dim3A_3 {strides = array<i32>} : memref<272xi32, #tpu.memory_space<vmem>>, vector<16xi32>,
    %swap3A_29 = arith.constant 208 : index
    %swap3A_30 = tpu.vector_load %arg11[%swap3A_29] {strides = array<i32>} : memref<272xi32, #tpu.memory_space<vmem>>, vector<16xi32>,
    tpu.vector_store %arg11[%swap3A_29], %broadcast_in_dim3A_3 {strides = array<i32>} : memref<272xi32, #tpu.memory_space<vmem>>, vector<16xi32>,
    %swap3A_31 = arith.constant 224 : index
    %swap3A_32 = tpu.vector_load %arg11[%swap3A_31] {strides = array<i32>} : memref<272xi32, #tpu.memory_space<vmem>>, vector<16xi32>,
    tpu.vector_store %arg11[%swap3A_31], %broadcast_in_dim3A_3 {strides = array<i32>} : memref<272xi32, #tpu.memory_space<vmem>>, vector<16xi32>,
    %swap3A_33 = arith.constant 240 : index
    %swap3A_34 = tpu.vector_load %arg11[%swap3A_33] {strides = array<i32>} : memref<272xi32, #tpu.memory_space<vmem>>, vector<16xi32>,
    tpu.vector_store %arg11[%swap3A_33], %broadcast_in_dim3A_3 {strides = array<i32>} : memref<272xi32, #tpu.memory_space<vmem>>, vector<16xi32>,
    %swap3A_35 = arith.constant 256 : index
    %swap3A_36 = tpu.vector_load %arg11[%swap3A_35] {strides = array<i32>} : memref<272xi32, #tpu.memory_space<vmem>>, vector<16xi32>,
    tpu.vector_store %arg11[%swap3A_35], %broadcast_in_dim3A_3 {strides = array<i32>} : memref<272xi32, #tpu.memory_space<vmem>>, vector<16xi32>,
    %scan3A = arith.constant 0 : i32
    %scan3A_37 = arith.constant 0 : i32
    %scan3A_38 = arith.constant 1024 : i32
    %scan3A_39 = arith.addi %scan3A_37, %scan3A_38 : i32
    %scan3A_40 = arith.constant 1 : i32
    %scan3A_41 = scf.for %scan3A_403 = %scan3A_37 to %scan3A_39 step %scan3A_40 iter_args(%scan3A_404 = %scan3A) -> (i32)  : i32 {
      %mul3A_405 = arith.constant 16 : i32
      %mul3A_406 = arith.muli %scan3A_403, %mul3A_405 : i32
      %get3A_407 = arith.index_cast %mul3A_406 : i32 to index
      %get3A_408 = tpu.vector_load %arg8[%get3A_407] {strides = array<i32>} : memref<16384xi32, #tpu.memory_space<vmem>>, vector<16xi32>,
      %shift_right_arithmetic3A = arith.constant 7 : i32
      %shift_right_arithmetic3A_409 = vector.broadcast %shift_right_arithmetic3A : i32 to vector<16xi32>
      %shift_right_arithmetic3A_410 = arith.shrsi %get3A_408, %shift_right_arithmetic3A_409 : vector<16xi32>
      %ge3A = vector.broadcast %mul3A_2 : i32 to vector<16xi32>
      %ge3A_411 = arith.cmpi sge, %shift_right_arithmetic3A_410, %ge3A : vector<16xi32>
      %add3A_412 = arith.constant 245 : i32
      %add3A_413 = arith.addi %mul3A_2, %add3A_412 : i32
      %lt3A_414 = vector.broadcast %add3A_413 : i32 to vector<16xi32>
      %lt3A_415 = arith.cmpi slt, %shift_right_arithmetic3A_410, %lt3A_414 : vector<16xi32>
      %and3A_416 = arith.andi %ge3A_411, %lt3A_415 : vector<16xi1>
      %sub3A_417 = vector.broadcast %mul3A_2 : i32 to vector<16xi32>
      %sub3A_418 = arith.subi %shift_right_arithmetic3A_410, %sub3A_417 : vector<16xi32>
      %shift_left3A = arith.constant 21 : i32
      %shift_left3A_419 = vector.broadcast %shift_left3A : i32 to vector<16xi32>
      %shift_left3A_420 = arith.shli %sub3A_418, %shift_left3A_419 : vector<16xi32>
      %and3A_421 = arith.constant 127 : i32
      %and3A_422 = vector.broadcast %and3A_421 : i32 to vector<16xi32>
      %and3A_423 = arith.andi %get3A_408, %and3A_422 : vector<16xi32>
      %shift_left3A_424 = arith.constant 14 : i32
      %shift_left3A_425 = vector.broadcast %shift_left3A_424 : i32 to vector<16xi32>
      %shift_left3A_426 = arith.shli %and3A_423, %shift_left3A_425 : vector<16xi32>
      %or3A = arith.ori %shift_left3A_420, %shift_left3A_426 : vector<16xi32>
      %mul3A_427 = arith.constant 16 : i32
      %mul3A_428 = arith.muli %scan3A_403, %mul3A_427 : i32
      %add3A_429 = vector.broadcast %mul3A_428 : i32 to vector<16xi32>
      %add3A_430 = arith.addi %add3A_429, %iota3A : vector<16xi32>
      %or3A_431 = arith.ori %or3A, %add3A_430 : vector<16xi32>
      %swap3A_432 = arith.index_cast %scan3A_404 : i32 to index
      %swap3A_433 = tpu.vector_load %arg9[%swap3A_432] masked %and3A_416 {strides = array<i32>} : memref<16400xi32, #tpu.memory_space<vmem>>, vector<16xi32>, vector<16xi1>
      tpu.vector_store %arg9[%swap3A_432], %or3A_431 masked %and3A_416 {strides = array<i32>} : memref<16400xi32, #tpu.memory_space<vmem>>, vector<16xi32>, vector<16xi1>
      %convert_element_type3A_434 = arith.extui %and3A_416 : vector<16xi1> to vector<16xi32>
      %reduce_sum3A = arith.constant true
      %reduce_sum3A_435 = vector.broadcast %reduce_sum3A : i1 to vector<16xi1>
      %reduce_sum3A_436 = tpu.scan <sum>, %convert_element_type3A_434 masked %reduce_sum3A_435 : vector<16xi32>, vector<16xi1> -> vector<16xi32>
      %reduce_sum3A_437 = vector.extract %reduce_sum3A_436[15] : i32 from vector<16xi32>
      %add3A_438 = arith.addi %scan3A_404, %reduce_sum3A_437 : i32
      scf.yield %add3A_438 : i32
    }
    %scan3A_42 = arith.constant 1024 : i32
    %add3A_43 = arith.constant 16 : i32
    %add3A_44 = arith.addi %scan3A_41, %add3A_43 : i32
    %sub3A = arith.constant 1 : i32
    %sub3A_45 = arith.subi %add3A_44, %sub3A : i32
    %jit3A = arith.constant 16 : i32
    %div3A = arith.divsi %sub3A_45, %jit3A : i32
    %sign3A = arith.constant 0 : i32
    %sign3A_46 = arith.cmpi sgt, %sub3A_45, %sign3A : i32
    %sign3A_47 = arith.extui %sign3A_46 : i1 to i32
    %sign3A_48 = arith.constant 0 : i32
    %sign3A_49 = arith.cmpi slt, %sub3A_45, %sign3A_48 : i32
    %sign3A_50 = arith.extui %sign3A_49 : i1 to i32
    %sign3A_51 = arith.subi %sign3A_47, %sign3A_50 : i32
    %sign3A_52 = arith.constant 0 : i32
    %sign3A_53 = arith.cmpi sgt, %jit3A, %sign3A_52 : i32
    %sign3A_54 = arith.extui %sign3A_53 : i1 to i32
    %sign3A_55 = arith.constant 0 : i32
    %sign3A_56 = arith.cmpi slt, %jit3A, %sign3A_55 : i32
    %sign3A_57 = arith.extui %sign3A_56 : i1 to i32
    %sign3A_58 = arith.subi %sign3A_54, %sign3A_57 : i32
    %ne3A = arith.cmpi ne, %sign3A_51, %sign3A_58 : i32
    %rem3A = arith.remsi %sub3A_45, %jit3A : i32
    %ne3A_59 = arith.constant 0 : i32
    %ne3A_60 = arith.cmpi ne, %rem3A, %ne3A_59 : i32
    %and3A = arith.andi %ne3A, %ne3A_60 : i1
    %sub3A_61 = arith.constant 1 : i32
    %sub3A_62 = arith.subi %div3A, %sub3A_61 : i32
    %select_n3A = arith.select %and3A, %sub3A_62, %div3A : i32
    %while3A = arith.constant 0 : i32
    %while3A_63 = arith.constant 0 : i32
    %while3A_64 = arith.subi %select_n3A, %while3A_63 : i32
    %while3A_65 = arith.addi %while3A_63, %while3A_64 : i32
    %while3A_66 = arith.constant 1 : i32
    %while3A_67 = arith.divsi %while3A_64, %while3A_66 : i32
    %while3A_68 = arith.muli %while3A_67, %while3A_66 : i32
    %while3A_69 = arith.addi %while3A_63, %while3A_68 : i32
    %while3A_70 = arith.constant 1 : i32
    scf.for %while3A_403 = %while3A_63 to %while3A_69 step %while3A_70  : i32 {
      %mul3A_404 = arith.constant 16 : i32
      %mul3A_405 = arith.muli %while3A_403, %mul3A_404 : i32
      %add3A_406 = vector.broadcast %mul3A_405 : i32 to vector<16xi32>
      %add3A_407 = arith.addi %add3A_406, %iota3A : vector<16xi32>
      %lt3A_408 = vector.broadcast %scan3A_41 : i32 to vector<16xi32>
      %lt3A_409 = arith.cmpi slt, %add3A_407, %lt3A_408 : vector<16xi32>
      %mul3A_410 = arith.constant 16 : i32
      %mul3A_411 = arith.muli %while3A_403, %mul3A_410 : i32
      %get3A_412 = arith.index_cast %mul3A_411 : i32 to index
      %get3A_413 = tpu.vector_load %arg9[%get3A_412] {strides = array<i32>} : memref<16400xi32, #tpu.memory_space<vmem>>, vector<16xi32>,
      %shift_right_arithmetic3A = arith.constant 21 : i32
      %shift_right_arithmetic3A_414 = vector.broadcast %shift_right_arithmetic3A : i32 to vector<16xi32>
      %shift_right_arithmetic3A_415 = arith.shrsi %get3A_413, %shift_right_arithmetic3A_414 : vector<16xi32>
      %jit3A_416 = arith.constant 271 : i32
      %broadcast_in_dim3A_417 = vector.broadcast %jit3A_416 : i32 to vector<16xi32>
      %select_n3A_418 = arith.select %lt3A_409, %shift_right_arithmetic3A_415, %broadcast_in_dim3A_417 : vector<16xi1>, vector<16xi32>
      %broadcast_in_dim3A_419 = arith.constant 1 : i32
      %broadcast_in_dim3A_420 = vector.broadcast %broadcast_in_dim3A_419 : i32 to vector<16xi32>
      tpu.vector_store_idx %arg11[%select_n3A_418], %broadcast_in_dim3A_420 masked %lt3A_409 {add = true} : memref<272xi32, #tpu.memory_space<vmem>>[vector<16xi32>], vector<16xi32>, vector<16xi1>
    }
    %while3A_71 = arith.constant 1 : i32
    scf.for %while3A_403 = %while3A_69 to %while3A_65 step %while3A_71  : i32 {
      %mul3A_404 = arith.constant 16 : i32
      %mul3A_405 = arith.muli %while3A_403, %mul3A_404 : i32
      %add3A_406 = vector.broadcast %mul3A_405 : i32 to vector<16xi32>
      %add3A_407 = arith.addi %add3A_406, %iota3A : vector<16xi32>
      %lt3A_408 = vector.broadcast %scan3A_41 : i32 to vector<16xi32>
      %lt3A_409 = arith.cmpi slt, %add3A_407, %lt3A_408 : vector<16xi32>
      %mul3A_410 = arith.constant 16 : i32
      %mul3A_411 = arith.muli %while3A_403, %mul3A_410 : i32
      %get3A_412 = arith.index_cast %mul3A_411 : i32 to index
      %get3A_413 = tpu.vector_load %arg9[%get3A_412] {strides = array<i32>} : memref<16400xi32, #tpu.memory_space<vmem>>, vector<16xi32>,
      %shift_right_arithmetic3A = arith.constant 21 : i32
      %shift_right_arithmetic3A_414 = vector.broadcast %shift_right_arithmetic3A : i32 to vector<16xi32>
      %shift_right_arithmetic3A_415 = arith.shrsi %get3A_413, %shift_right_arithmetic3A_414 : vector<16xi32>
      %jit3A_416 = arith.constant 271 : i32
      %broadcast_in_dim3A_417 = vector.broadcast %jit3A_416 : i32 to vector<16xi32>
      %select_n3A_418 = arith.select %lt3A_409, %shift_right_arithmetic3A_415, %broadcast_in_dim3A_417 : vector<16xi1>, vector<16xi32>
      %broadcast_in_dim3A_419 = arith.constant 1 : i32
      %broadcast_in_dim3A_420 = vector.broadcast %broadcast_in_dim3A_419 : i32 to vector<16xi32>
      tpu.vector_store_idx %arg11[%select_n3A_418], %broadcast_in_dim3A_420 masked %lt3A_409 {add = true} : memref<272xi32, #tpu.memory_space<vmem>>[vector<16xi32>], vector<16xi32>, vector<16xi1>
    }
    %scan3A_72 = arith.constant 0 : i32
    %scan3A_73 = arith.constant 0 : i32
    %scan3A_74 = arith.constant 17 : i32
    %scan3A_75 = arith.addi %scan3A_73, %scan3A_74 : i32
    %scan3A_76 = arith.constant 1 : i32
    %scan3A_77 = scf.for %scan3A_403 = %scan3A_73 to %scan3A_75 step %scan3A_76 iter_args(%scan3A_404 = %scan3A_72) -> (i32)  : i32 {
      %mul3A_405 = arith.constant 16 : i32
      %mul3A_406 = arith.muli %scan3A_403, %mul3A_405 : i32
      %get3A_407 = arith.index_cast %mul3A_406 : i32 to index
      %get3A_408 = tpu.vector_load %arg11[%get3A_407] {strides = array<i32>} : memref<272xi32, #tpu.memory_space<vmem>>, vector<16xi32>,
      %broadcast_in_dim3A_409 = arith.constant true
      %broadcast_in_dim3A_410 = vector.broadcast %broadcast_in_dim3A_409 : i1 to vector<16xi1>
      %masked_cumsum3A = tpu.scan <sum>, %get3A_408 masked %broadcast_in_dim3A_410 : vector<16xi32>, vector<16xi1> -> vector<16xi32>
      %sub3A_411 = arith.subi %masked_cumsum3A, %get3A_408 : vector<16xi32>
      %add3A_412 = vector.broadcast %scan3A_404 : i32 to vector<16xi32>
      %add3A_413 = arith.addi %sub3A_411, %add3A_412 : vector<16xi32>
      %mul3A_414 = arith.constant 16 : i32
      %mul3A_415 = arith.muli %scan3A_403, %mul3A_414 : i32
      %swap3A_416 = arith.index_cast %mul3A_415 : i32 to index
      %swap3A_417 = tpu.vector_load %arg12[%swap3A_416] {strides = array<i32>} : memref<272xi32, #tpu.memory_space<vmem>>, vector<16xi32>,
      tpu.vector_store %arg12[%swap3A_416], %add3A_413 {strides = array<i32>} : memref<272xi32, #tpu.memory_space<vmem>>, vector<16xi32>,
      %sub3A_418 = arith.subi %masked_cumsum3A, %get3A_408 : vector<16xi32>
      %add3A_419 = vector.broadcast %scan3A_404 : i32 to vector<16xi32>
      %add3A_420 = arith.addi %sub3A_418, %add3A_419 : vector<16xi32>
      %mul3A_421 = arith.constant 16 : i32
      %mul3A_422 = arith.muli %scan3A_403, %mul3A_421 : i32
      %swap3A_423 = arith.index_cast %mul3A_422 : i32 to index
      %swap3A_424 = tpu.vector_load %arg13[%swap3A_423] {strides = array<i32>} : memref<272xi32, #tpu.memory_space<vmem>>, vector<16xi32>,
      tpu.vector_store %arg13[%swap3A_423], %add3A_420 {strides = array<i32>} : memref<272xi32, #tpu.memory_space<vmem>>, vector<16xi32>,
      %slice3A_425 = vector.extract_strided_slice %masked_cumsum3A {offsets = [15], sizes = [1], strides = [1]} : vector<16xi32> to vector<1xi32>
      %squeeze3A_426 = vector.extract %slice3A_425[0] : i32 from vector<1xi32>
      %add3A_427 = arith.addi %scan3A_404, %squeeze3A_426 : i32
      scf.yield %add3A_427 : i32
    }
    %scan3A_78 = arith.constant 17 : i32
    %while3A_79 = arith.constant 0 : i32
    %while3A_80 = arith.constant 0 : i32
    %while3A_81 = arith.subi %select_n3A, %while3A_80 : i32
    %while3A_82 = arith.addi %while3A_80, %while3A_81 : i32
    %while3A_83 = arith.constant 1 : i32
    %while3A_84 = arith.divsi %while3A_81, %while3A_83 : i32
    %while3A_85 = arith.muli %while3A_84, %while3A_83 : i32
    %while3A_86 = arith.addi %while3A_80, %while3A_85 : i32
    %while3A_87 = arith.constant 1 : i32
    scf.for %while3A_403 = %while3A_80 to %while3A_86 step %while3A_87  : i32 {
      %mul3A_404 = arith.constant 16 : i32
      %mul3A_405 = arith.muli %while3A_403, %mul3A_404 : i32
      %add3A_406 = vector.broadcast %mul3A_405 : i32 to vector<16xi32>
      %add3A_407 = arith.addi %add3A_406, %iota3A : vector<16xi32>
      %lt3A_408 = vector.broadcast %scan3A_41 : i32 to vector<16xi32>
      %lt3A_409 = arith.cmpi slt, %add3A_407, %lt3A_408 : vector<16xi32>
      %mul3A_410 = arith.constant 16 : i32
      %mul3A_411 = arith.muli %while3A_403, %mul3A_410 : i32
      %get3A_412 = arith.index_cast %mul3A_411 : i32 to index
      %get3A_413 = tpu.vector_load %arg9[%get3A_412] {strides = array<i32>} : memref<16400xi32, #tpu.memory_space<vmem>>, vector<16xi32>,
      %shift_right_arithmetic3A = arith.constant 21 : i32
      %shift_right_arithmetic3A_414 = vector.broadcast %shift_right_arithmetic3A : i32 to vector<16xi32>
      %shift_right_arithmetic3A_415 = arith.shrsi %get3A_413, %shift_right_arithmetic3A_414 : vector<16xi32>
      %jit3A_416 = arith.constant 271 : i32
      %broadcast_in_dim3A_417 = vector.broadcast %jit3A_416 : i32 to vector<16xi32>
      %select_n3A_418 = arith.select %lt3A_409, %shift_right_arithmetic3A_415, %broadcast_in_dim3A_417 : vector<16xi1>, vector<16xi32>
      %broadcast_in_dim3A_419 = arith.constant 0 : i32
      %broadcast_in_dim3A_420 = vector.broadcast %broadcast_in_dim3A_419 : i32 to vector<16xi32>
      %sub3A_421 = arith.constant 1 : i32
      %sub3A_422 = vector.broadcast %sub3A_421 : i32 to vector<16xi32>
      %sub3A_423 = arith.subi %iota3A, %sub3A_422 : vector<16xi32>
      %max3A = arith.constant 0 : i32
      %max3A_424 = vector.broadcast %max3A : i32 to vector<16xi32>
      %max3A_425 = arith.maxsi %sub3A_423, %max3A_424 : vector<16xi32>
      %broadcast_in_dim3A_426 = vector.shape_cast %max3A_425 : vector<16xi32> to vector<16x1xi32>
      %gather3A = vector.shape_cast %broadcast_in_dim3A_426 : vector<16x1xi32> to vector<16xi32>
      %gather3A_427 = tpu.dynamic_gather %select_n3A_418[%gather3A] in [0] : vector<16xi32>, vector<16xi32> -> vector<16xi32>
      %eq3A = arith.cmpi eq, %gather3A_427, %select_n3A_418 : vector<16xi32>
      %ge3A = arith.constant 1 : i32
      %ge3A_428 = vector.broadcast %ge3A : i32 to vector<16xi32>
      %ge3A_429 = arith.cmpi sge, %iota3A, %ge3A_428 : vector<16xi32>
      %and3A_430 = arith.andi %eq3A, %ge3A_429 : vector<16xi1>
      %convert_element_type3A_431 = arith.extui %and3A_430 : vector<16xi1> to vector<16xi32>
      %add3A_432 = arith.addi %broadcast_in_dim3A_420, %convert_element_type3A_431 : vector<16xi32>
      %sub3A_433 = arith.constant 2 : i32
      %sub3A_434 = vector.broadcast %sub3A_433 : i32 to vector<16xi32>
      %sub3A_435 = arith.subi %iota3A, %sub3A_434 : vector<16xi32>
      %max3A_436 = arith.constant 0 : i32
      %max3A_437 = vector.broadcast %max3A_436 : i32 to vector<16xi32>
      %max3A_438 = arith.maxsi %sub3A_435, %max3A_437 : vector<16xi32>
      %broadcast_in_dim3A_439 = vector.shape_cast %max3A_438 : vector<16xi32> to vector<16x1xi32>
      %gather3A_440 = vector.shape_cast %broadcast_in_dim3A_439 : vector<16x1xi32> to vector<16xi32>
      %gather3A_441 = tpu.dynamic_gather %select_n3A_418[%gather3A_440] in [0] : vector<16xi32>, vector<16xi32> -> vector<16xi32>
      %eq3A_442 = arith.cmpi eq, %gather3A_441, %select_n3A_418 : vector<16xi32>
      %ge3A_443 = arith.constant 2 : i32
      %ge3A_444 = vector.broadcast %ge3A_443 : i32 to vector<16xi32>
      %ge3A_445 = arith.cmpi sge, %iota3A, %ge3A_444 : vector<16xi32>
      %and3A_446 = arith.andi %eq3A_442, %ge3A_445 : vector<16xi1>
      %convert_element_type3A_447 = arith.extui %and3A_446 : vector<16xi1> to vector<16xi32>
      %add3A_448 = arith.addi %add3A_432, %convert_element_type3A_447 : vector<16xi32>
      %sub3A_449 = arith.constant 3 : i32
      %sub3A_450 = vector.broadcast %sub3A_449 : i32 to vector<16xi32>
      %sub3A_451 = arith.subi %iota3A, %sub3A_450 : vector<16xi32>
      %max3A_452 = arith.constant 0 : i32
      %max3A_453 = vector.broadcast %max3A_452 : i32 to vector<16xi32>
      %max3A_454 = arith.maxsi %sub3A_451, %max3A_453 : vector<16xi32>
      %broadcast_in_dim3A_455 = vector.shape_cast %max3A_454 : vector<16xi32> to vector<16x1xi32>
      %gather3A_456 = vector.shape_cast %broadcast_in_dim3A_455 : vector<16x1xi32> to vector<16xi32>
      %gather3A_457 = tpu.dynamic_gather %select_n3A_418[%gather3A_456] in [0] : vector<16xi32>, vector<16xi32> -> vector<16xi32>
      %eq3A_458 = arith.cmpi eq, %gather3A_457, %select_n3A_418 : vector<16xi32>
      %ge3A_459 = arith.constant 3 : i32
      %ge3A_460 = vector.broadcast %ge3A_459 : i32 to vector<16xi32>
      %ge3A_461 = arith.cmpi sge, %iota3A, %ge3A_460 : vector<16xi32>
      %and3A_462 = arith.andi %eq3A_458, %ge3A_461 : vector<16xi1>
      %convert_element_type3A_463 = arith.extui %and3A_462 : vector<16xi1> to vector<16xi32>
      %add3A_464 = arith.addi %add3A_448, %convert_element_type3A_463 : vector<16xi32>
      %sub3A_465 = arith.constant 4 : i32
      %sub3A_466 = vector.broadcast %sub3A_465 : i32 to vector<16xi32>
      %sub3A_467 = arith.subi %iota3A, %sub3A_466 : vector<16xi32>
      %max3A_468 = arith.constant 0 : i32
      %max3A_469 = vector.broadcast %max3A_468 : i32 to vector<16xi32>
      %max3A_470 = arith.maxsi %sub3A_467, %max3A_469 : vector<16xi32>
      %broadcast_in_dim3A_471 = vector.shape_cast %max3A_470 : vector<16xi32> to vector<16x1xi32>
      %gather3A_472 = vector.shape_cast %broadcast_in_dim3A_471 : vector<16x1xi32> to vector<16xi32>
      %gather3A_473 = tpu.dynamic_gather %select_n3A_418[%gather3A_472] in [0] : vector<16xi32>, vector<16xi32> -> vector<16xi32>
      %eq3A_474 = arith.cmpi eq, %gather3A_473, %select_n3A_418 : vector<16xi32>
      %ge3A_475 = arith.constant 4 : i32
      %ge3A_476 = vector.broadcast %ge3A_475 : i32 to vector<16xi32>
      %ge3A_477 = arith.cmpi sge, %iota3A, %ge3A_476 : vector<16xi32>
      %and3A_478 = arith.andi %eq3A_474, %ge3A_477 : vector<16xi1>
      %convert_element_type3A_479 = arith.extui %and3A_478 : vector<16xi1> to vector<16xi32>
      %add3A_480 = arith.addi %add3A_464, %convert_element_type3A_479 : vector<16xi32>
      %sub3A_481 = arith.constant 5 : i32
      %sub3A_482 = vector.broadcast %sub3A_481 : i32 to vector<16xi32>
      %sub3A_483 = arith.subi %iota3A, %sub3A_482 : vector<16xi32>
      %max3A_484 = arith.constant 0 : i32
      %max3A_485 = vector.broadcast %max3A_484 : i32 to vector<16xi32>
      %max3A_486 = arith.maxsi %sub3A_483, %max3A_485 : vector<16xi32>
      %broadcast_in_dim3A_487 = vector.shape_cast %max3A_486 : vector<16xi32> to vector<16x1xi32>
      %gather3A_488 = vector.shape_cast %broadcast_in_dim3A_487 : vector<16x1xi32> to vector<16xi32>
      %gather3A_489 = tpu.dynamic_gather %select_n3A_418[%gather3A_488] in [0] : vector<16xi32>, vector<16xi32> -> vector<16xi32>
      %eq3A_490 = arith.cmpi eq, %gather3A_489, %select_n3A_418 : vector<16xi32>
      %ge3A_491 = arith.constant 5 : i32
      %ge3A_492 = vector.broadcast %ge3A_491 : i32 to vector<16xi32>
      %ge3A_493 = arith.cmpi sge, %iota3A, %ge3A_492 : vector<16xi32>
      %and3A_494 = arith.andi %eq3A_490, %ge3A_493 : vector<16xi1>
      %convert_element_type3A_495 = arith.extui %and3A_494 : vector<16xi1> to vector<16xi32>
      %add3A_496 = arith.addi %add3A_480, %convert_element_type3A_495 : vector<16xi32>
      %sub3A_497 = arith.constant 6 : i32
      %sub3A_498 = vector.broadcast %sub3A_497 : i32 to vector<16xi32>
      %sub3A_499 = arith.subi %iota3A, %sub3A_498 : vector<16xi32>
      %max3A_500 = arith.constant 0 : i32
      %max3A_501 = vector.broadcast %max3A_500 : i32 to vector<16xi32>
      %max3A_502 = arith.maxsi %sub3A_499, %max3A_501 : vector<16xi32>
      %broadcast_in_dim3A_503 = vector.shape_cast %max3A_502 : vector<16xi32> to vector<16x1xi32>
      %gather3A_504 = vector.shape_cast %broadcast_in_dim3A_503 : vector<16x1xi32> to vector<16xi32>
      %gather3A_505 = tpu.dynamic_gather %select_n3A_418[%gather3A_504] in [0] : vector<16xi32>, vector<16xi32> -> vector<16xi32>
      %eq3A_506 = arith.cmpi eq, %gather3A_505, %select_n3A_418 : vector<16xi32>
      %ge3A_507 = arith.constant 6 : i32
      %ge3A_508 = vector.broadcast %ge3A_507 : i32 to vector<16xi32>
      %ge3A_509 = arith.cmpi sge, %iota3A, %ge3A_508 : vector<16xi32>
      %and3A_510 = arith.andi %eq3A_506, %ge3A_509 : vector<16xi1>
      %convert_element_type3A_511 = arith.extui %and3A_510 : vector<16xi1> to vector<16xi32>
      %add3A_512 = arith.addi %add3A_496, %convert_element_type3A_511 : vector<16xi32>
      %sub3A_513 = arith.constant 7 : i32
      %sub3A_514 = vector.broadcast %sub3A_513 : i32 to vector<16xi32>
      %sub3A_515 = arith.subi %iota3A, %sub3A_514 : vector<16xi32>
      %max3A_516 = arith.constant 0 : i32
      %max3A_517 = vector.broadcast %max3A_516 : i32 to vector<16xi32>
      %max3A_518 = arith.maxsi %sub3A_515, %max3A_517 : vector<16xi32>
      %broadcast_in_dim3A_519 = vector.shape_cast %max3A_518 : vector<16xi32> to vector<16x1xi32>
      %gather3A_520 = vector.shape_cast %broadcast_in_dim3A_519 : vector<16x1xi32> to vector<16xi32>
      %gather3A_521 = tpu.dynamic_gather %select_n3A_418[%gather3A_520] in [0] : vector<16xi32>, vector<16xi32> -> vector<16xi32>
      %eq3A_522 = arith.cmpi eq, %gather3A_521, %select_n3A_418 : vector<16xi32>
      %ge3A_523 = arith.constant 7 : i32
      %ge3A_524 = vector.broadcast %ge3A_523 : i32 to vector<16xi32>
      %ge3A_525 = arith.cmpi sge, %iota3A, %ge3A_524 : vector<16xi32>
      %and3A_526 = arith.andi %eq3A_522, %ge3A_525 : vector<16xi1>
      %convert_element_type3A_527 = arith.extui %and3A_526 : vector<16xi1> to vector<16xi32>
      %add3A_528 = arith.addi %add3A_512, %convert_element_type3A_527 : vector<16xi32>
      %sub3A_529 = arith.constant 8 : i32
      %sub3A_530 = vector.broadcast %sub3A_529 : i32 to vector<16xi32>
      %sub3A_531 = arith.subi %iota3A, %sub3A_530 : vector<16xi32>
      %max3A_532 = arith.constant 0 : i32
      %max3A_533 = vector.broadcast %max3A_532 : i32 to vector<16xi32>
      %max3A_534 = arith.maxsi %sub3A_531, %max3A_533 : vector<16xi32>
      %broadcast_in_dim3A_535 = vector.shape_cast %max3A_534 : vector<16xi32> to vector<16x1xi32>
      %gather3A_536 = vector.shape_cast %broadcast_in_dim3A_535 : vector<16x1xi32> to vector<16xi32>
      %gather3A_537 = tpu.dynamic_gather %select_n3A_418[%gather3A_536] in [0] : vector<16xi32>, vector<16xi32> -> vector<16xi32>
      %eq3A_538 = arith.cmpi eq, %gather3A_537, %select_n3A_418 : vector<16xi32>
      %ge3A_539 = arith.constant 8 : i32
      %ge3A_540 = vector.broadcast %ge3A_539 : i32 to vector<16xi32>
      %ge3A_541 = arith.cmpi sge, %iota3A, %ge3A_540 : vector<16xi32>
      %and3A_542 = arith.andi %eq3A_538, %ge3A_541 : vector<16xi1>
      %convert_element_type3A_543 = arith.extui %and3A_542 : vector<16xi1> to vector<16xi32>
      %add3A_544 = arith.addi %add3A_528, %convert_element_type3A_543 : vector<16xi32>
      %sub3A_545 = arith.constant 9 : i32
      %sub3A_546 = vector.broadcast %sub3A_545 : i32 to vector<16xi32>
      %sub3A_547 = arith.subi %iota3A, %sub3A_546 : vector<16xi32>
      %max3A_548 = arith.constant 0 : i32
      %max3A_549 = vector.broadcast %max3A_548 : i32 to vector<16xi32>
      %max3A_550 = arith.maxsi %sub3A_547, %max3A_549 : vector<16xi32>
      %broadcast_in_dim3A_551 = vector.shape_cast %max3A_550 : vector<16xi32> to vector<16x1xi32>
      %gather3A_552 = vector.shape_cast %broadcast_in_dim3A_551 : vector<16x1xi32> to vector<16xi32>
      %gather3A_553 = tpu.dynamic_gather %select_n3A_418[%gather3A_552] in [0] : vector<16xi32>, vector<16xi32> -> vector<16xi32>
      %eq3A_554 = arith.cmpi eq, %gather3A_553, %select_n3A_418 : vector<16xi32>
      %ge3A_555 = arith.constant 9 : i32
      %ge3A_556 = vector.broadcast %ge3A_555 : i32 to vector<16xi32>
      %ge3A_557 = arith.cmpi sge, %iota3A, %ge3A_556 : vector<16xi32>
      %and3A_558 = arith.andi %eq3A_554, %ge3A_557 : vector<16xi1>
      %convert_element_type3A_559 = arith.extui %and3A_558 : vector<16xi1> to vector<16xi32>
      %add3A_560 = arith.addi %add3A_544, %convert_element_type3A_559 : vector<16xi32>
      %sub3A_561 = arith.constant 10 : i32
      %sub3A_562 = vector.broadcast %sub3A_561 : i32 to vector<16xi32>
      %sub3A_563 = arith.subi %iota3A, %sub3A_562 : vector<16xi32>
      %max3A_564 = arith.constant 0 : i32
      %max3A_565 = vector.broadcast %max3A_564 : i32 to vector<16xi32>
      %max3A_566 = arith.maxsi %sub3A_563, %max3A_565 : vector<16xi32>
      %broadcast_in_dim3A_567 = vector.shape_cast %max3A_566 : vector<16xi32> to vector<16x1xi32>
      %gather3A_568 = vector.shape_cast %broadcast_in_dim3A_567 : vector<16x1xi32> to vector<16xi32>
      %gather3A_569 = tpu.dynamic_gather %select_n3A_418[%gather3A_568] in [0] : vector<16xi32>, vector<16xi32> -> vector<16xi32>
      %eq3A_570 = arith.cmpi eq, %gather3A_569, %select_n3A_418 : vector<16xi32>
      %ge3A_571 = arith.constant 10 : i32
      %ge3A_572 = vector.broadcast %ge3A_571 : i32 to vector<16xi32>
      %ge3A_573 = arith.cmpi sge, %iota3A, %ge3A_572 : vector<16xi32>
      %and3A_574 = arith.andi %eq3A_570, %ge3A_573 : vector<16xi1>
      %convert_element_type3A_575 = arith.extui %and3A_574 : vector<16xi1> to vector<16xi32>
      %add3A_576 = arith.addi %add3A_560, %convert_element_type3A_575 : vector<16xi32>
      %sub3A_577 = arith.constant 11 : i32
      %sub3A_578 = vector.broadcast %sub3A_577 : i32 to vector<16xi32>
      %sub3A_579 = arith.subi %iota3A, %sub3A_578 : vector<16xi32>
      %max3A_580 = arith.constant 0 : i32
      %max3A_581 = vector.broadcast %max3A_580 : i32 to vector<16xi32>
      %max3A_582 = arith.maxsi %sub3A_579, %max3A_581 : vector<16xi32>
      %broadcast_in_dim3A_583 = vector.shape_cast %max3A_582 : vector<16xi32> to vector<16x1xi32>
      %gather3A_584 = vector.shape_cast %broadcast_in_dim3A_583 : vector<16x1xi32> to vector<16xi32>
      %gather3A_585 = tpu.dynamic_gather %select_n3A_418[%gather3A_584] in [0] : vector<16xi32>, vector<16xi32> -> vector<16xi32>
      %eq3A_586 = arith.cmpi eq, %gather3A_585, %select_n3A_418 : vector<16xi32>
      %ge3A_587 = arith.constant 11 : i32
      %ge3A_588 = vector.broadcast %ge3A_587 : i32 to vector<16xi32>
      %ge3A_589 = arith.cmpi sge, %iota3A, %ge3A_588 : vector<16xi32>
      %and3A_590 = arith.andi %eq3A_586, %ge3A_589 : vector<16xi1>
      %convert_element_type3A_591 = arith.extui %and3A_590 : vector<16xi1> to vector<16xi32>
      %add3A_592 = arith.addi %add3A_576, %convert_element_type3A_591 : vector<16xi32>
      %sub3A_593 = arith.constant 12 : i32
      %sub3A_594 = vector.broadcast %sub3A_593 : i32 to vector<16xi32>
      %sub3A_595 = arith.subi %iota3A, %sub3A_594 : vector<16xi32>
      %max3A_596 = arith.constant 0 : i32
      %max3A_597 = vector.broadcast %max3A_596 : i32 to vector<16xi32>
      %max3A_598 = arith.maxsi %sub3A_595, %max3A_597 : vector<16xi32>
      %broadcast_in_dim3A_599 = vector.shape_cast %max3A_598 : vector<16xi32> to vector<16x1xi32>
      %gather3A_600 = vector.shape_cast %broadcast_in_dim3A_599 : vector<16x1xi32> to vector<16xi32>
      %gather3A_601 = tpu.dynamic_gather %select_n3A_418[%gather3A_600] in [0] : vector<16xi32>, vector<16xi32> -> vector<16xi32>
      %eq3A_602 = arith.cmpi eq, %gather3A_601, %select_n3A_418 : vector<16xi32>
      %ge3A_603 = arith.constant 12 : i32
      %ge3A_604 = vector.broadcast %ge3A_603 : i32 to vector<16xi32>
      %ge3A_605 = arith.cmpi sge, %iota3A, %ge3A_604 : vector<16xi32>
      %and3A_606 = arith.andi %eq3A_602, %ge3A_605 : vector<16xi1>
      %convert_element_type3A_607 = arith.extui %and3A_606 : vector<16xi1> to vector<16xi32>
      %add3A_608 = arith.addi %add3A_592, %convert_element_type3A_607 : vector<16xi32>
      %sub3A_609 = arith.constant 13 : i32
      %sub3A_610 = vector.broadcast %sub3A_609 : i32 to vector<16xi32>
      %sub3A_611 = arith.subi %iota3A, %sub3A_610 : vector<16xi32>
      %max3A_612 = arith.constant 0 : i32
      %max3A_613 = vector.broadcast %max3A_612 : i32 to vector<16xi32>
      %max3A_614 = arith.maxsi %sub3A_611, %max3A_613 : vector<16xi32>
      %broadcast_in_dim3A_615 = vector.shape_cast %max3A_614 : vector<16xi32> to vector<16x1xi32>
      %gather3A_616 = vector.shape_cast %broadcast_in_dim3A_615 : vector<16x1xi32> to vector<16xi32>
      %gather3A_617 = tpu.dynamic_gather %select_n3A_418[%gather3A_616] in [0] : vector<16xi32>, vector<16xi32> -> vector<16xi32>
      %eq3A_618 = arith.cmpi eq, %gather3A_617, %select_n3A_418 : vector<16xi32>
      %ge3A_619 = arith.constant 13 : i32
      %ge3A_620 = vector.broadcast %ge3A_619 : i32 to vector<16xi32>
      %ge3A_621 = arith.cmpi sge, %iota3A, %ge3A_620 : vector<16xi32>
      %and3A_622 = arith.andi %eq3A_618, %ge3A_621 : vector<16xi1>
      %convert_element_type3A_623 = arith.extui %and3A_622 : vector<16xi1> to vector<16xi32>
      %add3A_624 = arith.addi %add3A_608, %convert_element_type3A_623 : vector<16xi32>
      %sub3A_625 = arith.constant 14 : i32
      %sub3A_626 = vector.broadcast %sub3A_625 : i32 to vector<16xi32>
      %sub3A_627 = arith.subi %iota3A, %sub3A_626 : vector<16xi32>
      %max3A_628 = arith.constant 0 : i32
      %max3A_629 = vector.broadcast %max3A_628 : i32 to vector<16xi32>
      %max3A_630 = arith.maxsi %sub3A_627, %max3A_629 : vector<16xi32>
      %broadcast_in_dim3A_631 = vector.shape_cast %max3A_630 : vector<16xi32> to vector<16x1xi32>
      %gather3A_632 = vector.shape_cast %broadcast_in_dim3A_631 : vector<16x1xi32> to vector<16xi32>
      %gather3A_633 = tpu.dynamic_gather %select_n3A_418[%gather3A_632] in [0] : vector<16xi32>, vector<16xi32> -> vector<16xi32>
      %eq3A_634 = arith.cmpi eq, %gather3A_633, %select_n3A_418 : vector<16xi32>
      %ge3A_635 = arith.constant 14 : i32
      %ge3A_636 = vector.broadcast %ge3A_635 : i32 to vector<16xi32>
      %ge3A_637 = arith.cmpi sge, %iota3A, %ge3A_636 : vector<16xi32>
      %and3A_638 = arith.andi %eq3A_634, %ge3A_637 : vector<16xi1>
      %convert_element_type3A_639 = arith.extui %and3A_638 : vector<16xi1> to vector<16xi32>
      %add3A_640 = arith.addi %add3A_624, %convert_element_type3A_639 : vector<16xi32>
      %sub3A_641 = arith.constant 15 : i32
      %sub3A_642 = vector.broadcast %sub3A_641 : i32 to vector<16xi32>
      %sub3A_643 = arith.subi %iota3A, %sub3A_642 : vector<16xi32>
      %max3A_644 = arith.constant 0 : i32
      %max3A_645 = vector.broadcast %max3A_644 : i32 to vector<16xi32>
      %max3A_646 = arith.maxsi %sub3A_643, %max3A_645 : vector<16xi32>
      %broadcast_in_dim3A_647 = vector.shape_cast %max3A_646 : vector<16xi32> to vector<16x1xi32>
      %gather3A_648 = vector.shape_cast %broadcast_in_dim3A_647 : vector<16x1xi32> to vector<16xi32>
      %gather3A_649 = tpu.dynamic_gather %select_n3A_418[%gather3A_648] in [0] : vector<16xi32>, vector<16xi32> -> vector<16xi32>
      %eq3A_650 = arith.cmpi eq, %gather3A_649, %select_n3A_418 : vector<16xi32>
      %ge3A_651 = arith.constant 15 : i32
      %ge3A_652 = vector.broadcast %ge3A_651 : i32 to vector<16xi32>
      %ge3A_653 = arith.cmpi sge, %iota3A, %ge3A_652 : vector<16xi32>
      %and3A_654 = arith.andi %eq3A_650, %ge3A_653 : vector<16xi1>
      %convert_element_type3A_655 = arith.extui %and3A_654 : vector<16xi1> to vector<16xi32>
      %add3A_656 = arith.addi %add3A_640, %convert_element_type3A_655 : vector<16xi32>
      %gather3A_657 = tpu.vector_load_idx %arg12[%select_n3A_418] : memref<272xi32, #tpu.memory_space<vmem>>[vector<16xi32>], vector<16xi32>,
      %add3A_658 = arith.addi %gather3A_657, %add3A_656 : vector<16xi32>
      tpu.vector_store_idx %arg10[%add3A_658], %get3A_413 masked %lt3A_409 : memref<16400xi32, #tpu.memory_space<vmem>>[vector<16xi32>], vector<16xi32>, vector<16xi1>
      %broadcast_in_dim3A_659 = arith.constant 1 : i32
      %broadcast_in_dim3A_660 = vector.broadcast %broadcast_in_dim3A_659 : i32 to vector<16xi32>
      tpu.vector_store_idx %arg12[%select_n3A_418], %broadcast_in_dim3A_660 masked %lt3A_409 {add = true} : memref<272xi32, #tpu.memory_space<vmem>>[vector<16xi32>], vector<16xi32>, vector<16xi1>
    }
    %while3A_88 = arith.constant 1 : i32
    scf.for %while3A_403 = %while3A_86 to %while3A_82 step %while3A_88  : i32 {
      %mul3A_404 = arith.constant 16 : i32
      %mul3A_405 = arith.muli %while3A_403, %mul3A_404 : i32
      %add3A_406 = vector.broadcast %mul3A_405 : i32 to vector<16xi32>
      %add3A_407 = arith.addi %add3A_406, %iota3A : vector<16xi32>
      %lt3A_408 = vector.broadcast %scan3A_41 : i32 to vector<16xi32>
      %lt3A_409 = arith.cmpi slt, %add3A_407, %lt3A_408 : vector<16xi32>
      %mul3A_410 = arith.constant 16 : i32
      %mul3A_411 = arith.muli %while3A_403, %mul3A_410 : i32
      %get3A_412 = arith.index_cast %mul3A_411 : i32 to index
      %get3A_413 = tpu.vector_load %arg9[%get3A_412] {strides = array<i32>} : memref<16400xi32, #tpu.memory_space<vmem>>, vector<16xi32>,
      %shift_right_arithmetic3A = arith.constant 21 : i32
      %shift_right_arithmetic3A_414 = vector.broadcast %shift_right_arithmetic3A : i32 to vector<16xi32>
      %shift_right_arithmetic3A_415 = arith.shrsi %get3A_413, %shift_right_arithmetic3A_414 : vector<16xi32>
      %jit3A_416 = arith.constant 271 : i32
      %broadcast_in_dim3A_417 = vector.broadcast %jit3A_416 : i32 to vector<16xi32>
      %select_n3A_418 = arith.select %lt3A_409, %shift_right_arithmetic3A_415, %broadcast_in_dim3A_417 : vector<16xi1>, vector<16xi32>
      %broadcast_in_dim3A_419 = arith.constant 0 : i32
      %broadcast_in_dim3A_420 = vector.broadcast %broadcast_in_dim3A_419 : i32 to vector<16xi32>
      %sub3A_421 = arith.constant 1 : i32
      %sub3A_422 = vector.broadcast %sub3A_421 : i32 to vector<16xi32>
      %sub3A_423 = arith.subi %iota3A, %sub3A_422 : vector<16xi32>
      %max3A = arith.constant 0 : i32
      %max3A_424 = vector.broadcast %max3A : i32 to vector<16xi32>
      %max3A_425 = arith.maxsi %sub3A_423, %max3A_424 : vector<16xi32>
      %broadcast_in_dim3A_426 = vector.shape_cast %max3A_425 : vector<16xi32> to vector<16x1xi32>
      %gather3A = vector.shape_cast %broadcast_in_dim3A_426 : vector<16x1xi32> to vector<16xi32>
      %gather3A_427 = tpu.dynamic_gather %select_n3A_418[%gather3A] in [0] : vector<16xi32>, vector<16xi32> -> vector<16xi32>
      %eq3A = arith.cmpi eq, %gather3A_427, %select_n3A_418 : vector<16xi32>
      %ge3A = arith.constant 1 : i32
      %ge3A_428 = vector.broadcast %ge3A : i32 to vector<16xi32>
      %ge3A_429 = arith.cmpi sge, %iota3A, %ge3A_428 : vector<16xi32>
      %and3A_430 = arith.andi %eq3A, %ge3A_429 : vector<16xi1>
      %convert_element_type3A_431 = arith.extui %and3A_430 : vector<16xi1> to vector<16xi32>
      %add3A_432 = arith.addi %broadcast_in_dim3A_420, %convert_element_type3A_431 : vector<16xi32>
      %sub3A_433 = arith.constant 2 : i32
      %sub3A_434 = vector.broadcast %sub3A_433 : i32 to vector<16xi32>
      %sub3A_435 = arith.subi %iota3A, %sub3A_434 : vector<16xi32>
      %max3A_436 = arith.constant 0 : i32
      %max3A_437 = vector.broadcast %max3A_436 : i32 to vector<16xi32>
      %max3A_438 = arith.maxsi %sub3A_435, %max3A_437 : vector<16xi32>
      %broadcast_in_dim3A_439 = vector.shape_cast %max3A_438 : vector<16xi32> to vector<16x1xi32>
      %gather3A_440 = vector.shape_cast %broadcast_in_dim3A_439 : vector<16x1xi32> to vector<16xi32>
      %gather3A_441 = tpu.dynamic_gather %select_n3A_418[%gather3A_440] in [0] : vector<16xi32>, vector<16xi32> -> vector<16xi32>
      %eq3A_442 = arith.cmpi eq, %gather3A_441, %select_n3A_418 : vector<16xi32>
      %ge3A_443 = arith.constant 2 : i32
      %ge3A_444 = vector.broadcast %ge3A_443 : i32 to vector<16xi32>
      %ge3A_445 = arith.cmpi sge, %iota3A, %ge3A_444 : vector<16xi32>
      %and3A_446 = arith.andi %eq3A_442, %ge3A_445 : vector<16xi1>
      %convert_element_type3A_447 = arith.extui %and3A_446 : vector<16xi1> to vector<16xi32>
      %add3A_448 = arith.addi %add3A_432, %convert_element_type3A_447 : vector<16xi32>
      %sub3A_449 = arith.constant 3 : i32
      %sub3A_450 = vector.broadcast %sub3A_449 : i32 to vector<16xi32>
      %sub3A_451 = arith.subi %iota3A, %sub3A_450 : vector<16xi32>
      %max3A_452 = arith.constant 0 : i32
      %max3A_453 = vector.broadcast %max3A_452 : i32 to vector<16xi32>
      %max3A_454 = arith.maxsi %sub3A_451, %max3A_453 : vector<16xi32>
      %broadcast_in_dim3A_455 = vector.shape_cast %max3A_454 : vector<16xi32> to vector<16x1xi32>
      %gather3A_456 = vector.shape_cast %broadcast_in_dim3A_455 : vector<16x1xi32> to vector<16xi32>
      %gather3A_457 = tpu.dynamic_gather %select_n3A_418[%gather3A_456] in [0] : vector<16xi32>, vector<16xi32> -> vector<16xi32>
      %eq3A_458 = arith.cmpi eq, %gather3A_457, %select_n3A_418 : vector<16xi32>
      %ge3A_459 = arith.constant 3 : i32
      %ge3A_460 = vector.broadcast %ge3A_459 : i32 to vector<16xi32>
      %ge3A_461 = arith.cmpi sge, %iota3A, %ge3A_460 : vector<16xi32>
      %and3A_462 = arith.andi %eq3A_458, %ge3A_461 : vector<16xi1>
      %convert_element_type3A_463 = arith.extui %and3A_462 : vector<16xi1> to vector<16xi32>
      %add3A_464 = arith.addi %add3A_448, %convert_element_type3A_463 : vector<16xi32>
      %sub3A_465 = arith.constant 4 : i32
      %sub3A_466 = vector.broadcast %sub3A_465 : i32 to vector<16xi32>
      %sub3A_467 = arith.subi %iota3A, %sub3A_466 : vector<16xi32>
      %max3A_468 = arith.constant 0 : i32
      %max3A_469 = vector.broadcast %max3A_468 : i32 to vector<16xi32>
      %max3A_470 = arith.maxsi %sub3A_467, %max3A_469 : vector<16xi32>
      %broadcast_in_dim3A_471 = vector.shape_cast %max3A_470 : vector<16xi32> to vector<16x1xi32>
      %gather3A_472 = vector.shape_cast %broadcast_in_dim3A_471 : vector<16x1xi32> to vector<16xi32>
      %gather3A_473 = tpu.dynamic_gather %select_n3A_418[%gather3A_472] in [0] : vector<16xi32>, vector<16xi32> -> vector<16xi32>
      %eq3A_474 = arith.cmpi eq, %gather3A_473, %select_n3A_418 : vector<16xi32>
      %ge3A_475 = arith.constant 4 : i32
      %ge3A_476 = vector.broadcast %ge3A_475 : i32 to vector<16xi32>
      %ge3A_477 = arith.cmpi sge, %iota3A, %ge3A_476 : vector<16xi32>
      %and3A_478 = arith.andi %eq3A_474, %ge3A_477 : vector<16xi1>
      %convert_element_type3A_479 = arith.extui %and3A_478 : vector<16xi1> to vector<16xi32>
      %add3A_480 = arith.addi %add3A_464, %convert_element_type3A_479 : vector<16xi32>
      %sub3A_481 = arith.constant 5 : i32
      %sub3A_482 = vector.broadcast %sub3A_481 : i32 to vector<16xi32>
      %sub3A_483 = arith.subi %iota3A, %sub3A_482 : vector<16xi32>
      %max3A_484 = arith.constant 0 : i32
      %max3A_485 = vector.broadcast %max3A_484 : i32 to vector<16xi32>
      %max3A_486 = arith.maxsi %sub3A_483, %max3A_485 : vector<16xi32>
      %broadcast_in_dim3A_487 = vector.shape_cast %max3A_486 : vector<16xi32> to vector<16x1xi32>
      %gather3A_488 = vector.shape_cast %broadcast_in_dim3A_487 : vector<16x1xi32> to vector<16xi32>
      %gather3A_489 = tpu.dynamic_gather %select_n3A_418[%gather3A_488] in [0] : vector<16xi32>, vector<16xi32> -> vector<16xi32>
      %eq3A_490 = arith.cmpi eq, %gather3A_489, %select_n3A_418 : vector<16xi32>
      %ge3A_491 = arith.constant 5 : i32
      %ge3A_492 = vector.broadcast %ge3A_491 : i32 to vector<16xi32>
      %ge3A_493 = arith.cmpi sge, %iota3A, %ge3A_492 : vector<16xi32>
      %and3A_494 = arith.andi %eq3A_490, %ge3A_493 : vector<16xi1>
      %convert_element_type3A_495 = arith.extui %and3A_494 : vector<16xi1> to vector<16xi32>
      %add3A_496 = arith.addi %add3A_480, %convert_element_type3A_495 : vector<16xi32>
      %sub3A_497 = arith.constant 6 : i32
      %sub3A_498 = vector.broadcast %sub3A_497 : i32 to vector<16xi32>
      %sub3A_499 = arith.subi %iota3A, %sub3A_498 : vector<16xi32>
      %max3A_500 = arith.constant 0 : i32
      %max3A_501 = vector.broadcast %max3A_500 : i32 to vector<16xi32>
      %max3A_502 = arith.maxsi %sub3A_499, %max3A_501 : vector<16xi32>
      %broadcast_in_dim3A_503 = vector.shape_cast %max3A_502 : vector<16xi32> to vector<16x1xi32>
      %gather3A_504 = vector.shape_cast %broadcast_in_dim3A_503 : vector<16x1xi32> to vector<16xi32>
      %gather3A_505 = tpu.dynamic_gather %select_n3A_418[%gather3A_504] in [0] : vector<16xi32>, vector<16xi32> -> vector<16xi32>
      %eq3A_506 = arith.cmpi eq, %gather3A_505, %select_n3A_418 : vector<16xi32>
      %ge3A_507 = arith.constant 6 : i32
      %ge3A_508 = vector.broadcast %ge3A_507 : i32 to vector<16xi32>
      %ge3A_509 = arith.cmpi sge, %iota3A, %ge3A_508 : vector<16xi32>
      %and3A_510 = arith.andi %eq3A_506, %ge3A_509 : vector<16xi1>
      %convert_element_type3A_511 = arith.extui %and3A_510 : vector<16xi1> to vector<16xi32>
      %add3A_512 = arith.addi %add3A_496, %convert_element_type3A_511 : vector<16xi32>
      %sub3A_513 = arith.constant 7 : i32
      %sub3A_514 = vector.broadcast %sub3A_513 : i32 to vector<16xi32>
      %sub3A_515 = arith.subi %iota3A, %sub3A_514 : vector<16xi32>
      %max3A_516 = arith.constant 0 : i32
      %max3A_517 = vector.broadcast %max3A_516 : i32 to vector<16xi32>
      %max3A_518 = arith.maxsi %sub3A_515, %max3A_517 : vector<16xi32>
      %broadcast_in_dim3A_519 = vector.shape_cast %max3A_518 : vector<16xi32> to vector<16x1xi32>
      %gather3A_520 = vector.shape_cast %broadcast_in_dim3A_519 : vector<16x1xi32> to vector<16xi32>
      %gather3A_521 = tpu.dynamic_gather %select_n3A_418[%gather3A_520] in [0] : vector<16xi32>, vector<16xi32> -> vector<16xi32>
      %eq3A_522 = arith.cmpi eq, %gather3A_521, %select_n3A_418 : vector<16xi32>
      %ge3A_523 = arith.constant 7 : i32
      %ge3A_524 = vector.broadcast %ge3A_523 : i32 to vector<16xi32>
      %ge3A_525 = arith.cmpi sge, %iota3A, %ge3A_524 : vector<16xi32>
      %and3A_526 = arith.andi %eq3A_522, %ge3A_525 : vector<16xi1>
      %convert_element_type3A_527 = arith.extui %and3A_526 : vector<16xi1> to vector<16xi32>
      %add3A_528 = arith.addi %add3A_512, %convert_element_type3A_527 : vector<16xi32>
      %sub3A_529 = arith.constant 8 : i32
      %sub3A_530 = vector.broadcast %sub3A_529 : i32 to vector<16xi32>
      %sub3A_531 = arith.subi %iota3A, %sub3A_530 : vector<16xi32>
      %max3A_532 = arith.constant 0 : i32
      %max3A_533 = vector.broadcast %max3A_532 : i32 to vector<16xi32>
      %max3A_534 = arith.maxsi %sub3A_531, %max3A_533 : vector<16xi32>
      %broadcast_in_dim3A_535 = vector.shape_cast %max3A_534 : vector<16xi32> to vector<16x1xi32>
      %gather3A_536 = vector.shape_cast %broadcast_in_dim3A_535 : vector<16x1xi32> to vector<16xi32>
      %gather3A_537 = tpu.dynamic_gather %select_n3A_418[%gather3A_536] in [0] : vector<16xi32>, vector<16xi32> -> vector<16xi32>
      %eq3A_538 = arith.cmpi eq, %gather3A_537, %select_n3A_418 : vector<16xi32>
      %ge3A_539 = arith.constant 8 : i32
      %ge3A_540 = vector.broadcast %ge3A_539 : i32 to vector<16xi32>
      %ge3A_541 = arith.cmpi sge, %iota3A, %ge3A_540 : vector<16xi32>
      %and3A_542 = arith.andi %eq3A_538, %ge3A_541 : vector<16xi1>
      %convert_element_type3A_543 = arith.extui %and3A_542 : vector<16xi1> to vector<16xi32>
      %add3A_544 = arith.addi %add3A_528, %convert_element_type3A_543 : vector<16xi32>
      %sub3A_545 = arith.constant 9 : i32
      %sub3A_546 = vector.broadcast %sub3A_545 : i32 to vector<16xi32>
      %sub3A_547 = arith.subi %iota3A, %sub3A_546 : vector<16xi32>
      %max3A_548 = arith.constant 0 : i32
      %max3A_549 = vector.broadcast %max3A_548 : i32 to vector<16xi32>
      %max3A_550 = arith.maxsi %sub3A_547, %max3A_549 : vector<16xi32>
      %broadcast_in_dim3A_551 = vector.shape_cast %max3A_550 : vector<16xi32> to vector<16x1xi32>
      %gather3A_552 = vector.shape_cast %broadcast_in_dim3A_551 : vector<16x1xi32> to vector<16xi32>
      %gather3A_553 = tpu.dynamic_gather %select_n3A_418[%gather3A_552] in [0] : vector<16xi32>, vector<16xi32> -> vector<16xi32>
      %eq3A_554 = arith.cmpi eq, %gather3A_553, %select_n3A_418 : vector<16xi32>
      %ge3A_555 = arith.constant 9 : i32
      %ge3A_556 = vector.broadcast %ge3A_555 : i32 to vector<16xi32>
      %ge3A_557 = arith.cmpi sge, %iota3A, %ge3A_556 : vector<16xi32>
      %and3A_558 = arith.andi %eq3A_554, %ge3A_557 : vector<16xi1>
      %convert_element_type3A_559 = arith.extui %and3A_558 : vector<16xi1> to vector<16xi32>
      %add3A_560 = arith.addi %add3A_544, %convert_element_type3A_559 : vector<16xi32>
      %sub3A_561 = arith.constant 10 : i32
      %sub3A_562 = vector.broadcast %sub3A_561 : i32 to vector<16xi32>
      %sub3A_563 = arith.subi %iota3A, %sub3A_562 : vector<16xi32>
      %max3A_564 = arith.constant 0 : i32
      %max3A_565 = vector.broadcast %max3A_564 : i32 to vector<16xi32>
      %max3A_566 = arith.maxsi %sub3A_563, %max3A_565 : vector<16xi32>
      %broadcast_in_dim3A_567 = vector.shape_cast %max3A_566 : vector<16xi32> to vector<16x1xi32>
      %gather3A_568 = vector.shape_cast %broadcast_in_dim3A_567 : vector<16x1xi32> to vector<16xi32>
      %gather3A_569 = tpu.dynamic_gather %select_n3A_418[%gather3A_568] in [0] : vector<16xi32>, vector<16xi32> -> vector<16xi32>
      %eq3A_570 = arith.cmpi eq, %gather3A_569, %select_n3A_418 : vector<16xi32>
      %ge3A_571 = arith.constant 10 : i32
      %ge3A_572 = vector.broadcast %ge3A_571 : i32 to vector<16xi32>
      %ge3A_573 = arith.cmpi sge, %iota3A, %ge3A_572 : vector<16xi32>
      %and3A_574 = arith.andi %eq3A_570, %ge3A_573 : vector<16xi1>
      %convert_element_type3A_575 = arith.extui %and3A_574 : vector<16xi1> to vector<16xi32>
      %add3A_576 = arith.addi %add3A_560, %convert_element_type3A_575 : vector<16xi32>
      %sub3A_577 = arith.constant 11 : i32
      %sub3A_578 = vector.broadcast %sub3A_577 : i32 to vector<16xi32>
      %sub3A_579 = arith.subi %iota3A, %sub3A_578 : vector<16xi32>
      %max3A_580 = arith.constant 0 : i32
      %max3A_581 = vector.broadcast %max3A_580 : i32 to vector<16xi32>
      %max3A_582 = arith.maxsi %sub3A_579, %max3A_581 : vector<16xi32>
      %broadcast_in_dim3A_583 = vector.shape_cast %max3A_582 : vector<16xi32> to vector<16x1xi32>
      %gather3A_584 = vector.shape_cast %broadcast_in_dim3A_583 : vector<16x1xi32> to vector<16xi32>
      %gather3A_585 = tpu.dynamic_gather %select_n3A_418[%gather3A_584] in [0] : vector<16xi32>, vector<16xi32> -> vector<16xi32>
      %eq3A_586 = arith.cmpi eq, %gather3A_585, %select_n3A_418 : vector<16xi32>
      %ge3A_587 = arith.constant 11 : i32
      %ge3A_588 = vector.broadcast %ge3A_587 : i32 to vector<16xi32>
      %ge3A_589 = arith.cmpi sge, %iota3A, %ge3A_588 : vector<16xi32>
      %and3A_590 = arith.andi %eq3A_586, %ge3A_589 : vector<16xi1>
      %convert_element_type3A_591 = arith.extui %and3A_590 : vector<16xi1> to vector<16xi32>
      %add3A_592 = arith.addi %add3A_576, %convert_element_type3A_591 : vector<16xi32>
      %sub3A_593 = arith.constant 12 : i32
      %sub3A_594 = vector.broadcast %sub3A_593 : i32 to vector<16xi32>
      %sub3A_595 = arith.subi %iota3A, %sub3A_594 : vector<16xi32>
      %max3A_596 = arith.constant 0 : i32
      %max3A_597 = vector.broadcast %max3A_596 : i32 to vector<16xi32>
      %max3A_598 = arith.maxsi %sub3A_595, %max3A_597 : vector<16xi32>
      %broadcast_in_dim3A_599 = vector.shape_cast %max3A_598 : vector<16xi32> to vector<16x1xi32>
      %gather3A_600 = vector.shape_cast %broadcast_in_dim3A_599 : vector<16x1xi32> to vector<16xi32>
      %gather3A_601 = tpu.dynamic_gather %select_n3A_418[%gather3A_600] in [0] : vector<16xi32>, vector<16xi32> -> vector<16xi32>
      %eq3A_602 = arith.cmpi eq, %gather3A_601, %select_n3A_418 : vector<16xi32>
      %ge3A_603 = arith.constant 12 : i32
      %ge3A_604 = vector.broadcast %ge3A_603 : i32 to vector<16xi32>
      %ge3A_605 = arith.cmpi sge, %iota3A, %ge3A_604 : vector<16xi32>
      %and3A_606 = arith.andi %eq3A_602, %ge3A_605 : vector<16xi1>
      %convert_element_type3A_607 = arith.extui %and3A_606 : vector<16xi1> to vector<16xi32>
      %add3A_608 = arith.addi %add3A_592, %convert_element_type3A_607 : vector<16xi32>
      %sub3A_609 = arith.constant 13 : i32
      %sub3A_610 = vector.broadcast %sub3A_609 : i32 to vector<16xi32>
      %sub3A_611 = arith.subi %iota3A, %sub3A_610 : vector<16xi32>
      %max3A_612 = arith.constant 0 : i32
      %max3A_613 = vector.broadcast %max3A_612 : i32 to vector<16xi32>
      %max3A_614 = arith.maxsi %sub3A_611, %max3A_613 : vector<16xi32>
      %broadcast_in_dim3A_615 = vector.shape_cast %max3A_614 : vector<16xi32> to vector<16x1xi32>
      %gather3A_616 = vector.shape_cast %broadcast_in_dim3A_615 : vector<16x1xi32> to vector<16xi32>
      %gather3A_617 = tpu.dynamic_gather %select_n3A_418[%gather3A_616] in [0] : vector<16xi32>, vector<16xi32> -> vector<16xi32>
      %eq3A_618 = arith.cmpi eq, %gather3A_617, %select_n3A_418 : vector<16xi32>
      %ge3A_619 = arith.constant 13 : i32
      %ge3A_620 = vector.broadcast %ge3A_619 : i32 to vector<16xi32>
      %ge3A_621 = arith.cmpi sge, %iota3A, %ge3A_620 : vector<16xi32>
      %and3A_622 = arith.andi %eq3A_618, %ge3A_621 : vector<16xi1>
      %convert_element_type3A_623 = arith.extui %and3A_622 : vector<16xi1> to vector<16xi32>
      %add3A_624 = arith.addi %add3A_608, %convert_element_type3A_623 : vector<16xi32>
      %sub3A_625 = arith.constant 14 : i32
      %sub3A_626 = vector.broadcast %sub3A_625 : i32 to vector<16xi32>
      %sub3A_627 = arith.subi %iota3A, %sub3A_626 : vector<16xi32>
      %max3A_628 = arith.constant 0 : i32
      %max3A_629 = vector.broadcast %max3A_628 : i32 to vector<16xi32>
      %max3A_630 = arith.maxsi %sub3A_627, %max3A_629 : vector<16xi32>
      %broadcast_in_dim3A_631 = vector.shape_cast %max3A_630 : vector<16xi32> to vector<16x1xi32>
      %gather3A_632 = vector.shape_cast %broadcast_in_dim3A_631 : vector<16x1xi32> to vector<16xi32>
      %gather3A_633 = tpu.dynamic_gather %select_n3A_418[%gather3A_632] in [0] : vector<16xi32>, vector<16xi32> -> vector<16xi32>
      %eq3A_634 = arith.cmpi eq, %gather3A_633, %select_n3A_418 : vector<16xi32>
      %ge3A_635 = arith.constant 14 : i32
      %ge3A_636 = vector.broadcast %ge3A_635 : i32 to vector<16xi32>
      %ge3A_637 = arith.cmpi sge, %iota3A, %ge3A_636 : vector<16xi32>
      %and3A_638 = arith.andi %eq3A_634, %ge3A_637 : vector<16xi1>
      %convert_element_type3A_639 = arith.extui %and3A_638 : vector<16xi1> to vector<16xi32>
      %add3A_640 = arith.addi %add3A_624, %convert_element_type3A_639 : vector<16xi32>
      %sub3A_641 = arith.constant 15 : i32
      %sub3A_642 = vector.broadcast %sub3A_641 : i32 to vector<16xi32>
      %sub3A_643 = arith.subi %iota3A, %sub3A_642 : vector<16xi32>
      %max3A_644 = arith.constant 0 : i32
      %max3A_645 = vector.broadcast %max3A_644 : i32 to vector<16xi32>
      %max3A_646 = arith.maxsi %sub3A_643, %max3A_645 : vector<16xi32>
      %broadcast_in_dim3A_647 = vector.shape_cast %max3A_646 : vector<16xi32> to vector<16x1xi32>
      %gather3A_648 = vector.shape_cast %broadcast_in_dim3A_647 : vector<16x1xi32> to vector<16xi32>
      %gather3A_649 = tpu.dynamic_gather %select_n3A_418[%gather3A_648] in [0] : vector<16xi32>, vector<16xi32> -> vector<16xi32>
      %eq3A_650 = arith.cmpi eq, %gather3A_649, %select_n3A_418 : vector<16xi32>
      %ge3A_651 = arith.constant 15 : i32
      %ge3A_652 = vector.broadcast %ge3A_651 : i32 to vector<16xi32>
      %ge3A_653 = arith.cmpi sge, %iota3A, %ge3A_652 : vector<16xi32>
      %and3A_654 = arith.andi %eq3A_650, %ge3A_653 : vector<16xi1>
      %convert_element_type3A_655 = arith.extui %and3A_654 : vector<16xi1> to vector<16xi32>
      %add3A_656 = arith.addi %add3A_640, %convert_element_type3A_655 : vector<16xi32>
      %gather3A_657 = tpu.vector_load_idx %arg12[%select_n3A_418] : memref<272xi32, #tpu.memory_space<vmem>>[vector<16xi32>], vector<16xi32>,
      %add3A_658 = arith.addi %gather3A_657, %add3A_656 : vector<16xi32>
      tpu.vector_store_idx %arg10[%add3A_658], %get3A_413 masked %lt3A_409 : memref<16400xi32, #tpu.memory_space<vmem>>[vector<16xi32>], vector<16xi32>, vector<16xi1>
      %broadcast_in_dim3A_659 = arith.constant 1 : i32
      %broadcast_in_dim3A_660 = vector.broadcast %broadcast_in_dim3A_659 : i32 to vector<16xi32>
      tpu.vector_store_idx %arg12[%select_n3A_418], %broadcast_in_dim3A_660 masked %lt3A_409 {add = true} : memref<272xi32, #tpu.memory_space<vmem>>[vector<16xi32>], vector<16xi32>, vector<16xi1>
    }
    %get3A = arith.constant 0 : i32
    %get3A_89 = arith.index_cast %get3A : i32 to index
    %get3A_90 = tpu.vector_load %arg11[%get3A_89] {strides = array<i32>} : memref<272xi32, #tpu.memory_space<vmem>>, vector<16xi32>,
    %slice3A = vector.extract_strided_slice %get3A_90 {offsets = [0], sizes = [1], strides = [1]} : vector<16xi32> to vector<1xi32>
    %squeeze3A = vector.extract %slice3A[0] : i32 from vector<1xi32>
    %lt3A = arith.constant 0 : i32
    %lt3A_91 = arith.constant 245 : i32
    %lt3A_92 = arith.cmpi slt, %lt3A, %lt3A_91 : i32
    %gt3A = arith.constant 0 : i32
    %gt3A_93 = arith.cmpi sgt, %squeeze3A, %gt3A : i32
    %and3A_94 = arith.andi %lt3A_92, %gt3A_93 : i1
    %convert_element_type3A = arith.extui %and3A_94 : i1 to i32
    %cond3A = arith.constant 0 : i32
    %cond3A_95 = arith.constant 0 : i32
    %cond3A_96 = arith.cmpi ne, %convert_element_type3A, %cond3A_95 : i32
    scf.if %cond3A_96 {
      %add3A_403 = arith.addi %mul3A_2, %cond3A : i32
      %mul3A_404 = arith.constant 128 : i32
      %mul3A_405 = arith.muli %add3A_403, %mul3A_404 : i32
      %multiple_of3A = tpu.assume_multiple %mul3A_405, 128 : i32
      %rem3A_406 = arith.constant 8 : i32
      %rem3A_407 = arith.remsi %cond3A, %rem3A_406 : i32
      %dma_start3A = arith.constant 0 : i32
      %dma_start3A_408 = arith.constant 0 : i32
      %dma_start3A_409 = tpu.memref_slice %arg14[%rem3A_407, %dma_start3A, %dma_start3A_408] : memref<8x64x128xf32, #tpu.memory_space<vmem>> -> memref<1x64x128xf32, #tpu.memory_space<vmem>>
      %dma_start3A_410 = tpu.memref_squeeze %dma_start3A_409 : memref<1x64x128xf32, #tpu.memory_space<vmem>> -> memref<64x128xf32, #tpu.memory_space<vmem>>
      %dma_start3A_411 = arith.constant 0 : i32
      %dma_start3A_412 = tpu.memref_slice %arg4[%dma_start3A_411, %multiple_of3A] : memref<64x1000000xf32, #tpu.memory_space<hbm>> -> memref<64x128xf32, #tpu.memory_space<hbm>>
      %dma_start3A_413 = arith.constant 0 : i32
      %dma_start3A_414 = arith.constant 0 : i32
      %dma_start3A_415 = tpu.memref_slice %arg14[%rem3A_407, %dma_start3A_413, %dma_start3A_414] : memref<8x64x128xf32, #tpu.memory_space<vmem>> -> memref<1x64x128xf32, #tpu.memory_space<vmem>>
      %dma_start3A_416 = tpu.memref_squeeze %dma_start3A_415 : memref<1x64x128xf32, #tpu.memory_space<vmem>> -> memref<64x128xf32, #tpu.memory_space<vmem>>
      %dma_start3A_417 = arith.constant 0 : i32
      %dma_start3A_418 = tpu.memref_slice %arg4[%dma_start3A_417, %multiple_of3A] : memref<64x1000000xf32, #tpu.memory_space<hbm>> -> memref<64x128xf32, #tpu.memory_space<hbm>>
      tpu.enqueue_dma source(%dma_start3A_418 : memref<64x128xf32, #tpu.memory_space<hbm>>) target(%dma_start3A_416 : memref<64x128xf32, #tpu.memory_space<vmem>>) target_semaphore(%arg16 : memref<!tpu.dma_semaphore, #tpu.memory_space<semaphore_mem>>)
    } else {
    }
    %get3A_97 = arith.constant 1 : i32
    %get3A_98 = arith.index_cast %get3A_97 : i32 to index
    %get3A_99 = tpu.vector_load %arg11[%get3A_98] {strides = array<i32>} : memref<272xi32, #tpu.memory_space<vmem>>, vector<16xi32>,
    %slice3A_100 = vector.extract_strided_slice %get3A_99 {offsets = [0], sizes = [1], strides = [1]} : vector<16xi32> to vector<1xi32>
    %squeeze3A_101 = vector.extract %slice3A_100[0] : i32 from vector<1xi32>
    %lt3A_102 = arith.constant 1 : i32
    %lt3A_103 = arith.constant 245 : i32
    %lt3A_104 = arith.cmpi slt, %lt3A_102, %lt3A_103 : i32
    %gt3A_105 = arith.constant 0 : i32
    %gt3A_106 = arith.cmpi sgt, %squeeze3A_101, %gt3A_105 : i32
    %and3A_107 = arith.andi %lt3A_104, %gt3A_106 : i1
    %convert_element_type3A_108 = arith.extui %and3A_107 : i1 to i32
    %cond3A_109 = arith.constant 1 : i32
    %cond3A_110 = arith.constant 0 : i32
    %cond3A_111 = arith.cmpi ne, %convert_element_type3A_108, %cond3A_110 : i32
    scf.if %cond3A_111 {
      %add3A_403 = arith.addi %mul3A_2, %cond3A_109 : i32
      %mul3A_404 = arith.constant 128 : i32
      %mul3A_405 = arith.muli %add3A_403, %mul3A_404 : i32
      %multiple_of3A = tpu.assume_multiple %mul3A_405, 128 : i32
      %rem3A_406 = arith.constant 8 : i32
      %rem3A_407 = arith.remsi %cond3A_109, %rem3A_406 : i32
      %dma_start3A = arith.constant 0 : i32
      %dma_start3A_408 = arith.constant 0 : i32
      %dma_start3A_409 = tpu.memref_slice %arg14[%rem3A_407, %dma_start3A, %dma_start3A_408] : memref<8x64x128xf32, #tpu.memory_space<vmem>> -> memref<1x64x128xf32, #tpu.memory_space<vmem>>
      %dma_start3A_410 = tpu.memref_squeeze %dma_start3A_409 : memref<1x64x128xf32, #tpu.memory_space<vmem>> -> memref<64x128xf32, #tpu.memory_space<vmem>>
      %dma_start3A_411 = arith.constant 0 : i32
      %dma_start3A_412 = tpu.memref_slice %arg4[%dma_start3A_411, %multiple_of3A] : memref<64x1000000xf32, #tpu.memory_space<hbm>> -> memref<64x128xf32, #tpu.memory_space<hbm>>
      %dma_start3A_413 = arith.constant 0 : i32
      %dma_start3A_414 = arith.constant 0 : i32
      %dma_start3A_415 = tpu.memref_slice %arg14[%rem3A_407, %dma_start3A_413, %dma_start3A_414] : memref<8x64x128xf32, #tpu.memory_space<vmem>> -> memref<1x64x128xf32, #tpu.memory_space<vmem>>
      %dma_start3A_416 = tpu.memref_squeeze %dma_start3A_415 : memref<1x64x128xf32, #tpu.memory_space<vmem>> -> memref<64x128xf32, #tpu.memory_space<vmem>>
      %dma_start3A_417 = arith.constant 0 : i32
      %dma_start3A_418 = tpu.memref_slice %arg4[%dma_start3A_417, %multiple_of3A] : memref<64x1000000xf32, #tpu.memory_space<hbm>> -> memref<64x128xf32, #tpu.memory_space<hbm>>
      tpu.enqueue_dma source(%dma_start3A_418 : memref<64x128xf32, #tpu.memory_space<hbm>>) target(%dma_start3A_416 : memref<64x128xf32, #tpu.memory_space<vmem>>) target_semaphore(%arg16 : memref<!tpu.dma_semaphore, #tpu.memory_space<semaphore_mem>>)
    } else {
    }
    %get3A_112 = arith.constant 2 : i32
    %get3A_113 = arith.index_cast %get3A_112 : i32 to index
    %get3A_114 = tpu.vector_load %arg11[%get3A_113] {strides = array<i32>} : memref<272xi32, #tpu.memory_space<vmem>>, vector<16xi32>,
    %slice3A_115 = vector.extract_strided_slice %get3A_114 {offsets = [0], sizes = [1], strides = [1]} : vector<16xi32> to vector<1xi32>
    %squeeze3A_116 = vector.extract %slice3A_115[0] : i32 from vector<1xi32>
    %lt3A_117 = arith.constant 2 : i32
    %lt3A_118 = arith.constant 245 : i32
    %lt3A_119 = arith.cmpi slt, %lt3A_117, %lt3A_118 : i32
    %gt3A_120 = arith.constant 0 : i32
    %gt3A_121 = arith.cmpi sgt, %squeeze3A_116, %gt3A_120 : i32
    %and3A_122 = arith.andi %lt3A_119, %gt3A_121 : i1
    %convert_element_type3A_123 = arith.extui %and3A_122 : i1 to i32
    %cond3A_124 = arith.constant 2 : i32
    %cond3A_125 = arith.constant 0 : i32
    %cond3A_126 = arith.cmpi ne, %convert_element_type3A_123, %cond3A_125 : i32
    scf.if %cond3A_126 {
      %add3A_403 = arith.addi %mul3A_2, %cond3A_124 : i32
      %mul3A_404 = arith.constant 128 : i32
      %mul3A_405 = arith.muli %add3A_403, %mul3A_404 : i32
      %multiple_of3A = tpu.assume_multiple %mul3A_405, 128 : i32
      %rem3A_406 = arith.constant 8 : i32
      %rem3A_407 = arith.remsi %cond3A_124, %rem3A_406 : i32
      %dma_start3A = arith.constant 0 : i32
      %dma_start3A_408 = arith.constant 0 : i32
      %dma_start3A_409 = tpu.memref_slice %arg14[%rem3A_407, %dma_start3A, %dma_start3A_408] : memref<8x64x128xf32, #tpu.memory_space<vmem>> -> memref<1x64x128xf32, #tpu.memory_space<vmem>>
      %dma_start3A_410 = tpu.memref_squeeze %dma_start3A_409 : memref<1x64x128xf32, #tpu.memory_space<vmem>> -> memref<64x128xf32, #tpu.memory_space<vmem>>
      %dma_start3A_411 = arith.constant 0 : i32
      %dma_start3A_412 = tpu.memref_slice %arg4[%dma_start3A_411, %multiple_of3A] : memref<64x1000000xf32, #tpu.memory_space<hbm>> -> memref<64x128xf32, #tpu.memory_space<hbm>>
      %dma_start3A_413 = arith.constant 0 : i32
      %dma_start3A_414 = arith.constant 0 : i32
      %dma_start3A_415 = tpu.memref_slice %arg14[%rem3A_407, %dma_start3A_413, %dma_start3A_414] : memref<8x64x128xf32, #tpu.memory_space<vmem>> -> memref<1x64x128xf32, #tpu.memory_space<vmem>>
      %dma_start3A_416 = tpu.memref_squeeze %dma_start3A_415 : memref<1x64x128xf32, #tpu.memory_space<vmem>> -> memref<64x128xf32, #tpu.memory_space<vmem>>
      %dma_start3A_417 = arith.constant 0 : i32
      %dma_start3A_418 = tpu.memref_slice %arg4[%dma_start3A_417, %multiple_of3A] : memref<64x1000000xf32, #tpu.memory_space<hbm>> -> memref<64x128xf32, #tpu.memory_space<hbm>>
      tpu.enqueue_dma source(%dma_start3A_418 : memref<64x128xf32, #tpu.memory_space<hbm>>) target(%dma_start3A_416 : memref<64x128xf32, #tpu.memory_space<vmem>>) target_semaphore(%arg16 : memref<!tpu.dma_semaphore, #tpu.memory_space<semaphore_mem>>)
    } else {
    }
    %get3A_127 = arith.constant 3 : i32
    %get3A_128 = arith.index_cast %get3A_127 : i32 to index
    %get3A_129 = tpu.vector_load %arg11[%get3A_128] {strides = array<i32>} : memref<272xi32, #tpu.memory_space<vmem>>, vector<16xi32>,
    %slice3A_130 = vector.extract_strided_slice %get3A_129 {offsets = [0], sizes = [1], strides = [1]} : vector<16xi32> to vector<1xi32>
    %squeeze3A_131 = vector.extract %slice3A_130[0] : i32 from vector<1xi32>
    %lt3A_132 = arith.constant 3 : i32
    %lt3A_133 = arith.constant 245 : i32
    %lt3A_134 = arith.cmpi slt, %lt3A_132, %lt3A_133 : i32
    %gt3A_135 = arith.constant 0 : i32
    %gt3A_136 = arith.cmpi sgt, %squeeze3A_131, %gt3A_135 : i32
    %and3A_137 = arith.andi %lt3A_134, %gt3A_136 : i1
    %convert_element_type3A_138 = arith.extui %and3A_137 : i1 to i32
    %cond3A_139 = arith.constant 3 : i32
    %cond3A_140 = arith.constant 0 : i32
    %cond3A_141 = arith.cmpi ne, %convert_element_type3A_138, %cond3A_140 : i32
    scf.if %cond3A_141 {
      %add3A_403 = arith.addi %mul3A_2, %cond3A_139 : i32
      %mul3A_404 = arith.constant 128 : i32
      %mul3A_405 = arith.muli %add3A_403, %mul3A_404 : i32
      %multiple_of3A = tpu.assume_multiple %mul3A_405, 128 : i32
      %rem3A_406 = arith.constant 8 : i32
      %rem3A_407 = arith.remsi %cond3A_139, %rem3A_406 : i32
      %dma_start3A = arith.constant 0 : i32
      %dma_start3A_408 = arith.constant 0 : i32
      %dma_start3A_409 = tpu.memref_slice %arg14[%rem3A_407, %dma_start3A, %dma_start3A_408] : memref<8x64x128xf32, #tpu.memory_space<vmem>> -> memref<1x64x128xf32, #tpu.memory_space<vmem>>
      %dma_start3A_410 = tpu.memref_squeeze %dma_start3A_409 : memref<1x64x128xf32, #tpu.memory_space<vmem>> -> memref<64x128xf32, #tpu.memory_space<vmem>>
      %dma_start3A_411 = arith.constant 0 : i32
      %dma_start3A_412 = tpu.memref_slice %arg4[%dma_start3A_411, %multiple_of3A] : memref<64x1000000xf32, #tpu.memory_space<hbm>> -> memref<64x128xf32, #tpu.memory_space<hbm>>
      %dma_start3A_413 = arith.constant 0 : i32
      %dma_start3A_414 = arith.constant 0 : i32
      %dma_start3A_415 = tpu.memref_slice %arg14[%rem3A_407, %dma_start3A_413, %dma_start3A_414] : memref<8x64x128xf32, #tpu.memory_space<vmem>> -> memref<1x64x128xf32, #tpu.memory_space<vmem>>
      %dma_start3A_416 = tpu.memref_squeeze %dma_start3A_415 : memref<1x64x128xf32, #tpu.memory_space<vmem>> -> memref<64x128xf32, #tpu.memory_space<vmem>>
      %dma_start3A_417 = arith.constant 0 : i32
      %dma_start3A_418 = tpu.memref_slice %arg4[%dma_start3A_417, %multiple_of3A] : memref<64x1000000xf32, #tpu.memory_space<hbm>> -> memref<64x128xf32, #tpu.memory_space<hbm>>
      tpu.enqueue_dma source(%dma_start3A_418 : memref<64x128xf32, #tpu.memory_space<hbm>>) target(%dma_start3A_416 : memref<64x128xf32, #tpu.memory_space<vmem>>) target_semaphore(%arg16 : memref<!tpu.dma_semaphore, #tpu.memory_space<semaphore_mem>>)
    } else {
    }
    %get3A_142 = arith.constant 4 : i32
    %get3A_143 = arith.index_cast %get3A_142 : i32 to index
    %get3A_144 = tpu.vector_load %arg11[%get3A_143] {strides = array<i32>} : memref<272xi32, #tpu.memory_space<vmem>>, vector<16xi32>,
    %slice3A_145 = vector.extract_strided_slice %get3A_144 {offsets = [0], sizes = [1], strides = [1]} : vector<16xi32> to vector<1xi32>
    %squeeze3A_146 = vector.extract %slice3A_145[0] : i32 from vector<1xi32>
    %lt3A_147 = arith.constant 4 : i32
    %lt3A_148 = arith.constant 245 : i32
    %lt3A_149 = arith.cmpi slt, %lt3A_147, %lt3A_148 : i32
    %gt3A_150 = arith.constant 0 : i32
    %gt3A_151 = arith.cmpi sgt, %squeeze3A_146, %gt3A_150 : i32
    %and3A_152 = arith.andi %lt3A_149, %gt3A_151 : i1
    %convert_element_type3A_153 = arith.extui %and3A_152 : i1 to i32
    %cond3A_154 = arith.constant 4 : i32
    %cond3A_155 = arith.constant 0 : i32
    %cond3A_156 = arith.cmpi ne, %convert_element_type3A_153, %cond3A_155 : i32
    scf.if %cond3A_156 {
      %add3A_403 = arith.addi %mul3A_2, %cond3A_154 : i32
      %mul3A_404 = arith.constant 128 : i32
      %mul3A_405 = arith.muli %add3A_403, %mul3A_404 : i32
      %multiple_of3A = tpu.assume_multiple %mul3A_405, 128 : i32
      %rem3A_406 = arith.constant 8 : i32
      %rem3A_407 = arith.remsi %cond3A_154, %rem3A_406 : i32
      %dma_start3A = arith.constant 0 : i32
      %dma_start3A_408 = arith.constant 0 : i32
      %dma_start3A_409 = tpu.memref_slice %arg14[%rem3A_407, %dma_start3A, %dma_start3A_408] : memref<8x64x128xf32, #tpu.memory_space<vmem>> -> memref<1x64x128xf32, #tpu.memory_space<vmem>>
      %dma_start3A_410 = tpu.memref_squeeze %dma_start3A_409 : memref<1x64x128xf32, #tpu.memory_space<vmem>> -> memref<64x128xf32, #tpu.memory_space<vmem>>
      %dma_start3A_411 = arith.constant 0 : i32
      %dma_start3A_412 = tpu.memref_slice %arg4[%dma_start3A_411, %multiple_of3A] : memref<64x1000000xf32, #tpu.memory_space<hbm>> -> memref<64x128xf32, #tpu.memory_space<hbm>>
      %dma_start3A_413 = arith.constant 0 : i32
      %dma_start3A_414 = arith.constant 0 : i32
      %dma_start3A_415 = tpu.memref_slice %arg14[%rem3A_407, %dma_start3A_413, %dma_start3A_414] : memref<8x64x128xf32, #tpu.memory_space<vmem>> -> memref<1x64x128xf32, #tpu.memory_space<vmem>>
      %dma_start3A_416 = tpu.memref_squeeze %dma_start3A_415 : memref<1x64x128xf32, #tpu.memory_space<vmem>> -> memref<64x128xf32, #tpu.memory_space<vmem>>
      %dma_start3A_417 = arith.constant 0 : i32
      %dma_start3A_418 = tpu.memref_slice %arg4[%dma_start3A_417, %multiple_of3A] : memref<64x1000000xf32, #tpu.memory_space<hbm>> -> memref<64x128xf32, #tpu.memory_space<hbm>>
      tpu.enqueue_dma source(%dma_start3A_418 : memref<64x128xf32, #tpu.memory_space<hbm>>) target(%dma_start3A_416 : memref<64x128xf32, #tpu.memory_space<vmem>>) target_semaphore(%arg16 : memref<!tpu.dma_semaphore, #tpu.memory_space<semaphore_mem>>)
    } else {
    }
    %get3A_157 = arith.constant 5 : i32
    %get3A_158 = arith.index_cast %get3A_157 : i32 to index
    %get3A_159 = tpu.vector_load %arg11[%get3A_158] {strides = array<i32>} : memref<272xi32, #tpu.memory_space<vmem>>, vector<16xi32>,
    %slice3A_160 = vector.extract_strided_slice %get3A_159 {offsets = [0], sizes = [1], strides = [1]} : vector<16xi32> to vector<1xi32>
    %squeeze3A_161 = vector.extract %slice3A_160[0] : i32 from vector<1xi32>
    %lt3A_162 = arith.constant 5 : i32
    %lt3A_163 = arith.constant 245 : i32
    %lt3A_164 = arith.cmpi slt, %lt3A_162, %lt3A_163 : i32
    %gt3A_165 = arith.constant 0 : i32
    %gt3A_166 = arith.cmpi sgt, %squeeze3A_161, %gt3A_165 : i32
    %and3A_167 = arith.andi %lt3A_164, %gt3A_166 : i1
    %convert_element_type3A_168 = arith.extui %and3A_167 : i1 to i32
    %cond3A_169 = arith.constant 5 : i32
    %cond3A_170 = arith.constant 0 : i32
    %cond3A_171 = arith.cmpi ne, %convert_element_type3A_168, %cond3A_170 : i32
    scf.if %cond3A_171 {
      %add3A_403 = arith.addi %mul3A_2, %cond3A_169 : i32
      %mul3A_404 = arith.constant 128 : i32
      %mul3A_405 = arith.muli %add3A_403, %mul3A_404 : i32
      %multiple_of3A = tpu.assume_multiple %mul3A_405, 128 : i32
      %rem3A_406 = arith.constant 8 : i32
      %rem3A_407 = arith.remsi %cond3A_169, %rem3A_406 : i32
      %dma_start3A = arith.constant 0 : i32
      %dma_start3A_408 = arith.constant 0 : i32
      %dma_start3A_409 = tpu.memref_slice %arg14[%rem3A_407, %dma_start3A, %dma_start3A_408] : memref<8x64x128xf32, #tpu.memory_space<vmem>> -> memref<1x64x128xf32, #tpu.memory_space<vmem>>
      %dma_start3A_410 = tpu.memref_squeeze %dma_start3A_409 : memref<1x64x128xf32, #tpu.memory_space<vmem>> -> memref<64x128xf32, #tpu.memory_space<vmem>>
      %dma_start3A_411 = arith.constant 0 : i32
      %dma_start3A_412 = tpu.memref_slice %arg4[%dma_start3A_411, %multiple_of3A] : memref<64x1000000xf32, #tpu.memory_space<hbm>> -> memref<64x128xf32, #tpu.memory_space<hbm>>
      %dma_start3A_413 = arith.constant 0 : i32
      %dma_start3A_414 = arith.constant 0 : i32
      %dma_start3A_415 = tpu.memref_slice %arg14[%rem3A_407, %dma_start3A_413, %dma_start3A_414] : memref<8x64x128xf32, #tpu.memory_space<vmem>> -> memref<1x64x128xf32, #tpu.memory_space<vmem>>
      %dma_start3A_416 = tpu.memref_squeeze %dma_start3A_415 : memref<1x64x128xf32, #tpu.memory_space<vmem>> -> memref<64x128xf32, #tpu.memory_space<vmem>>
      %dma_start3A_417 = arith.constant 0 : i32
      %dma_start3A_418 = tpu.memref_slice %arg4[%dma_start3A_417, %multiple_of3A] : memref<64x1000000xf32, #tpu.memory_space<hbm>> -> memref<64x128xf32, #tpu.memory_space<hbm>>
      tpu.enqueue_dma source(%dma_start3A_418 : memref<64x128xf32, #tpu.memory_space<hbm>>) target(%dma_start3A_416 : memref<64x128xf32, #tpu.memory_space<vmem>>) target_semaphore(%arg16 : memref<!tpu.dma_semaphore, #tpu.memory_space<semaphore_mem>>)
    } else {
    }
    %scan3A_172 = arith.constant 0 : i32
    %scan3A_173 = arith.constant 0 : i32
    %scan3A_174 = arith.constant 245 : i32
    %scan3A_175 = arith.addi %scan3A_173, %scan3A_174 : i32
    %scan3A_176 = arith.constant 1 : i32
    %scan3A_177 = scf.for %scan3A_403 = %scan3A_173 to %scan3A_175 step %scan3A_176 iter_args(%scan3A_404 = %scan3A_172) -> (i32)  : i32 {
      %add3A_405 = arith.constant 6 : i32
      %add3A_406 = arith.addi %scan3A_403, %add3A_405 : i32
      %get3A_407 = arith.index_cast %add3A_406 : i32 to index
      %get3A_408 = tpu.vector_load %arg11[%get3A_407] {strides = array<i32>} : memref<272xi32, #tpu.memory_space<vmem>>, vector<16xi32>,
      %slice3A_409 = vector.extract_strided_slice %get3A_408 {offsets = [0], sizes = [1], strides = [1]} : vector<16xi32> to vector<1xi32>
      %squeeze3A_410 = vector.extract %slice3A_409[0] : i32 from vector<1xi32>
      %lt3A_411 = arith.constant 245 : i32
      %lt3A_412 = arith.cmpi slt, %add3A_406, %lt3A_411 : i32
      %gt3A_413 = arith.constant 0 : i32
      %gt3A_414 = arith.cmpi sgt, %squeeze3A_410, %gt3A_413 : i32
      %and3A_415 = arith.andi %lt3A_412, %gt3A_414 : i1
      %convert_element_type3A_416 = arith.extui %and3A_415 : i1 to i32
      %cond3A_417 = arith.constant 0 : i32
      %cond3A_418 = arith.cmpi ne, %convert_element_type3A_416, %cond3A_417 : i32
      scf.if %cond3A_418 {
        %add3A_445 = arith.addi %mul3A_2, %add3A_406 : i32
        %mul3A_446 = arith.constant 128 : i32
        %mul3A_447 = arith.muli %add3A_445, %mul3A_446 : i32
        %multiple_of3A = tpu.assume_multiple %mul3A_447, 128 : i32
        %rem3A_448 = arith.constant 8 : i32
        %rem3A_449 = arith.remsi %add3A_406, %rem3A_448 : i32
        %dma_start3A = arith.constant 0 : i32
        %dma_start3A_450 = arith.constant 0 : i32
        %dma_start3A_451 = tpu.memref_slice %arg14[%rem3A_449, %dma_start3A, %dma_start3A_450] : memref<8x64x128xf32, #tpu.memory_space<vmem>> -> memref<1x64x128xf32, #tpu.memory_space<vmem>>
        %dma_start3A_452 = tpu.memref_squeeze %dma_start3A_451 : memref<1x64x128xf32, #tpu.memory_space<vmem>> -> memref<64x128xf32, #tpu.memory_space<vmem>>
        %dma_start3A_453 = arith.constant 0 : i32
        %dma_start3A_454 = tpu.memref_slice %arg4[%dma_start3A_453, %multiple_of3A] : memref<64x1000000xf32, #tpu.memory_space<hbm>> -> memref<64x128xf32, #tpu.memory_space<hbm>>
        %dma_start3A_455 = arith.constant 0 : i32
        %dma_start3A_456 = arith.constant 0 : i32
        %dma_start3A_457 = tpu.memref_slice %arg14[%rem3A_449, %dma_start3A_455, %dma_start3A_456] : memref<8x64x128xf32, #tpu.memory_space<vmem>> -> memref<1x64x128xf32, #tpu.memory_space<vmem>>
        %dma_start3A_458 = tpu.memref_squeeze %dma_start3A_457 : memref<1x64x128xf32, #tpu.memory_space<vmem>> -> memref<64x128xf32, #tpu.memory_space<vmem>>
        %dma_start3A_459 = arith.constant 0 : i32
        %dma_start3A_460 = tpu.memref_slice %arg4[%dma_start3A_459, %multiple_of3A] : memref<64x1000000xf32, #tpu.memory_space<hbm>> -> memref<64x128xf32, #tpu.memory_space<hbm>>
        tpu.enqueue_dma source(%dma_start3A_460 : memref<64x128xf32, #tpu.memory_space<hbm>>) target(%dma_start3A_458 : memref<64x128xf32, #tpu.memory_space<vmem>>) target_semaphore(%arg16 : memref<!tpu.dma_semaphore, #tpu.memory_space<semaphore_mem>>)
      } else {
      }
      %rem3A_419 = arith.constant 8 : i32
      %rem3A_420 = arith.remsi %scan3A_403, %rem3A_419 : i32
      %get3A_421 = arith.index_cast %scan3A_403 : i32 to index
      %get3A_422 = tpu.vector_load %arg11[%get3A_421] {strides = array<i32>} : memref<272xi32, #tpu.memory_space<vmem>>, vector<16xi32>,
      %slice3A_423 = vector.extract_strided_slice %get3A_422 {offsets = [0], sizes = [1], strides = [1]} : vector<16xi32> to vector<1xi32>
      %squeeze3A_424 = vector.extract %slice3A_423[0] : i32 from vector<1xi32>
      %get3A_425 = arith.index_cast %scan3A_403 : i32 to index
      %get3A_426 = tpu.vector_load %arg13[%get3A_425] {strides = array<i32>} : memref<272xi32, #tpu.memory_space<vmem>>, vector<16xi32>,
      %slice3A_427 = vector.extract_strided_slice %get3A_426 {offsets = [0], sizes = [1], strides = [1]} : vector<16xi32> to vector<1xi32>
      %squeeze3A_428 = vector.extract %slice3A_427[0] : i32 from vector<1xi32>
      %gt3A_429 = arith.constant 0 : i32
      %gt3A_430 = arith.cmpi sgt, %squeeze3A_424, %gt3A_429 : i32
      %convert_element_type3A_431 = arith.extui %gt3A_430 : i1 to i32
      %cond3A_432 = arith.constant 0 : i32
      %cond3A_433 = arith.cmpi ne, %convert_element_type3A_431, %cond3A_432 : i32
      scf.if %cond3A_433 {
        %dma_wait3A = arith.constant 0 : i32
        %dma_wait3A_445 = arith.constant 0 : i32
        %dma_wait3A_446 = tpu.memref_slice %arg14[%rem3A_420, %dma_wait3A, %dma_wait3A_445] : memref<8x64x128xf32, #tpu.memory_space<vmem>> -> memref<1x64x128xf32, #tpu.memory_space<vmem>>
        %dma_wait3A_447 = tpu.memref_squeeze %dma_wait3A_446 : memref<1x64x128xf32, #tpu.memory_space<vmem>> -> memref<64x128xf32, #tpu.memory_space<vmem>>
        %dma_wait3A_448 = arith.constant 0 : i32
        %dma_wait3A_449 = arith.constant 0 : i32
        %dma_wait3A_450 = tpu.memref_slice %arg4[%dma_wait3A_448, %dma_wait3A_449] : memref<64x1000000xf32, #tpu.memory_space<hbm>> -> memref<64x128xf32, #tpu.memory_space<hbm>>
        %dma_wait3A_451 = arith.constant 0 : i32
        %dma_wait3A_452 = arith.constant 0 : i32
        %dma_wait3A_453 = tpu.memref_slice %arg14[%rem3A_420, %dma_wait3A_451, %dma_wait3A_452] : memref<8x64x128xf32, #tpu.memory_space<vmem>> -> memref<1x64x128xf32, #tpu.memory_space<vmem>>
        %dma_wait3A_454 = tpu.memref_squeeze %dma_wait3A_453 : memref<1x64x128xf32, #tpu.memory_space<vmem>> -> memref<64x128xf32, #tpu.memory_space<vmem>>
        %dma_wait3A_455 = arith.constant 0 : i32
        %dma_wait3A_456 = arith.constant 0 : i32
        %dma_wait3A_457 = tpu.memref_slice %arg4[%dma_wait3A_455, %dma_wait3A_456] : memref<64x1000000xf32, #tpu.memory_space<hbm>> -> memref<64x128xf32, #tpu.memory_space<hbm>>
        tpu.wait_dma2 semaphore(%arg16 : memref<!tpu.dma_semaphore, #tpu.memory_space<semaphore_mem>>) src(%dma_wait3A_457 : memref<64x128xf32, #tpu.memory_space<hbm>>) dst(%dma_wait3A_454 : memref<64x128xf32, #tpu.memory_space<vmem>>)
      } else {
      }
      %add3A_434 = arith.addi %squeeze3A_428, %squeeze3A_424 : i32
      %while3A_435 = arith.subi %add3A_434, %squeeze3A_428 : i32
      %while3A_436 = arith.addi %squeeze3A_428, %while3A_435 : i32
      %while3A_437 = arith.constant 1 : i32
      %while3A_438 = arith.divsi %while3A_435, %while3A_437 : i32
      %while3A_439 = arith.muli %while3A_438, %while3A_437 : i32
      %while3A_440 = arith.addi %squeeze3A_428, %while3A_439 : i32
      %while3A_441 = arith.constant 1 : i32
      %while3A_442 = scf.for %while3A_445 = %squeeze3A_428 to %while3A_440 step %while3A_441 iter_args(%while3A_446 = %scan3A_404) -> (i32)  : i32 {
        %get3A_447 = arith.index_cast %while3A_445 : i32 to index
        %get3A_448 = tpu.vector_load %arg10[%get3A_447] {strides = array<i32>} : memref<16400xi32, #tpu.memory_space<vmem>>, vector<16xi32>,
        %slice3A_449 = vector.extract_strided_slice %get3A_448 {offsets = [0], sizes = [1], strides = [1]} : vector<16xi32> to vector<1xi32>
        %squeeze3A_450 = vector.extract %slice3A_449[0] : i32 from vector<1xi32>
        %shift_right_arithmetic3A = arith.constant 14 : i32
        %shift_right_arithmetic3A_451 = arith.shrsi %squeeze3A_450, %shift_right_arithmetic3A : i32
        %and3A_452 = arith.constant 127 : i32
        %and3A_453 = arith.andi %shift_right_arithmetic3A_451, %and3A_452 : i32
        %and3A_454 = arith.constant 16383 : i32
        %and3A_455 = arith.andi %squeeze3A_450, %and3A_454 : i32
        %jit3A_456 = arith.constant 32 : i32
        %eq3A = arith.constant 0 : i32
        %eq3A_457 = arith.cmpi eq, %jit3A_456, %eq3A : i32
        %jit3A_458 = arith.constant 1 : i32
        %select_n3A_459 = arith.select %eq3A_457, %jit3A_458, %jit3A_456 : i32
        %rem3A_460 = arith.remsi %while3A_446, %select_n3A_459 : i32
        %ne3A_461 = arith.constant 0 : i32
        %ne3A_462 = arith.cmpi ne, %rem3A_460, %ne3A_461 : i32
        %lt3A_463 = arith.constant 0 : i32
        %lt3A_464 = arith.cmpi slt, %rem3A_460, %lt3A_463 : i32
        %lt3A_465 = arith.constant 0 : i32
        %lt3A_466 = arith.cmpi slt, %select_n3A_459, %lt3A_465 : i32
        %ne3A_467 = arith.xori %lt3A_464, %lt3A_466 : i1
        %and3A_468 = arith.andi %ne3A_467, %ne3A_462 : i1
        %add3A_469 = arith.addi %rem3A_460, %select_n3A_459 : i32
        %select_n3A_470 = arith.select %and3A_468, %add3A_469, %rem3A_460 : i32
        %broadcast_in_dim3A_471 = vector.broadcast %rem3A_420 : i32 to vector<16xi32>
        %broadcast_in_dim3A_472 = vector.broadcast %and3A_453 : i32 to vector<16xi32>
        %add3A_473 = arith.constant 0 : i32
        %add3A_474 = vector.broadcast %add3A_473 : i32 to vector<16xi32>
        %add3A_475 = arith.addi %iota3A, %add3A_474 : vector<16xi32>
        %gather3A = tpu.vector_load_idx %arg14[%broadcast_in_dim3A_471, %add3A_475, %broadcast_in_dim3A_472] : memref<8x64x128xf32, #tpu.memory_space<vmem>>[vector<16xi32>, vector<16xi32>, vector<16xi32>], vector<16xf32>,
        %swap3A_476 = arith.index_cast %select_n3A_470 : i32 to index
        %swap3A_477 = arith.constant 0 : index
        %swap3A_478 = tpu.vector_load %arg15[%swap3A_476, %swap3A_477] {strides = array<i32>} : memref<32x64xf32, #tpu.memory_space<vmem>>, vector<16xf32>,
        tpu.vector_store %arg15[%swap3A_476, %swap3A_477], %gather3A {strides = array<i32>} : memref<32x64xf32, #tpu.memory_space<vmem>>, vector<16xf32>,
        %add3A_479 = arith.constant 16 : i32
        %add3A_480 = vector.broadcast %add3A_479 : i32 to vector<16xi32>
        %add3A_481 = arith.addi %iota3A, %add3A_480 : vector<16xi32>
        %gather3A_482 = tpu.vector_load_idx %arg14[%broadcast_in_dim3A_471, %add3A_481, %broadcast_in_dim3A_472] : memref<8x64x128xf32, #tpu.memory_space<vmem>>[vector<16xi32>, vector<16xi32>, vector<16xi32>], vector<16xf32>,
        %swap3A_483 = arith.index_cast %select_n3A_470 : i32 to index
        %swap3A_484 = arith.constant 16 : index
        %swap3A_485 = tpu.vector_load %arg15[%swap3A_483, %swap3A_484] {strides = array<i32>} : memref<32x64xf32, #tpu.memory_space<vmem>>, vector<16xf32>,
        tpu.vector_store %arg15[%swap3A_483, %swap3A_484], %gather3A_482 {strides = array<i32>} : memref<32x64xf32, #tpu.memory_space<vmem>>, vector<16xf32>,
        %add3A_486 = arith.constant 32 : i32
        %add3A_487 = vector.broadcast %add3A_486 : i32 to vector<16xi32>
        %add3A_488 = arith.addi %iota3A, %add3A_487 : vector<16xi32>
        %gather3A_489 = tpu.vector_load_idx %arg14[%broadcast_in_dim3A_471, %add3A_488, %broadcast_in_dim3A_472] : memref<8x64x128xf32, #tpu.memory_space<vmem>>[vector<16xi32>, vector<16xi32>, vector<16xi32>], vector<16xf32>,
        %swap3A_490 = arith.index_cast %select_n3A_470 : i32 to index
        %swap3A_491 = arith.constant 32 : index
        %swap3A_492 = tpu.vector_load %arg15[%swap3A_490, %swap3A_491] {strides = array<i32>} : memref<32x64xf32, #tpu.memory_space<vmem>>, vector<16xf32>,
        tpu.vector_store %arg15[%swap3A_490, %swap3A_491], %gather3A_489 {strides = array<i32>} : memref<32x64xf32, #tpu.memory_space<vmem>>, vector<16xf32>,
        %add3A_493 = arith.constant 48 : i32
        %add3A_494 = vector.broadcast %add3A_493 : i32 to vector<16xi32>
        %add3A_495 = arith.addi %iota3A, %add3A_494 : vector<16xi32>
        %gather3A_496 = tpu.vector_load_idx %arg14[%broadcast_in_dim3A_471, %add3A_495, %broadcast_in_dim3A_472] : memref<8x64x128xf32, #tpu.memory_space<vmem>>[vector<16xi32>, vector<16xi32>, vector<16xi32>], vector<16xf32>,
        %swap3A_497 = arith.index_cast %select_n3A_470 : i32 to index
        %swap3A_498 = arith.constant 48 : index
        %swap3A_499 = tpu.vector_load %arg15[%swap3A_497, %swap3A_498] {strides = array<i32>} : memref<32x64xf32, #tpu.memory_space<vmem>>, vector<16xf32>,
        tpu.vector_store %arg15[%swap3A_497, %swap3A_498], %gather3A_496 {strides = array<i32>} : memref<32x64xf32, #tpu.memory_space<vmem>>, vector<16xf32>,
        %mul3A_500 = arith.constant 64 : i32
        %mul3A_501 = arith.muli %and3A_455, %mul3A_500 : i32
        %multiple_of3A = tpu.assume_multiple %mul3A_501, 8 : i32
        %dma_start3A = arith.constant 0 : i32
        %dma_start3A_502 = tpu.memref_slice %arg15[%select_n3A_470, %dma_start3A] : memref<32x64xf32, #tpu.memory_space<vmem>> -> memref<1x64xf32, #tpu.memory_space<vmem>>
        %dma_start3A_503 = tpu.memref_squeeze %dma_start3A_502 : memref<1x64xf32, #tpu.memory_space<vmem>> -> memref<64xf32, #tpu.memory_space<vmem>>
        %dma_start3A_504 = tpu.memref_slice %arg6[%multiple_of3A] : memref<1048576xf32, #tpu.memory_space<hbm>> -> memref<64xf32, #tpu.memory_space<hbm>>
        %dma_start3A_505 = tpu.memref_slice %arg6[%multiple_of3A] : memref<1048576xf32, #tpu.memory_space<hbm>> -> memref<64xf32, #tpu.memory_space<hbm>>
        %dma_start3A_506 = arith.constant 0 : i32
        %dma_start3A_507 = tpu.memref_slice %arg15[%select_n3A_470, %dma_start3A_506] : memref<32x64xf32, #tpu.memory_space<vmem>> -> memref<1x64xf32, #tpu.memory_space<vmem>>
        %dma_start3A_508 = tpu.memref_squeeze %dma_start3A_507 : memref<1x64xf32, #tpu.memory_space<vmem>> -> memref<64xf32, #tpu.memory_space<vmem>>
        tpu.enqueue_dma source(%dma_start3A_508 : memref<64xf32, #tpu.memory_space<vmem>>) target(%dma_start3A_505 : memref<64xf32, #tpu.memory_space<hbm>>) target_semaphore(%arg17 : memref<!tpu.dma_semaphore, #tpu.memory_space<semaphore_mem>>)
        %ge3A = arith.constant 24 : i32
        %ge3A_509 = arith.cmpi sge, %while3A_446, %ge3A : i32
        %convert_element_type3A_510 = arith.extui %ge3A_509 : i1 to i32
        %cond3A_511 = arith.constant 0 : i32
        %cond3A_512 = arith.cmpi ne, %convert_element_type3A_510, %cond3A_511 : i32
        scf.if %cond3A_512 {
          %dma_wait3A = arith.constant 0 : i32
          %dma_wait3A_515 = arith.constant 0 : i32
          %dma_wait3A_516 = tpu.memref_slice %arg15[%dma_wait3A, %dma_wait3A_515] : memref<32x64xf32, #tpu.memory_space<vmem>> -> memref<1x64xf32, #tpu.memory_space<vmem>>
          %dma_wait3A_517 = tpu.memref_squeeze %dma_wait3A_516 : memref<1x64xf32, #tpu.memory_space<vmem>> -> memref<64xf32, #tpu.memory_space<vmem>>
          %dma_wait3A_518 = arith.constant 0 : i32
          %dma_wait3A_519 = tpu.memref_slice %arg6[%dma_wait3A_518] : memref<1048576xf32, #tpu.memory_space<hbm>> -> memref<64xf32, #tpu.memory_space<hbm>>
          %dma_wait3A_520 = arith.constant 0 : i32
          %dma_wait3A_521 = tpu.memref_slice %arg6[%dma_wait3A_520] : memref<1048576xf32, #tpu.memory_space<hbm>> -> memref<64xf32, #tpu.memory_space<hbm>>
          %dma_wait3A_522 = arith.constant 0 : i32
          %dma_wait3A_523 = tpu.memref_slice %arg15[%dma_wait3A, %dma_wait3A_522] : memref<32x64xf32, #tpu.memory_space<vmem>> -> memref<1x64xf32, #tpu.memory_space<vmem>>
          %dma_wait3A_524 = tpu.memref_squeeze %dma_wait3A_523 : memref<1x64xf32, #tpu.memory_space<vmem>> -> memref<64xf32, #tpu.memory_space<vmem>>
          tpu.wait_dma2 semaphore(%arg17 : memref<!tpu.dma_semaphore, #tpu.memory_space<semaphore_mem>>) src(%dma_wait3A_524 : memref<64xf32, #tpu.memory_space<vmem>>) dst(%dma_wait3A_521 : memref<64xf32, #tpu.memory_space<hbm>>)
        } else {
        }
        %add3A_513 = arith.constant 1 : i32
        %add3A_514 = arith.addi %while3A_446, %add3A_513 : i32
        scf.yield %add3A_514 : i32
      }
      %while3A_443 = arith.constant 1 : i32
      %while3A_444 = scf.for %while3A_445 = %while3A_440 to %while3A_436 step %while3A_443 iter_args(%while3A_446 = %while3A_442) -> (i32)  : i32 {
        %get3A_447 = arith.index_cast %while3A_445 : i32 to index
        %get3A_448 = tpu.vector_load %arg10[%get3A_447] {strides = array<i32>} : memref<16400xi32, #tpu.memory_space<vmem>>, vector<16xi32>,
        %slice3A_449 = vector.extract_strided_slice %get3A_448 {offsets = [0], sizes = [1], strides = [1]} : vector<16xi32> to vector<1xi32>
        %squeeze3A_450 = vector.extract %slice3A_449[0] : i32 from vector<1xi32>
        %shift_right_arithmetic3A = arith.constant 14 : i32
        %shift_right_arithmetic3A_451 = arith.shrsi %squeeze3A_450, %shift_right_arithmetic3A : i32
        %and3A_452 = arith.constant 127 : i32
        %and3A_453 = arith.andi %shift_right_arithmetic3A_451, %and3A_452 : i32
        %and3A_454 = arith.constant 16383 : i32
        %and3A_455 = arith.andi %squeeze3A_450, %and3A_454 : i32
        %jit3A_456 = arith.constant 32 : i32
        %eq3A = arith.constant 0 : i32
        %eq3A_457 = arith.cmpi eq, %jit3A_456, %eq3A : i32
        %jit3A_458 = arith.constant 1 : i32
        %select_n3A_459 = arith.select %eq3A_457, %jit3A_458, %jit3A_456 : i32
        %rem3A_460 = arith.remsi %while3A_446, %select_n3A_459 : i32
        %ne3A_461 = arith.constant 0 : i32
        %ne3A_462 = arith.cmpi ne, %rem3A_460, %ne3A_461 : i32
        %lt3A_463 = arith.constant 0 : i32
        %lt3A_464 = arith.cmpi slt, %rem3A_460, %lt3A_463 : i32
        %lt3A_465 = arith.constant 0 : i32
        %lt3A_466 = arith.cmpi slt, %select_n3A_459, %lt3A_465 : i32
        %ne3A_467 = arith.xori %lt3A_464, %lt3A_466 : i1
        %and3A_468 = arith.andi %ne3A_467, %ne3A_462 : i1
        %add3A_469 = arith.addi %rem3A_460, %select_n3A_459 : i32
        %select_n3A_470 = arith.select %and3A_468, %add3A_469, %rem3A_460 : i32
        %broadcast_in_dim3A_471 = vector.broadcast %rem3A_420 : i32 to vector<16xi32>
        %broadcast_in_dim3A_472 = vector.broadcast %and3A_453 : i32 to vector<16xi32>
        %add3A_473 = arith.constant 0 : i32
        %add3A_474 = vector.broadcast %add3A_473 : i32 to vector<16xi32>
        %add3A_475 = arith.addi %iota3A, %add3A_474 : vector<16xi32>
        %gather3A = tpu.vector_load_idx %arg14[%broadcast_in_dim3A_471, %add3A_475, %broadcast_in_dim3A_472] : memref<8x64x128xf32, #tpu.memory_space<vmem>>[vector<16xi32>, vector<16xi32>, vector<16xi32>], vector<16xf32>,
        %swap3A_476 = arith.index_cast %select_n3A_470 : i32 to index
        %swap3A_477 = arith.constant 0 : index
        %swap3A_478 = tpu.vector_load %arg15[%swap3A_476, %swap3A_477] {strides = array<i32>} : memref<32x64xf32, #tpu.memory_space<vmem>>, vector<16xf32>,
        tpu.vector_store %arg15[%swap3A_476, %swap3A_477], %gather3A {strides = array<i32>} : memref<32x64xf32, #tpu.memory_space<vmem>>, vector<16xf32>,
        %add3A_479 = arith.constant 16 : i32
        %add3A_480 = vector.broadcast %add3A_479 : i32 to vector<16xi32>
        %add3A_481 = arith.addi %iota3A, %add3A_480 : vector<16xi32>
        %gather3A_482 = tpu.vector_load_idx %arg14[%broadcast_in_dim3A_471, %add3A_481, %broadcast_in_dim3A_472] : memref<8x64x128xf32, #tpu.memory_space<vmem>>[vector<16xi32>, vector<16xi32>, vector<16xi32>], vector<16xf32>,
        %swap3A_483 = arith.index_cast %select_n3A_470 : i32 to index
        %swap3A_484 = arith.constant 16 : index
        %swap3A_485 = tpu.vector_load %arg15[%swap3A_483, %swap3A_484] {strides = array<i32>} : memref<32x64xf32, #tpu.memory_space<vmem>>, vector<16xf32>,
        tpu.vector_store %arg15[%swap3A_483, %swap3A_484], %gather3A_482 {strides = array<i32>} : memref<32x64xf32, #tpu.memory_space<vmem>>, vector<16xf32>,
        %add3A_486 = arith.constant 32 : i32
        %add3A_487 = vector.broadcast %add3A_486 : i32 to vector<16xi32>
        %add3A_488 = arith.addi %iota3A, %add3A_487 : vector<16xi32>
        %gather3A_489 = tpu.vector_load_idx %arg14[%broadcast_in_dim3A_471, %add3A_488, %broadcast_in_dim3A_472] : memref<8x64x128xf32, #tpu.memory_space<vmem>>[vector<16xi32>, vector<16xi32>, vector<16xi32>], vector<16xf32>,
        %swap3A_490 = arith.index_cast %select_n3A_470 : i32 to index
        %swap3A_491 = arith.constant 32 : index
        %swap3A_492 = tpu.vector_load %arg15[%swap3A_490, %swap3A_491] {strides = array<i32>} : memref<32x64xf32, #tpu.memory_space<vmem>>, vector<16xf32>,
        tpu.vector_store %arg15[%swap3A_490, %swap3A_491], %gather3A_489 {strides = array<i32>} : memref<32x64xf32, #tpu.memory_space<vmem>>, vector<16xf32>,
        %add3A_493 = arith.constant 48 : i32
        %add3A_494 = vector.broadcast %add3A_493 : i32 to vector<16xi32>
        %add3A_495 = arith.addi %iota3A, %add3A_494 : vector<16xi32>
        %gather3A_496 = tpu.vector_load_idx %arg14[%broadcast_in_dim3A_471, %add3A_495, %broadcast_in_dim3A_472] : memref<8x64x128xf32, #tpu.memory_space<vmem>>[vector<16xi32>, vector<16xi32>, vector<16xi32>], vector<16xf32>,
        %swap3A_497 = arith.index_cast %select_n3A_470 : i32 to index
        %swap3A_498 = arith.constant 48 : index
        %swap3A_499 = tpu.vector_load %arg15[%swap3A_497, %swap3A_498] {strides = array<i32>} : memref<32x64xf32, #tpu.memory_space<vmem>>, vector<16xf32>,
        tpu.vector_store %arg15[%swap3A_497, %swap3A_498], %gather3A_496 {strides = array<i32>} : memref<32x64xf32, #tpu.memory_space<vmem>>, vector<16xf32>,
        %mul3A_500 = arith.constant 64 : i32
        %mul3A_501 = arith.muli %and3A_455, %mul3A_500 : i32
        %multiple_of3A = tpu.assume_multiple %mul3A_501, 8 : i32
        %dma_start3A = arith.constant 0 : i32
        %dma_start3A_502 = tpu.memref_slice %arg15[%select_n3A_470, %dma_start3A] : memref<32x64xf32, #tpu.memory_space<vmem>> -> memref<1x64xf32, #tpu.memory_space<vmem>>
        %dma_start3A_503 = tpu.memref_squeeze %dma_start3A_502 : memref<1x64xf32, #tpu.memory_space<vmem>> -> memref<64xf32, #tpu.memory_space<vmem>>
        %dma_start3A_504 = tpu.memref_slice %arg6[%multiple_of3A] : memref<1048576xf32, #tpu.memory_space<hbm>> -> memref<64xf32, #tpu.memory_space<hbm>>
        %dma_start3A_505 = tpu.memref_slice %arg6[%multiple_of3A] : memref<1048576xf32, #tpu.memory_space<hbm>> -> memref<64xf32, #tpu.memory_space<hbm>>
        %dma_start3A_506 = arith.constant 0 : i32
        %dma_start3A_507 = tpu.memref_slice %arg15[%select_n3A_470, %dma_start3A_506] : memref<32x64xf32, #tpu.memory_space<vmem>> -> memref<1x64xf32, #tpu.memory_space<vmem>>
        %dma_start3A_508 = tpu.memref_squeeze %dma_start3A_507 : memref<1x64xf32, #tpu.memory_space<vmem>> -> memref<64xf32, #tpu.memory_space<vmem>>
        tpu.enqueue_dma source(%dma_start3A_508 : memref<64xf32, #tpu.memory_space<vmem>>) target(%dma_start3A_505 : memref<64xf32, #tpu.memory_space<hbm>>) target_semaphore(%arg17 : memref<!tpu.dma_semaphore, #tpu.memory_space<semaphore_mem>>)
        %ge3A = arith.constant 24 : i32
        %ge3A_509 = arith.cmpi sge, %while3A_446, %ge3A : i32
        %convert_element_type3A_510 = arith.extui %ge3A_509 : i1 to i32
        %cond3A_511 = arith.constant 0 : i32
        %cond3A_512 = arith.cmpi ne, %convert_element_type3A_510, %cond3A_511 : i32
        scf.if %cond3A_512 {
          %dma_wait3A = arith.constant 0 : i32
          %dma_wait3A_515 = arith.constant 0 : i32
          %dma_wait3A_516 = tpu.memref_slice %arg15[%dma_wait3A, %dma_wait3A_515] : memref<32x64xf32, #tpu.memory_space<vmem>> -> memref<1x64xf32, #tpu.memory_space<vmem>>
          %dma_wait3A_517 = tpu.memref_squeeze %dma_wait3A_516 : memref<1x64xf32, #tpu.memory_space<vmem>> -> memref<64xf32, #tpu.memory_space<vmem>>
          %dma_wait3A_518 = arith.constant 0 : i32
          %dma_wait3A_519 = tpu.memref_slice %arg6[%dma_wait3A_518] : memref<1048576xf32, #tpu.memory_space<hbm>> -> memref<64xf32, #tpu.memory_space<hbm>>
          %dma_wait3A_520 = arith.constant 0 : i32
          %dma_wait3A_521 = tpu.memref_slice %arg6[%dma_wait3A_520] : memref<1048576xf32, #tpu.memory_space<hbm>> -> memref<64xf32, #tpu.memory_space<hbm>>
          %dma_wait3A_522 = arith.constant 0 : i32
          %dma_wait3A_523 = tpu.memref_slice %arg15[%dma_wait3A, %dma_wait3A_522] : memref<32x64xf32, #tpu.memory_space<vmem>> -> memref<1x64xf32, #tpu.memory_space<vmem>>
          %dma_wait3A_524 = tpu.memref_squeeze %dma_wait3A_523 : memref<1x64xf32, #tpu.memory_space<vmem>> -> memref<64xf32, #tpu.memory_space<vmem>>
          tpu.wait_dma2 semaphore(%arg17 : memref<!tpu.dma_semaphore, #tpu.memory_space<semaphore_mem>>) src(%dma_wait3A_524 : memref<64xf32, #tpu.memory_space<vmem>>) dst(%dma_wait3A_521 : memref<64xf32, #tpu.memory_space<hbm>>)
        } else {
        }
        %add3A_513 = arith.constant 1 : i32
        %add3A_514 = arith.addi %while3A_446, %add3A_513 : i32
        scf.yield %add3A_514 : i32
      }
      scf.yield %while3A_444 : i32
    }
    %scan3A_178 = arith.constant 245 : i32
    %min3A = arith.constant 24 : i32
    %min3A_179 = arith.minsi %scan3A_177, %min3A : i32
    %while3A_180 = arith.constant 0 : i32
    %while3A_181 = arith.constant 0 : i32
    %while3A_182 = arith.subi %min3A_179, %while3A_181 : i32
    %while3A_183 = arith.addi %while3A_181, %while3A_182 : i32
    %while3A_184 = arith.constant 1 : i32
    %while3A_185 = arith.divsi %while3A_182, %while3A_184 : i32
    %while3A_186 = arith.muli %while3A_185, %while3A_184 : i32
    %while3A_187 = arith.addi %while3A_181, %while3A_186 : i32
    %while3A_188 = arith.constant 1 : i32
    scf.for %while3A_403 = %while3A_181 to %while3A_187 step %while3A_188  : i32 {
      %dma_wait3A = arith.constant 0 : i32
      %dma_wait3A_404 = arith.constant 0 : i32
      %dma_wait3A_405 = tpu.memref_slice %arg15[%dma_wait3A, %dma_wait3A_404] : memref<32x64xf32, #tpu.memory_space<vmem>> -> memref<1x64xf32, #tpu.memory_space<vmem>>
      %dma_wait3A_406 = tpu.memref_squeeze %dma_wait3A_405 : memref<1x64xf32, #tpu.memory_space<vmem>> -> memref<64xf32, #tpu.memory_space<vmem>>
      %dma_wait3A_407 = arith.constant 0 : i32
      %dma_wait3A_408 = tpu.memref_slice %arg6[%dma_wait3A_407] : memref<1048576xf32, #tpu.memory_space<hbm>> -> memref<64xf32, #tpu.memory_space<hbm>>
      %dma_wait3A_409 = arith.constant 0 : i32
      %dma_wait3A_410 = tpu.memref_slice %arg6[%dma_wait3A_409] : memref<1048576xf32, #tpu.memory_space<hbm>> -> memref<64xf32, #tpu.memory_space<hbm>>
      %dma_wait3A_411 = arith.constant 0 : i32
      %dma_wait3A_412 = tpu.memref_slice %arg15[%dma_wait3A, %dma_wait3A_411] : memref<32x64xf32, #tpu.memory_space<vmem>> -> memref<1x64xf32, #tpu.memory_space<vmem>>
      %dma_wait3A_413 = tpu.memref_squeeze %dma_wait3A_412 : memref<1x64xf32, #tpu.memory_space<vmem>> -> memref<64xf32, #tpu.memory_space<vmem>>
      tpu.wait_dma2 semaphore(%arg17 : memref<!tpu.dma_semaphore, #tpu.memory_space<semaphore_mem>>) src(%dma_wait3A_413 : memref<64xf32, #tpu.memory_space<vmem>>) dst(%dma_wait3A_410 : memref<64xf32, #tpu.memory_space<hbm>>)
    }
    %while3A_189 = arith.constant 1 : i32
    scf.for %while3A_403 = %while3A_187 to %while3A_183 step %while3A_189  : i32 {
      %dma_wait3A = arith.constant 0 : i32
      %dma_wait3A_404 = arith.constant 0 : i32
      %dma_wait3A_405 = tpu.memref_slice %arg15[%dma_wait3A, %dma_wait3A_404] : memref<32x64xf32, #tpu.memory_space<vmem>> -> memref<1x64xf32, #tpu.memory_space<vmem>>
      %dma_wait3A_406 = tpu.memref_squeeze %dma_wait3A_405 : memref<1x64xf32, #tpu.memory_space<vmem>> -> memref<64xf32, #tpu.memory_space<vmem>>
      %dma_wait3A_407 = arith.constant 0 : i32
      %dma_wait3A_408 = tpu.memref_slice %arg6[%dma_wait3A_407] : memref<1048576xf32, #tpu.memory_space<hbm>> -> memref<64xf32, #tpu.memory_space<hbm>>
      %dma_wait3A_409 = arith.constant 0 : i32
      %dma_wait3A_410 = tpu.memref_slice %arg6[%dma_wait3A_409] : memref<1048576xf32, #tpu.memory_space<hbm>> -> memref<64xf32, #tpu.memory_space<hbm>>
      %dma_wait3A_411 = arith.constant 0 : i32
      %dma_wait3A_412 = tpu.memref_slice %arg15[%dma_wait3A, %dma_wait3A_411] : memref<32x64xf32, #tpu.memory_space<vmem>> -> memref<1x64xf32, #tpu.memory_space<vmem>>
      %dma_wait3A_413 = tpu.memref_squeeze %dma_wait3A_412 : memref<1x64xf32, #tpu.memory_space<vmem>> -> memref<64xf32, #tpu.memory_space<vmem>>
      tpu.wait_dma2 semaphore(%arg17 : memref<!tpu.dma_semaphore, #tpu.memory_space<semaphore_mem>>) src(%dma_wait3A_413 : memref<64xf32, #tpu.memory_space<vmem>>) dst(%dma_wait3A_410 : memref<64xf32, #tpu.memory_space<hbm>>)
    }
    %mul3A_190 = arith.constant 2 : i32
    %mul3A_191 = arith.muli %arg1, %mul3A_190 : i32
    %add3A_192 = arith.addi %mul3A_191, %arg0 : i32
    %mul3A_193 = arith.constant 25 : i32
    %mul3A_194 = arith.muli %add3A_192, %mul3A_193 : i32
    %iota3A_195 = tpu.iota {dimensions = array<i32: 0>} : vector<16xi32>
    "tpu.region"() ({
      %run_scoped3A = tpu.sem_alloc : memref<!tpu.dma_semaphore, #tpu.memory_space<semaphore_mem>>
      tpu.enqueue_dma source(%arg3 : memref<16384xi32, #tpu.memory_space<hbm>>) target(%arg8 : memref<16384xi32, #tpu.memory_space<vmem>>) target_semaphore(%run_scoped3A : memref<!tpu.dma_semaphore, #tpu.memory_space<semaphore_mem>>)
      tpu.wait_dma2 semaphore(%run_scoped3A : memref<!tpu.dma_semaphore, #tpu.memory_space<semaphore_mem>>) src(%arg3 : memref<16384xi32, #tpu.memory_space<hbm>>) dst(%arg8 : memref<16384xi32, #tpu.memory_space<vmem>>)
      tpu.yield
    }) : () -> ()
    %broadcast_in_dim3A_196 = arith.constant 0 : i32
    %broadcast_in_dim3A_197 = vector.broadcast %broadcast_in_dim3A_196 : i32 to vector<16xi32>
    %swap3A_198 = arith.constant 0 : index
    %swap3A_199 = tpu.vector_load %arg11[%swap3A_198] {strides = array<i32>} : memref<272xi32, #tpu.memory_space<vmem>>, vector<16xi32>,
    tpu.vector_store %arg11[%swap3A_198], %broadcast_in_dim3A_197 {strides = array<i32>} : memref<272xi32, #tpu.memory_space<vmem>>, vector<16xi32>,
    %swap3A_200 = arith.constant 16 : index
    %swap3A_201 = tpu.vector_load %arg11[%swap3A_200] {strides = array<i32>} : memref<272xi32, #tpu.memory_space<vmem>>, vector<16xi32>,
    tpu.vector_store %arg11[%swap3A_200], %broadcast_in_dim3A_197 {strides = array<i32>} : memref<272xi32, #tpu.memory_space<vmem>>, vector<16xi32>,
    %swap3A_202 = arith.constant 32 : index
    %swap3A_203 = tpu.vector_load %arg11[%swap3A_202] {strides = array<i32>} : memref<272xi32, #tpu.memory_space<vmem>>, vector<16xi32>,
    tpu.vector_store %arg11[%swap3A_202], %broadcast_in_dim3A_197 {strides = array<i32>} : memref<272xi32, #tpu.memory_space<vmem>>, vector<16xi32>,
    %swap3A_204 = arith.constant 48 : index
    %swap3A_205 = tpu.vector_load %arg11[%swap3A_204] {strides = array<i32>} : memref<272xi32, #tpu.memory_space<vmem>>, vector<16xi32>,
    tpu.vector_store %arg11[%swap3A_204], %broadcast_in_dim3A_197 {strides = array<i32>} : memref<272xi32, #tpu.memory_space<vmem>>, vector<16xi32>,
    %swap3A_206 = arith.constant 64 : index
    %swap3A_207 = tpu.vector_load %arg11[%swap3A_206] {strides = array<i32>} : memref<272xi32, #tpu.memory_space<vmem>>, vector<16xi32>,
    tpu.vector_store %arg11[%swap3A_206], %broadcast_in_dim3A_197 {strides = array<i32>} : memref<272xi32, #tpu.memory_space<vmem>>, vector<16xi32>,
    %swap3A_208 = arith.constant 80 : index
    %swap3A_209 = tpu.vector_load %arg11[%swap3A_208] {strides = array<i32>} : memref<272xi32, #tpu.memory_space<vmem>>, vector<16xi32>,
    tpu.vector_store %arg11[%swap3A_208], %broadcast_in_dim3A_197 {strides = array<i32>} : memref<272xi32, #tpu.memory_space<vmem>>, vector<16xi32>,
    %swap3A_210 = arith.constant 96 : index
    %swap3A_211 = tpu.vector_load %arg11[%swap3A_210] {strides = array<i32>} : memref<272xi32, #tpu.memory_space<vmem>>, vector<16xi32>,
    tpu.vector_store %arg11[%swap3A_210], %broadcast_in_dim3A_197 {strides = array<i32>} : memref<272xi32, #tpu.memory_space<vmem>>, vector<16xi32>,
    %swap3A_212 = arith.constant 112 : index
    %swap3A_213 = tpu.vector_load %arg11[%swap3A_212] {strides = array<i32>} : memref<272xi32, #tpu.memory_space<vmem>>, vector<16xi32>,
    tpu.vector_store %arg11[%swap3A_212], %broadcast_in_dim3A_197 {strides = array<i32>} : memref<272xi32, #tpu.memory_space<vmem>>, vector<16xi32>,
    %swap3A_214 = arith.constant 128 : index
    %swap3A_215 = tpu.vector_load %arg11[%swap3A_214] {strides = array<i32>} : memref<272xi32, #tpu.memory_space<vmem>>, vector<16xi32>,
    tpu.vector_store %arg11[%swap3A_214], %broadcast_in_dim3A_197 {strides = array<i32>} : memref<272xi32, #tpu.memory_space<vmem>>, vector<16xi32>,
    %swap3A_216 = arith.constant 144 : index
    %swap3A_217 = tpu.vector_load %arg11[%swap3A_216] {strides = array<i32>} : memref<272xi32, #tpu.memory_space<vmem>>, vector<16xi32>,
    tpu.vector_store %arg11[%swap3A_216], %broadcast_in_dim3A_197 {strides = array<i32>} : memref<272xi32, #tpu.memory_space<vmem>>, vector<16xi32>,
    %swap3A_218 = arith.constant 160 : index
    %swap3A_219 = tpu.vector_load %arg11[%swap3A_218] {strides = array<i32>} : memref<272xi32, #tpu.memory_space<vmem>>, vector<16xi32>,
    tpu.vector_store %arg11[%swap3A_218], %broadcast_in_dim3A_197 {strides = array<i32>} : memref<272xi32, #tpu.memory_space<vmem>>, vector<16xi32>,
    %swap3A_220 = arith.constant 176 : index
    %swap3A_221 = tpu.vector_load %arg11[%swap3A_220] {strides = array<i32>} : memref<272xi32, #tpu.memory_space<vmem>>, vector<16xi32>,
    tpu.vector_store %arg11[%swap3A_220], %broadcast_in_dim3A_197 {strides = array<i32>} : memref<272xi32, #tpu.memory_space<vmem>>, vector<16xi32>,
    %swap3A_222 = arith.constant 192 : index
    %swap3A_223 = tpu.vector_load %arg11[%swap3A_222] {strides = array<i32>} : memref<272xi32, #tpu.memory_space<vmem>>, vector<16xi32>,
    tpu.vector_store %arg11[%swap3A_222], %broadcast_in_dim3A_197 {strides = array<i32>} : memref<272xi32, #tpu.memory_space<vmem>>, vector<16xi32>,
    %swap3A_224 = arith.constant 208 : index
    %swap3A_225 = tpu.vector_load %arg11[%swap3A_224] {strides = array<i32>} : memref<272xi32, #tpu.memory_space<vmem>>, vector<16xi32>,
    tpu.vector_store %arg11[%swap3A_224], %broadcast_in_dim3A_197 {strides = array<i32>} : memref<272xi32, #tpu.memory_space<vmem>>, vector<16xi32>,
    %swap3A_226 = arith.constant 224 : index
    %swap3A_227 = tpu.vector_load %arg11[%swap3A_226] {strides = array<i32>} : memref<272xi32, #tpu.memory_space<vmem>>, vector<16xi32>,
    tpu.vector_store %arg11[%swap3A_226], %broadcast_in_dim3A_197 {strides = array<i32>} : memref<272xi32, #tpu.memory_space<vmem>>, vector<16xi32>,
    %swap3A_228 = arith.constant 240 : index
    %swap3A_229 = tpu.vector_load %arg11[%swap3A_228] {strides = array<i32>} : memref<272xi32, #tpu.memory_space<vmem>>, vector<16xi32>,
    tpu.vector_store %arg11[%swap3A_228], %broadcast_in_dim3A_197 {strides = array<i32>} : memref<272xi32, #tpu.memory_space<vmem>>, vector<16xi32>,
    %swap3A_230 = arith.constant 256 : index
    %swap3A_231 = tpu.vector_load %arg11[%swap3A_230] {strides = array<i32>} : memref<272xi32, #tpu.memory_space<vmem>>, vector<16xi32>,
    tpu.vector_store %arg11[%swap3A_230], %broadcast_in_dim3A_197 {strides = array<i32>} : memref<272xi32, #tpu.memory_space<vmem>>, vector<16xi32>,
    %scan3A_232 = arith.constant 0 : i32
    %scan3A_233 = arith.constant 0 : i32
    %scan3A_234 = arith.constant 1024 : i32
    %scan3A_235 = arith.addi %scan3A_233, %scan3A_234 : i32
    %scan3A_236 = arith.constant 1 : i32
    %scan3A_237 = scf.for %scan3A_403 = %scan3A_233 to %scan3A_235 step %scan3A_236 iter_args(%scan3A_404 = %scan3A_232) -> (i32)  : i32 {
      %mul3A_405 = arith.constant 16 : i32
      %mul3A_406 = arith.muli %scan3A_403, %mul3A_405 : i32
      %get3A_407 = arith.index_cast %mul3A_406 : i32 to index
      %get3A_408 = tpu.vector_load %arg8[%get3A_407] {strides = array<i32>} : memref<16384xi32, #tpu.memory_space<vmem>>, vector<16xi32>,
      %shift_right_arithmetic3A = arith.constant 7 : i32
      %shift_right_arithmetic3A_409 = vector.broadcast %shift_right_arithmetic3A : i32 to vector<16xi32>
      %shift_right_arithmetic3A_410 = arith.shrsi %get3A_408, %shift_right_arithmetic3A_409 : vector<16xi32>
      %ge3A = vector.broadcast %mul3A_194 : i32 to vector<16xi32>
      %ge3A_411 = arith.cmpi sge, %shift_right_arithmetic3A_410, %ge3A : vector<16xi32>
      %add3A_412 = arith.constant 25 : i32
      %add3A_413 = arith.addi %mul3A_194, %add3A_412 : i32
      %lt3A_414 = vector.broadcast %add3A_413 : i32 to vector<16xi32>
      %lt3A_415 = arith.cmpi slt, %shift_right_arithmetic3A_410, %lt3A_414 : vector<16xi32>
      %and3A_416 = arith.andi %ge3A_411, %lt3A_415 : vector<16xi1>
      %sub3A_417 = vector.broadcast %mul3A_194 : i32 to vector<16xi32>
      %sub3A_418 = arith.subi %shift_right_arithmetic3A_410, %sub3A_417 : vector<16xi32>
      %shift_left3A = arith.constant 21 : i32
      %shift_left3A_419 = vector.broadcast %shift_left3A : i32 to vector<16xi32>
      %shift_left3A_420 = arith.shli %sub3A_418, %shift_left3A_419 : vector<16xi32>
      %and3A_421 = arith.constant 127 : i32
      %and3A_422 = vector.broadcast %and3A_421 : i32 to vector<16xi32>
      %and3A_423 = arith.andi %get3A_408, %and3A_422 : vector<16xi32>
      %shift_left3A_424 = arith.constant 14 : i32
      %shift_left3A_425 = vector.broadcast %shift_left3A_424 : i32 to vector<16xi32>
      %shift_left3A_426 = arith.shli %and3A_423, %shift_left3A_425 : vector<16xi32>
      %or3A = arith.ori %shift_left3A_420, %shift_left3A_426 : vector<16xi32>
      %mul3A_427 = arith.constant 16 : i32
      %mul3A_428 = arith.muli %scan3A_403, %mul3A_427 : i32
      %add3A_429 = vector.broadcast %mul3A_428 : i32 to vector<16xi32>
      %add3A_430 = arith.addi %add3A_429, %iota3A_195 : vector<16xi32>
      %or3A_431 = arith.ori %or3A, %add3A_430 : vector<16xi32>
      %swap3A_432 = arith.index_cast %scan3A_404 : i32 to index
      %swap3A_433 = tpu.vector_load %arg9[%swap3A_432] masked %and3A_416 {strides = array<i32>} : memref<16400xi32, #tpu.memory_space<vmem>>, vector<16xi32>, vector<16xi1>
      tpu.vector_store %arg9[%swap3A_432], %or3A_431 masked %and3A_416 {strides = array<i32>} : memref<16400xi32, #tpu.memory_space<vmem>>, vector<16xi32>, vector<16xi1>
      %convert_element_type3A_434 = arith.extui %and3A_416 : vector<16xi1> to vector<16xi32>
      %reduce_sum3A = arith.constant true
      %reduce_sum3A_435 = vector.broadcast %reduce_sum3A : i1 to vector<16xi1>
      %reduce_sum3A_436 = tpu.scan <sum>, %convert_element_type3A_434 masked %reduce_sum3A_435 : vector<16xi32>, vector<16xi1> -> vector<16xi32>
      %reduce_sum3A_437 = vector.extract %reduce_sum3A_436[15] : i32 from vector<16xi32>
      %add3A_438 = arith.addi %scan3A_404, %reduce_sum3A_437 : i32
      scf.yield %add3A_438 : i32
    }
    %scan3A_238 = arith.constant 1024 : i32
    %add3A_239 = arith.constant 16 : i32
    %add3A_240 = arith.addi %scan3A_237, %add3A_239 : i32
    %sub3A_241 = arith.constant 1 : i32
    %sub3A_242 = arith.subi %add3A_240, %sub3A_241 : i32
    %jit3A_243 = arith.constant 16 : i32
    %div3A_244 = arith.divsi %sub3A_242, %jit3A_243 : i32
    %sign3A_245 = arith.constant 0 : i32
    %sign3A_246 = arith.cmpi sgt, %sub3A_242, %sign3A_245 : i32
    %sign3A_247 = arith.extui %sign3A_246 : i1 to i32
    %sign3A_248 = arith.constant 0 : i32
    %sign3A_249 = arith.cmpi slt, %sub3A_242, %sign3A_248 : i32
    %sign3A_250 = arith.extui %sign3A_249 : i1 to i32
    %sign3A_251 = arith.subi %sign3A_247, %sign3A_250 : i32
    %sign3A_252 = arith.constant 0 : i32
    %sign3A_253 = arith.cmpi sgt, %jit3A_243, %sign3A_252 : i32
    %sign3A_254 = arith.extui %sign3A_253 : i1 to i32
    %sign3A_255 = arith.constant 0 : i32
    %sign3A_256 = arith.cmpi slt, %jit3A_243, %sign3A_255 : i32
    %sign3A_257 = arith.extui %sign3A_256 : i1 to i32
    %sign3A_258 = arith.subi %sign3A_254, %sign3A_257 : i32
    %ne3A_259 = arith.cmpi ne, %sign3A_251, %sign3A_258 : i32
    %rem3A_260 = arith.remsi %sub3A_242, %jit3A_243 : i32
    %ne3A_261 = arith.constant 0 : i32
    %ne3A_262 = arith.cmpi ne, %rem3A_260, %ne3A_261 : i32
    %and3A_263 = arith.andi %ne3A_259, %ne3A_262 : i1
    %sub3A_264 = arith.constant 1 : i32
    %sub3A_265 = arith.subi %div3A_244, %sub3A_264 : i32
    %select_n3A_266 = arith.select %and3A_263, %sub3A_265, %div3A_244 : i32
    %while3A_267 = arith.constant 0 : i32
    %while3A_268 = arith.constant 0 : i32
    %while3A_269 = arith.subi %select_n3A_266, %while3A_268 : i32
    %while3A_270 = arith.addi %while3A_268, %while3A_269 : i32
    %while3A_271 = arith.constant 1 : i32
    %while3A_272 = arith.divsi %while3A_269, %while3A_271 : i32
    %while3A_273 = arith.muli %while3A_272, %while3A_271 : i32
    %while3A_274 = arith.addi %while3A_268, %while3A_273 : i32
    %while3A_275 = arith.constant 1 : i32
    scf.for %while3A_403 = %while3A_268 to %while3A_274 step %while3A_275  : i32 {
      %mul3A_404 = arith.constant 16 : i32
      %mul3A_405 = arith.muli %while3A_403, %mul3A_404 : i32
      %add3A_406 = vector.broadcast %mul3A_405 : i32 to vector<16xi32>
      %add3A_407 = arith.addi %add3A_406, %iota3A_195 : vector<16xi32>
      %lt3A_408 = vector.broadcast %scan3A_237 : i32 to vector<16xi32>
      %lt3A_409 = arith.cmpi slt, %add3A_407, %lt3A_408 : vector<16xi32>
      %mul3A_410 = arith.constant 16 : i32
      %mul3A_411 = arith.muli %while3A_403, %mul3A_410 : i32
      %get3A_412 = arith.index_cast %mul3A_411 : i32 to index
      %get3A_413 = tpu.vector_load %arg9[%get3A_412] {strides = array<i32>} : memref<16400xi32, #tpu.memory_space<vmem>>, vector<16xi32>,
      %shift_right_arithmetic3A = arith.constant 21 : i32
      %shift_right_arithmetic3A_414 = vector.broadcast %shift_right_arithmetic3A : i32 to vector<16xi32>
      %shift_right_arithmetic3A_415 = arith.shrsi %get3A_413, %shift_right_arithmetic3A_414 : vector<16xi32>
      %jit3A_416 = arith.constant 271 : i32
      %broadcast_in_dim3A_417 = vector.broadcast %jit3A_416 : i32 to vector<16xi32>
      %select_n3A_418 = arith.select %lt3A_409, %shift_right_arithmetic3A_415, %broadcast_in_dim3A_417 : vector<16xi1>, vector<16xi32>
      %broadcast_in_dim3A_419 = arith.constant 1 : i32
      %broadcast_in_dim3A_420 = vector.broadcast %broadcast_in_dim3A_419 : i32 to vector<16xi32>
      tpu.vector_store_idx %arg11[%select_n3A_418], %broadcast_in_dim3A_420 masked %lt3A_409 {add = true} : memref<272xi32, #tpu.memory_space<vmem>>[vector<16xi32>], vector<16xi32>, vector<16xi1>
    }
    %while3A_276 = arith.constant 1 : i32
    scf.for %while3A_403 = %while3A_274 to %while3A_270 step %while3A_276  : i32 {
      %mul3A_404 = arith.constant 16 : i32
      %mul3A_405 = arith.muli %while3A_403, %mul3A_404 : i32
      %add3A_406 = vector.broadcast %mul3A_405 : i32 to vector<16xi32>
      %add3A_407 = arith.addi %add3A_406, %iota3A_195 : vector<16xi32>
      %lt3A_408 = vector.broadcast %scan3A_237 : i32 to vector<16xi32>
      %lt3A_409 = arith.cmpi slt, %add3A_407, %lt3A_408 : vector<16xi32>
      %mul3A_410 = arith.constant 16 : i32
      %mul3A_411 = arith.muli %while3A_403, %mul3A_410 : i32
      %get3A_412 = arith.index_cast %mul3A_411 : i32 to index
      %get3A_413 = tpu.vector_load %arg9[%get3A_412] {strides = array<i32>} : memref<16400xi32, #tpu.memory_space<vmem>>, vector<16xi32>,
      %shift_right_arithmetic3A = arith.constant 21 : i32
      %shift_right_arithmetic3A_414 = vector.broadcast %shift_right_arithmetic3A : i32 to vector<16xi32>
      %shift_right_arithmetic3A_415 = arith.shrsi %get3A_413, %shift_right_arithmetic3A_414 : vector<16xi32>
      %jit3A_416 = arith.constant 271 : i32
      %broadcast_in_dim3A_417 = vector.broadcast %jit3A_416 : i32 to vector<16xi32>
      %select_n3A_418 = arith.select %lt3A_409, %shift_right_arithmetic3A_415, %broadcast_in_dim3A_417 : vector<16xi1>, vector<16xi32>
      %broadcast_in_dim3A_419 = arith.constant 1 : i32
      %broadcast_in_dim3A_420 = vector.broadcast %broadcast_in_dim3A_419 : i32 to vector<16xi32>
      tpu.vector_store_idx %arg11[%select_n3A_418], %broadcast_in_dim3A_420 masked %lt3A_409 {add = true} : memref<272xi32, #tpu.memory_space<vmem>>[vector<16xi32>], vector<16xi32>, vector<16xi1>
    }
    %scan3A_277 = arith.constant 0 : i32
    %scan3A_278 = arith.constant 0 : i32
    %scan3A_279 = arith.constant 17 : i32
    %scan3A_280 = arith.addi %scan3A_278, %scan3A_279 : i32
    %scan3A_281 = arith.constant 1 : i32
    %scan3A_282 = scf.for %scan3A_403 = %scan3A_278 to %scan3A_280 step %scan3A_281 iter_args(%scan3A_404 = %scan3A_277) -> (i32)  : i32 {
      %mul3A_405 = arith.constant 16 : i32
      %mul3A_406 = arith.muli %scan3A_403, %mul3A_405 : i32
      %get3A_407 = arith.index_cast %mul3A_406 : i32 to index
      %get3A_408 = tpu.vector_load %arg11[%get3A_407] {strides = array<i32>} : memref<272xi32, #tpu.memory_space<vmem>>, vector<16xi32>,
      %broadcast_in_dim3A_409 = arith.constant true
      %broadcast_in_dim3A_410 = vector.broadcast %broadcast_in_dim3A_409 : i1 to vector<16xi1>
      %masked_cumsum3A = tpu.scan <sum>, %get3A_408 masked %broadcast_in_dim3A_410 : vector<16xi32>, vector<16xi1> -> vector<16xi32>
      %sub3A_411 = arith.subi %masked_cumsum3A, %get3A_408 : vector<16xi32>
      %add3A_412 = vector.broadcast %scan3A_404 : i32 to vector<16xi32>
      %add3A_413 = arith.addi %sub3A_411, %add3A_412 : vector<16xi32>
      %mul3A_414 = arith.constant 16 : i32
      %mul3A_415 = arith.muli %scan3A_403, %mul3A_414 : i32
      %swap3A_416 = arith.index_cast %mul3A_415 : i32 to index
      %swap3A_417 = tpu.vector_load %arg12[%swap3A_416] {strides = array<i32>} : memref<272xi32, #tpu.memory_space<vmem>>, vector<16xi32>,
      tpu.vector_store %arg12[%swap3A_416], %add3A_413 {strides = array<i32>} : memref<272xi32, #tpu.memory_space<vmem>>, vector<16xi32>,
      %sub3A_418 = arith.subi %masked_cumsum3A, %get3A_408 : vector<16xi32>
      %add3A_419 = vector.broadcast %scan3A_404 : i32 to vector<16xi32>
      %add3A_420 = arith.addi %sub3A_418, %add3A_419 : vector<16xi32>
      %mul3A_421 = arith.constant 16 : i32
      %mul3A_422 = arith.muli %scan3A_403, %mul3A_421 : i32
      %swap3A_423 = arith.index_cast %mul3A_422 : i32 to index
      %swap3A_424 = tpu.vector_load %arg13[%swap3A_423] {strides = array<i32>} : memref<272xi32, #tpu.memory_space<vmem>>, vector<16xi32>,
      tpu.vector_store %arg13[%swap3A_423], %add3A_420 {strides = array<i32>} : memref<272xi32, #tpu.memory_space<vmem>>, vector<16xi32>,
      %slice3A_425 = vector.extract_strided_slice %masked_cumsum3A {offsets = [15], sizes = [1], strides = [1]} : vector<16xi32> to vector<1xi32>
      %squeeze3A_426 = vector.extract %slice3A_425[0] : i32 from vector<1xi32>
      %add3A_427 = arith.addi %scan3A_404, %squeeze3A_426 : i32
      scf.yield %add3A_427 : i32
    }
    %scan3A_283 = arith.constant 17 : i32
    %while3A_284 = arith.constant 0 : i32
    %while3A_285 = arith.constant 0 : i32
    %while3A_286 = arith.subi %select_n3A_266, %while3A_285 : i32
    %while3A_287 = arith.addi %while3A_285, %while3A_286 : i32
    %while3A_288 = arith.constant 1 : i32
    %while3A_289 = arith.divsi %while3A_286, %while3A_288 : i32
    %while3A_290 = arith.muli %while3A_289, %while3A_288 : i32
    %while3A_291 = arith.addi %while3A_285, %while3A_290 : i32
    %while3A_292 = arith.constant 1 : i32
    scf.for %while3A_403 = %while3A_285 to %while3A_291 step %while3A_292  : i32 {
      %mul3A_404 = arith.constant 16 : i32
      %mul3A_405 = arith.muli %while3A_403, %mul3A_404 : i32
      %add3A_406 = vector.broadcast %mul3A_405 : i32 to vector<16xi32>
      %add3A_407 = arith.addi %add3A_406, %iota3A_195 : vector<16xi32>
      %lt3A_408 = vector.broadcast %scan3A_237 : i32 to vector<16xi32>
      %lt3A_409 = arith.cmpi slt, %add3A_407, %lt3A_408 : vector<16xi32>
      %mul3A_410 = arith.constant 16 : i32
      %mul3A_411 = arith.muli %while3A_403, %mul3A_410 : i32
      %get3A_412 = arith.index_cast %mul3A_411 : i32 to index
      %get3A_413 = tpu.vector_load %arg9[%get3A_412] {strides = array<i32>} : memref<16400xi32, #tpu.memory_space<vmem>>, vector<16xi32>,
      %shift_right_arithmetic3A = arith.constant 21 : i32
      %shift_right_arithmetic3A_414 = vector.broadcast %shift_right_arithmetic3A : i32 to vector<16xi32>
      %shift_right_arithmetic3A_415 = arith.shrsi %get3A_413, %shift_right_arithmetic3A_414 : vector<16xi32>
      %jit3A_416 = arith.constant 271 : i32
      %broadcast_in_dim3A_417 = vector.broadcast %jit3A_416 : i32 to vector<16xi32>
      %select_n3A_418 = arith.select %lt3A_409, %shift_right_arithmetic3A_415, %broadcast_in_dim3A_417 : vector<16xi1>, vector<16xi32>
      %broadcast_in_dim3A_419 = arith.constant 0 : i32
      %broadcast_in_dim3A_420 = vector.broadcast %broadcast_in_dim3A_419 : i32 to vector<16xi32>
      %sub3A_421 = arith.constant 1 : i32
      %sub3A_422 = vector.broadcast %sub3A_421 : i32 to vector<16xi32>
      %sub3A_423 = arith.subi %iota3A_195, %sub3A_422 : vector<16xi32>
      %max3A = arith.constant 0 : i32
      %max3A_424 = vector.broadcast %max3A : i32 to vector<16xi32>
      %max3A_425 = arith.maxsi %sub3A_423, %max3A_424 : vector<16xi32>
      %broadcast_in_dim3A_426 = vector.shape_cast %max3A_425 : vector<16xi32> to vector<16x1xi32>
      %gather3A = vector.shape_cast %broadcast_in_dim3A_426 : vector<16x1xi32> to vector<16xi32>
      %gather3A_427 = tpu.dynamic_gather %select_n3A_418[%gather3A] in [0] : vector<16xi32>, vector<16xi32> -> vector<16xi32>
      %eq3A = arith.cmpi eq, %gather3A_427, %select_n3A_418 : vector<16xi32>
      %ge3A = arith.constant 1 : i32
      %ge3A_428 = vector.broadcast %ge3A : i32 to vector<16xi32>
      %ge3A_429 = arith.cmpi sge, %iota3A_195, %ge3A_428 : vector<16xi32>
      %and3A_430 = arith.andi %eq3A, %ge3A_429 : vector<16xi1>
      %convert_element_type3A_431 = arith.extui %and3A_430 : vector<16xi1> to vector<16xi32>
      %add3A_432 = arith.addi %broadcast_in_dim3A_420, %convert_element_type3A_431 : vector<16xi32>
      %sub3A_433 = arith.constant 2 : i32
      %sub3A_434 = vector.broadcast %sub3A_433 : i32 to vector<16xi32>
      %sub3A_435 = arith.subi %iota3A_195, %sub3A_434 : vector<16xi32>
      %max3A_436 = arith.constant 0 : i32
      %max3A_437 = vector.broadcast %max3A_436 : i32 to vector<16xi32>
      %max3A_438 = arith.maxsi %sub3A_435, %max3A_437 : vector<16xi32>
      %broadcast_in_dim3A_439 = vector.shape_cast %max3A_438 : vector<16xi32> to vector<16x1xi32>
      %gather3A_440 = vector.shape_cast %broadcast_in_dim3A_439 : vector<16x1xi32> to vector<16xi32>
      %gather3A_441 = tpu.dynamic_gather %select_n3A_418[%gather3A_440] in [0] : vector<16xi32>, vector<16xi32> -> vector<16xi32>
      %eq3A_442 = arith.cmpi eq, %gather3A_441, %select_n3A_418 : vector<16xi32>
      %ge3A_443 = arith.constant 2 : i32
      %ge3A_444 = vector.broadcast %ge3A_443 : i32 to vector<16xi32>
      %ge3A_445 = arith.cmpi sge, %iota3A_195, %ge3A_444 : vector<16xi32>
      %and3A_446 = arith.andi %eq3A_442, %ge3A_445 : vector<16xi1>
      %convert_element_type3A_447 = arith.extui %and3A_446 : vector<16xi1> to vector<16xi32>
      %add3A_448 = arith.addi %add3A_432, %convert_element_type3A_447 : vector<16xi32>
      %sub3A_449 = arith.constant 3 : i32
      %sub3A_450 = vector.broadcast %sub3A_449 : i32 to vector<16xi32>
      %sub3A_451 = arith.subi %iota3A_195, %sub3A_450 : vector<16xi32>
      %max3A_452 = arith.constant 0 : i32
      %max3A_453 = vector.broadcast %max3A_452 : i32 to vector<16xi32>
      %max3A_454 = arith.maxsi %sub3A_451, %max3A_453 : vector<16xi32>
      %broadcast_in_dim3A_455 = vector.shape_cast %max3A_454 : vector<16xi32> to vector<16x1xi32>
      %gather3A_456 = vector.shape_cast %broadcast_in_dim3A_455 : vector<16x1xi32> to vector<16xi32>
      %gather3A_457 = tpu.dynamic_gather %select_n3A_418[%gather3A_456] in [0] : vector<16xi32>, vector<16xi32> -> vector<16xi32>
      %eq3A_458 = arith.cmpi eq, %gather3A_457, %select_n3A_418 : vector<16xi32>
      %ge3A_459 = arith.constant 3 : i32
      %ge3A_460 = vector.broadcast %ge3A_459 : i32 to vector<16xi32>
      %ge3A_461 = arith.cmpi sge, %iota3A_195, %ge3A_460 : vector<16xi32>
      %and3A_462 = arith.andi %eq3A_458, %ge3A_461 : vector<16xi1>
      %convert_element_type3A_463 = arith.extui %and3A_462 : vector<16xi1> to vector<16xi32>
      %add3A_464 = arith.addi %add3A_448, %convert_element_type3A_463 : vector<16xi32>
      %sub3A_465 = arith.constant 4 : i32
      %sub3A_466 = vector.broadcast %sub3A_465 : i32 to vector<16xi32>
      %sub3A_467 = arith.subi %iota3A_195, %sub3A_466 : vector<16xi32>
      %max3A_468 = arith.constant 0 : i32
      %max3A_469 = vector.broadcast %max3A_468 : i32 to vector<16xi32>
      %max3A_470 = arith.maxsi %sub3A_467, %max3A_469 : vector<16xi32>
      %broadcast_in_dim3A_471 = vector.shape_cast %max3A_470 : vector<16xi32> to vector<16x1xi32>
      %gather3A_472 = vector.shape_cast %broadcast_in_dim3A_471 : vector<16x1xi32> to vector<16xi32>
      %gather3A_473 = tpu.dynamic_gather %select_n3A_418[%gather3A_472] in [0] : vector<16xi32>, vector<16xi32> -> vector<16xi32>
      %eq3A_474 = arith.cmpi eq, %gather3A_473, %select_n3A_418 : vector<16xi32>
      %ge3A_475 = arith.constant 4 : i32
      %ge3A_476 = vector.broadcast %ge3A_475 : i32 to vector<16xi32>
      %ge3A_477 = arith.cmpi sge, %iota3A_195, %ge3A_476 : vector<16xi32>
      %and3A_478 = arith.andi %eq3A_474, %ge3A_477 : vector<16xi1>
      %convert_element_type3A_479 = arith.extui %and3A_478 : vector<16xi1> to vector<16xi32>
      %add3A_480 = arith.addi %add3A_464, %convert_element_type3A_479 : vector<16xi32>
      %sub3A_481 = arith.constant 5 : i32
      %sub3A_482 = vector.broadcast %sub3A_481 : i32 to vector<16xi32>
      %sub3A_483 = arith.subi %iota3A_195, %sub3A_482 : vector<16xi32>
      %max3A_484 = arith.constant 0 : i32
      %max3A_485 = vector.broadcast %max3A_484 : i32 to vector<16xi32>
      %max3A_486 = arith.maxsi %sub3A_483, %max3A_485 : vector<16xi32>
      %broadcast_in_dim3A_487 = vector.shape_cast %max3A_486 : vector<16xi32> to vector<16x1xi32>
      %gather3A_488 = vector.shape_cast %broadcast_in_dim3A_487 : vector<16x1xi32> to vector<16xi32>
      %gather3A_489 = tpu.dynamic_gather %select_n3A_418[%gather3A_488] in [0] : vector<16xi32>, vector<16xi32> -> vector<16xi32>
      %eq3A_490 = arith.cmpi eq, %gather3A_489, %select_n3A_418 : vector<16xi32>
      %ge3A_491 = arith.constant 5 : i32
      %ge3A_492 = vector.broadcast %ge3A_491 : i32 to vector<16xi32>
      %ge3A_493 = arith.cmpi sge, %iota3A_195, %ge3A_492 : vector<16xi32>
      %and3A_494 = arith.andi %eq3A_490, %ge3A_493 : vector<16xi1>
      %convert_element_type3A_495 = arith.extui %and3A_494 : vector<16xi1> to vector<16xi32>
      %add3A_496 = arith.addi %add3A_480, %convert_element_type3A_495 : vector<16xi32>
      %sub3A_497 = arith.constant 6 : i32
      %sub3A_498 = vector.broadcast %sub3A_497 : i32 to vector<16xi32>
      %sub3A_499 = arith.subi %iota3A_195, %sub3A_498 : vector<16xi32>
      %max3A_500 = arith.constant 0 : i32
      %max3A_501 = vector.broadcast %max3A_500 : i32 to vector<16xi32>
      %max3A_502 = arith.maxsi %sub3A_499, %max3A_501 : vector<16xi32>
      %broadcast_in_dim3A_503 = vector.shape_cast %max3A_502 : vector<16xi32> to vector<16x1xi32>
      %gather3A_504 = vector.shape_cast %broadcast_in_dim3A_503 : vector<16x1xi32> to vector<16xi32>
      %gather3A_505 = tpu.dynamic_gather %select_n3A_418[%gather3A_504] in [0] : vector<16xi32>, vector<16xi32> -> vector<16xi32>
      %eq3A_506 = arith.cmpi eq, %gather3A_505, %select_n3A_418 : vector<16xi32>
      %ge3A_507 = arith.constant 6 : i32
      %ge3A_508 = vector.broadcast %ge3A_507 : i32 to vector<16xi32>
      %ge3A_509 = arith.cmpi sge, %iota3A_195, %ge3A_508 : vector<16xi32>
      %and3A_510 = arith.andi %eq3A_506, %ge3A_509 : vector<16xi1>
      %convert_element_type3A_511 = arith.extui %and3A_510 : vector<16xi1> to vector<16xi32>
      %add3A_512 = arith.addi %add3A_496, %convert_element_type3A_511 : vector<16xi32>
      %sub3A_513 = arith.constant 7 : i32
      %sub3A_514 = vector.broadcast %sub3A_513 : i32 to vector<16xi32>
      %sub3A_515 = arith.subi %iota3A_195, %sub3A_514 : vector<16xi32>
      %max3A_516 = arith.constant 0 : i32
      %max3A_517 = vector.broadcast %max3A_516 : i32 to vector<16xi32>
      %max3A_518 = arith.maxsi %sub3A_515, %max3A_517 : vector<16xi32>
      %broadcast_in_dim3A_519 = vector.shape_cast %max3A_518 : vector<16xi32> to vector<16x1xi32>
      %gather3A_520 = vector.shape_cast %broadcast_in_dim3A_519 : vector<16x1xi32> to vector<16xi32>
      %gather3A_521 = tpu.dynamic_gather %select_n3A_418[%gather3A_520] in [0] : vector<16xi32>, vector<16xi32> -> vector<16xi32>
      %eq3A_522 = arith.cmpi eq, %gather3A_521, %select_n3A_418 : vector<16xi32>
      %ge3A_523 = arith.constant 7 : i32
      %ge3A_524 = vector.broadcast %ge3A_523 : i32 to vector<16xi32>
      %ge3A_525 = arith.cmpi sge, %iota3A_195, %ge3A_524 : vector<16xi32>
      %and3A_526 = arith.andi %eq3A_522, %ge3A_525 : vector<16xi1>
      %convert_element_type3A_527 = arith.extui %and3A_526 : vector<16xi1> to vector<16xi32>
      %add3A_528 = arith.addi %add3A_512, %convert_element_type3A_527 : vector<16xi32>
      %sub3A_529 = arith.constant 8 : i32
      %sub3A_530 = vector.broadcast %sub3A_529 : i32 to vector<16xi32>
      %sub3A_531 = arith.subi %iota3A_195, %sub3A_530 : vector<16xi32>
      %max3A_532 = arith.constant 0 : i32
      %max3A_533 = vector.broadcast %max3A_532 : i32 to vector<16xi32>
      %max3A_534 = arith.maxsi %sub3A_531, %max3A_533 : vector<16xi32>
      %broadcast_in_dim3A_535 = vector.shape_cast %max3A_534 : vector<16xi32> to vector<16x1xi32>
      %gather3A_536 = vector.shape_cast %broadcast_in_dim3A_535 : vector<16x1xi32> to vector<16xi32>
      %gather3A_537 = tpu.dynamic_gather %select_n3A_418[%gather3A_536] in [0] : vector<16xi32>, vector<16xi32> -> vector<16xi32>
      %eq3A_538 = arith.cmpi eq, %gather3A_537, %select_n3A_418 : vector<16xi32>
      %ge3A_539 = arith.constant 8 : i32
      %ge3A_540 = vector.broadcast %ge3A_539 : i32 to vector<16xi32>
      %ge3A_541 = arith.cmpi sge, %iota3A_195, %ge3A_540 : vector<16xi32>
      %and3A_542 = arith.andi %eq3A_538, %ge3A_541 : vector<16xi1>
      %convert_element_type3A_543 = arith.extui %and3A_542 : vector<16xi1> to vector<16xi32>
      %add3A_544 = arith.addi %add3A_528, %convert_element_type3A_543 : vector<16xi32>
      %sub3A_545 = arith.constant 9 : i32
      %sub3A_546 = vector.broadcast %sub3A_545 : i32 to vector<16xi32>
      %sub3A_547 = arith.subi %iota3A_195, %sub3A_546 : vector<16xi32>
      %max3A_548 = arith.constant 0 : i32
      %max3A_549 = vector.broadcast %max3A_548 : i32 to vector<16xi32>
      %max3A_550 = arith.maxsi %sub3A_547, %max3A_549 : vector<16xi32>
      %broadcast_in_dim3A_551 = vector.shape_cast %max3A_550 : vector<16xi32> to vector<16x1xi32>
      %gather3A_552 = vector.shape_cast %broadcast_in_dim3A_551 : vector<16x1xi32> to vector<16xi32>
      %gather3A_553 = tpu.dynamic_gather %select_n3A_418[%gather3A_552] in [0] : vector<16xi32>, vector<16xi32> -> vector<16xi32>
      %eq3A_554 = arith.cmpi eq, %gather3A_553, %select_n3A_418 : vector<16xi32>
      %ge3A_555 = arith.constant 9 : i32
      %ge3A_556 = vector.broadcast %ge3A_555 : i32 to vector<16xi32>
      %ge3A_557 = arith.cmpi sge, %iota3A_195, %ge3A_556 : vector<16xi32>
      %and3A_558 = arith.andi %eq3A_554, %ge3A_557 : vector<16xi1>
      %convert_element_type3A_559 = arith.extui %and3A_558 : vector<16xi1> to vector<16xi32>
      %add3A_560 = arith.addi %add3A_544, %convert_element_type3A_559 : vector<16xi32>
      %sub3A_561 = arith.constant 10 : i32
      %sub3A_562 = vector.broadcast %sub3A_561 : i32 to vector<16xi32>
      %sub3A_563 = arith.subi %iota3A_195, %sub3A_562 : vector<16xi32>
      %max3A_564 = arith.constant 0 : i32
      %max3A_565 = vector.broadcast %max3A_564 : i32 to vector<16xi32>
      %max3A_566 = arith.maxsi %sub3A_563, %max3A_565 : vector<16xi32>
      %broadcast_in_dim3A_567 = vector.shape_cast %max3A_566 : vector<16xi32> to vector<16x1xi32>
      %gather3A_568 = vector.shape_cast %broadcast_in_dim3A_567 : vector<16x1xi32> to vector<16xi32>
      %gather3A_569 = tpu.dynamic_gather %select_n3A_418[%gather3A_568] in [0] : vector<16xi32>, vector<16xi32> -> vector<16xi32>
      %eq3A_570 = arith.cmpi eq, %gather3A_569, %select_n3A_418 : vector<16xi32>
      %ge3A_571 = arith.constant 10 : i32
      %ge3A_572 = vector.broadcast %ge3A_571 : i32 to vector<16xi32>
      %ge3A_573 = arith.cmpi sge, %iota3A_195, %ge3A_572 : vector<16xi32>
      %and3A_574 = arith.andi %eq3A_570, %ge3A_573 : vector<16xi1>
      %convert_element_type3A_575 = arith.extui %and3A_574 : vector<16xi1> to vector<16xi32>
      %add3A_576 = arith.addi %add3A_560, %convert_element_type3A_575 : vector<16xi32>
      %sub3A_577 = arith.constant 11 : i32
      %sub3A_578 = vector.broadcast %sub3A_577 : i32 to vector<16xi32>
      %sub3A_579 = arith.subi %iota3A_195, %sub3A_578 : vector<16xi32>
      %max3A_580 = arith.constant 0 : i32
      %max3A_581 = vector.broadcast %max3A_580 : i32 to vector<16xi32>
      %max3A_582 = arith.maxsi %sub3A_579, %max3A_581 : vector<16xi32>
      %broadcast_in_dim3A_583 = vector.shape_cast %max3A_582 : vector<16xi32> to vector<16x1xi32>
      %gather3A_584 = vector.shape_cast %broadcast_in_dim3A_583 : vector<16x1xi32> to vector<16xi32>
      %gather3A_585 = tpu.dynamic_gather %select_n3A_418[%gather3A_584] in [0] : vector<16xi32>, vector<16xi32> -> vector<16xi32>
      %eq3A_586 = arith.cmpi eq, %gather3A_585, %select_n3A_418 : vector<16xi32>
      %ge3A_587 = arith.constant 11 : i32
      %ge3A_588 = vector.broadcast %ge3A_587 : i32 to vector<16xi32>
      %ge3A_589 = arith.cmpi sge, %iota3A_195, %ge3A_588 : vector<16xi32>
      %and3A_590 = arith.andi %eq3A_586, %ge3A_589 : vector<16xi1>
      %convert_element_type3A_591 = arith.extui %and3A_590 : vector<16xi1> to vector<16xi32>
      %add3A_592 = arith.addi %add3A_576, %convert_element_type3A_591 : vector<16xi32>
      %sub3A_593 = arith.constant 12 : i32
      %sub3A_594 = vector.broadcast %sub3A_593 : i32 to vector<16xi32>
      %sub3A_595 = arith.subi %iota3A_195, %sub3A_594 : vector<16xi32>
      %max3A_596 = arith.constant 0 : i32
      %max3A_597 = vector.broadcast %max3A_596 : i32 to vector<16xi32>
      %max3A_598 = arith.maxsi %sub3A_595, %max3A_597 : vector<16xi32>
      %broadcast_in_dim3A_599 = vector.shape_cast %max3A_598 : vector<16xi32> to vector<16x1xi32>
      %gather3A_600 = vector.shape_cast %broadcast_in_dim3A_599 : vector<16x1xi32> to vector<16xi32>
      %gather3A_601 = tpu.dynamic_gather %select_n3A_418[%gather3A_600] in [0] : vector<16xi32>, vector<16xi32> -> vector<16xi32>
      %eq3A_602 = arith.cmpi eq, %gather3A_601, %select_n3A_418 : vector<16xi32>
      %ge3A_603 = arith.constant 12 : i32
      %ge3A_604 = vector.broadcast %ge3A_603 : i32 to vector<16xi32>
      %ge3A_605 = arith.cmpi sge, %iota3A_195, %ge3A_604 : vector<16xi32>
      %and3A_606 = arith.andi %eq3A_602, %ge3A_605 : vector<16xi1>
      %convert_element_type3A_607 = arith.extui %and3A_606 : vector<16xi1> to vector<16xi32>
      %add3A_608 = arith.addi %add3A_592, %convert_element_type3A_607 : vector<16xi32>
      %sub3A_609 = arith.constant 13 : i32
      %sub3A_610 = vector.broadcast %sub3A_609 : i32 to vector<16xi32>
      %sub3A_611 = arith.subi %iota3A_195, %sub3A_610 : vector<16xi32>
      %max3A_612 = arith.constant 0 : i32
      %max3A_613 = vector.broadcast %max3A_612 : i32 to vector<16xi32>
      %max3A_614 = arith.maxsi %sub3A_611, %max3A_613 : vector<16xi32>
      %broadcast_in_dim3A_615 = vector.shape_cast %max3A_614 : vector<16xi32> to vector<16x1xi32>
      %gather3A_616 = vector.shape_cast %broadcast_in_dim3A_615 : vector<16x1xi32> to vector<16xi32>
      %gather3A_617 = tpu.dynamic_gather %select_n3A_418[%gather3A_616] in [0] : vector<16xi32>, vector<16xi32> -> vector<16xi32>
      %eq3A_618 = arith.cmpi eq, %gather3A_617, %select_n3A_418 : vector<16xi32>
      %ge3A_619 = arith.constant 13 : i32
      %ge3A_620 = vector.broadcast %ge3A_619 : i32 to vector<16xi32>
      %ge3A_621 = arith.cmpi sge, %iota3A_195, %ge3A_620 : vector<16xi32>
      %and3A_622 = arith.andi %eq3A_618, %ge3A_621 : vector<16xi1>
      %convert_element_type3A_623 = arith.extui %and3A_622 : vector<16xi1> to vector<16xi32>
      %add3A_624 = arith.addi %add3A_608, %convert_element_type3A_623 : vector<16xi32>
      %sub3A_625 = arith.constant 14 : i32
      %sub3A_626 = vector.broadcast %sub3A_625 : i32 to vector<16xi32>
      %sub3A_627 = arith.subi %iota3A_195, %sub3A_626 : vector<16xi32>
      %max3A_628 = arith.constant 0 : i32
      %max3A_629 = vector.broadcast %max3A_628 : i32 to vector<16xi32>
      %max3A_630 = arith.maxsi %sub3A_627, %max3A_629 : vector<16xi32>
      %broadcast_in_dim3A_631 = vector.shape_cast %max3A_630 : vector<16xi32> to vector<16x1xi32>
      %gather3A_632 = vector.shape_cast %broadcast_in_dim3A_631 : vector<16x1xi32> to vector<16xi32>
      %gather3A_633 = tpu.dynamic_gather %select_n3A_418[%gather3A_632] in [0] : vector<16xi32>, vector<16xi32> -> vector<16xi32>
      %eq3A_634 = arith.cmpi eq, %gather3A_633, %select_n3A_418 : vector<16xi32>
      %ge3A_635 = arith.constant 14 : i32
      %ge3A_636 = vector.broadcast %ge3A_635 : i32 to vector<16xi32>
      %ge3A_637 = arith.cmpi sge, %iota3A_195, %ge3A_636 : vector<16xi32>
      %and3A_638 = arith.andi %eq3A_634, %ge3A_637 : vector<16xi1>
      %convert_element_type3A_639 = arith.extui %and3A_638 : vector<16xi1> to vector<16xi32>
      %add3A_640 = arith.addi %add3A_624, %convert_element_type3A_639 : vector<16xi32>
      %sub3A_641 = arith.constant 15 : i32
      %sub3A_642 = vector.broadcast %sub3A_641 : i32 to vector<16xi32>
      %sub3A_643 = arith.subi %iota3A_195, %sub3A_642 : vector<16xi32>
      %max3A_644 = arith.constant 0 : i32
      %max3A_645 = vector.broadcast %max3A_644 : i32 to vector<16xi32>
      %max3A_646 = arith.maxsi %sub3A_643, %max3A_645 : vector<16xi32>
      %broadcast_in_dim3A_647 = vector.shape_cast %max3A_646 : vector<16xi32> to vector<16x1xi32>
      %gather3A_648 = vector.shape_cast %broadcast_in_dim3A_647 : vector<16x1xi32> to vector<16xi32>
      %gather3A_649 = tpu.dynamic_gather %select_n3A_418[%gather3A_648] in [0] : vector<16xi32>, vector<16xi32> -> vector<16xi32>
      %eq3A_650 = arith.cmpi eq, %gather3A_649, %select_n3A_418 : vector<16xi32>
      %ge3A_651 = arith.constant 15 : i32
      %ge3A_652 = vector.broadcast %ge3A_651 : i32 to vector<16xi32>
      %ge3A_653 = arith.cmpi sge, %iota3A_195, %ge3A_652 : vector<16xi32>
      %and3A_654 = arith.andi %eq3A_650, %ge3A_653 : vector<16xi1>
      %convert_element_type3A_655 = arith.extui %and3A_654 : vector<16xi1> to vector<16xi32>
      %add3A_656 = arith.addi %add3A_640, %convert_element_type3A_655 : vector<16xi32>
      %gather3A_657 = tpu.vector_load_idx %arg12[%select_n3A_418] : memref<272xi32, #tpu.memory_space<vmem>>[vector<16xi32>], vector<16xi32>,
      %add3A_658 = arith.addi %gather3A_657, %add3A_656 : vector<16xi32>
      tpu.vector_store_idx %arg10[%add3A_658], %get3A_413 masked %lt3A_409 : memref<16400xi32, #tpu.memory_space<vmem>>[vector<16xi32>], vector<16xi32>, vector<16xi1>
      %broadcast_in_dim3A_659 = arith.constant 1 : i32
      %broadcast_in_dim3A_660 = vector.broadcast %broadcast_in_dim3A_659 : i32 to vector<16xi32>
      tpu.vector_store_idx %arg12[%select_n3A_418], %broadcast_in_dim3A_660 masked %lt3A_409 {add = true} : memref<272xi32, #tpu.memory_space<vmem>>[vector<16xi32>], vector<16xi32>, vector<16xi1>
    }
    %while3A_293 = arith.constant 1 : i32
    scf.for %while3A_403 = %while3A_291 to %while3A_287 step %while3A_293  : i32 {
      %mul3A_404 = arith.constant 16 : i32
      %mul3A_405 = arith.muli %while3A_403, %mul3A_404 : i32
      %add3A_406 = vector.broadcast %mul3A_405 : i32 to vector<16xi32>
      %add3A_407 = arith.addi %add3A_406, %iota3A_195 : vector<16xi32>
      %lt3A_408 = vector.broadcast %scan3A_237 : i32 to vector<16xi32>
      %lt3A_409 = arith.cmpi slt, %add3A_407, %lt3A_408 : vector<16xi32>
      %mul3A_410 = arith.constant 16 : i32
      %mul3A_411 = arith.muli %while3A_403, %mul3A_410 : i32
      %get3A_412 = arith.index_cast %mul3A_411 : i32 to index
      %get3A_413 = tpu.vector_load %arg9[%get3A_412] {strides = array<i32>} : memref<16400xi32, #tpu.memory_space<vmem>>, vector<16xi32>,
      %shift_right_arithmetic3A = arith.constant 21 : i32
      %shift_right_arithmetic3A_414 = vector.broadcast %shift_right_arithmetic3A : i32 to vector<16xi32>
      %shift_right_arithmetic3A_415 = arith.shrsi %get3A_413, %shift_right_arithmetic3A_414 : vector<16xi32>
      %jit3A_416 = arith.constant 271 : i32
      %broadcast_in_dim3A_417 = vector.broadcast %jit3A_416 : i32 to vector<16xi32>
      %select_n3A_418 = arith.select %lt3A_409, %shift_right_arithmetic3A_415, %broadcast_in_dim3A_417 : vector<16xi1>, vector<16xi32>
      %broadcast_in_dim3A_419 = arith.constant 0 : i32
      %broadcast_in_dim3A_420 = vector.broadcast %broadcast_in_dim3A_419 : i32 to vector<16xi32>
      %sub3A_421 = arith.constant 1 : i32
      %sub3A_422 = vector.broadcast %sub3A_421 : i32 to vector<16xi32>
      %sub3A_423 = arith.subi %iota3A_195, %sub3A_422 : vector<16xi32>
      %max3A = arith.constant 0 : i32
      %max3A_424 = vector.broadcast %max3A : i32 to vector<16xi32>
      %max3A_425 = arith.maxsi %sub3A_423, %max3A_424 : vector<16xi32>
      %broadcast_in_dim3A_426 = vector.shape_cast %max3A_425 : vector<16xi32> to vector<16x1xi32>
      %gather3A = vector.shape_cast %broadcast_in_dim3A_426 : vector<16x1xi32> to vector<16xi32>
      %gather3A_427 = tpu.dynamic_gather %select_n3A_418[%gather3A] in [0] : vector<16xi32>, vector<16xi32> -> vector<16xi32>
      %eq3A = arith.cmpi eq, %gather3A_427, %select_n3A_418 : vector<16xi32>
      %ge3A = arith.constant 1 : i32
      %ge3A_428 = vector.broadcast %ge3A : i32 to vector<16xi32>
      %ge3A_429 = arith.cmpi sge, %iota3A_195, %ge3A_428 : vector<16xi32>
      %and3A_430 = arith.andi %eq3A, %ge3A_429 : vector<16xi1>
      %convert_element_type3A_431 = arith.extui %and3A_430 : vector<16xi1> to vector<16xi32>
      %add3A_432 = arith.addi %broadcast_in_dim3A_420, %convert_element_type3A_431 : vector<16xi32>
      %sub3A_433 = arith.constant 2 : i32
      %sub3A_434 = vector.broadcast %sub3A_433 : i32 to vector<16xi32>
      %sub3A_435 = arith.subi %iota3A_195, %sub3A_434 : vector<16xi32>
      %max3A_436 = arith.constant 0 : i32
      %max3A_437 = vector.broadcast %max3A_436 : i32 to vector<16xi32>
      %max3A_438 = arith.maxsi %sub3A_435, %max3A_437 : vector<16xi32>
      %broadcast_in_dim3A_439 = vector.shape_cast %max3A_438 : vector<16xi32> to vector<16x1xi32>
      %gather3A_440 = vector.shape_cast %broadcast_in_dim3A_439 : vector<16x1xi32> to vector<16xi32>
      %gather3A_441 = tpu.dynamic_gather %select_n3A_418[%gather3A_440] in [0] : vector<16xi32>, vector<16xi32> -> vector<16xi32>
      %eq3A_442 = arith.cmpi eq, %gather3A_441, %select_n3A_418 : vector<16xi32>
      %ge3A_443 = arith.constant 2 : i32
      %ge3A_444 = vector.broadcast %ge3A_443 : i32 to vector<16xi32>
      %ge3A_445 = arith.cmpi sge, %iota3A_195, %ge3A_444 : vector<16xi32>
      %and3A_446 = arith.andi %eq3A_442, %ge3A_445 : vector<16xi1>
      %convert_element_type3A_447 = arith.extui %and3A_446 : vector<16xi1> to vector<16xi32>
      %add3A_448 = arith.addi %add3A_432, %convert_element_type3A_447 : vector<16xi32>
      %sub3A_449 = arith.constant 3 : i32
      %sub3A_450 = vector.broadcast %sub3A_449 : i32 to vector<16xi32>
      %sub3A_451 = arith.subi %iota3A_195, %sub3A_450 : vector<16xi32>
      %max3A_452 = arith.constant 0 : i32
      %max3A_453 = vector.broadcast %max3A_452 : i32 to vector<16xi32>
      %max3A_454 = arith.maxsi %sub3A_451, %max3A_453 : vector<16xi32>
      %broadcast_in_dim3A_455 = vector.shape_cast %max3A_454 : vector<16xi32> to vector<16x1xi32>
      %gather3A_456 = vector.shape_cast %broadcast_in_dim3A_455 : vector<16x1xi32> to vector<16xi32>
      %gather3A_457 = tpu.dynamic_gather %select_n3A_418[%gather3A_456] in [0] : vector<16xi32>, vector<16xi32> -> vector<16xi32>
      %eq3A_458 = arith.cmpi eq, %gather3A_457, %select_n3A_418 : vector<16xi32>
      %ge3A_459 = arith.constant 3 : i32
      %ge3A_460 = vector.broadcast %ge3A_459 : i32 to vector<16xi32>
      %ge3A_461 = arith.cmpi sge, %iota3A_195, %ge3A_460 : vector<16xi32>
      %and3A_462 = arith.andi %eq3A_458, %ge3A_461 : vector<16xi1>
      %convert_element_type3A_463 = arith.extui %and3A_462 : vector<16xi1> to vector<16xi32>
      %add3A_464 = arith.addi %add3A_448, %convert_element_type3A_463 : vector<16xi32>
      %sub3A_465 = arith.constant 4 : i32
      %sub3A_466 = vector.broadcast %sub3A_465 : i32 to vector<16xi32>
      %sub3A_467 = arith.subi %iota3A_195, %sub3A_466 : vector<16xi32>
      %max3A_468 = arith.constant 0 : i32
      %max3A_469 = vector.broadcast %max3A_468 : i32 to vector<16xi32>
      %max3A_470 = arith.maxsi %sub3A_467, %max3A_469 : vector<16xi32>
      %broadcast_in_dim3A_471 = vector.shape_cast %max3A_470 : vector<16xi32> to vector<16x1xi32>
      %gather3A_472 = vector.shape_cast %broadcast_in_dim3A_471 : vector<16x1xi32> to vector<16xi32>
      %gather3A_473 = tpu.dynamic_gather %select_n3A_418[%gather3A_472] in [0] : vector<16xi32>, vector<16xi32> -> vector<16xi32>
      %eq3A_474 = arith.cmpi eq, %gather3A_473, %select_n3A_418 : vector<16xi32>
      %ge3A_475 = arith.constant 4 : i32
      %ge3A_476 = vector.broadcast %ge3A_475 : i32 to vector<16xi32>
      %ge3A_477 = arith.cmpi sge, %iota3A_195, %ge3A_476 : vector<16xi32>
      %and3A_478 = arith.andi %eq3A_474, %ge3A_477 : vector<16xi1>
      %convert_element_type3A_479 = arith.extui %and3A_478 : vector<16xi1> to vector<16xi32>
      %add3A_480 = arith.addi %add3A_464, %convert_element_type3A_479 : vector<16xi32>
      %sub3A_481 = arith.constant 5 : i32
      %sub3A_482 = vector.broadcast %sub3A_481 : i32 to vector<16xi32>
      %sub3A_483 = arith.subi %iota3A_195, %sub3A_482 : vector<16xi32>
      %max3A_484 = arith.constant 0 : i32
      %max3A_485 = vector.broadcast %max3A_484 : i32 to vector<16xi32>
      %max3A_486 = arith.maxsi %sub3A_483, %max3A_485 : vector<16xi32>
      %broadcast_in_dim3A_487 = vector.shape_cast %max3A_486 : vector<16xi32> to vector<16x1xi32>
      %gather3A_488 = vector.shape_cast %broadcast_in_dim3A_487 : vector<16x1xi32> to vector<16xi32>
      %gather3A_489 = tpu.dynamic_gather %select_n3A_418[%gather3A_488] in [0] : vector<16xi32>, vector<16xi32> -> vector<16xi32>
      %eq3A_490 = arith.cmpi eq, %gather3A_489, %select_n3A_418 : vector<16xi32>
      %ge3A_491 = arith.constant 5 : i32
      %ge3A_492 = vector.broadcast %ge3A_491 : i32 to vector<16xi32>
      %ge3A_493 = arith.cmpi sge, %iota3A_195, %ge3A_492 : vector<16xi32>
      %and3A_494 = arith.andi %eq3A_490, %ge3A_493 : vector<16xi1>
      %convert_element_type3A_495 = arith.extui %and3A_494 : vector<16xi1> to vector<16xi32>
      %add3A_496 = arith.addi %add3A_480, %convert_element_type3A_495 : vector<16xi32>
      %sub3A_497 = arith.constant 6 : i32
      %sub3A_498 = vector.broadcast %sub3A_497 : i32 to vector<16xi32>
      %sub3A_499 = arith.subi %iota3A_195, %sub3A_498 : vector<16xi32>
      %max3A_500 = arith.constant 0 : i32
      %max3A_501 = vector.broadcast %max3A_500 : i32 to vector<16xi32>
      %max3A_502 = arith.maxsi %sub3A_499, %max3A_501 : vector<16xi32>
      %broadcast_in_dim3A_503 = vector.shape_cast %max3A_502 : vector<16xi32> to vector<16x1xi32>
      %gather3A_504 = vector.shape_cast %broadcast_in_dim3A_503 : vector<16x1xi32> to vector<16xi32>
      %gather3A_505 = tpu.dynamic_gather %select_n3A_418[%gather3A_504] in [0] : vector<16xi32>, vector<16xi32> -> vector<16xi32>
      %eq3A_506 = arith.cmpi eq, %gather3A_505, %select_n3A_418 : vector<16xi32>
      %ge3A_507 = arith.constant 6 : i32
      %ge3A_508 = vector.broadcast %ge3A_507 : i32 to vector<16xi32>
      %ge3A_509 = arith.cmpi sge, %iota3A_195, %ge3A_508 : vector<16xi32>
      %and3A_510 = arith.andi %eq3A_506, %ge3A_509 : vector<16xi1>
      %convert_element_type3A_511 = arith.extui %and3A_510 : vector<16xi1> to vector<16xi32>
      %add3A_512 = arith.addi %add3A_496, %convert_element_type3A_511 : vector<16xi32>
      %sub3A_513 = arith.constant 7 : i32
      %sub3A_514 = vector.broadcast %sub3A_513 : i32 to vector<16xi32>
      %sub3A_515 = arith.subi %iota3A_195, %sub3A_514 : vector<16xi32>
      %max3A_516 = arith.constant 0 : i32
      %max3A_517 = vector.broadcast %max3A_516 : i32 to vector<16xi32>
      %max3A_518 = arith.maxsi %sub3A_515, %max3A_517 : vector<16xi32>
      %broadcast_in_dim3A_519 = vector.shape_cast %max3A_518 : vector<16xi32> to vector<16x1xi32>
      %gather3A_520 = vector.shape_cast %broadcast_in_dim3A_519 : vector<16x1xi32> to vector<16xi32>
      %gather3A_521 = tpu.dynamic_gather %select_n3A_418[%gather3A_520] in [0] : vector<16xi32>, vector<16xi32> -> vector<16xi32>
      %eq3A_522 = arith.cmpi eq, %gather3A_521, %select_n3A_418 : vector<16xi32>
      %ge3A_523 = arith.constant 7 : i32
      %ge3A_524 = vector.broadcast %ge3A_523 : i32 to vector<16xi32>
      %ge3A_525 = arith.cmpi sge, %iota3A_195, %ge3A_524 : vector<16xi32>
      %and3A_526 = arith.andi %eq3A_522, %ge3A_525 : vector<16xi1>
      %convert_element_type3A_527 = arith.extui %and3A_526 : vector<16xi1> to vector<16xi32>
      %add3A_528 = arith.addi %add3A_512, %convert_element_type3A_527 : vector<16xi32>
      %sub3A_529 = arith.constant 8 : i32
      %sub3A_530 = vector.broadcast %sub3A_529 : i32 to vector<16xi32>
      %sub3A_531 = arith.subi %iota3A_195, %sub3A_530 : vector<16xi32>
      %max3A_532 = arith.constant 0 : i32
      %max3A_533 = vector.broadcast %max3A_532 : i32 to vector<16xi32>
      %max3A_534 = arith.maxsi %sub3A_531, %max3A_533 : vector<16xi32>
      %broadcast_in_dim3A_535 = vector.shape_cast %max3A_534 : vector<16xi32> to vector<16x1xi32>
      %gather3A_536 = vector.shape_cast %broadcast_in_dim3A_535 : vector<16x1xi32> to vector<16xi32>
      %gather3A_537 = tpu.dynamic_gather %select_n3A_418[%gather3A_536] in [0] : vector<16xi32>, vector<16xi32> -> vector<16xi32>
      %eq3A_538 = arith.cmpi eq, %gather3A_537, %select_n3A_418 : vector<16xi32>
      %ge3A_539 = arith.constant 8 : i32
      %ge3A_540 = vector.broadcast %ge3A_539 : i32 to vector<16xi32>
      %ge3A_541 = arith.cmpi sge, %iota3A_195, %ge3A_540 : vector<16xi32>
      %and3A_542 = arith.andi %eq3A_538, %ge3A_541 : vector<16xi1>
      %convert_element_type3A_543 = arith.extui %and3A_542 : vector<16xi1> to vector<16xi32>
      %add3A_544 = arith.addi %add3A_528, %convert_element_type3A_543 : vector<16xi32>
      %sub3A_545 = arith.constant 9 : i32
      %sub3A_546 = vector.broadcast %sub3A_545 : i32 to vector<16xi32>
      %sub3A_547 = arith.subi %iota3A_195, %sub3A_546 : vector<16xi32>
      %max3A_548 = arith.constant 0 : i32
      %max3A_549 = vector.broadcast %max3A_548 : i32 to vector<16xi32>
      %max3A_550 = arith.maxsi %sub3A_547, %max3A_549 : vector<16xi32>
      %broadcast_in_dim3A_551 = vector.shape_cast %max3A_550 : vector<16xi32> to vector<16x1xi32>
      %gather3A_552 = vector.shape_cast %broadcast_in_dim3A_551 : vector<16x1xi32> to vector<16xi32>
      %gather3A_553 = tpu.dynamic_gather %select_n3A_418[%gather3A_552] in [0] : vector<16xi32>, vector<16xi32> -> vector<16xi32>
      %eq3A_554 = arith.cmpi eq, %gather3A_553, %select_n3A_418 : vector<16xi32>
      %ge3A_555 = arith.constant 9 : i32
      %ge3A_556 = vector.broadcast %ge3A_555 : i32 to vector<16xi32>
      %ge3A_557 = arith.cmpi sge, %iota3A_195, %ge3A_556 : vector<16xi32>
      %and3A_558 = arith.andi %eq3A_554, %ge3A_557 : vector<16xi1>
      %convert_element_type3A_559 = arith.extui %and3A_558 : vector<16xi1> to vector<16xi32>
      %add3A_560 = arith.addi %add3A_544, %convert_element_type3A_559 : vector<16xi32>
      %sub3A_561 = arith.constant 10 : i32
      %sub3A_562 = vector.broadcast %sub3A_561 : i32 to vector<16xi32>
      %sub3A_563 = arith.subi %iota3A_195, %sub3A_562 : vector<16xi32>
      %max3A_564 = arith.constant 0 : i32
      %max3A_565 = vector.broadcast %max3A_564 : i32 to vector<16xi32>
      %max3A_566 = arith.maxsi %sub3A_563, %max3A_565 : vector<16xi32>
      %broadcast_in_dim3A_567 = vector.shape_cast %max3A_566 : vector<16xi32> to vector<16x1xi32>
      %gather3A_568 = vector.shape_cast %broadcast_in_dim3A_567 : vector<16x1xi32> to vector<16xi32>
      %gather3A_569 = tpu.dynamic_gather %select_n3A_418[%gather3A_568] in [0] : vector<16xi32>, vector<16xi32> -> vector<16xi32>
      %eq3A_570 = arith.cmpi eq, %gather3A_569, %select_n3A_418 : vector<16xi32>
      %ge3A_571 = arith.constant 10 : i32
      %ge3A_572 = vector.broadcast %ge3A_571 : i32 to vector<16xi32>
      %ge3A_573 = arith.cmpi sge, %iota3A_195, %ge3A_572 : vector<16xi32>
      %and3A_574 = arith.andi %eq3A_570, %ge3A_573 : vector<16xi1>
      %convert_element_type3A_575 = arith.extui %and3A_574 : vector<16xi1> to vector<16xi32>
      %add3A_576 = arith.addi %add3A_560, %convert_element_type3A_575 : vector<16xi32>
      %sub3A_577 = arith.constant 11 : i32
      %sub3A_578 = vector.broadcast %sub3A_577 : i32 to vector<16xi32>
      %sub3A_579 = arith.subi %iota3A_195, %sub3A_578 : vector<16xi32>
      %max3A_580 = arith.constant 0 : i32
      %max3A_581 = vector.broadcast %max3A_580 : i32 to vector<16xi32>
      %max3A_582 = arith.maxsi %sub3A_579, %max3A_581 : vector<16xi32>
      %broadcast_in_dim3A_583 = vector.shape_cast %max3A_582 : vector<16xi32> to vector<16x1xi32>
      %gather3A_584 = vector.shape_cast %broadcast_in_dim3A_583 : vector<16x1xi32> to vector<16xi32>
      %gather3A_585 = tpu.dynamic_gather %select_n3A_418[%gather3A_584] in [0] : vector<16xi32>, vector<16xi32> -> vector<16xi32>
      %eq3A_586 = arith.cmpi eq, %gather3A_585, %select_n3A_418 : vector<16xi32>
      %ge3A_587 = arith.constant 11 : i32
      %ge3A_588 = vector.broadcast %ge3A_587 : i32 to vector<16xi32>
      %ge3A_589 = arith.cmpi sge, %iota3A_195, %ge3A_588 : vector<16xi32>
      %and3A_590 = arith.andi %eq3A_586, %ge3A_589 : vector<16xi1>
      %convert_element_type3A_591 = arith.extui %and3A_590 : vector<16xi1> to vector<16xi32>
      %add3A_592 = arith.addi %add3A_576, %convert_element_type3A_591 : vector<16xi32>
      %sub3A_593 = arith.constant 12 : i32
      %sub3A_594 = vector.broadcast %sub3A_593 : i32 to vector<16xi32>
      %sub3A_595 = arith.subi %iota3A_195, %sub3A_594 : vector<16xi32>
      %max3A_596 = arith.constant 0 : i32
      %max3A_597 = vector.broadcast %max3A_596 : i32 to vector<16xi32>
      %max3A_598 = arith.maxsi %sub3A_595, %max3A_597 : vector<16xi32>
      %broadcast_in_dim3A_599 = vector.shape_cast %max3A_598 : vector<16xi32> to vector<16x1xi32>
      %gather3A_600 = vector.shape_cast %broadcast_in_dim3A_599 : vector<16x1xi32> to vector<16xi32>
      %gather3A_601 = tpu.dynamic_gather %select_n3A_418[%gather3A_600] in [0] : vector<16xi32>, vector<16xi32> -> vector<16xi32>
      %eq3A_602 = arith.cmpi eq, %gather3A_601, %select_n3A_418 : vector<16xi32>
      %ge3A_603 = arith.constant 12 : i32
      %ge3A_604 = vector.broadcast %ge3A_603 : i32 to vector<16xi32>
      %ge3A_605 = arith.cmpi sge, %iota3A_195, %ge3A_604 : vector<16xi32>
      %and3A_606 = arith.andi %eq3A_602, %ge3A_605 : vector<16xi1>
      %convert_element_type3A_607 = arith.extui %and3A_606 : vector<16xi1> to vector<16xi32>
      %add3A_608 = arith.addi %add3A_592, %convert_element_type3A_607 : vector<16xi32>
      %sub3A_609 = arith.constant 13 : i32
      %sub3A_610 = vector.broadcast %sub3A_609 : i32 to vector<16xi32>
      %sub3A_611 = arith.subi %iota3A_195, %sub3A_610 : vector<16xi32>
      %max3A_612 = arith.constant 0 : i32
      %max3A_613 = vector.broadcast %max3A_612 : i32 to vector<16xi32>
      %max3A_614 = arith.maxsi %sub3A_611, %max3A_613 : vector<16xi32>
      %broadcast_in_dim3A_615 = vector.shape_cast %max3A_614 : vector<16xi32> to vector<16x1xi32>
      %gather3A_616 = vector.shape_cast %broadcast_in_dim3A_615 : vector<16x1xi32> to vector<16xi32>
      %gather3A_617 = tpu.dynamic_gather %select_n3A_418[%gather3A_616] in [0] : vector<16xi32>, vector<16xi32> -> vector<16xi32>
      %eq3A_618 = arith.cmpi eq, %gather3A_617, %select_n3A_418 : vector<16xi32>
      %ge3A_619 = arith.constant 13 : i32
      %ge3A_620 = vector.broadcast %ge3A_619 : i32 to vector<16xi32>
      %ge3A_621 = arith.cmpi sge, %iota3A_195, %ge3A_620 : vector<16xi32>
      %and3A_622 = arith.andi %eq3A_618, %ge3A_621 : vector<16xi1>
      %convert_element_type3A_623 = arith.extui %and3A_622 : vector<16xi1> to vector<16xi32>
      %add3A_624 = arith.addi %add3A_608, %convert_element_type3A_623 : vector<16xi32>
      %sub3A_625 = arith.constant 14 : i32
      %sub3A_626 = vector.broadcast %sub3A_625 : i32 to vector<16xi32>
      %sub3A_627 = arith.subi %iota3A_195, %sub3A_626 : vector<16xi32>
      %max3A_628 = arith.constant 0 : i32
      %max3A_629 = vector.broadcast %max3A_628 : i32 to vector<16xi32>
      %max3A_630 = arith.maxsi %sub3A_627, %max3A_629 : vector<16xi32>
      %broadcast_in_dim3A_631 = vector.shape_cast %max3A_630 : vector<16xi32> to vector<16x1xi32>
      %gather3A_632 = vector.shape_cast %broadcast_in_dim3A_631 : vector<16x1xi32> to vector<16xi32>
      %gather3A_633 = tpu.dynamic_gather %select_n3A_418[%gather3A_632] in [0] : vector<16xi32>, vector<16xi32> -> vector<16xi32>
      %eq3A_634 = arith.cmpi eq, %gather3A_633, %select_n3A_418 : vector<16xi32>
      %ge3A_635 = arith.constant 14 : i32
      %ge3A_636 = vector.broadcast %ge3A_635 : i32 to vector<16xi32>
      %ge3A_637 = arith.cmpi sge, %iota3A_195, %ge3A_636 : vector<16xi32>
      %and3A_638 = arith.andi %eq3A_634, %ge3A_637 : vector<16xi1>
      %convert_element_type3A_639 = arith.extui %and3A_638 : vector<16xi1> to vector<16xi32>
      %add3A_640 = arith.addi %add3A_624, %convert_element_type3A_639 : vector<16xi32>
      %sub3A_641 = arith.constant 15 : i32
      %sub3A_642 = vector.broadcast %sub3A_641 : i32 to vector<16xi32>
      %sub3A_643 = arith.subi %iota3A_195, %sub3A_642 : vector<16xi32>
      %max3A_644 = arith.constant 0 : i32
      %max3A_645 = vector.broadcast %max3A_644 : i32 to vector<16xi32>
      %max3A_646 = arith.maxsi %sub3A_643, %max3A_645 : vector<16xi32>
      %broadcast_in_dim3A_647 = vector.shape_cast %max3A_646 : vector<16xi32> to vector<16x1xi32>
      %gather3A_648 = vector.shape_cast %broadcast_in_dim3A_647 : vector<16x1xi32> to vector<16xi32>
      %gather3A_649 = tpu.dynamic_gather %select_n3A_418[%gather3A_648] in [0] : vector<16xi32>, vector<16xi32> -> vector<16xi32>
      %eq3A_650 = arith.cmpi eq, %gather3A_649, %select_n3A_418 : vector<16xi32>
      %ge3A_651 = arith.constant 15 : i32
      %ge3A_652 = vector.broadcast %ge3A_651 : i32 to vector<16xi32>
      %ge3A_653 = arith.cmpi sge, %iota3A_195, %ge3A_652 : vector<16xi32>
      %and3A_654 = arith.andi %eq3A_650, %ge3A_653 : vector<16xi1>
      %convert_element_type3A_655 = arith.extui %and3A_654 : vector<16xi1> to vector<16xi32>
      %add3A_656 = arith.addi %add3A_640, %convert_element_type3A_655 : vector<16xi32>
      %gather3A_657 = tpu.vector_load_idx %arg12[%select_n3A_418] : memref<272xi32, #tpu.memory_space<vmem>>[vector<16xi32>], vector<16xi32>,
      %add3A_658 = arith.addi %gather3A_657, %add3A_656 : vector<16xi32>
      tpu.vector_store_idx %arg10[%add3A_658], %get3A_413 masked %lt3A_409 : memref<16400xi32, #tpu.memory_space<vmem>>[vector<16xi32>], vector<16xi32>, vector<16xi1>
      %broadcast_in_dim3A_659 = arith.constant 1 : i32
      %broadcast_in_dim3A_660 = vector.broadcast %broadcast_in_dim3A_659 : i32 to vector<16xi32>
      tpu.vector_store_idx %arg12[%select_n3A_418], %broadcast_in_dim3A_660 masked %lt3A_409 {add = true} : memref<272xi32, #tpu.memory_space<vmem>>[vector<16xi32>], vector<16xi32>, vector<16xi1>
    }
    %get3A_294 = arith.constant 0 : i32
    %get3A_295 = arith.index_cast %get3A_294 : i32 to index
    %get3A_296 = tpu.vector_load %arg11[%get3A_295] {strides = array<i32>} : memref<272xi32, #tpu.memory_space<vmem>>, vector<16xi32>,
    %slice3A_297 = vector.extract_strided_slice %get3A_296 {offsets = [0], sizes = [1], strides = [1]} : vector<16xi32> to vector<1xi32>
    %squeeze3A_298 = vector.extract %slice3A_297[0] : i32 from vector<1xi32>
    %lt3A_299 = arith.constant 0 : i32
    %lt3A_300 = arith.constant 25 : i32
    %lt3A_301 = arith.cmpi slt, %lt3A_299, %lt3A_300 : i32
    %gt3A_302 = arith.constant 0 : i32
    %gt3A_303 = arith.cmpi sgt, %squeeze3A_298, %gt3A_302 : i32
    %and3A_304 = arith.andi %lt3A_301, %gt3A_303 : i1
    %convert_element_type3A_305 = arith.extui %and3A_304 : i1 to i32
    %cond3A_306 = arith.constant 0 : i32
    %cond3A_307 = arith.constant 0 : i32
    %cond3A_308 = arith.cmpi ne, %convert_element_type3A_305, %cond3A_307 : i32
    scf.if %cond3A_308 {
      %add3A_403 = arith.addi %mul3A_194, %cond3A_306 : i32
      %mul3A_404 = arith.constant 128 : i32
      %mul3A_405 = arith.muli %add3A_403, %mul3A_404 : i32
      %multiple_of3A = tpu.assume_multiple %mul3A_405, 128 : i32
      %rem3A_406 = arith.constant 8 : i32
      %rem3A_407 = arith.remsi %cond3A_306, %rem3A_406 : i32
      %dma_start3A = arith.constant 0 : i32
      %dma_start3A_408 = arith.constant 0 : i32
      %dma_start3A_409 = tpu.memref_slice %arg14[%rem3A_407, %dma_start3A, %dma_start3A_408] : memref<8x64x128xf32, #tpu.memory_space<vmem>> -> memref<1x64x128xf32, #tpu.memory_space<vmem>>
      %dma_start3A_410 = tpu.memref_squeeze %dma_start3A_409 : memref<1x64x128xf32, #tpu.memory_space<vmem>> -> memref<64x128xf32, #tpu.memory_space<vmem>>
      %dma_start3A_411 = arith.constant 0 : i32
      %dma_start3A_412 = tpu.memref_slice %arg5[%dma_start3A_411, %multiple_of3A] : memref<64x100000xf32, #tpu.memory_space<hbm>> -> memref<64x128xf32, #tpu.memory_space<hbm>>
      %dma_start3A_413 = arith.constant 0 : i32
      %dma_start3A_414 = arith.constant 0 : i32
      %dma_start3A_415 = tpu.memref_slice %arg14[%rem3A_407, %dma_start3A_413, %dma_start3A_414] : memref<8x64x128xf32, #tpu.memory_space<vmem>> -> memref<1x64x128xf32, #tpu.memory_space<vmem>>
      %dma_start3A_416 = tpu.memref_squeeze %dma_start3A_415 : memref<1x64x128xf32, #tpu.memory_space<vmem>> -> memref<64x128xf32, #tpu.memory_space<vmem>>
      %dma_start3A_417 = arith.constant 0 : i32
      %dma_start3A_418 = tpu.memref_slice %arg5[%dma_start3A_417, %multiple_of3A] : memref<64x100000xf32, #tpu.memory_space<hbm>> -> memref<64x128xf32, #tpu.memory_space<hbm>>
      tpu.enqueue_dma source(%dma_start3A_418 : memref<64x128xf32, #tpu.memory_space<hbm>>) target(%dma_start3A_416 : memref<64x128xf32, #tpu.memory_space<vmem>>) target_semaphore(%arg16 : memref<!tpu.dma_semaphore, #tpu.memory_space<semaphore_mem>>)
    } else {
    }
    %get3A_309 = arith.constant 1 : i32
    %get3A_310 = arith.index_cast %get3A_309 : i32 to index
    %get3A_311 = tpu.vector_load %arg11[%get3A_310] {strides = array<i32>} : memref<272xi32, #tpu.memory_space<vmem>>, vector<16xi32>,
    %slice3A_312 = vector.extract_strided_slice %get3A_311 {offsets = [0], sizes = [1], strides = [1]} : vector<16xi32> to vector<1xi32>
    %squeeze3A_313 = vector.extract %slice3A_312[0] : i32 from vector<1xi32>
    %lt3A_314 = arith.constant 1 : i32
    %lt3A_315 = arith.constant 25 : i32
    %lt3A_316 = arith.cmpi slt, %lt3A_314, %lt3A_315 : i32
    %gt3A_317 = arith.constant 0 : i32
    %gt3A_318 = arith.cmpi sgt, %squeeze3A_313, %gt3A_317 : i32
    %and3A_319 = arith.andi %lt3A_316, %gt3A_318 : i1
    %convert_element_type3A_320 = arith.extui %and3A_319 : i1 to i32
    %cond3A_321 = arith.constant 1 : i32
    %cond3A_322 = arith.constant 0 : i32
    %cond3A_323 = arith.cmpi ne, %convert_element_type3A_320, %cond3A_322 : i32
    scf.if %cond3A_323 {
      %add3A_403 = arith.addi %mul3A_194, %cond3A_321 : i32
      %mul3A_404 = arith.constant 128 : i32
      %mul3A_405 = arith.muli %add3A_403, %mul3A_404 : i32
      %multiple_of3A = tpu.assume_multiple %mul3A_405, 128 : i32
      %rem3A_406 = arith.constant 8 : i32
      %rem3A_407 = arith.remsi %cond3A_321, %rem3A_406 : i32
      %dma_start3A = arith.constant 0 : i32
      %dma_start3A_408 = arith.constant 0 : i32
      %dma_start3A_409 = tpu.memref_slice %arg14[%rem3A_407, %dma_start3A, %dma_start3A_408] : memref<8x64x128xf32, #tpu.memory_space<vmem>> -> memref<1x64x128xf32, #tpu.memory_space<vmem>>
      %dma_start3A_410 = tpu.memref_squeeze %dma_start3A_409 : memref<1x64x128xf32, #tpu.memory_space<vmem>> -> memref<64x128xf32, #tpu.memory_space<vmem>>
      %dma_start3A_411 = arith.constant 0 : i32
      %dma_start3A_412 = tpu.memref_slice %arg5[%dma_start3A_411, %multiple_of3A] : memref<64x100000xf32, #tpu.memory_space<hbm>> -> memref<64x128xf32, #tpu.memory_space<hbm>>
      %dma_start3A_413 = arith.constant 0 : i32
      %dma_start3A_414 = arith.constant 0 : i32
      %dma_start3A_415 = tpu.memref_slice %arg14[%rem3A_407, %dma_start3A_413, %dma_start3A_414] : memref<8x64x128xf32, #tpu.memory_space<vmem>> -> memref<1x64x128xf32, #tpu.memory_space<vmem>>
      %dma_start3A_416 = tpu.memref_squeeze %dma_start3A_415 : memref<1x64x128xf32, #tpu.memory_space<vmem>> -> memref<64x128xf32, #tpu.memory_space<vmem>>
      %dma_start3A_417 = arith.constant 0 : i32
      %dma_start3A_418 = tpu.memref_slice %arg5[%dma_start3A_417, %multiple_of3A] : memref<64x100000xf32, #tpu.memory_space<hbm>> -> memref<64x128xf32, #tpu.memory_space<hbm>>
      tpu.enqueue_dma source(%dma_start3A_418 : memref<64x128xf32, #tpu.memory_space<hbm>>) target(%dma_start3A_416 : memref<64x128xf32, #tpu.memory_space<vmem>>) target_semaphore(%arg16 : memref<!tpu.dma_semaphore, #tpu.memory_space<semaphore_mem>>)
    } else {
    }
    %get3A_324 = arith.constant 2 : i32
    %get3A_325 = arith.index_cast %get3A_324 : i32 to index
    %get3A_326 = tpu.vector_load %arg11[%get3A_325] {strides = array<i32>} : memref<272xi32, #tpu.memory_space<vmem>>, vector<16xi32>,
    %slice3A_327 = vector.extract_strided_slice %get3A_326 {offsets = [0], sizes = [1], strides = [1]} : vector<16xi32> to vector<1xi32>
    %squeeze3A_328 = vector.extract %slice3A_327[0] : i32 from vector<1xi32>
    %lt3A_329 = arith.constant 2 : i32
    %lt3A_330 = arith.constant 25 : i32
    %lt3A_331 = arith.cmpi slt, %lt3A_329, %lt3A_330 : i32
    %gt3A_332 = arith.constant 0 : i32
    %gt3A_333 = arith.cmpi sgt, %squeeze3A_328, %gt3A_332 : i32
    %and3A_334 = arith.andi %lt3A_331, %gt3A_333 : i1
    %convert_element_type3A_335 = arith.extui %and3A_334 : i1 to i32
    %cond3A_336 = arith.constant 2 : i32
    %cond3A_337 = arith.constant 0 : i32
    %cond3A_338 = arith.cmpi ne, %convert_element_type3A_335, %cond3A_337 : i32
    scf.if %cond3A_338 {
      %add3A_403 = arith.addi %mul3A_194, %cond3A_336 : i32
      %mul3A_404 = arith.constant 128 : i32
      %mul3A_405 = arith.muli %add3A_403, %mul3A_404 : i32
      %multiple_of3A = tpu.assume_multiple %mul3A_405, 128 : i32
      %rem3A_406 = arith.constant 8 : i32
      %rem3A_407 = arith.remsi %cond3A_336, %rem3A_406 : i32
      %dma_start3A = arith.constant 0 : i32
      %dma_start3A_408 = arith.constant 0 : i32
      %dma_start3A_409 = tpu.memref_slice %arg14[%rem3A_407, %dma_start3A, %dma_start3A_408] : memref<8x64x128xf32, #tpu.memory_space<vmem>> -> memref<1x64x128xf32, #tpu.memory_space<vmem>>
      %dma_start3A_410 = tpu.memref_squeeze %dma_start3A_409 : memref<1x64x128xf32, #tpu.memory_space<vmem>> -> memref<64x128xf32, #tpu.memory_space<vmem>>
      %dma_start3A_411 = arith.constant 0 : i32
      %dma_start3A_412 = tpu.memref_slice %arg5[%dma_start3A_411, %multiple_of3A] : memref<64x100000xf32, #tpu.memory_space<hbm>> -> memref<64x128xf32, #tpu.memory_space<hbm>>
      %dma_start3A_413 = arith.constant 0 : i32
      %dma_start3A_414 = arith.constant 0 : i32
      %dma_start3A_415 = tpu.memref_slice %arg14[%rem3A_407, %dma_start3A_413, %dma_start3A_414] : memref<8x64x128xf32, #tpu.memory_space<vmem>> -> memref<1x64x128xf32, #tpu.memory_space<vmem>>
      %dma_start3A_416 = tpu.memref_squeeze %dma_start3A_415 : memref<1x64x128xf32, #tpu.memory_space<vmem>> -> memref<64x128xf32, #tpu.memory_space<vmem>>
      %dma_start3A_417 = arith.constant 0 : i32
      %dma_start3A_418 = tpu.memref_slice %arg5[%dma_start3A_417, %multiple_of3A] : memref<64x100000xf32, #tpu.memory_space<hbm>> -> memref<64x128xf32, #tpu.memory_space<hbm>>
      tpu.enqueue_dma source(%dma_start3A_418 : memref<64x128xf32, #tpu.memory_space<hbm>>) target(%dma_start3A_416 : memref<64x128xf32, #tpu.memory_space<vmem>>) target_semaphore(%arg16 : memref<!tpu.dma_semaphore, #tpu.memory_space<semaphore_mem>>)
    } else {
    }
    %get3A_339 = arith.constant 3 : i32
    %get3A_340 = arith.index_cast %get3A_339 : i32 to index
    %get3A_341 = tpu.vector_load %arg11[%get3A_340] {strides = array<i32>} : memref<272xi32, #tpu.memory_space<vmem>>, vector<16xi32>,
    %slice3A_342 = vector.extract_strided_slice %get3A_341 {offsets = [0], sizes = [1], strides = [1]} : vector<16xi32> to vector<1xi32>
    %squeeze3A_343 = vector.extract %slice3A_342[0] : i32 from vector<1xi32>
    %lt3A_344 = arith.constant 3 : i32
    %lt3A_345 = arith.constant 25 : i32
    %lt3A_346 = arith.cmpi slt, %lt3A_344, %lt3A_345 : i32
    %gt3A_347 = arith.constant 0 : i32
    %gt3A_348 = arith.cmpi sgt, %squeeze3A_343, %gt3A_347 : i32
    %and3A_349 = arith.andi %lt3A_346, %gt3A_348 : i1
    %convert_element_type3A_350 = arith.extui %and3A_349 : i1 to i32
    %cond3A_351 = arith.constant 3 : i32
    %cond3A_352 = arith.constant 0 : i32
    %cond3A_353 = arith.cmpi ne, %convert_element_type3A_350, %cond3A_352 : i32
    scf.if %cond3A_353 {
      %add3A_403 = arith.addi %mul3A_194, %cond3A_351 : i32
      %mul3A_404 = arith.constant 128 : i32
      %mul3A_405 = arith.muli %add3A_403, %mul3A_404 : i32
      %multiple_of3A = tpu.assume_multiple %mul3A_405, 128 : i32
      %rem3A_406 = arith.constant 8 : i32
      %rem3A_407 = arith.remsi %cond3A_351, %rem3A_406 : i32
      %dma_start3A = arith.constant 0 : i32
      %dma_start3A_408 = arith.constant 0 : i32
      %dma_start3A_409 = tpu.memref_slice %arg14[%rem3A_407, %dma_start3A, %dma_start3A_408] : memref<8x64x128xf32, #tpu.memory_space<vmem>> -> memref<1x64x128xf32, #tpu.memory_space<vmem>>
      %dma_start3A_410 = tpu.memref_squeeze %dma_start3A_409 : memref<1x64x128xf32, #tpu.memory_space<vmem>> -> memref<64x128xf32, #tpu.memory_space<vmem>>
      %dma_start3A_411 = arith.constant 0 : i32
      %dma_start3A_412 = tpu.memref_slice %arg5[%dma_start3A_411, %multiple_of3A] : memref<64x100000xf32, #tpu.memory_space<hbm>> -> memref<64x128xf32, #tpu.memory_space<hbm>>
      %dma_start3A_413 = arith.constant 0 : i32
      %dma_start3A_414 = arith.constant 0 : i32
      %dma_start3A_415 = tpu.memref_slice %arg14[%rem3A_407, %dma_start3A_413, %dma_start3A_414] : memref<8x64x128xf32, #tpu.memory_space<vmem>> -> memref<1x64x128xf32, #tpu.memory_space<vmem>>
      %dma_start3A_416 = tpu.memref_squeeze %dma_start3A_415 : memref<1x64x128xf32, #tpu.memory_space<vmem>> -> memref<64x128xf32, #tpu.memory_space<vmem>>
      %dma_start3A_417 = arith.constant 0 : i32
      %dma_start3A_418 = tpu.memref_slice %arg5[%dma_start3A_417, %multiple_of3A] : memref<64x100000xf32, #tpu.memory_space<hbm>> -> memref<64x128xf32, #tpu.memory_space<hbm>>
      tpu.enqueue_dma source(%dma_start3A_418 : memref<64x128xf32, #tpu.memory_space<hbm>>) target(%dma_start3A_416 : memref<64x128xf32, #tpu.memory_space<vmem>>) target_semaphore(%arg16 : memref<!tpu.dma_semaphore, #tpu.memory_space<semaphore_mem>>)
    } else {
    }
    %get3A_354 = arith.constant 4 : i32
    %get3A_355 = arith.index_cast %get3A_354 : i32 to index
    %get3A_356 = tpu.vector_load %arg11[%get3A_355] {strides = array<i32>} : memref<272xi32, #tpu.memory_space<vmem>>, vector<16xi32>,
    %slice3A_357 = vector.extract_strided_slice %get3A_356 {offsets = [0], sizes = [1], strides = [1]} : vector<16xi32> to vector<1xi32>
    %squeeze3A_358 = vector.extract %slice3A_357[0] : i32 from vector<1xi32>
    %lt3A_359 = arith.constant 4 : i32
    %lt3A_360 = arith.constant 25 : i32
    %lt3A_361 = arith.cmpi slt, %lt3A_359, %lt3A_360 : i32
    %gt3A_362 = arith.constant 0 : i32
    %gt3A_363 = arith.cmpi sgt, %squeeze3A_358, %gt3A_362 : i32
    %and3A_364 = arith.andi %lt3A_361, %gt3A_363 : i1
    %convert_element_type3A_365 = arith.extui %and3A_364 : i1 to i32
    %cond3A_366 = arith.constant 4 : i32
    %cond3A_367 = arith.constant 0 : i32
    %cond3A_368 = arith.cmpi ne, %convert_element_type3A_365, %cond3A_367 : i32
    scf.if %cond3A_368 {
      %add3A_403 = arith.addi %mul3A_194, %cond3A_366 : i32
      %mul3A_404 = arith.constant 128 : i32
      %mul3A_405 = arith.muli %add3A_403, %mul3A_404 : i32
      %multiple_of3A = tpu.assume_multiple %mul3A_405, 128 : i32
      %rem3A_406 = arith.constant 8 : i32
      %rem3A_407 = arith.remsi %cond3A_366, %rem3A_406 : i32
      %dma_start3A = arith.constant 0 : i32
      %dma_start3A_408 = arith.constant 0 : i32
      %dma_start3A_409 = tpu.memref_slice %arg14[%rem3A_407, %dma_start3A, %dma_start3A_408] : memref<8x64x128xf32, #tpu.memory_space<vmem>> -> memref<1x64x128xf32, #tpu.memory_space<vmem>>
      %dma_start3A_410 = tpu.memref_squeeze %dma_start3A_409 : memref<1x64x128xf32, #tpu.memory_space<vmem>> -> memref<64x128xf32, #tpu.memory_space<vmem>>
      %dma_start3A_411 = arith.constant 0 : i32
      %dma_start3A_412 = tpu.memref_slice %arg5[%dma_start3A_411, %multiple_of3A] : memref<64x100000xf32, #tpu.memory_space<hbm>> -> memref<64x128xf32, #tpu.memory_space<hbm>>
      %dma_start3A_413 = arith.constant 0 : i32
      %dma_start3A_414 = arith.constant 0 : i32
      %dma_start3A_415 = tpu.memref_slice %arg14[%rem3A_407, %dma_start3A_413, %dma_start3A_414] : memref<8x64x128xf32, #tpu.memory_space<vmem>> -> memref<1x64x128xf32, #tpu.memory_space<vmem>>
      %dma_start3A_416 = tpu.memref_squeeze %dma_start3A_415 : memref<1x64x128xf32, #tpu.memory_space<vmem>> -> memref<64x128xf32, #tpu.memory_space<vmem>>
      %dma_start3A_417 = arith.constant 0 : i32
      %dma_start3A_418 = tpu.memref_slice %arg5[%dma_start3A_417, %multiple_of3A] : memref<64x100000xf32, #tpu.memory_space<hbm>> -> memref<64x128xf32, #tpu.memory_space<hbm>>
      tpu.enqueue_dma source(%dma_start3A_418 : memref<64x128xf32, #tpu.memory_space<hbm>>) target(%dma_start3A_416 : memref<64x128xf32, #tpu.memory_space<vmem>>) target_semaphore(%arg16 : memref<!tpu.dma_semaphore, #tpu.memory_space<semaphore_mem>>)
    } else {
    }
    %get3A_369 = arith.constant 5 : i32
    %get3A_370 = arith.index_cast %get3A_369 : i32 to index
    %get3A_371 = tpu.vector_load %arg11[%get3A_370] {strides = array<i32>} : memref<272xi32, #tpu.memory_space<vmem>>, vector<16xi32>,
    %slice3A_372 = vector.extract_strided_slice %get3A_371 {offsets = [0], sizes = [1], strides = [1]} : vector<16xi32> to vector<1xi32>
    %squeeze3A_373 = vector.extract %slice3A_372[0] : i32 from vector<1xi32>
    %lt3A_374 = arith.constant 5 : i32
    %lt3A_375 = arith.constant 25 : i32
    %lt3A_376 = arith.cmpi slt, %lt3A_374, %lt3A_375 : i32
    %gt3A_377 = arith.constant 0 : i32
    %gt3A_378 = arith.cmpi sgt, %squeeze3A_373, %gt3A_377 : i32
    %and3A_379 = arith.andi %lt3A_376, %gt3A_378 : i1
    %convert_element_type3A_380 = arith.extui %and3A_379 : i1 to i32
    %cond3A_381 = arith.constant 5 : i32
    %cond3A_382 = arith.constant 0 : i32
    %cond3A_383 = arith.cmpi ne, %convert_element_type3A_380, %cond3A_382 : i32
    scf.if %cond3A_383 {
      %add3A_403 = arith.addi %mul3A_194, %cond3A_381 : i32
      %mul3A_404 = arith.constant 128 : i32
      %mul3A_405 = arith.muli %add3A_403, %mul3A_404 : i32
      %multiple_of3A = tpu.assume_multiple %mul3A_405, 128 : i32
      %rem3A_406 = arith.constant 8 : i32
      %rem3A_407 = arith.remsi %cond3A_381, %rem3A_406 : i32
      %dma_start3A = arith.constant 0 : i32
      %dma_start3A_408 = arith.constant 0 : i32
      %dma_start3A_409 = tpu.memref_slice %arg14[%rem3A_407, %dma_start3A, %dma_start3A_408] : memref<8x64x128xf32, #tpu.memory_space<vmem>> -> memref<1x64x128xf32, #tpu.memory_space<vmem>>
      %dma_start3A_410 = tpu.memref_squeeze %dma_start3A_409 : memref<1x64x128xf32, #tpu.memory_space<vmem>> -> memref<64x128xf32, #tpu.memory_space<vmem>>
      %dma_start3A_411 = arith.constant 0 : i32
      %dma_start3A_412 = tpu.memref_slice %arg5[%dma_start3A_411, %multiple_of3A] : memref<64x100000xf32, #tpu.memory_space<hbm>> -> memref<64x128xf32, #tpu.memory_space<hbm>>
      %dma_start3A_413 = arith.constant 0 : i32
      %dma_start3A_414 = arith.constant 0 : i32
      %dma_start3A_415 = tpu.memref_slice %arg14[%rem3A_407, %dma_start3A_413, %dma_start3A_414] : memref<8x64x128xf32, #tpu.memory_space<vmem>> -> memref<1x64x128xf32, #tpu.memory_space<vmem>>
      %dma_start3A_416 = tpu.memref_squeeze %dma_start3A_415 : memref<1x64x128xf32, #tpu.memory_space<vmem>> -> memref<64x128xf32, #tpu.memory_space<vmem>>
      %dma_start3A_417 = arith.constant 0 : i32
      %dma_start3A_418 = tpu.memref_slice %arg5[%dma_start3A_417, %multiple_of3A] : memref<64x100000xf32, #tpu.memory_space<hbm>> -> memref<64x128xf32, #tpu.memory_space<hbm>>
      tpu.enqueue_dma source(%dma_start3A_418 : memref<64x128xf32, #tpu.memory_space<hbm>>) target(%dma_start3A_416 : memref<64x128xf32, #tpu.memory_space<vmem>>) target_semaphore(%arg16 : memref<!tpu.dma_semaphore, #tpu.memory_space<semaphore_mem>>)
    } else {
    }
    %scan3A_384 = arith.constant 0 : i32
    %scan3A_385 = arith.constant 0 : i32
    %scan3A_386 = arith.constant 25 : i32
    %scan3A_387 = arith.addi %scan3A_385, %scan3A_386 : i32
    %scan3A_388 = arith.constant 1 : i32
    %scan3A_389 = scf.for %scan3A_403 = %scan3A_385 to %scan3A_387 step %scan3A_388 iter_args(%scan3A_404 = %scan3A_384) -> (i32)  : i32 {
      %add3A_405 = arith.constant 6 : i32
      %add3A_406 = arith.addi %scan3A_403, %add3A_405 : i32
      %get3A_407 = arith.index_cast %add3A_406 : i32 to index
      %get3A_408 = tpu.vector_load %arg11[%get3A_407] {strides = array<i32>} : memref<272xi32, #tpu.memory_space<vmem>>, vector<16xi32>,
      %slice3A_409 = vector.extract_strided_slice %get3A_408 {offsets = [0], sizes = [1], strides = [1]} : vector<16xi32> to vector<1xi32>
      %squeeze3A_410 = vector.extract %slice3A_409[0] : i32 from vector<1xi32>
      %lt3A_411 = arith.constant 25 : i32
      %lt3A_412 = arith.cmpi slt, %add3A_406, %lt3A_411 : i32
      %gt3A_413 = arith.constant 0 : i32
      %gt3A_414 = arith.cmpi sgt, %squeeze3A_410, %gt3A_413 : i32
      %and3A_415 = arith.andi %lt3A_412, %gt3A_414 : i1
      %convert_element_type3A_416 = arith.extui %and3A_415 : i1 to i32
      %cond3A_417 = arith.constant 0 : i32
      %cond3A_418 = arith.cmpi ne, %convert_element_type3A_416, %cond3A_417 : i32
      scf.if %cond3A_418 {
        %add3A_445 = arith.addi %mul3A_194, %add3A_406 : i32
        %mul3A_446 = arith.constant 128 : i32
        %mul3A_447 = arith.muli %add3A_445, %mul3A_446 : i32
        %multiple_of3A = tpu.assume_multiple %mul3A_447, 128 : i32
        %rem3A_448 = arith.constant 8 : i32
        %rem3A_449 = arith.remsi %add3A_406, %rem3A_448 : i32
        %dma_start3A = arith.constant 0 : i32
        %dma_start3A_450 = arith.constant 0 : i32
        %dma_start3A_451 = tpu.memref_slice %arg14[%rem3A_449, %dma_start3A, %dma_start3A_450] : memref<8x64x128xf32, #tpu.memory_space<vmem>> -> memref<1x64x128xf32, #tpu.memory_space<vmem>>
        %dma_start3A_452 = tpu.memref_squeeze %dma_start3A_451 : memref<1x64x128xf32, #tpu.memory_space<vmem>> -> memref<64x128xf32, #tpu.memory_space<vmem>>
        %dma_start3A_453 = arith.constant 0 : i32
        %dma_start3A_454 = tpu.memref_slice %arg5[%dma_start3A_453, %multiple_of3A] : memref<64x100000xf32, #tpu.memory_space<hbm>> -> memref<64x128xf32, #tpu.memory_space<hbm>>
        %dma_start3A_455 = arith.constant 0 : i32
        %dma_start3A_456 = arith.constant 0 : i32
        %dma_start3A_457 = tpu.memref_slice %arg14[%rem3A_449, %dma_start3A_455, %dma_start3A_456] : memref<8x64x128xf32, #tpu.memory_space<vmem>> -> memref<1x64x128xf32, #tpu.memory_space<vmem>>
        %dma_start3A_458 = tpu.memref_squeeze %dma_start3A_457 : memref<1x64x128xf32, #tpu.memory_space<vmem>> -> memref<64x128xf32, #tpu.memory_space<vmem>>
        %dma_start3A_459 = arith.constant 0 : i32
        %dma_start3A_460 = tpu.memref_slice %arg5[%dma_start3A_459, %multiple_of3A] : memref<64x100000xf32, #tpu.memory_space<hbm>> -> memref<64x128xf32, #tpu.memory_space<hbm>>
        tpu.enqueue_dma source(%dma_start3A_460 : memref<64x128xf32, #tpu.memory_space<hbm>>) target(%dma_start3A_458 : memref<64x128xf32, #tpu.memory_space<vmem>>) target_semaphore(%arg16 : memref<!tpu.dma_semaphore, #tpu.memory_space<semaphore_mem>>)
      } else {
      }
      %rem3A_419 = arith.constant 8 : i32
      %rem3A_420 = arith.remsi %scan3A_403, %rem3A_419 : i32
      %get3A_421 = arith.index_cast %scan3A_403 : i32 to index
      %get3A_422 = tpu.vector_load %arg11[%get3A_421] {strides = array<i32>} : memref<272xi32, #tpu.memory_space<vmem>>, vector<16xi32>,
      %slice3A_423 = vector.extract_strided_slice %get3A_422 {offsets = [0], sizes = [1], strides = [1]} : vector<16xi32> to vector<1xi32>
      %squeeze3A_424 = vector.extract %slice3A_423[0] : i32 from vector<1xi32>
      %get3A_425 = arith.index_cast %scan3A_403 : i32 to index
      %get3A_426 = tpu.vector_load %arg13[%get3A_425] {strides = array<i32>} : memref<272xi32, #tpu.memory_space<vmem>>, vector<16xi32>,
      %slice3A_427 = vector.extract_strided_slice %get3A_426 {offsets = [0], sizes = [1], strides = [1]} : vector<16xi32> to vector<1xi32>
      %squeeze3A_428 = vector.extract %slice3A_427[0] : i32 from vector<1xi32>
      %gt3A_429 = arith.constant 0 : i32
      %gt3A_430 = arith.cmpi sgt, %squeeze3A_424, %gt3A_429 : i32
      %convert_element_type3A_431 = arith.extui %gt3A_430 : i1 to i32
      %cond3A_432 = arith.constant 0 : i32
      %cond3A_433 = arith.cmpi ne, %convert_element_type3A_431, %cond3A_432 : i32
      scf.if %cond3A_433 {
        %dma_wait3A = arith.constant 0 : i32
        %dma_wait3A_445 = arith.constant 0 : i32
        %dma_wait3A_446 = tpu.memref_slice %arg14[%rem3A_420, %dma_wait3A, %dma_wait3A_445] : memref<8x64x128xf32, #tpu.memory_space<vmem>> -> memref<1x64x128xf32, #tpu.memory_space<vmem>>
        %dma_wait3A_447 = tpu.memref_squeeze %dma_wait3A_446 : memref<1x64x128xf32, #tpu.memory_space<vmem>> -> memref<64x128xf32, #tpu.memory_space<vmem>>
        %dma_wait3A_448 = arith.constant 0 : i32
        %dma_wait3A_449 = arith.constant 0 : i32
        %dma_wait3A_450 = tpu.memref_slice %arg5[%dma_wait3A_448, %dma_wait3A_449] : memref<64x100000xf32, #tpu.memory_space<hbm>> -> memref<64x128xf32, #tpu.memory_space<hbm>>
        %dma_wait3A_451 = arith.constant 0 : i32
        %dma_wait3A_452 = arith.constant 0 : i32
        %dma_wait3A_453 = tpu.memref_slice %arg14[%rem3A_420, %dma_wait3A_451, %dma_wait3A_452] : memref<8x64x128xf32, #tpu.memory_space<vmem>> -> memref<1x64x128xf32, #tpu.memory_space<vmem>>
        %dma_wait3A_454 = tpu.memref_squeeze %dma_wait3A_453 : memref<1x64x128xf32, #tpu.memory_space<vmem>> -> memref<64x128xf32, #tpu.memory_space<vmem>>
        %dma_wait3A_455 = arith.constant 0 : i32
        %dma_wait3A_456 = arith.constant 0 : i32
        %dma_wait3A_457 = tpu.memref_slice %arg5[%dma_wait3A_455, %dma_wait3A_456] : memref<64x100000xf32, #tpu.memory_space<hbm>> -> memref<64x128xf32, #tpu.memory_space<hbm>>
        tpu.wait_dma2 semaphore(%arg16 : memref<!tpu.dma_semaphore, #tpu.memory_space<semaphore_mem>>) src(%dma_wait3A_457 : memref<64x128xf32, #tpu.memory_space<hbm>>) dst(%dma_wait3A_454 : memref<64x128xf32, #tpu.memory_space<vmem>>)
      } else {
      }
      %add3A_434 = arith.addi %squeeze3A_428, %squeeze3A_424 : i32
      %while3A_435 = arith.subi %add3A_434, %squeeze3A_428 : i32
      %while3A_436 = arith.addi %squeeze3A_428, %while3A_435 : i32
      %while3A_437 = arith.constant 1 : i32
      %while3A_438 = arith.divsi %while3A_435, %while3A_437 : i32
      %while3A_439 = arith.muli %while3A_438, %while3A_437 : i32
      %while3A_440 = arith.addi %squeeze3A_428, %while3A_439 : i32
      %while3A_441 = arith.constant 1 : i32
      %while3A_442 = scf.for %while3A_445 = %squeeze3A_428 to %while3A_440 step %while3A_441 iter_args(%while3A_446 = %scan3A_404) -> (i32)  : i32 {
        %get3A_447 = arith.index_cast %while3A_445 : i32 to index
        %get3A_448 = tpu.vector_load %arg10[%get3A_447] {strides = array<i32>} : memref<16400xi32, #tpu.memory_space<vmem>>, vector<16xi32>,
        %slice3A_449 = vector.extract_strided_slice %get3A_448 {offsets = [0], sizes = [1], strides = [1]} : vector<16xi32> to vector<1xi32>
        %squeeze3A_450 = vector.extract %slice3A_449[0] : i32 from vector<1xi32>
        %shift_right_arithmetic3A = arith.constant 14 : i32
        %shift_right_arithmetic3A_451 = arith.shrsi %squeeze3A_450, %shift_right_arithmetic3A : i32
        %and3A_452 = arith.constant 127 : i32
        %and3A_453 = arith.andi %shift_right_arithmetic3A_451, %and3A_452 : i32
        %and3A_454 = arith.constant 16383 : i32
        %and3A_455 = arith.andi %squeeze3A_450, %and3A_454 : i32
        %jit3A_456 = arith.constant 32 : i32
        %eq3A = arith.constant 0 : i32
        %eq3A_457 = arith.cmpi eq, %jit3A_456, %eq3A : i32
        %jit3A_458 = arith.constant 1 : i32
        %select_n3A_459 = arith.select %eq3A_457, %jit3A_458, %jit3A_456 : i32
        %rem3A_460 = arith.remsi %while3A_446, %select_n3A_459 : i32
        %ne3A_461 = arith.constant 0 : i32
        %ne3A_462 = arith.cmpi ne, %rem3A_460, %ne3A_461 : i32
        %lt3A_463 = arith.constant 0 : i32
        %lt3A_464 = arith.cmpi slt, %rem3A_460, %lt3A_463 : i32
        %lt3A_465 = arith.constant 0 : i32
        %lt3A_466 = arith.cmpi slt, %select_n3A_459, %lt3A_465 : i32
        %ne3A_467 = arith.xori %lt3A_464, %lt3A_466 : i1
        %and3A_468 = arith.andi %ne3A_467, %ne3A_462 : i1
        %add3A_469 = arith.addi %rem3A_460, %select_n3A_459 : i32
        %select_n3A_470 = arith.select %and3A_468, %add3A_469, %rem3A_460 : i32
        %broadcast_in_dim3A_471 = vector.broadcast %rem3A_420 : i32 to vector<16xi32>
        %broadcast_in_dim3A_472 = vector.broadcast %and3A_453 : i32 to vector<16xi32>
        %add3A_473 = arith.constant 0 : i32
        %add3A_474 = vector.broadcast %add3A_473 : i32 to vector<16xi32>
        %add3A_475 = arith.addi %iota3A_195, %add3A_474 : vector<16xi32>
        %gather3A = tpu.vector_load_idx %arg14[%broadcast_in_dim3A_471, %add3A_475, %broadcast_in_dim3A_472] : memref<8x64x128xf32, #tpu.memory_space<vmem>>[vector<16xi32>, vector<16xi32>, vector<16xi32>], vector<16xf32>,
        %swap3A_476 = arith.index_cast %select_n3A_470 : i32 to index
        %swap3A_477 = arith.constant 0 : index
        %swap3A_478 = tpu.vector_load %arg15[%swap3A_476, %swap3A_477] {strides = array<i32>} : memref<32x64xf32, #tpu.memory_space<vmem>>, vector<16xf32>,
        tpu.vector_store %arg15[%swap3A_476, %swap3A_477], %gather3A {strides = array<i32>} : memref<32x64xf32, #tpu.memory_space<vmem>>, vector<16xf32>,
        %add3A_479 = arith.constant 16 : i32
        %add3A_480 = vector.broadcast %add3A_479 : i32 to vector<16xi32>
        %add3A_481 = arith.addi %iota3A_195, %add3A_480 : vector<16xi32>
        %gather3A_482 = tpu.vector_load_idx %arg14[%broadcast_in_dim3A_471, %add3A_481, %broadcast_in_dim3A_472] : memref<8x64x128xf32, #tpu.memory_space<vmem>>[vector<16xi32>, vector<16xi32>, vector<16xi32>], vector<16xf32>,
        %swap3A_483 = arith.index_cast %select_n3A_470 : i32 to index
        %swap3A_484 = arith.constant 16 : index
        %swap3A_485 = tpu.vector_load %arg15[%swap3A_483, %swap3A_484] {strides = array<i32>} : memref<32x64xf32, #tpu.memory_space<vmem>>, vector<16xf32>,
        tpu.vector_store %arg15[%swap3A_483, %swap3A_484], %gather3A_482 {strides = array<i32>} : memref<32x64xf32, #tpu.memory_space<vmem>>, vector<16xf32>,
        %add3A_486 = arith.constant 32 : i32
        %add3A_487 = vector.broadcast %add3A_486 : i32 to vector<16xi32>
        %add3A_488 = arith.addi %iota3A_195, %add3A_487 : vector<16xi32>
        %gather3A_489 = tpu.vector_load_idx %arg14[%broadcast_in_dim3A_471, %add3A_488, %broadcast_in_dim3A_472] : memref<8x64x128xf32, #tpu.memory_space<vmem>>[vector<16xi32>, vector<16xi32>, vector<16xi32>], vector<16xf32>,
        %swap3A_490 = arith.index_cast %select_n3A_470 : i32 to index
        %swap3A_491 = arith.constant 32 : index
        %swap3A_492 = tpu.vector_load %arg15[%swap3A_490, %swap3A_491] {strides = array<i32>} : memref<32x64xf32, #tpu.memory_space<vmem>>, vector<16xf32>,
        tpu.vector_store %arg15[%swap3A_490, %swap3A_491], %gather3A_489 {strides = array<i32>} : memref<32x64xf32, #tpu.memory_space<vmem>>, vector<16xf32>,
        %add3A_493 = arith.constant 48 : i32
        %add3A_494 = vector.broadcast %add3A_493 : i32 to vector<16xi32>
        %add3A_495 = arith.addi %iota3A_195, %add3A_494 : vector<16xi32>
        %gather3A_496 = tpu.vector_load_idx %arg14[%broadcast_in_dim3A_471, %add3A_495, %broadcast_in_dim3A_472] : memref<8x64x128xf32, #tpu.memory_space<vmem>>[vector<16xi32>, vector<16xi32>, vector<16xi32>], vector<16xf32>,
        %swap3A_497 = arith.index_cast %select_n3A_470 : i32 to index
        %swap3A_498 = arith.constant 48 : index
        %swap3A_499 = tpu.vector_load %arg15[%swap3A_497, %swap3A_498] {strides = array<i32>} : memref<32x64xf32, #tpu.memory_space<vmem>>, vector<16xf32>,
        tpu.vector_store %arg15[%swap3A_497, %swap3A_498], %gather3A_496 {strides = array<i32>} : memref<32x64xf32, #tpu.memory_space<vmem>>, vector<16xf32>,
        %mul3A_500 = arith.constant 64 : i32
        %mul3A_501 = arith.muli %and3A_455, %mul3A_500 : i32
        %multiple_of3A = tpu.assume_multiple %mul3A_501, 8 : i32
        %dma_start3A = arith.constant 0 : i32
        %dma_start3A_502 = tpu.memref_slice %arg15[%select_n3A_470, %dma_start3A] : memref<32x64xf32, #tpu.memory_space<vmem>> -> memref<1x64xf32, #tpu.memory_space<vmem>>
        %dma_start3A_503 = tpu.memref_squeeze %dma_start3A_502 : memref<1x64xf32, #tpu.memory_space<vmem>> -> memref<64xf32, #tpu.memory_space<vmem>>
        %dma_start3A_504 = tpu.memref_slice %arg7[%multiple_of3A] : memref<1048576xf32, #tpu.memory_space<hbm>> -> memref<64xf32, #tpu.memory_space<hbm>>
        %dma_start3A_505 = tpu.memref_slice %arg7[%multiple_of3A] : memref<1048576xf32, #tpu.memory_space<hbm>> -> memref<64xf32, #tpu.memory_space<hbm>>
        %dma_start3A_506 = arith.constant 0 : i32
        %dma_start3A_507 = tpu.memref_slice %arg15[%select_n3A_470, %dma_start3A_506] : memref<32x64xf32, #tpu.memory_space<vmem>> -> memref<1x64xf32, #tpu.memory_space<vmem>>
        %dma_start3A_508 = tpu.memref_squeeze %dma_start3A_507 : memref<1x64xf32, #tpu.memory_space<vmem>> -> memref<64xf32, #tpu.memory_space<vmem>>
        tpu.enqueue_dma source(%dma_start3A_508 : memref<64xf32, #tpu.memory_space<vmem>>) target(%dma_start3A_505 : memref<64xf32, #tpu.memory_space<hbm>>) target_semaphore(%arg17 : memref<!tpu.dma_semaphore, #tpu.memory_space<semaphore_mem>>)
        %ge3A = arith.constant 24 : i32
        %ge3A_509 = arith.cmpi sge, %while3A_446, %ge3A : i32
        %convert_element_type3A_510 = arith.extui %ge3A_509 : i1 to i32
        %cond3A_511 = arith.constant 0 : i32
        %cond3A_512 = arith.cmpi ne, %convert_element_type3A_510, %cond3A_511 : i32
        scf.if %cond3A_512 {
          %dma_wait3A = arith.constant 0 : i32
          %dma_wait3A_515 = arith.constant 0 : i32
          %dma_wait3A_516 = tpu.memref_slice %arg15[%dma_wait3A, %dma_wait3A_515] : memref<32x64xf32, #tpu.memory_space<vmem>> -> memref<1x64xf32, #tpu.memory_space<vmem>>
          %dma_wait3A_517 = tpu.memref_squeeze %dma_wait3A_516 : memref<1x64xf32, #tpu.memory_space<vmem>> -> memref<64xf32, #tpu.memory_space<vmem>>
          %dma_wait3A_518 = arith.constant 0 : i32
          %dma_wait3A_519 = tpu.memref_slice %arg7[%dma_wait3A_518] : memref<1048576xf32, #tpu.memory_space<hbm>> -> memref<64xf32, #tpu.memory_space<hbm>>
          %dma_wait3A_520 = arith.constant 0 : i32
          %dma_wait3A_521 = tpu.memref_slice %arg7[%dma_wait3A_520] : memref<1048576xf32, #tpu.memory_space<hbm>> -> memref<64xf32, #tpu.memory_space<hbm>>
          %dma_wait3A_522 = arith.constant 0 : i32
          %dma_wait3A_523 = tpu.memref_slice %arg15[%dma_wait3A, %dma_wait3A_522] : memref<32x64xf32, #tpu.memory_space<vmem>> -> memref<1x64xf32, #tpu.memory_space<vmem>>
          %dma_wait3A_524 = tpu.memref_squeeze %dma_wait3A_523 : memref<1x64xf32, #tpu.memory_space<vmem>> -> memref<64xf32, #tpu.memory_space<vmem>>
          tpu.wait_dma2 semaphore(%arg17 : memref<!tpu.dma_semaphore, #tpu.memory_space<semaphore_mem>>) src(%dma_wait3A_524 : memref<64xf32, #tpu.memory_space<vmem>>) dst(%dma_wait3A_521 : memref<64xf32, #tpu.memory_space<hbm>>)
        } else {
        }
        %add3A_513 = arith.constant 1 : i32
        %add3A_514 = arith.addi %while3A_446, %add3A_513 : i32
        scf.yield %add3A_514 : i32
      }
      %while3A_443 = arith.constant 1 : i32
      %while3A_444 = scf.for %while3A_445 = %while3A_440 to %while3A_436 step %while3A_443 iter_args(%while3A_446 = %while3A_442) -> (i32)  : i32 {
        %get3A_447 = arith.index_cast %while3A_445 : i32 to index
        %get3A_448 = tpu.vector_load %arg10[%get3A_447] {strides = array<i32>} : memref<16400xi32, #tpu.memory_space<vmem>>, vector<16xi32>,
        %slice3A_449 = vector.extract_strided_slice %get3A_448 {offsets = [0], sizes = [1], strides = [1]} : vector<16xi32> to vector<1xi32>
        %squeeze3A_450 = vector.extract %slice3A_449[0] : i32 from vector<1xi32>
        %shift_right_arithmetic3A = arith.constant 14 : i32
        %shift_right_arithmetic3A_451 = arith.shrsi %squeeze3A_450, %shift_right_arithmetic3A : i32
        %and3A_452 = arith.constant 127 : i32
        %and3A_453 = arith.andi %shift_right_arithmetic3A_451, %and3A_452 : i32
        %and3A_454 = arith.constant 16383 : i32
        %and3A_455 = arith.andi %squeeze3A_450, %and3A_454 : i32
        %jit3A_456 = arith.constant 32 : i32
        %eq3A = arith.constant 0 : i32
        %eq3A_457 = arith.cmpi eq, %jit3A_456, %eq3A : i32
        %jit3A_458 = arith.constant 1 : i32
        %select_n3A_459 = arith.select %eq3A_457, %jit3A_458, %jit3A_456 : i32
        %rem3A_460 = arith.remsi %while3A_446, %select_n3A_459 : i32
        %ne3A_461 = arith.constant 0 : i32
        %ne3A_462 = arith.cmpi ne, %rem3A_460, %ne3A_461 : i32
        %lt3A_463 = arith.constant 0 : i32
        %lt3A_464 = arith.cmpi slt, %rem3A_460, %lt3A_463 : i32
        %lt3A_465 = arith.constant 0 : i32
        %lt3A_466 = arith.cmpi slt, %select_n3A_459, %lt3A_465 : i32
        %ne3A_467 = arith.xori %lt3A_464, %lt3A_466 : i1
        %and3A_468 = arith.andi %ne3A_467, %ne3A_462 : i1
        %add3A_469 = arith.addi %rem3A_460, %select_n3A_459 : i32
        %select_n3A_470 = arith.select %and3A_468, %add3A_469, %rem3A_460 : i32
        %broadcast_in_dim3A_471 = vector.broadcast %rem3A_420 : i32 to vector<16xi32>
        %broadcast_in_dim3A_472 = vector.broadcast %and3A_453 : i32 to vector<16xi32>
        %add3A_473 = arith.constant 0 : i32
        %add3A_474 = vector.broadcast %add3A_473 : i32 to vector<16xi32>
        %add3A_475 = arith.addi %iota3A_195, %add3A_474 : vector<16xi32>
        %gather3A = tpu.vector_load_idx %arg14[%broadcast_in_dim3A_471, %add3A_475, %broadcast_in_dim3A_472] : memref<8x64x128xf32, #tpu.memory_space<vmem>>[vector<16xi32>, vector<16xi32>, vector<16xi32>], vector<16xf32>,
        %swap3A_476 = arith.index_cast %select_n3A_470 : i32 to index
        %swap3A_477 = arith.constant 0 : index
        %swap3A_478 = tpu.vector_load %arg15[%swap3A_476, %swap3A_477] {strides = array<i32>} : memref<32x64xf32, #tpu.memory_space<vmem>>, vector<16xf32>,
        tpu.vector_store %arg15[%swap3A_476, %swap3A_477], %gather3A {strides = array<i32>} : memref<32x64xf32, #tpu.memory_space<vmem>>, vector<16xf32>,
        %add3A_479 = arith.constant 16 : i32
        %add3A_480 = vector.broadcast %add3A_479 : i32 to vector<16xi32>
        %add3A_481 = arith.addi %iota3A_195, %add3A_480 : vector<16xi32>
        %gather3A_482 = tpu.vector_load_idx %arg14[%broadcast_in_dim3A_471, %add3A_481, %broadcast_in_dim3A_472] : memref<8x64x128xf32, #tpu.memory_space<vmem>>[vector<16xi32>, vector<16xi32>, vector<16xi32>], vector<16xf32>,
        %swap3A_483 = arith.index_cast %select_n3A_470 : i32 to index
        %swap3A_484 = arith.constant 16 : index
        %swap3A_485 = tpu.vector_load %arg15[%swap3A_483, %swap3A_484] {strides = array<i32>} : memref<32x64xf32, #tpu.memory_space<vmem>>, vector<16xf32>,
        tpu.vector_store %arg15[%swap3A_483, %swap3A_484], %gather3A_482 {strides = array<i32>} : memref<32x64xf32, #tpu.memory_space<vmem>>, vector<16xf32>,
        %add3A_486 = arith.constant 32 : i32
        %add3A_487 = vector.broadcast %add3A_486 : i32 to vector<16xi32>
        %add3A_488 = arith.addi %iota3A_195, %add3A_487 : vector<16xi32>
        %gather3A_489 = tpu.vector_load_idx %arg14[%broadcast_in_dim3A_471, %add3A_488, %broadcast_in_dim3A_472] : memref<8x64x128xf32, #tpu.memory_space<vmem>>[vector<16xi32>, vector<16xi32>, vector<16xi32>], vector<16xf32>,
        %swap3A_490 = arith.index_cast %select_n3A_470 : i32 to index
        %swap3A_491 = arith.constant 32 : index
        %swap3A_492 = tpu.vector_load %arg15[%swap3A_490, %swap3A_491] {strides = array<i32>} : memref<32x64xf32, #tpu.memory_space<vmem>>, vector<16xf32>,
        tpu.vector_store %arg15[%swap3A_490, %swap3A_491], %gather3A_489 {strides = array<i32>} : memref<32x64xf32, #tpu.memory_space<vmem>>, vector<16xf32>,
        %add3A_493 = arith.constant 48 : i32
        %add3A_494 = vector.broadcast %add3A_493 : i32 to vector<16xi32>
        %add3A_495 = arith.addi %iota3A_195, %add3A_494 : vector<16xi32>
        %gather3A_496 = tpu.vector_load_idx %arg14[%broadcast_in_dim3A_471, %add3A_495, %broadcast_in_dim3A_472] : memref<8x64x128xf32, #tpu.memory_space<vmem>>[vector<16xi32>, vector<16xi32>, vector<16xi32>], vector<16xf32>,
        %swap3A_497 = arith.index_cast %select_n3A_470 : i32 to index
        %swap3A_498 = arith.constant 48 : index
        %swap3A_499 = tpu.vector_load %arg15[%swap3A_497, %swap3A_498] {strides = array<i32>} : memref<32x64xf32, #tpu.memory_space<vmem>>, vector<16xf32>,
        tpu.vector_store %arg15[%swap3A_497, %swap3A_498], %gather3A_496 {strides = array<i32>} : memref<32x64xf32, #tpu.memory_space<vmem>>, vector<16xf32>,
        %mul3A_500 = arith.constant 64 : i32
        %mul3A_501 = arith.muli %and3A_455, %mul3A_500 : i32
        %multiple_of3A = tpu.assume_multiple %mul3A_501, 8 : i32
        %dma_start3A = arith.constant 0 : i32
        %dma_start3A_502 = tpu.memref_slice %arg15[%select_n3A_470, %dma_start3A] : memref<32x64xf32, #tpu.memory_space<vmem>> -> memref<1x64xf32, #tpu.memory_space<vmem>>
        %dma_start3A_503 = tpu.memref_squeeze %dma_start3A_502 : memref<1x64xf32, #tpu.memory_space<vmem>> -> memref<64xf32, #tpu.memory_space<vmem>>
        %dma_start3A_504 = tpu.memref_slice %arg7[%multiple_of3A] : memref<1048576xf32, #tpu.memory_space<hbm>> -> memref<64xf32, #tpu.memory_space<hbm>>
        %dma_start3A_505 = tpu.memref_slice %arg7[%multiple_of3A] : memref<1048576xf32, #tpu.memory_space<hbm>> -> memref<64xf32, #tpu.memory_space<hbm>>
        %dma_start3A_506 = arith.constant 0 : i32
        %dma_start3A_507 = tpu.memref_slice %arg15[%select_n3A_470, %dma_start3A_506] : memref<32x64xf32, #tpu.memory_space<vmem>> -> memref<1x64xf32, #tpu.memory_space<vmem>>
        %dma_start3A_508 = tpu.memref_squeeze %dma_start3A_507 : memref<1x64xf32, #tpu.memory_space<vmem>> -> memref<64xf32, #tpu.memory_space<vmem>>
        tpu.enqueue_dma source(%dma_start3A_508 : memref<64xf32, #tpu.memory_space<vmem>>) target(%dma_start3A_505 : memref<64xf32, #tpu.memory_space<hbm>>) target_semaphore(%arg17 : memref<!tpu.dma_semaphore, #tpu.memory_space<semaphore_mem>>)
        %ge3A = arith.constant 24 : i32
        %ge3A_509 = arith.cmpi sge, %while3A_446, %ge3A : i32
        %convert_element_type3A_510 = arith.extui %ge3A_509 : i1 to i32
        %cond3A_511 = arith.constant 0 : i32
        %cond3A_512 = arith.cmpi ne, %convert_element_type3A_510, %cond3A_511 : i32
        scf.if %cond3A_512 {
          %dma_wait3A = arith.constant 0 : i32
          %dma_wait3A_515 = arith.constant 0 : i32
          %dma_wait3A_516 = tpu.memref_slice %arg15[%dma_wait3A, %dma_wait3A_515] : memref<32x64xf32, #tpu.memory_space<vmem>> -> memref<1x64xf32, #tpu.memory_space<vmem>>
          %dma_wait3A_517 = tpu.memref_squeeze %dma_wait3A_516 : memref<1x64xf32, #tpu.memory_space<vmem>> -> memref<64xf32, #tpu.memory_space<vmem>>
          %dma_wait3A_518 = arith.constant 0 : i32
          %dma_wait3A_519 = tpu.memref_slice %arg7[%dma_wait3A_518] : memref<1048576xf32, #tpu.memory_space<hbm>> -> memref<64xf32, #tpu.memory_space<hbm>>
          %dma_wait3A_520 = arith.constant 0 : i32
          %dma_wait3A_521 = tpu.memref_slice %arg7[%dma_wait3A_520] : memref<1048576xf32, #tpu.memory_space<hbm>> -> memref<64xf32, #tpu.memory_space<hbm>>
          %dma_wait3A_522 = arith.constant 0 : i32
          %dma_wait3A_523 = tpu.memref_slice %arg15[%dma_wait3A, %dma_wait3A_522] : memref<32x64xf32, #tpu.memory_space<vmem>> -> memref<1x64xf32, #tpu.memory_space<vmem>>
          %dma_wait3A_524 = tpu.memref_squeeze %dma_wait3A_523 : memref<1x64xf32, #tpu.memory_space<vmem>> -> memref<64xf32, #tpu.memory_space<vmem>>
          tpu.wait_dma2 semaphore(%arg17 : memref<!tpu.dma_semaphore, #tpu.memory_space<semaphore_mem>>) src(%dma_wait3A_524 : memref<64xf32, #tpu.memory_space<vmem>>) dst(%dma_wait3A_521 : memref<64xf32, #tpu.memory_space<hbm>>)
        } else {
        }
        %add3A_513 = arith.constant 1 : i32
        %add3A_514 = arith.addi %while3A_446, %add3A_513 : i32
        scf.yield %add3A_514 : i32
      }
      scf.yield %while3A_444 : i32
    }
    %scan3A_390 = arith.constant 25 : i32
    %min3A_391 = arith.constant 24 : i32
    %min3A_392 = arith.minsi %scan3A_389, %min3A_391 : i32
    %while3A_393 = arith.constant 0 : i32
    %while3A_394 = arith.constant 0 : i32
    %while3A_395 = arith.subi %min3A_392, %while3A_394 : i32
    %while3A_396 = arith.addi %while3A_394, %while3A_395 : i32
    %while3A_397 = arith.constant 1 : i32
    %while3A_398 = arith.divsi %while3A_395, %while3A_397 : i32
    %while3A_399 = arith.muli %while3A_398, %while3A_397 : i32
    %while3A_400 = arith.addi %while3A_394, %while3A_399 : i32
    %while3A_401 = arith.constant 1 : i32
    scf.for %while3A_403 = %while3A_394 to %while3A_400 step %while3A_401  : i32 {
      %dma_wait3A = arith.constant 0 : i32
      %dma_wait3A_404 = arith.constant 0 : i32
      %dma_wait3A_405 = tpu.memref_slice %arg15[%dma_wait3A, %dma_wait3A_404] : memref<32x64xf32, #tpu.memory_space<vmem>> -> memref<1x64xf32, #tpu.memory_space<vmem>>
      %dma_wait3A_406 = tpu.memref_squeeze %dma_wait3A_405 : memref<1x64xf32, #tpu.memory_space<vmem>> -> memref<64xf32, #tpu.memory_space<vmem>>
      %dma_wait3A_407 = arith.constant 0 : i32
      %dma_wait3A_408 = tpu.memref_slice %arg7[%dma_wait3A_407] : memref<1048576xf32, #tpu.memory_space<hbm>> -> memref<64xf32, #tpu.memory_space<hbm>>
      %dma_wait3A_409 = arith.constant 0 : i32
      %dma_wait3A_410 = tpu.memref_slice %arg7[%dma_wait3A_409] : memref<1048576xf32, #tpu.memory_space<hbm>> -> memref<64xf32, #tpu.memory_space<hbm>>
      %dma_wait3A_411 = arith.constant 0 : i32
      %dma_wait3A_412 = tpu.memref_slice %arg15[%dma_wait3A, %dma_wait3A_411] : memref<32x64xf32, #tpu.memory_space<vmem>> -> memref<1x64xf32, #tpu.memory_space<vmem>>
      %dma_wait3A_413 = tpu.memref_squeeze %dma_wait3A_412 : memref<1x64xf32, #tpu.memory_space<vmem>> -> memref<64xf32, #tpu.memory_space<vmem>>
      tpu.wait_dma2 semaphore(%arg17 : memref<!tpu.dma_semaphore, #tpu.memory_space<semaphore_mem>>) src(%dma_wait3A_413 : memref<64xf32, #tpu.memory_space<vmem>>) dst(%dma_wait3A_410 : memref<64xf32, #tpu.memory_space<hbm>>)
    }
    %while3A_402 = arith.constant 1 : i32
    scf.for %while3A_403 = %while3A_400 to %while3A_396 step %while3A_402  : i32 {
      %dma_wait3A = arith.constant 0 : i32
      %dma_wait3A_404 = arith.constant 0 : i32
      %dma_wait3A_405 = tpu.memref_slice %arg15[%dma_wait3A, %dma_wait3A_404] : memref<32x64xf32, #tpu.memory_space<vmem>> -> memref<1x64xf32, #tpu.memory_space<vmem>>
      %dma_wait3A_406 = tpu.memref_squeeze %dma_wait3A_405 : memref<1x64xf32, #tpu.memory_space<vmem>> -> memref<64xf32, #tpu.memory_space<vmem>>
      %dma_wait3A_407 = arith.constant 0 : i32
      %dma_wait3A_408 = tpu.memref_slice %arg7[%dma_wait3A_407] : memref<1048576xf32, #tpu.memory_space<hbm>> -> memref<64xf32, #tpu.memory_space<hbm>>
      %dma_wait3A_409 = arith.constant 0 : i32
      %dma_wait3A_410 = tpu.memref_slice %arg7[%dma_wait3A_409] : memref<1048576xf32, #tpu.memory_space<hbm>> -> memref<64xf32, #tpu.memory_space<hbm>>
      %dma_wait3A_411 = arith.constant 0 : i32
      %dma_wait3A_412 = tpu.memref_slice %arg15[%dma_wait3A, %dma_wait3A_411] : memref<32x64xf32, #tpu.memory_space<vmem>> -> memref<1x64xf32, #tpu.memory_space<vmem>>
      %dma_wait3A_413 = tpu.memref_squeeze %dma_wait3A_412 : memref<1x64xf32, #tpu.memory_space<vmem>> -> memref<64xf32, #tpu.memory_space<vmem>>
      tpu.wait_dma2 semaphore(%arg17 : memref<!tpu.dma_semaphore, #tpu.memory_space<semaphore_mem>>) src(%dma_wait3A_413 : memref<64xf32, #tpu.memory_space<vmem>>) dst(%dma_wait3A_410 : memref<64xf32, #tpu.memory_space<hbm>>)
    }
    return
  }
}

#map = affine_map<(d0, d1) -> (0)>
module attributes {stable_mosaic.version = 14 : i64} {
  func.func @_dot(%arg0: i32, %arg1: i32, %arg2: memref<1048576xf32, #tpu.memory_space<hbm>>, %arg3: memref<1048576xf32, #tpu.memory_space<hbm>>, %arg4: memref<16384xf32, #tpu.memory_space<hbm>>, %arg5: memref<32768xf32, #tpu.memory_space<vmem>>, %arg6: memref<32768xf32, #tpu.memory_space<vmem>>, %arg7: memref<512xf32, #tpu.memory_space<vmem>>, %arg8: memref<!tpu.dma_semaphore, #tpu.memory_space<semaphore_mem>>) attributes {dimension_semantics = [#tpu.dimension_semantics<core_parallel>, #tpu.dimension_semantics<subcore_parallel>], iteration_bounds = array<i64: 2, 16>, scalar_prefetch = 0 : i64, scratch_operands = 4 : i64, tpu.core_type = #tpu.core_type<sc_vector_subcore>, window_params = [{transform_indices = #map}, {transform_indices = #map}, {transform_indices = #map}]} {
    %mul3A = arith.constant 2 : i32
    %mul3A_0 = arith.muli %arg1, %mul3A : i32
    %add3A = arith.addi %mul3A_0, %arg0 : i32
    %mul3A_1 = arith.constant 512 : i32
    %mul3A_2 = arith.muli %add3A, %mul3A_1 : i32
    %mul3A_3 = arith.constant 64 : i32
    %mul3A_4 = arith.muli %mul3A_2, %mul3A_3 : i32
    "tpu.region"() ({
      %run_scoped3A = tpu.sem_alloc : memref<!tpu.dma_semaphore, #tpu.memory_space<semaphore_mem>>
      %dma_start3A = tpu.memref_slice %arg2[%mul3A_4] : memref<1048576xf32, #tpu.memory_space<hbm>> -> memref<32768xf32, #tpu.memory_space<hbm>>
      %dma_start3A_23 = tpu.memref_slice %arg2[%mul3A_4] : memref<1048576xf32, #tpu.memory_space<hbm>> -> memref<32768xf32, #tpu.memory_space<hbm>>
      tpu.enqueue_dma source(%dma_start3A_23 : memref<32768xf32, #tpu.memory_space<hbm>>) target(%arg5 : memref<32768xf32, #tpu.memory_space<vmem>>) target_semaphore(%run_scoped3A : memref<!tpu.dma_semaphore, #tpu.memory_space<semaphore_mem>>)
      %dma_wait3A = tpu.memref_slice %arg2[%mul3A_4] : memref<1048576xf32, #tpu.memory_space<hbm>> -> memref<32768xf32, #tpu.memory_space<hbm>>
      %dma_wait3A_24 = tpu.memref_slice %arg2[%mul3A_4] : memref<1048576xf32, #tpu.memory_space<hbm>> -> memref<32768xf32, #tpu.memory_space<hbm>>
      tpu.wait_dma2 semaphore(%run_scoped3A : memref<!tpu.dma_semaphore, #tpu.memory_space<semaphore_mem>>) src(%dma_wait3A_24 : memref<32768xf32, #tpu.memory_space<hbm>>) dst(%arg5 : memref<32768xf32, #tpu.memory_space<vmem>>)
      tpu.yield
    }) : () -> ()
    %mul3A_5 = arith.constant 64 : i32
    %mul3A_6 = arith.muli %mul3A_2, %mul3A_5 : i32
    "tpu.region"() ({
      %run_scoped3A = tpu.sem_alloc : memref<!tpu.dma_semaphore, #tpu.memory_space<semaphore_mem>>
      %dma_start3A = tpu.memref_slice %arg3[%mul3A_6] : memref<1048576xf32, #tpu.memory_space<hbm>> -> memref<32768xf32, #tpu.memory_space<hbm>>
      %dma_start3A_23 = tpu.memref_slice %arg3[%mul3A_6] : memref<1048576xf32, #tpu.memory_space<hbm>> -> memref<32768xf32, #tpu.memory_space<hbm>>
      tpu.enqueue_dma source(%dma_start3A_23 : memref<32768xf32, #tpu.memory_space<hbm>>) target(%arg6 : memref<32768xf32, #tpu.memory_space<vmem>>) target_semaphore(%run_scoped3A : memref<!tpu.dma_semaphore, #tpu.memory_space<semaphore_mem>>)
      %dma_wait3A = tpu.memref_slice %arg3[%mul3A_6] : memref<1048576xf32, #tpu.memory_space<hbm>> -> memref<32768xf32, #tpu.memory_space<hbm>>
      %dma_wait3A_24 = tpu.memref_slice %arg3[%mul3A_6] : memref<1048576xf32, #tpu.memory_space<hbm>> -> memref<32768xf32, #tpu.memory_space<hbm>>
      tpu.wait_dma2 semaphore(%run_scoped3A : memref<!tpu.dma_semaphore, #tpu.memory_space<semaphore_mem>>) src(%dma_wait3A_24 : memref<32768xf32, #tpu.memory_space<hbm>>) dst(%arg6 : memref<32768xf32, #tpu.memory_space<vmem>>)
      tpu.yield
    }) : () -> ()
    %iota3A = tpu.iota {dimensions = array<i32: 0>} : vector<16xi32>
    %xor3A = arith.constant 8 : i32
    %xor3A_7 = vector.broadcast %xor3A : i32 to vector<16xi32>
    %xor3A_8 = arith.xori %iota3A, %xor3A_7 : vector<16xi32>
    %xor3A_9 = arith.constant 4 : i32
    %xor3A_10 = vector.broadcast %xor3A_9 : i32 to vector<16xi32>
    %xor3A_11 = arith.xori %iota3A, %xor3A_10 : vector<16xi32>
    %xor3A_12 = arith.constant 2 : i32
    %xor3A_13 = vector.broadcast %xor3A_12 : i32 to vector<16xi32>
    %xor3A_14 = arith.xori %iota3A, %xor3A_13 : vector<16xi32>
    %xor3A_15 = arith.constant 1 : i32
    %xor3A_16 = vector.broadcast %xor3A_15 : i32 to vector<16xi32>
    %xor3A_17 = arith.xori %iota3A, %xor3A_16 : vector<16xi32>
    %scan3A = arith.constant 0 : i32
    %scan3A_18 = arith.constant 0 : i32
    %scan3A_19 = arith.constant 32 : i32
    %scan3A_20 = arith.addi %scan3A_18, %scan3A_19 : i32
    %scan3A_21 = arith.constant 1 : i32
    scf.for %scan3A_23 = %scan3A_18 to %scan3A_20 step %scan3A_21  : i32 {
      %broadcast_in_dim3A = arith.constant 0.000000e+00 : f32
      %broadcast_in_dim3A_24 = vector.broadcast %broadcast_in_dim3A : f32 to vector<16xf32>
      %mul3A_25 = arith.constant 16 : i32
      %mul3A_26 = arith.muli %scan3A_23, %mul3A_25 : i32
      %add3A_27 = arith.constant 0 : i32
      %add3A_28 = arith.addi %mul3A_26, %add3A_27 : i32
      %mul3A_29 = arith.constant 64 : i32
      %mul3A_30 = arith.muli %add3A_28, %mul3A_29 : i32
      %get3A = arith.index_cast %mul3A_30 : i32 to index
      %get3A_31 = tpu.vector_load %arg5[%get3A] {strides = array<i32>} : memref<32768xf32, #tpu.memory_space<vmem>>, vector<16xf32>,
      %get3A_32 = arith.index_cast %mul3A_30 : i32 to index
      %get3A_33 = tpu.vector_load %arg6[%get3A_32] {strides = array<i32>} : memref<32768xf32, #tpu.memory_space<vmem>>, vector<16xf32>,
      %mul3A_34 = arith.mulf %get3A_31, %get3A_33 : vector<16xf32>
      %add3A_35 = arith.constant 16 : i32
      %add3A_36 = arith.addi %mul3A_30, %add3A_35 : i32
      %get3A_37 = arith.index_cast %add3A_36 : i32 to index
      %get3A_38 = tpu.vector_load %arg5[%get3A_37] {strides = array<i32>} : memref<32768xf32, #tpu.memory_space<vmem>>, vector<16xf32>,
      %add3A_39 = arith.constant 16 : i32
      %add3A_40 = arith.addi %mul3A_30, %add3A_39 : i32
      %get3A_41 = arith.index_cast %add3A_40 : i32 to index
      %get3A_42 = tpu.vector_load %arg6[%get3A_41] {strides = array<i32>} : memref<32768xf32, #tpu.memory_space<vmem>>, vector<16xf32>,
      %mul3A_43 = arith.mulf %get3A_38, %get3A_42 : vector<16xf32>
      %add3A_44 = arith.addf %mul3A_34, %mul3A_43 : vector<16xf32>
      %add3A_45 = arith.constant 32 : i32
      %add3A_46 = arith.addi %mul3A_30, %add3A_45 : i32
      %get3A_47 = arith.index_cast %add3A_46 : i32 to index
      %get3A_48 = tpu.vector_load %arg5[%get3A_47] {strides = array<i32>} : memref<32768xf32, #tpu.memory_space<vmem>>, vector<16xf32>,
      %add3A_49 = arith.constant 32 : i32
      %add3A_50 = arith.addi %mul3A_30, %add3A_49 : i32
      %get3A_51 = arith.index_cast %add3A_50 : i32 to index
      %get3A_52 = tpu.vector_load %arg6[%get3A_51] {strides = array<i32>} : memref<32768xf32, #tpu.memory_space<vmem>>, vector<16xf32>,
      %mul3A_53 = arith.mulf %get3A_48, %get3A_52 : vector<16xf32>
      %add3A_54 = arith.addf %add3A_44, %mul3A_53 : vector<16xf32>
      %add3A_55 = arith.constant 48 : i32
      %add3A_56 = arith.addi %mul3A_30, %add3A_55 : i32
      %get3A_57 = arith.index_cast %add3A_56 : i32 to index
      %get3A_58 = tpu.vector_load %arg5[%get3A_57] {strides = array<i32>} : memref<32768xf32, #tpu.memory_space<vmem>>, vector<16xf32>,
      %add3A_59 = arith.constant 48 : i32
      %add3A_60 = arith.addi %mul3A_30, %add3A_59 : i32
      %get3A_61 = arith.index_cast %add3A_60 : i32 to index
      %get3A_62 = tpu.vector_load %arg6[%get3A_61] {strides = array<i32>} : memref<32768xf32, #tpu.memory_space<vmem>>, vector<16xf32>,
      %mul3A_63 = arith.mulf %get3A_58, %get3A_62 : vector<16xf32>
      %add3A_64 = arith.addf %add3A_54, %mul3A_63 : vector<16xf32>
      %broadcast_in_dim3A_65 = vector.shape_cast %xor3A_8 : vector<16xi32> to vector<16x1xi32>
      %gather3A = vector.shape_cast %broadcast_in_dim3A_65 : vector<16x1xi32> to vector<16xi32>
      %gather3A_66 = tpu.dynamic_gather %add3A_64[%gather3A] in [0] : vector<16xf32>, vector<16xi32> -> vector<16xf32>
      %add3A_67 = arith.addf %add3A_64, %gather3A_66 : vector<16xf32>
      %broadcast_in_dim3A_68 = vector.shape_cast %xor3A_11 : vector<16xi32> to vector<16x1xi32>
      %gather3A_69 = vector.shape_cast %broadcast_in_dim3A_68 : vector<16x1xi32> to vector<16xi32>
      %gather3A_70 = tpu.dynamic_gather %add3A_67[%gather3A_69] in [0] : vector<16xf32>, vector<16xi32> -> vector<16xf32>
      %add3A_71 = arith.addf %add3A_67, %gather3A_70 : vector<16xf32>
      %broadcast_in_dim3A_72 = vector.shape_cast %xor3A_14 : vector<16xi32> to vector<16x1xi32>
      %gather3A_73 = vector.shape_cast %broadcast_in_dim3A_72 : vector<16x1xi32> to vector<16xi32>
      %gather3A_74 = tpu.dynamic_gather %add3A_71[%gather3A_73] in [0] : vector<16xf32>, vector<16xi32> -> vector<16xf32>
      %add3A_75 = arith.addf %add3A_71, %gather3A_74 : vector<16xf32>
      %broadcast_in_dim3A_76 = vector.shape_cast %xor3A_17 : vector<16xi32> to vector<16x1xi32>
      %gather3A_77 = vector.shape_cast %broadcast_in_dim3A_76 : vector<16x1xi32> to vector<16xi32>
      %gather3A_78 = tpu.dynamic_gather %add3A_75[%gather3A_77] in [0] : vector<16xf32>, vector<16xi32> -> vector<16xf32>
      %add3A_79 = arith.addf %add3A_75, %gather3A_78 : vector<16xf32>
      %eq3A = arith.constant 0 : i32
      %eq3A_80 = vector.broadcast %eq3A : i32 to vector<16xi32>
      %eq3A_81 = arith.cmpi eq, %iota3A, %eq3A_80 : vector<16xi32>
      %select_n3A = arith.select %eq3A_81, %add3A_79, %broadcast_in_dim3A_24 : vector<16xi1>, vector<16xf32>
      %mul3A_82 = arith.constant 16 : i32
      %mul3A_83 = arith.muli %scan3A_23, %mul3A_82 : i32
      %add3A_84 = arith.constant 1 : i32
      %add3A_85 = arith.addi %mul3A_83, %add3A_84 : i32
      %mul3A_86 = arith.constant 64 : i32
      %mul3A_87 = arith.muli %add3A_85, %mul3A_86 : i32
      %get3A_88 = arith.index_cast %mul3A_87 : i32 to index
      %get3A_89 = tpu.vector_load %arg5[%get3A_88] {strides = array<i32>} : memref<32768xf32, #tpu.memory_space<vmem>>, vector<16xf32>,
      %get3A_90 = arith.index_cast %mul3A_87 : i32 to index
      %get3A_91 = tpu.vector_load %arg6[%get3A_90] {strides = array<i32>} : memref<32768xf32, #tpu.memory_space<vmem>>, vector<16xf32>,
      %mul3A_92 = arith.mulf %get3A_89, %get3A_91 : vector<16xf32>
      %add3A_93 = arith.constant 16 : i32
      %add3A_94 = arith.addi %mul3A_87, %add3A_93 : i32
      %get3A_95 = arith.index_cast %add3A_94 : i32 to index
      %get3A_96 = tpu.vector_load %arg5[%get3A_95] {strides = array<i32>} : memref<32768xf32, #tpu.memory_space<vmem>>, vector<16xf32>,
      %add3A_97 = arith.constant 16 : i32
      %add3A_98 = arith.addi %mul3A_87, %add3A_97 : i32
      %get3A_99 = arith.index_cast %add3A_98 : i32 to index
      %get3A_100 = tpu.vector_load %arg6[%get3A_99] {strides = array<i32>} : memref<32768xf32, #tpu.memory_space<vmem>>, vector<16xf32>,
      %mul3A_101 = arith.mulf %get3A_96, %get3A_100 : vector<16xf32>
      %add3A_102 = arith.addf %mul3A_92, %mul3A_101 : vector<16xf32>
      %add3A_103 = arith.constant 32 : i32
      %add3A_104 = arith.addi %mul3A_87, %add3A_103 : i32
      %get3A_105 = arith.index_cast %add3A_104 : i32 to index
      %get3A_106 = tpu.vector_load %arg5[%get3A_105] {strides = array<i32>} : memref<32768xf32, #tpu.memory_space<vmem>>, vector<16xf32>,
      %add3A_107 = arith.constant 32 : i32
      %add3A_108 = arith.addi %mul3A_87, %add3A_107 : i32
      %get3A_109 = arith.index_cast %add3A_108 : i32 to index
      %get3A_110 = tpu.vector_load %arg6[%get3A_109] {strides = array<i32>} : memref<32768xf32, #tpu.memory_space<vmem>>, vector<16xf32>,
      %mul3A_111 = arith.mulf %get3A_106, %get3A_110 : vector<16xf32>
      %add3A_112 = arith.addf %add3A_102, %mul3A_111 : vector<16xf32>
      %add3A_113 = arith.constant 48 : i32
      %add3A_114 = arith.addi %mul3A_87, %add3A_113 : i32
      %get3A_115 = arith.index_cast %add3A_114 : i32 to index
      %get3A_116 = tpu.vector_load %arg5[%get3A_115] {strides = array<i32>} : memref<32768xf32, #tpu.memory_space<vmem>>, vector<16xf32>,
      %add3A_117 = arith.constant 48 : i32
      %add3A_118 = arith.addi %mul3A_87, %add3A_117 : i32
      %get3A_119 = arith.index_cast %add3A_118 : i32 to index
      %get3A_120 = tpu.vector_load %arg6[%get3A_119] {strides = array<i32>} : memref<32768xf32, #tpu.memory_space<vmem>>, vector<16xf32>,
      %mul3A_121 = arith.mulf %get3A_116, %get3A_120 : vector<16xf32>
      %add3A_122 = arith.addf %add3A_112, %mul3A_121 : vector<16xf32>
      %broadcast_in_dim3A_123 = vector.shape_cast %xor3A_8 : vector<16xi32> to vector<16x1xi32>
      %gather3A_124 = vector.shape_cast %broadcast_in_dim3A_123 : vector<16x1xi32> to vector<16xi32>
      %gather3A_125 = tpu.dynamic_gather %add3A_122[%gather3A_124] in [0] : vector<16xf32>, vector<16xi32> -> vector<16xf32>
      %add3A_126 = arith.addf %add3A_122, %gather3A_125 : vector<16xf32>
      %broadcast_in_dim3A_127 = vector.shape_cast %xor3A_11 : vector<16xi32> to vector<16x1xi32>
      %gather3A_128 = vector.shape_cast %broadcast_in_dim3A_127 : vector<16x1xi32> to vector<16xi32>
      %gather3A_129 = tpu.dynamic_gather %add3A_126[%gather3A_128] in [0] : vector<16xf32>, vector<16xi32> -> vector<16xf32>
      %add3A_130 = arith.addf %add3A_126, %gather3A_129 : vector<16xf32>
      %broadcast_in_dim3A_131 = vector.shape_cast %xor3A_14 : vector<16xi32> to vector<16x1xi32>
      %gather3A_132 = vector.shape_cast %broadcast_in_dim3A_131 : vector<16x1xi32> to vector<16xi32>
      %gather3A_133 = tpu.dynamic_gather %add3A_130[%gather3A_132] in [0] : vector<16xf32>, vector<16xi32> -> vector<16xf32>
      %add3A_134 = arith.addf %add3A_130, %gather3A_133 : vector<16xf32>
      %broadcast_in_dim3A_135 = vector.shape_cast %xor3A_17 : vector<16xi32> to vector<16x1xi32>
      %gather3A_136 = vector.shape_cast %broadcast_in_dim3A_135 : vector<16x1xi32> to vector<16xi32>
      %gather3A_137 = tpu.dynamic_gather %add3A_134[%gather3A_136] in [0] : vector<16xf32>, vector<16xi32> -> vector<16xf32>
      %add3A_138 = arith.addf %add3A_134, %gather3A_137 : vector<16xf32>
      %eq3A_139 = arith.constant 1 : i32
      %eq3A_140 = vector.broadcast %eq3A_139 : i32 to vector<16xi32>
      %eq3A_141 = arith.cmpi eq, %iota3A, %eq3A_140 : vector<16xi32>
      %select_n3A_142 = arith.select %eq3A_141, %add3A_138, %select_n3A : vector<16xi1>, vector<16xf32>
      %mul3A_143 = arith.constant 16 : i32
      %mul3A_144 = arith.muli %scan3A_23, %mul3A_143 : i32
      %add3A_145 = arith.constant 2 : i32
      %add3A_146 = arith.addi %mul3A_144, %add3A_145 : i32
      %mul3A_147 = arith.constant 64 : i32
      %mul3A_148 = arith.muli %add3A_146, %mul3A_147 : i32
      %get3A_149 = arith.index_cast %mul3A_148 : i32 to index
      %get3A_150 = tpu.vector_load %arg5[%get3A_149] {strides = array<i32>} : memref<32768xf32, #tpu.memory_space<vmem>>, vector<16xf32>,
      %get3A_151 = arith.index_cast %mul3A_148 : i32 to index
      %get3A_152 = tpu.vector_load %arg6[%get3A_151] {strides = array<i32>} : memref<32768xf32, #tpu.memory_space<vmem>>, vector<16xf32>,
      %mul3A_153 = arith.mulf %get3A_150, %get3A_152 : vector<16xf32>
      %add3A_154 = arith.constant 16 : i32
      %add3A_155 = arith.addi %mul3A_148, %add3A_154 : i32
      %get3A_156 = arith.index_cast %add3A_155 : i32 to index
      %get3A_157 = tpu.vector_load %arg5[%get3A_156] {strides = array<i32>} : memref<32768xf32, #tpu.memory_space<vmem>>, vector<16xf32>,
      %add3A_158 = arith.constant 16 : i32
      %add3A_159 = arith.addi %mul3A_148, %add3A_158 : i32
      %get3A_160 = arith.index_cast %add3A_159 : i32 to index
      %get3A_161 = tpu.vector_load %arg6[%get3A_160] {strides = array<i32>} : memref<32768xf32, #tpu.memory_space<vmem>>, vector<16xf32>,
      %mul3A_162 = arith.mulf %get3A_157, %get3A_161 : vector<16xf32>
      %add3A_163 = arith.addf %mul3A_153, %mul3A_162 : vector<16xf32>
      %add3A_164 = arith.constant 32 : i32
      %add3A_165 = arith.addi %mul3A_148, %add3A_164 : i32
      %get3A_166 = arith.index_cast %add3A_165 : i32 to index
      %get3A_167 = tpu.vector_load %arg5[%get3A_166] {strides = array<i32>} : memref<32768xf32, #tpu.memory_space<vmem>>, vector<16xf32>,
      %add3A_168 = arith.constant 32 : i32
      %add3A_169 = arith.addi %mul3A_148, %add3A_168 : i32
      %get3A_170 = arith.index_cast %add3A_169 : i32 to index
      %get3A_171 = tpu.vector_load %arg6[%get3A_170] {strides = array<i32>} : memref<32768xf32, #tpu.memory_space<vmem>>, vector<16xf32>,
      %mul3A_172 = arith.mulf %get3A_167, %get3A_171 : vector<16xf32>
      %add3A_173 = arith.addf %add3A_163, %mul3A_172 : vector<16xf32>
      %add3A_174 = arith.constant 48 : i32
      %add3A_175 = arith.addi %mul3A_148, %add3A_174 : i32
      %get3A_176 = arith.index_cast %add3A_175 : i32 to index
      %get3A_177 = tpu.vector_load %arg5[%get3A_176] {strides = array<i32>} : memref<32768xf32, #tpu.memory_space<vmem>>, vector<16xf32>,
      %add3A_178 = arith.constant 48 : i32
      %add3A_179 = arith.addi %mul3A_148, %add3A_178 : i32
      %get3A_180 = arith.index_cast %add3A_179 : i32 to index
      %get3A_181 = tpu.vector_load %arg6[%get3A_180] {strides = array<i32>} : memref<32768xf32, #tpu.memory_space<vmem>>, vector<16xf32>,
      %mul3A_182 = arith.mulf %get3A_177, %get3A_181 : vector<16xf32>
      %add3A_183 = arith.addf %add3A_173, %mul3A_182 : vector<16xf32>
      %broadcast_in_dim3A_184 = vector.shape_cast %xor3A_8 : vector<16xi32> to vector<16x1xi32>
      %gather3A_185 = vector.shape_cast %broadcast_in_dim3A_184 : vector<16x1xi32> to vector<16xi32>
      %gather3A_186 = tpu.dynamic_gather %add3A_183[%gather3A_185] in [0] : vector<16xf32>, vector<16xi32> -> vector<16xf32>
      %add3A_187 = arith.addf %add3A_183, %gather3A_186 : vector<16xf32>
      %broadcast_in_dim3A_188 = vector.shape_cast %xor3A_11 : vector<16xi32> to vector<16x1xi32>
      %gather3A_189 = vector.shape_cast %broadcast_in_dim3A_188 : vector<16x1xi32> to vector<16xi32>
      %gather3A_190 = tpu.dynamic_gather %add3A_187[%gather3A_189] in [0] : vector<16xf32>, vector<16xi32> -> vector<16xf32>
      %add3A_191 = arith.addf %add3A_187, %gather3A_190 : vector<16xf32>
      %broadcast_in_dim3A_192 = vector.shape_cast %xor3A_14 : vector<16xi32> to vector<16x1xi32>
      %gather3A_193 = vector.shape_cast %broadcast_in_dim3A_192 : vector<16x1xi32> to vector<16xi32>
      %gather3A_194 = tpu.dynamic_gather %add3A_191[%gather3A_193] in [0] : vector<16xf32>, vector<16xi32> -> vector<16xf32>
      %add3A_195 = arith.addf %add3A_191, %gather3A_194 : vector<16xf32>
      %broadcast_in_dim3A_196 = vector.shape_cast %xor3A_17 : vector<16xi32> to vector<16x1xi32>
      %gather3A_197 = vector.shape_cast %broadcast_in_dim3A_196 : vector<16x1xi32> to vector<16xi32>
      %gather3A_198 = tpu.dynamic_gather %add3A_195[%gather3A_197] in [0] : vector<16xf32>, vector<16xi32> -> vector<16xf32>
      %add3A_199 = arith.addf %add3A_195, %gather3A_198 : vector<16xf32>
      %eq3A_200 = arith.constant 2 : i32
      %eq3A_201 = vector.broadcast %eq3A_200 : i32 to vector<16xi32>
      %eq3A_202 = arith.cmpi eq, %iota3A, %eq3A_201 : vector<16xi32>
      %select_n3A_203 = arith.select %eq3A_202, %add3A_199, %select_n3A_142 : vector<16xi1>, vector<16xf32>
      %mul3A_204 = arith.constant 16 : i32
      %mul3A_205 = arith.muli %scan3A_23, %mul3A_204 : i32
      %add3A_206 = arith.constant 3 : i32
      %add3A_207 = arith.addi %mul3A_205, %add3A_206 : i32
      %mul3A_208 = arith.constant 64 : i32
      %mul3A_209 = arith.muli %add3A_207, %mul3A_208 : i32
      %get3A_210 = arith.index_cast %mul3A_209 : i32 to index
      %get3A_211 = tpu.vector_load %arg5[%get3A_210] {strides = array<i32>} : memref<32768xf32, #tpu.memory_space<vmem>>, vector<16xf32>,
      %get3A_212 = arith.index_cast %mul3A_209 : i32 to index
      %get3A_213 = tpu.vector_load %arg6[%get3A_212] {strides = array<i32>} : memref<32768xf32, #tpu.memory_space<vmem>>, vector<16xf32>,
      %mul3A_214 = arith.mulf %get3A_211, %get3A_213 : vector<16xf32>
      %add3A_215 = arith.constant 16 : i32
      %add3A_216 = arith.addi %mul3A_209, %add3A_215 : i32
      %get3A_217 = arith.index_cast %add3A_216 : i32 to index
      %get3A_218 = tpu.vector_load %arg5[%get3A_217] {strides = array<i32>} : memref<32768xf32, #tpu.memory_space<vmem>>, vector<16xf32>,
      %add3A_219 = arith.constant 16 : i32
      %add3A_220 = arith.addi %mul3A_209, %add3A_219 : i32
      %get3A_221 = arith.index_cast %add3A_220 : i32 to index
      %get3A_222 = tpu.vector_load %arg6[%get3A_221] {strides = array<i32>} : memref<32768xf32, #tpu.memory_space<vmem>>, vector<16xf32>,
      %mul3A_223 = arith.mulf %get3A_218, %get3A_222 : vector<16xf32>
      %add3A_224 = arith.addf %mul3A_214, %mul3A_223 : vector<16xf32>
      %add3A_225 = arith.constant 32 : i32
      %add3A_226 = arith.addi %mul3A_209, %add3A_225 : i32
      %get3A_227 = arith.index_cast %add3A_226 : i32 to index
      %get3A_228 = tpu.vector_load %arg5[%get3A_227] {strides = array<i32>} : memref<32768xf32, #tpu.memory_space<vmem>>, vector<16xf32>,
      %add3A_229 = arith.constant 32 : i32
      %add3A_230 = arith.addi %mul3A_209, %add3A_229 : i32
      %get3A_231 = arith.index_cast %add3A_230 : i32 to index
      %get3A_232 = tpu.vector_load %arg6[%get3A_231] {strides = array<i32>} : memref<32768xf32, #tpu.memory_space<vmem>>, vector<16xf32>,
      %mul3A_233 = arith.mulf %get3A_228, %get3A_232 : vector<16xf32>
      %add3A_234 = arith.addf %add3A_224, %mul3A_233 : vector<16xf32>
      %add3A_235 = arith.constant 48 : i32
      %add3A_236 = arith.addi %mul3A_209, %add3A_235 : i32
      %get3A_237 = arith.index_cast %add3A_236 : i32 to index
      %get3A_238 = tpu.vector_load %arg5[%get3A_237] {strides = array<i32>} : memref<32768xf32, #tpu.memory_space<vmem>>, vector<16xf32>,
      %add3A_239 = arith.constant 48 : i32
      %add3A_240 = arith.addi %mul3A_209, %add3A_239 : i32
      %get3A_241 = arith.index_cast %add3A_240 : i32 to index
      %get3A_242 = tpu.vector_load %arg6[%get3A_241] {strides = array<i32>} : memref<32768xf32, #tpu.memory_space<vmem>>, vector<16xf32>,
      %mul3A_243 = arith.mulf %get3A_238, %get3A_242 : vector<16xf32>
      %add3A_244 = arith.addf %add3A_234, %mul3A_243 : vector<16xf32>
      %broadcast_in_dim3A_245 = vector.shape_cast %xor3A_8 : vector<16xi32> to vector<16x1xi32>
      %gather3A_246 = vector.shape_cast %broadcast_in_dim3A_245 : vector<16x1xi32> to vector<16xi32>
      %gather3A_247 = tpu.dynamic_gather %add3A_244[%gather3A_246] in [0] : vector<16xf32>, vector<16xi32> -> vector<16xf32>
      %add3A_248 = arith.addf %add3A_244, %gather3A_247 : vector<16xf32>
      %broadcast_in_dim3A_249 = vector.shape_cast %xor3A_11 : vector<16xi32> to vector<16x1xi32>
      %gather3A_250 = vector.shape_cast %broadcast_in_dim3A_249 : vector<16x1xi32> to vector<16xi32>
      %gather3A_251 = tpu.dynamic_gather %add3A_248[%gather3A_250] in [0] : vector<16xf32>, vector<16xi32> -> vector<16xf32>
      %add3A_252 = arith.addf %add3A_248, %gather3A_251 : vector<16xf32>
      %broadcast_in_dim3A_253 = vector.shape_cast %xor3A_14 : vector<16xi32> to vector<16x1xi32>
      %gather3A_254 = vector.shape_cast %broadcast_in_dim3A_253 : vector<16x1xi32> to vector<16xi32>
      %gather3A_255 = tpu.dynamic_gather %add3A_252[%gather3A_254] in [0] : vector<16xf32>, vector<16xi32> -> vector<16xf32>
      %add3A_256 = arith.addf %add3A_252, %gather3A_255 : vector<16xf32>
      %broadcast_in_dim3A_257 = vector.shape_cast %xor3A_17 : vector<16xi32> to vector<16x1xi32>
      %gather3A_258 = vector.shape_cast %broadcast_in_dim3A_257 : vector<16x1xi32> to vector<16xi32>
      %gather3A_259 = tpu.dynamic_gather %add3A_256[%gather3A_258] in [0] : vector<16xf32>, vector<16xi32> -> vector<16xf32>
      %add3A_260 = arith.addf %add3A_256, %gather3A_259 : vector<16xf32>
      %eq3A_261 = arith.constant 3 : i32
      %eq3A_262 = vector.broadcast %eq3A_261 : i32 to vector<16xi32>
      %eq3A_263 = arith.cmpi eq, %iota3A, %eq3A_262 : vector<16xi32>
      %select_n3A_264 = arith.select %eq3A_263, %add3A_260, %select_n3A_203 : vector<16xi1>, vector<16xf32>
      %mul3A_265 = arith.constant 16 : i32
      %mul3A_266 = arith.muli %scan3A_23, %mul3A_265 : i32
      %add3A_267 = arith.constant 4 : i32
      %add3A_268 = arith.addi %mul3A_266, %add3A_267 : i32
      %mul3A_269 = arith.constant 64 : i32
      %mul3A_270 = arith.muli %add3A_268, %mul3A_269 : i32
      %get3A_271 = arith.index_cast %mul3A_270 : i32 to index
      %get3A_272 = tpu.vector_load %arg5[%get3A_271] {strides = array<i32>} : memref<32768xf32, #tpu.memory_space<vmem>>, vector<16xf32>,
      %get3A_273 = arith.index_cast %mul3A_270 : i32 to index
      %get3A_274 = tpu.vector_load %arg6[%get3A_273] {strides = array<i32>} : memref<32768xf32, #tpu.memory_space<vmem>>, vector<16xf32>,
      %mul3A_275 = arith.mulf %get3A_272, %get3A_274 : vector<16xf32>
      %add3A_276 = arith.constant 16 : i32
      %add3A_277 = arith.addi %mul3A_270, %add3A_276 : i32
      %get3A_278 = arith.index_cast %add3A_277 : i32 to index
      %get3A_279 = tpu.vector_load %arg5[%get3A_278] {strides = array<i32>} : memref<32768xf32, #tpu.memory_space<vmem>>, vector<16xf32>,
      %add3A_280 = arith.constant 16 : i32
      %add3A_281 = arith.addi %mul3A_270, %add3A_280 : i32
      %get3A_282 = arith.index_cast %add3A_281 : i32 to index
      %get3A_283 = tpu.vector_load %arg6[%get3A_282] {strides = array<i32>} : memref<32768xf32, #tpu.memory_space<vmem>>, vector<16xf32>,
      %mul3A_284 = arith.mulf %get3A_279, %get3A_283 : vector<16xf32>
      %add3A_285 = arith.addf %mul3A_275, %mul3A_284 : vector<16xf32>
      %add3A_286 = arith.constant 32 : i32
      %add3A_287 = arith.addi %mul3A_270, %add3A_286 : i32
      %get3A_288 = arith.index_cast %add3A_287 : i32 to index
      %get3A_289 = tpu.vector_load %arg5[%get3A_288] {strides = array<i32>} : memref<32768xf32, #tpu.memory_space<vmem>>, vector<16xf32>,
      %add3A_290 = arith.constant 32 : i32
      %add3A_291 = arith.addi %mul3A_270, %add3A_290 : i32
      %get3A_292 = arith.index_cast %add3A_291 : i32 to index
      %get3A_293 = tpu.vector_load %arg6[%get3A_292] {strides = array<i32>} : memref<32768xf32, #tpu.memory_space<vmem>>, vector<16xf32>,
      %mul3A_294 = arith.mulf %get3A_289, %get3A_293 : vector<16xf32>
      %add3A_295 = arith.addf %add3A_285, %mul3A_294 : vector<16xf32>
      %add3A_296 = arith.constant 48 : i32
      %add3A_297 = arith.addi %mul3A_270, %add3A_296 : i32
      %get3A_298 = arith.index_cast %add3A_297 : i32 to index
      %get3A_299 = tpu.vector_load %arg5[%get3A_298] {strides = array<i32>} : memref<32768xf32, #tpu.memory_space<vmem>>, vector<16xf32>,
      %add3A_300 = arith.constant 48 : i32
      %add3A_301 = arith.addi %mul3A_270, %add3A_300 : i32
      %get3A_302 = arith.index_cast %add3A_301 : i32 to index
      %get3A_303 = tpu.vector_load %arg6[%get3A_302] {strides = array<i32>} : memref<32768xf32, #tpu.memory_space<vmem>>, vector<16xf32>,
      %mul3A_304 = arith.mulf %get3A_299, %get3A_303 : vector<16xf32>
      %add3A_305 = arith.addf %add3A_295, %mul3A_304 : vector<16xf32>
      %broadcast_in_dim3A_306 = vector.shape_cast %xor3A_8 : vector<16xi32> to vector<16x1xi32>
      %gather3A_307 = vector.shape_cast %broadcast_in_dim3A_306 : vector<16x1xi32> to vector<16xi32>
      %gather3A_308 = tpu.dynamic_gather %add3A_305[%gather3A_307] in [0] : vector<16xf32>, vector<16xi32> -> vector<16xf32>
      %add3A_309 = arith.addf %add3A_305, %gather3A_308 : vector<16xf32>
      %broadcast_in_dim3A_310 = vector.shape_cast %xor3A_11 : vector<16xi32> to vector<16x1xi32>
      %gather3A_311 = vector.shape_cast %broadcast_in_dim3A_310 : vector<16x1xi32> to vector<16xi32>
      %gather3A_312 = tpu.dynamic_gather %add3A_309[%gather3A_311] in [0] : vector<16xf32>, vector<16xi32> -> vector<16xf32>
      %add3A_313 = arith.addf %add3A_309, %gather3A_312 : vector<16xf32>
      %broadcast_in_dim3A_314 = vector.shape_cast %xor3A_14 : vector<16xi32> to vector<16x1xi32>
      %gather3A_315 = vector.shape_cast %broadcast_in_dim3A_314 : vector<16x1xi32> to vector<16xi32>
      %gather3A_316 = tpu.dynamic_gather %add3A_313[%gather3A_315] in [0] : vector<16xf32>, vector<16xi32> -> vector<16xf32>
      %add3A_317 = arith.addf %add3A_313, %gather3A_316 : vector<16xf32>
      %broadcast_in_dim3A_318 = vector.shape_cast %xor3A_17 : vector<16xi32> to vector<16x1xi32>
      %gather3A_319 = vector.shape_cast %broadcast_in_dim3A_318 : vector<16x1xi32> to vector<16xi32>
      %gather3A_320 = tpu.dynamic_gather %add3A_317[%gather3A_319] in [0] : vector<16xf32>, vector<16xi32> -> vector<16xf32>
      %add3A_321 = arith.addf %add3A_317, %gather3A_320 : vector<16xf32>
      %eq3A_322 = arith.constant 4 : i32
      %eq3A_323 = vector.broadcast %eq3A_322 : i32 to vector<16xi32>
      %eq3A_324 = arith.cmpi eq, %iota3A, %eq3A_323 : vector<16xi32>
      %select_n3A_325 = arith.select %eq3A_324, %add3A_321, %select_n3A_264 : vector<16xi1>, vector<16xf32>
      %mul3A_326 = arith.constant 16 : i32
      %mul3A_327 = arith.muli %scan3A_23, %mul3A_326 : i32
      %add3A_328 = arith.constant 5 : i32
      %add3A_329 = arith.addi %mul3A_327, %add3A_328 : i32
      %mul3A_330 = arith.constant 64 : i32
      %mul3A_331 = arith.muli %add3A_329, %mul3A_330 : i32
      %get3A_332 = arith.index_cast %mul3A_331 : i32 to index
      %get3A_333 = tpu.vector_load %arg5[%get3A_332] {strides = array<i32>} : memref<32768xf32, #tpu.memory_space<vmem>>, vector<16xf32>,
      %get3A_334 = arith.index_cast %mul3A_331 : i32 to index
      %get3A_335 = tpu.vector_load %arg6[%get3A_334] {strides = array<i32>} : memref<32768xf32, #tpu.memory_space<vmem>>, vector<16xf32>,
      %mul3A_336 = arith.mulf %get3A_333, %get3A_335 : vector<16xf32>
      %add3A_337 = arith.constant 16 : i32
      %add3A_338 = arith.addi %mul3A_331, %add3A_337 : i32
      %get3A_339 = arith.index_cast %add3A_338 : i32 to index
      %get3A_340 = tpu.vector_load %arg5[%get3A_339] {strides = array<i32>} : memref<32768xf32, #tpu.memory_space<vmem>>, vector<16xf32>,
      %add3A_341 = arith.constant 16 : i32
      %add3A_342 = arith.addi %mul3A_331, %add3A_341 : i32
      %get3A_343 = arith.index_cast %add3A_342 : i32 to index
      %get3A_344 = tpu.vector_load %arg6[%get3A_343] {strides = array<i32>} : memref<32768xf32, #tpu.memory_space<vmem>>, vector<16xf32>,
      %mul3A_345 = arith.mulf %get3A_340, %get3A_344 : vector<16xf32>
      %add3A_346 = arith.addf %mul3A_336, %mul3A_345 : vector<16xf32>
      %add3A_347 = arith.constant 32 : i32
      %add3A_348 = arith.addi %mul3A_331, %add3A_347 : i32
      %get3A_349 = arith.index_cast %add3A_348 : i32 to index
      %get3A_350 = tpu.vector_load %arg5[%get3A_349] {strides = array<i32>} : memref<32768xf32, #tpu.memory_space<vmem>>, vector<16xf32>,
      %add3A_351 = arith.constant 32 : i32
      %add3A_352 = arith.addi %mul3A_331, %add3A_351 : i32
      %get3A_353 = arith.index_cast %add3A_352 : i32 to index
      %get3A_354 = tpu.vector_load %arg6[%get3A_353] {strides = array<i32>} : memref<32768xf32, #tpu.memory_space<vmem>>, vector<16xf32>,
      %mul3A_355 = arith.mulf %get3A_350, %get3A_354 : vector<16xf32>
      %add3A_356 = arith.addf %add3A_346, %mul3A_355 : vector<16xf32>
      %add3A_357 = arith.constant 48 : i32
      %add3A_358 = arith.addi %mul3A_331, %add3A_357 : i32
      %get3A_359 = arith.index_cast %add3A_358 : i32 to index
      %get3A_360 = tpu.vector_load %arg5[%get3A_359] {strides = array<i32>} : memref<32768xf32, #tpu.memory_space<vmem>>, vector<16xf32>,
      %add3A_361 = arith.constant 48 : i32
      %add3A_362 = arith.addi %mul3A_331, %add3A_361 : i32
      %get3A_363 = arith.index_cast %add3A_362 : i32 to index
      %get3A_364 = tpu.vector_load %arg6[%get3A_363] {strides = array<i32>} : memref<32768xf32, #tpu.memory_space<vmem>>, vector<16xf32>,
      %mul3A_365 = arith.mulf %get3A_360, %get3A_364 : vector<16xf32>
      %add3A_366 = arith.addf %add3A_356, %mul3A_365 : vector<16xf32>
      %broadcast_in_dim3A_367 = vector.shape_cast %xor3A_8 : vector<16xi32> to vector<16x1xi32>
      %gather3A_368 = vector.shape_cast %broadcast_in_dim3A_367 : vector<16x1xi32> to vector<16xi32>
      %gather3A_369 = tpu.dynamic_gather %add3A_366[%gather3A_368] in [0] : vector<16xf32>, vector<16xi32> -> vector<16xf32>
      %add3A_370 = arith.addf %add3A_366, %gather3A_369 : vector<16xf32>
      %broadcast_in_dim3A_371 = vector.shape_cast %xor3A_11 : vector<16xi32> to vector<16x1xi32>
      %gather3A_372 = vector.shape_cast %broadcast_in_dim3A_371 : vector<16x1xi32> to vector<16xi32>
      %gather3A_373 = tpu.dynamic_gather %add3A_370[%gather3A_372] in [0] : vector<16xf32>, vector<16xi32> -> vector<16xf32>
      %add3A_374 = arith.addf %add3A_370, %gather3A_373 : vector<16xf32>
      %broadcast_in_dim3A_375 = vector.shape_cast %xor3A_14 : vector<16xi32> to vector<16x1xi32>
      %gather3A_376 = vector.shape_cast %broadcast_in_dim3A_375 : vector<16x1xi32> to vector<16xi32>
      %gather3A_377 = tpu.dynamic_gather %add3A_374[%gather3A_376] in [0] : vector<16xf32>, vector<16xi32> -> vector<16xf32>
      %add3A_378 = arith.addf %add3A_374, %gather3A_377 : vector<16xf32>
      %broadcast_in_dim3A_379 = vector.shape_cast %xor3A_17 : vector<16xi32> to vector<16x1xi32>
      %gather3A_380 = vector.shape_cast %broadcast_in_dim3A_379 : vector<16x1xi32> to vector<16xi32>
      %gather3A_381 = tpu.dynamic_gather %add3A_378[%gather3A_380] in [0] : vector<16xf32>, vector<16xi32> -> vector<16xf32>
      %add3A_382 = arith.addf %add3A_378, %gather3A_381 : vector<16xf32>
      %eq3A_383 = arith.constant 5 : i32
      %eq3A_384 = vector.broadcast %eq3A_383 : i32 to vector<16xi32>
      %eq3A_385 = arith.cmpi eq, %iota3A, %eq3A_384 : vector<16xi32>
      %select_n3A_386 = arith.select %eq3A_385, %add3A_382, %select_n3A_325 : vector<16xi1>, vector<16xf32>
      %mul3A_387 = arith.constant 16 : i32
      %mul3A_388 = arith.muli %scan3A_23, %mul3A_387 : i32
      %add3A_389 = arith.constant 6 : i32
      %add3A_390 = arith.addi %mul3A_388, %add3A_389 : i32
      %mul3A_391 = arith.constant 64 : i32
      %mul3A_392 = arith.muli %add3A_390, %mul3A_391 : i32
      %get3A_393 = arith.index_cast %mul3A_392 : i32 to index
      %get3A_394 = tpu.vector_load %arg5[%get3A_393] {strides = array<i32>} : memref<32768xf32, #tpu.memory_space<vmem>>, vector<16xf32>,
      %get3A_395 = arith.index_cast %mul3A_392 : i32 to index
      %get3A_396 = tpu.vector_load %arg6[%get3A_395] {strides = array<i32>} : memref<32768xf32, #tpu.memory_space<vmem>>, vector<16xf32>,
      %mul3A_397 = arith.mulf %get3A_394, %get3A_396 : vector<16xf32>
      %add3A_398 = arith.constant 16 : i32
      %add3A_399 = arith.addi %mul3A_392, %add3A_398 : i32
      %get3A_400 = arith.index_cast %add3A_399 : i32 to index
      %get3A_401 = tpu.vector_load %arg5[%get3A_400] {strides = array<i32>} : memref<32768xf32, #tpu.memory_space<vmem>>, vector<16xf32>,
      %add3A_402 = arith.constant 16 : i32
      %add3A_403 = arith.addi %mul3A_392, %add3A_402 : i32
      %get3A_404 = arith.index_cast %add3A_403 : i32 to index
      %get3A_405 = tpu.vector_load %arg6[%get3A_404] {strides = array<i32>} : memref<32768xf32, #tpu.memory_space<vmem>>, vector<16xf32>,
      %mul3A_406 = arith.mulf %get3A_401, %get3A_405 : vector<16xf32>
      %add3A_407 = arith.addf %mul3A_397, %mul3A_406 : vector<16xf32>
      %add3A_408 = arith.constant 32 : i32
      %add3A_409 = arith.addi %mul3A_392, %add3A_408 : i32
      %get3A_410 = arith.index_cast %add3A_409 : i32 to index
      %get3A_411 = tpu.vector_load %arg5[%get3A_410] {strides = array<i32>} : memref<32768xf32, #tpu.memory_space<vmem>>, vector<16xf32>,
      %add3A_412 = arith.constant 32 : i32
      %add3A_413 = arith.addi %mul3A_392, %add3A_412 : i32
      %get3A_414 = arith.index_cast %add3A_413 : i32 to index
      %get3A_415 = tpu.vector_load %arg6[%get3A_414] {strides = array<i32>} : memref<32768xf32, #tpu.memory_space<vmem>>, vector<16xf32>,
      %mul3A_416 = arith.mulf %get3A_411, %get3A_415 : vector<16xf32>
      %add3A_417 = arith.addf %add3A_407, %mul3A_416 : vector<16xf32>
      %add3A_418 = arith.constant 48 : i32
      %add3A_419 = arith.addi %mul3A_392, %add3A_418 : i32
      %get3A_420 = arith.index_cast %add3A_419 : i32 to index
      %get3A_421 = tpu.vector_load %arg5[%get3A_420] {strides = array<i32>} : memref<32768xf32, #tpu.memory_space<vmem>>, vector<16xf32>,
      %add3A_422 = arith.constant 48 : i32
      %add3A_423 = arith.addi %mul3A_392, %add3A_422 : i32
      %get3A_424 = arith.index_cast %add3A_423 : i32 to index
      %get3A_425 = tpu.vector_load %arg6[%get3A_424] {strides = array<i32>} : memref<32768xf32, #tpu.memory_space<vmem>>, vector<16xf32>,
      %mul3A_426 = arith.mulf %get3A_421, %get3A_425 : vector<16xf32>
      %add3A_427 = arith.addf %add3A_417, %mul3A_426 : vector<16xf32>
      %broadcast_in_dim3A_428 = vector.shape_cast %xor3A_8 : vector<16xi32> to vector<16x1xi32>
      %gather3A_429 = vector.shape_cast %broadcast_in_dim3A_428 : vector<16x1xi32> to vector<16xi32>
      %gather3A_430 = tpu.dynamic_gather %add3A_427[%gather3A_429] in [0] : vector<16xf32>, vector<16xi32> -> vector<16xf32>
      %add3A_431 = arith.addf %add3A_427, %gather3A_430 : vector<16xf32>
      %broadcast_in_dim3A_432 = vector.shape_cast %xor3A_11 : vector<16xi32> to vector<16x1xi32>
      %gather3A_433 = vector.shape_cast %broadcast_in_dim3A_432 : vector<16x1xi32> to vector<16xi32>
      %gather3A_434 = tpu.dynamic_gather %add3A_431[%gather3A_433] in [0] : vector<16xf32>, vector<16xi32> -> vector<16xf32>
      %add3A_435 = arith.addf %add3A_431, %gather3A_434 : vector<16xf32>
      %broadcast_in_dim3A_436 = vector.shape_cast %xor3A_14 : vector<16xi32> to vector<16x1xi32>
      %gather3A_437 = vector.shape_cast %broadcast_in_dim3A_436 : vector<16x1xi32> to vector<16xi32>
      %gather3A_438 = tpu.dynamic_gather %add3A_435[%gather3A_437] in [0] : vector<16xf32>, vector<16xi32> -> vector<16xf32>
      %add3A_439 = arith.addf %add3A_435, %gather3A_438 : vector<16xf32>
      %broadcast_in_dim3A_440 = vector.shape_cast %xor3A_17 : vector<16xi32> to vector<16x1xi32>
      %gather3A_441 = vector.shape_cast %broadcast_in_dim3A_440 : vector<16x1xi32> to vector<16xi32>
      %gather3A_442 = tpu.dynamic_gather %add3A_439[%gather3A_441] in [0] : vector<16xf32>, vector<16xi32> -> vector<16xf32>
      %add3A_443 = arith.addf %add3A_439, %gather3A_442 : vector<16xf32>
      %eq3A_444 = arith.constant 6 : i32
      %eq3A_445 = vector.broadcast %eq3A_444 : i32 to vector<16xi32>
      %eq3A_446 = arith.cmpi eq, %iota3A, %eq3A_445 : vector<16xi32>
      %select_n3A_447 = arith.select %eq3A_446, %add3A_443, %select_n3A_386 : vector<16xi1>, vector<16xf32>
      %mul3A_448 = arith.constant 16 : i32
      %mul3A_449 = arith.muli %scan3A_23, %mul3A_448 : i32
      %add3A_450 = arith.constant 7 : i32
      %add3A_451 = arith.addi %mul3A_449, %add3A_450 : i32
      %mul3A_452 = arith.constant 64 : i32
      %mul3A_453 = arith.muli %add3A_451, %mul3A_452 : i32
      %get3A_454 = arith.index_cast %mul3A_453 : i32 to index
      %get3A_455 = tpu.vector_load %arg5[%get3A_454] {strides = array<i32>} : memref<32768xf32, #tpu.memory_space<vmem>>, vector<16xf32>,
      %get3A_456 = arith.index_cast %mul3A_453 : i32 to index
      %get3A_457 = tpu.vector_load %arg6[%get3A_456] {strides = array<i32>} : memref<32768xf32, #tpu.memory_space<vmem>>, vector<16xf32>,
      %mul3A_458 = arith.mulf %get3A_455, %get3A_457 : vector<16xf32>
      %add3A_459 = arith.constant 16 : i32
      %add3A_460 = arith.addi %mul3A_453, %add3A_459 : i32
      %get3A_461 = arith.index_cast %add3A_460 : i32 to index
      %get3A_462 = tpu.vector_load %arg5[%get3A_461] {strides = array<i32>} : memref<32768xf32, #tpu.memory_space<vmem>>, vector<16xf32>,
      %add3A_463 = arith.constant 16 : i32
      %add3A_464 = arith.addi %mul3A_453, %add3A_463 : i32
      %get3A_465 = arith.index_cast %add3A_464 : i32 to index
      %get3A_466 = tpu.vector_load %arg6[%get3A_465] {strides = array<i32>} : memref<32768xf32, #tpu.memory_space<vmem>>, vector<16xf32>,
      %mul3A_467 = arith.mulf %get3A_462, %get3A_466 : vector<16xf32>
      %add3A_468 = arith.addf %mul3A_458, %mul3A_467 : vector<16xf32>
      %add3A_469 = arith.constant 32 : i32
      %add3A_470 = arith.addi %mul3A_453, %add3A_469 : i32
      %get3A_471 = arith.index_cast %add3A_470 : i32 to index
      %get3A_472 = tpu.vector_load %arg5[%get3A_471] {strides = array<i32>} : memref<32768xf32, #tpu.memory_space<vmem>>, vector<16xf32>,
      %add3A_473 = arith.constant 32 : i32
      %add3A_474 = arith.addi %mul3A_453, %add3A_473 : i32
      %get3A_475 = arith.index_cast %add3A_474 : i32 to index
      %get3A_476 = tpu.vector_load %arg6[%get3A_475] {strides = array<i32>} : memref<32768xf32, #tpu.memory_space<vmem>>, vector<16xf32>,
      %mul3A_477 = arith.mulf %get3A_472, %get3A_476 : vector<16xf32>
      %add3A_478 = arith.addf %add3A_468, %mul3A_477 : vector<16xf32>
      %add3A_479 = arith.constant 48 : i32
      %add3A_480 = arith.addi %mul3A_453, %add3A_479 : i32
      %get3A_481 = arith.index_cast %add3A_480 : i32 to index
      %get3A_482 = tpu.vector_load %arg5[%get3A_481] {strides = array<i32>} : memref<32768xf32, #tpu.memory_space<vmem>>, vector<16xf32>,
      %add3A_483 = arith.constant 48 : i32
      %add3A_484 = arith.addi %mul3A_453, %add3A_483 : i32
      %get3A_485 = arith.index_cast %add3A_484 : i32 to index
      %get3A_486 = tpu.vector_load %arg6[%get3A_485] {strides = array<i32>} : memref<32768xf32, #tpu.memory_space<vmem>>, vector<16xf32>,
      %mul3A_487 = arith.mulf %get3A_482, %get3A_486 : vector<16xf32>
      %add3A_488 = arith.addf %add3A_478, %mul3A_487 : vector<16xf32>
      %broadcast_in_dim3A_489 = vector.shape_cast %xor3A_8 : vector<16xi32> to vector<16x1xi32>
      %gather3A_490 = vector.shape_cast %broadcast_in_dim3A_489 : vector<16x1xi32> to vector<16xi32>
      %gather3A_491 = tpu.dynamic_gather %add3A_488[%gather3A_490] in [0] : vector<16xf32>, vector<16xi32> -> vector<16xf32>
      %add3A_492 = arith.addf %add3A_488, %gather3A_491 : vector<16xf32>
      %broadcast_in_dim3A_493 = vector.shape_cast %xor3A_11 : vector<16xi32> to vector<16x1xi32>
      %gather3A_494 = vector.shape_cast %broadcast_in_dim3A_493 : vector<16x1xi32> to vector<16xi32>
      %gather3A_495 = tpu.dynamic_gather %add3A_492[%gather3A_494] in [0] : vector<16xf32>, vector<16xi32> -> vector<16xf32>
      %add3A_496 = arith.addf %add3A_492, %gather3A_495 : vector<16xf32>
      %broadcast_in_dim3A_497 = vector.shape_cast %xor3A_14 : vector<16xi32> to vector<16x1xi32>
      %gather3A_498 = vector.shape_cast %broadcast_in_dim3A_497 : vector<16x1xi32> to vector<16xi32>
      %gather3A_499 = tpu.dynamic_gather %add3A_496[%gather3A_498] in [0] : vector<16xf32>, vector<16xi32> -> vector<16xf32>
      %add3A_500 = arith.addf %add3A_496, %gather3A_499 : vector<16xf32>
      %broadcast_in_dim3A_501 = vector.shape_cast %xor3A_17 : vector<16xi32> to vector<16x1xi32>
      %gather3A_502 = vector.shape_cast %broadcast_in_dim3A_501 : vector<16x1xi32> to vector<16xi32>
      %gather3A_503 = tpu.dynamic_gather %add3A_500[%gather3A_502] in [0] : vector<16xf32>, vector<16xi32> -> vector<16xf32>
      %add3A_504 = arith.addf %add3A_500, %gather3A_503 : vector<16xf32>
      %eq3A_505 = arith.constant 7 : i32
      %eq3A_506 = vector.broadcast %eq3A_505 : i32 to vector<16xi32>
      %eq3A_507 = arith.cmpi eq, %iota3A, %eq3A_506 : vector<16xi32>
      %select_n3A_508 = arith.select %eq3A_507, %add3A_504, %select_n3A_447 : vector<16xi1>, vector<16xf32>
      %mul3A_509 = arith.constant 16 : i32
      %mul3A_510 = arith.muli %scan3A_23, %mul3A_509 : i32
      %add3A_511 = arith.constant 8 : i32
      %add3A_512 = arith.addi %mul3A_510, %add3A_511 : i32
      %mul3A_513 = arith.constant 64 : i32
      %mul3A_514 = arith.muli %add3A_512, %mul3A_513 : i32
      %get3A_515 = arith.index_cast %mul3A_514 : i32 to index
      %get3A_516 = tpu.vector_load %arg5[%get3A_515] {strides = array<i32>} : memref<32768xf32, #tpu.memory_space<vmem>>, vector<16xf32>,
      %get3A_517 = arith.index_cast %mul3A_514 : i32 to index
      %get3A_518 = tpu.vector_load %arg6[%get3A_517] {strides = array<i32>} : memref<32768xf32, #tpu.memory_space<vmem>>, vector<16xf32>,
      %mul3A_519 = arith.mulf %get3A_516, %get3A_518 : vector<16xf32>
      %add3A_520 = arith.constant 16 : i32
      %add3A_521 = arith.addi %mul3A_514, %add3A_520 : i32
      %get3A_522 = arith.index_cast %add3A_521 : i32 to index
      %get3A_523 = tpu.vector_load %arg5[%get3A_522] {strides = array<i32>} : memref<32768xf32, #tpu.memory_space<vmem>>, vector<16xf32>,
      %add3A_524 = arith.constant 16 : i32
      %add3A_525 = arith.addi %mul3A_514, %add3A_524 : i32
      %get3A_526 = arith.index_cast %add3A_525 : i32 to index
      %get3A_527 = tpu.vector_load %arg6[%get3A_526] {strides = array<i32>} : memref<32768xf32, #tpu.memory_space<vmem>>, vector<16xf32>,
      %mul3A_528 = arith.mulf %get3A_523, %get3A_527 : vector<16xf32>
      %add3A_529 = arith.addf %mul3A_519, %mul3A_528 : vector<16xf32>
      %add3A_530 = arith.constant 32 : i32
      %add3A_531 = arith.addi %mul3A_514, %add3A_530 : i32
      %get3A_532 = arith.index_cast %add3A_531 : i32 to index
      %get3A_533 = tpu.vector_load %arg5[%get3A_532] {strides = array<i32>} : memref<32768xf32, #tpu.memory_space<vmem>>, vector<16xf32>,
      %add3A_534 = arith.constant 32 : i32
      %add3A_535 = arith.addi %mul3A_514, %add3A_534 : i32
      %get3A_536 = arith.index_cast %add3A_535 : i32 to index
      %get3A_537 = tpu.vector_load %arg6[%get3A_536] {strides = array<i32>} : memref<32768xf32, #tpu.memory_space<vmem>>, vector<16xf32>,
      %mul3A_538 = arith.mulf %get3A_533, %get3A_537 : vector<16xf32>
      %add3A_539 = arith.addf %add3A_529, %mul3A_538 : vector<16xf32>
      %add3A_540 = arith.constant 48 : i32
      %add3A_541 = arith.addi %mul3A_514, %add3A_540 : i32
      %get3A_542 = arith.index_cast %add3A_541 : i32 to index
      %get3A_543 = tpu.vector_load %arg5[%get3A_542] {strides = array<i32>} : memref<32768xf32, #tpu.memory_space<vmem>>, vector<16xf32>,
      %add3A_544 = arith.constant 48 : i32
      %add3A_545 = arith.addi %mul3A_514, %add3A_544 : i32
      %get3A_546 = arith.index_cast %add3A_545 : i32 to index
      %get3A_547 = tpu.vector_load %arg6[%get3A_546] {strides = array<i32>} : memref<32768xf32, #tpu.memory_space<vmem>>, vector<16xf32>,
      %mul3A_548 = arith.mulf %get3A_543, %get3A_547 : vector<16xf32>
      %add3A_549 = arith.addf %add3A_539, %mul3A_548 : vector<16xf32>
      %broadcast_in_dim3A_550 = vector.shape_cast %xor3A_8 : vector<16xi32> to vector<16x1xi32>
      %gather3A_551 = vector.shape_cast %broadcast_in_dim3A_550 : vector<16x1xi32> to vector<16xi32>
      %gather3A_552 = tpu.dynamic_gather %add3A_549[%gather3A_551] in [0] : vector<16xf32>, vector<16xi32> -> vector<16xf32>
      %add3A_553 = arith.addf %add3A_549, %gather3A_552 : vector<16xf32>
      %broadcast_in_dim3A_554 = vector.shape_cast %xor3A_11 : vector<16xi32> to vector<16x1xi32>
      %gather3A_555 = vector.shape_cast %broadcast_in_dim3A_554 : vector<16x1xi32> to vector<16xi32>
      %gather3A_556 = tpu.dynamic_gather %add3A_553[%gather3A_555] in [0] : vector<16xf32>, vector<16xi32> -> vector<16xf32>
      %add3A_557 = arith.addf %add3A_553, %gather3A_556 : vector<16xf32>
      %broadcast_in_dim3A_558 = vector.shape_cast %xor3A_14 : vector<16xi32> to vector<16x1xi32>
      %gather3A_559 = vector.shape_cast %broadcast_in_dim3A_558 : vector<16x1xi32> to vector<16xi32>
      %gather3A_560 = tpu.dynamic_gather %add3A_557[%gather3A_559] in [0] : vector<16xf32>, vector<16xi32> -> vector<16xf32>
      %add3A_561 = arith.addf %add3A_557, %gather3A_560 : vector<16xf32>
      %broadcast_in_dim3A_562 = vector.shape_cast %xor3A_17 : vector<16xi32> to vector<16x1xi32>
      %gather3A_563 = vector.shape_cast %broadcast_in_dim3A_562 : vector<16x1xi32> to vector<16xi32>
      %gather3A_564 = tpu.dynamic_gather %add3A_561[%gather3A_563] in [0] : vector<16xf32>, vector<16xi32> -> vector<16xf32>
      %add3A_565 = arith.addf %add3A_561, %gather3A_564 : vector<16xf32>
      %eq3A_566 = arith.constant 8 : i32
      %eq3A_567 = vector.broadcast %eq3A_566 : i32 to vector<16xi32>
      %eq3A_568 = arith.cmpi eq, %iota3A, %eq3A_567 : vector<16xi32>
      %select_n3A_569 = arith.select %eq3A_568, %add3A_565, %select_n3A_508 : vector<16xi1>, vector<16xf32>
      %mul3A_570 = arith.constant 16 : i32
      %mul3A_571 = arith.muli %scan3A_23, %mul3A_570 : i32
      %add3A_572 = arith.constant 9 : i32
      %add3A_573 = arith.addi %mul3A_571, %add3A_572 : i32
      %mul3A_574 = arith.constant 64 : i32
      %mul3A_575 = arith.muli %add3A_573, %mul3A_574 : i32
      %get3A_576 = arith.index_cast %mul3A_575 : i32 to index
      %get3A_577 = tpu.vector_load %arg5[%get3A_576] {strides = array<i32>} : memref<32768xf32, #tpu.memory_space<vmem>>, vector<16xf32>,
      %get3A_578 = arith.index_cast %mul3A_575 : i32 to index
      %get3A_579 = tpu.vector_load %arg6[%get3A_578] {strides = array<i32>} : memref<32768xf32, #tpu.memory_space<vmem>>, vector<16xf32>,
      %mul3A_580 = arith.mulf %get3A_577, %get3A_579 : vector<16xf32>
      %add3A_581 = arith.constant 16 : i32
      %add3A_582 = arith.addi %mul3A_575, %add3A_581 : i32
      %get3A_583 = arith.index_cast %add3A_582 : i32 to index
      %get3A_584 = tpu.vector_load %arg5[%get3A_583] {strides = array<i32>} : memref<32768xf32, #tpu.memory_space<vmem>>, vector<16xf32>,
      %add3A_585 = arith.constant 16 : i32
      %add3A_586 = arith.addi %mul3A_575, %add3A_585 : i32
      %get3A_587 = arith.index_cast %add3A_586 : i32 to index
      %get3A_588 = tpu.vector_load %arg6[%get3A_587] {strides = array<i32>} : memref<32768xf32, #tpu.memory_space<vmem>>, vector<16xf32>,
      %mul3A_589 = arith.mulf %get3A_584, %get3A_588 : vector<16xf32>
      %add3A_590 = arith.addf %mul3A_580, %mul3A_589 : vector<16xf32>
      %add3A_591 = arith.constant 32 : i32
      %add3A_592 = arith.addi %mul3A_575, %add3A_591 : i32
      %get3A_593 = arith.index_cast %add3A_592 : i32 to index
      %get3A_594 = tpu.vector_load %arg5[%get3A_593] {strides = array<i32>} : memref<32768xf32, #tpu.memory_space<vmem>>, vector<16xf32>,
      %add3A_595 = arith.constant 32 : i32
      %add3A_596 = arith.addi %mul3A_575, %add3A_595 : i32
      %get3A_597 = arith.index_cast %add3A_596 : i32 to index
      %get3A_598 = tpu.vector_load %arg6[%get3A_597] {strides = array<i32>} : memref<32768xf32, #tpu.memory_space<vmem>>, vector<16xf32>,
      %mul3A_599 = arith.mulf %get3A_594, %get3A_598 : vector<16xf32>
      %add3A_600 = arith.addf %add3A_590, %mul3A_599 : vector<16xf32>
      %add3A_601 = arith.constant 48 : i32
      %add3A_602 = arith.addi %mul3A_575, %add3A_601 : i32
      %get3A_603 = arith.index_cast %add3A_602 : i32 to index
      %get3A_604 = tpu.vector_load %arg5[%get3A_603] {strides = array<i32>} : memref<32768xf32, #tpu.memory_space<vmem>>, vector<16xf32>,
      %add3A_605 = arith.constant 48 : i32
      %add3A_606 = arith.addi %mul3A_575, %add3A_605 : i32
      %get3A_607 = arith.index_cast %add3A_606 : i32 to index
      %get3A_608 = tpu.vector_load %arg6[%get3A_607] {strides = array<i32>} : memref<32768xf32, #tpu.memory_space<vmem>>, vector<16xf32>,
      %mul3A_609 = arith.mulf %get3A_604, %get3A_608 : vector<16xf32>
      %add3A_610 = arith.addf %add3A_600, %mul3A_609 : vector<16xf32>
      %broadcast_in_dim3A_611 = vector.shape_cast %xor3A_8 : vector<16xi32> to vector<16x1xi32>
      %gather3A_612 = vector.shape_cast %broadcast_in_dim3A_611 : vector<16x1xi32> to vector<16xi32>
      %gather3A_613 = tpu.dynamic_gather %add3A_610[%gather3A_612] in [0] : vector<16xf32>, vector<16xi32> -> vector<16xf32>
      %add3A_614 = arith.addf %add3A_610, %gather3A_613 : vector<16xf32>
      %broadcast_in_dim3A_615 = vector.shape_cast %xor3A_11 : vector<16xi32> to vector<16x1xi32>
      %gather3A_616 = vector.shape_cast %broadcast_in_dim3A_615 : vector<16x1xi32> to vector<16xi32>
      %gather3A_617 = tpu.dynamic_gather %add3A_614[%gather3A_616] in [0] : vector<16xf32>, vector<16xi32> -> vector<16xf32>
      %add3A_618 = arith.addf %add3A_614, %gather3A_617 : vector<16xf32>
      %broadcast_in_dim3A_619 = vector.shape_cast %xor3A_14 : vector<16xi32> to vector<16x1xi32>
      %gather3A_620 = vector.shape_cast %broadcast_in_dim3A_619 : vector<16x1xi32> to vector<16xi32>
      %gather3A_621 = tpu.dynamic_gather %add3A_618[%gather3A_620] in [0] : vector<16xf32>, vector<16xi32> -> vector<16xf32>
      %add3A_622 = arith.addf %add3A_618, %gather3A_621 : vector<16xf32>
      %broadcast_in_dim3A_623 = vector.shape_cast %xor3A_17 : vector<16xi32> to vector<16x1xi32>
      %gather3A_624 = vector.shape_cast %broadcast_in_dim3A_623 : vector<16x1xi32> to vector<16xi32>
      %gather3A_625 = tpu.dynamic_gather %add3A_622[%gather3A_624] in [0] : vector<16xf32>, vector<16xi32> -> vector<16xf32>
      %add3A_626 = arith.addf %add3A_622, %gather3A_625 : vector<16xf32>
      %eq3A_627 = arith.constant 9 : i32
      %eq3A_628 = vector.broadcast %eq3A_627 : i32 to vector<16xi32>
      %eq3A_629 = arith.cmpi eq, %iota3A, %eq3A_628 : vector<16xi32>
      %select_n3A_630 = arith.select %eq3A_629, %add3A_626, %select_n3A_569 : vector<16xi1>, vector<16xf32>
      %mul3A_631 = arith.constant 16 : i32
      %mul3A_632 = arith.muli %scan3A_23, %mul3A_631 : i32
      %add3A_633 = arith.constant 10 : i32
      %add3A_634 = arith.addi %mul3A_632, %add3A_633 : i32
      %mul3A_635 = arith.constant 64 : i32
      %mul3A_636 = arith.muli %add3A_634, %mul3A_635 : i32
      %get3A_637 = arith.index_cast %mul3A_636 : i32 to index
      %get3A_638 = tpu.vector_load %arg5[%get3A_637] {strides = array<i32>} : memref<32768xf32, #tpu.memory_space<vmem>>, vector<16xf32>,
      %get3A_639 = arith.index_cast %mul3A_636 : i32 to index
      %get3A_640 = tpu.vector_load %arg6[%get3A_639] {strides = array<i32>} : memref<32768xf32, #tpu.memory_space<vmem>>, vector<16xf32>,
      %mul3A_641 = arith.mulf %get3A_638, %get3A_640 : vector<16xf32>
      %add3A_642 = arith.constant 16 : i32
      %add3A_643 = arith.addi %mul3A_636, %add3A_642 : i32
      %get3A_644 = arith.index_cast %add3A_643 : i32 to index
      %get3A_645 = tpu.vector_load %arg5[%get3A_644] {strides = array<i32>} : memref<32768xf32, #tpu.memory_space<vmem>>, vector<16xf32>,
      %add3A_646 = arith.constant 16 : i32
      %add3A_647 = arith.addi %mul3A_636, %add3A_646 : i32
      %get3A_648 = arith.index_cast %add3A_647 : i32 to index
      %get3A_649 = tpu.vector_load %arg6[%get3A_648] {strides = array<i32>} : memref<32768xf32, #tpu.memory_space<vmem>>, vector<16xf32>,
      %mul3A_650 = arith.mulf %get3A_645, %get3A_649 : vector<16xf32>
      %add3A_651 = arith.addf %mul3A_641, %mul3A_650 : vector<16xf32>
      %add3A_652 = arith.constant 32 : i32
      %add3A_653 = arith.addi %mul3A_636, %add3A_652 : i32
      %get3A_654 = arith.index_cast %add3A_653 : i32 to index
      %get3A_655 = tpu.vector_load %arg5[%get3A_654] {strides = array<i32>} : memref<32768xf32, #tpu.memory_space<vmem>>, vector<16xf32>,
      %add3A_656 = arith.constant 32 : i32
      %add3A_657 = arith.addi %mul3A_636, %add3A_656 : i32
      %get3A_658 = arith.index_cast %add3A_657 : i32 to index
      %get3A_659 = tpu.vector_load %arg6[%get3A_658] {strides = array<i32>} : memref<32768xf32, #tpu.memory_space<vmem>>, vector<16xf32>,
      %mul3A_660 = arith.mulf %get3A_655, %get3A_659 : vector<16xf32>
      %add3A_661 = arith.addf %add3A_651, %mul3A_660 : vector<16xf32>
      %add3A_662 = arith.constant 48 : i32
      %add3A_663 = arith.addi %mul3A_636, %add3A_662 : i32
      %get3A_664 = arith.index_cast %add3A_663 : i32 to index
      %get3A_665 = tpu.vector_load %arg5[%get3A_664] {strides = array<i32>} : memref<32768xf32, #tpu.memory_space<vmem>>, vector<16xf32>,
      %add3A_666 = arith.constant 48 : i32
      %add3A_667 = arith.addi %mul3A_636, %add3A_666 : i32
      %get3A_668 = arith.index_cast %add3A_667 : i32 to index
      %get3A_669 = tpu.vector_load %arg6[%get3A_668] {strides = array<i32>} : memref<32768xf32, #tpu.memory_space<vmem>>, vector<16xf32>,
      %mul3A_670 = arith.mulf %get3A_665, %get3A_669 : vector<16xf32>
      %add3A_671 = arith.addf %add3A_661, %mul3A_670 : vector<16xf32>
      %broadcast_in_dim3A_672 = vector.shape_cast %xor3A_8 : vector<16xi32> to vector<16x1xi32>
      %gather3A_673 = vector.shape_cast %broadcast_in_dim3A_672 : vector<16x1xi32> to vector<16xi32>
      %gather3A_674 = tpu.dynamic_gather %add3A_671[%gather3A_673] in [0] : vector<16xf32>, vector<16xi32> -> vector<16xf32>
      %add3A_675 = arith.addf %add3A_671, %gather3A_674 : vector<16xf32>
      %broadcast_in_dim3A_676 = vector.shape_cast %xor3A_11 : vector<16xi32> to vector<16x1xi32>
      %gather3A_677 = vector.shape_cast %broadcast_in_dim3A_676 : vector<16x1xi32> to vector<16xi32>
      %gather3A_678 = tpu.dynamic_gather %add3A_675[%gather3A_677] in [0] : vector<16xf32>, vector<16xi32> -> vector<16xf32>
      %add3A_679 = arith.addf %add3A_675, %gather3A_678 : vector<16xf32>
      %broadcast_in_dim3A_680 = vector.shape_cast %xor3A_14 : vector<16xi32> to vector<16x1xi32>
      %gather3A_681 = vector.shape_cast %broadcast_in_dim3A_680 : vector<16x1xi32> to vector<16xi32>
      %gather3A_682 = tpu.dynamic_gather %add3A_679[%gather3A_681] in [0] : vector<16xf32>, vector<16xi32> -> vector<16xf32>
      %add3A_683 = arith.addf %add3A_679, %gather3A_682 : vector<16xf32>
      %broadcast_in_dim3A_684 = vector.shape_cast %xor3A_17 : vector<16xi32> to vector<16x1xi32>
      %gather3A_685 = vector.shape_cast %broadcast_in_dim3A_684 : vector<16x1xi32> to vector<16xi32>
      %gather3A_686 = tpu.dynamic_gather %add3A_683[%gather3A_685] in [0] : vector<16xf32>, vector<16xi32> -> vector<16xf32>
      %add3A_687 = arith.addf %add3A_683, %gather3A_686 : vector<16xf32>
      %eq3A_688 = arith.constant 10 : i32
      %eq3A_689 = vector.broadcast %eq3A_688 : i32 to vector<16xi32>
      %eq3A_690 = arith.cmpi eq, %iota3A, %eq3A_689 : vector<16xi32>
      %select_n3A_691 = arith.select %eq3A_690, %add3A_687, %select_n3A_630 : vector<16xi1>, vector<16xf32>
      %mul3A_692 = arith.constant 16 : i32
      %mul3A_693 = arith.muli %scan3A_23, %mul3A_692 : i32
      %add3A_694 = arith.constant 11 : i32
      %add3A_695 = arith.addi %mul3A_693, %add3A_694 : i32
      %mul3A_696 = arith.constant 64 : i32
      %mul3A_697 = arith.muli %add3A_695, %mul3A_696 : i32
      %get3A_698 = arith.index_cast %mul3A_697 : i32 to index
      %get3A_699 = tpu.vector_load %arg5[%get3A_698] {strides = array<i32>} : memref<32768xf32, #tpu.memory_space<vmem>>, vector<16xf32>,
      %get3A_700 = arith.index_cast %mul3A_697 : i32 to index
      %get3A_701 = tpu.vector_load %arg6[%get3A_700] {strides = array<i32>} : memref<32768xf32, #tpu.memory_space<vmem>>, vector<16xf32>,
      %mul3A_702 = arith.mulf %get3A_699, %get3A_701 : vector<16xf32>
      %add3A_703 = arith.constant 16 : i32
      %add3A_704 = arith.addi %mul3A_697, %add3A_703 : i32
      %get3A_705 = arith.index_cast %add3A_704 : i32 to index
      %get3A_706 = tpu.vector_load %arg5[%get3A_705] {strides = array<i32>} : memref<32768xf32, #tpu.memory_space<vmem>>, vector<16xf32>,
      %add3A_707 = arith.constant 16 : i32
      %add3A_708 = arith.addi %mul3A_697, %add3A_707 : i32
      %get3A_709 = arith.index_cast %add3A_708 : i32 to index
      %get3A_710 = tpu.vector_load %arg6[%get3A_709] {strides = array<i32>} : memref<32768xf32, #tpu.memory_space<vmem>>, vector<16xf32>,
      %mul3A_711 = arith.mulf %get3A_706, %get3A_710 : vector<16xf32>
      %add3A_712 = arith.addf %mul3A_702, %mul3A_711 : vector<16xf32>
      %add3A_713 = arith.constant 32 : i32
      %add3A_714 = arith.addi %mul3A_697, %add3A_713 : i32
      %get3A_715 = arith.index_cast %add3A_714 : i32 to index
      %get3A_716 = tpu.vector_load %arg5[%get3A_715] {strides = array<i32>} : memref<32768xf32, #tpu.memory_space<vmem>>, vector<16xf32>,
      %add3A_717 = arith.constant 32 : i32
      %add3A_718 = arith.addi %mul3A_697, %add3A_717 : i32
      %get3A_719 = arith.index_cast %add3A_718 : i32 to index
      %get3A_720 = tpu.vector_load %arg6[%get3A_719] {strides = array<i32>} : memref<32768xf32, #tpu.memory_space<vmem>>, vector<16xf32>,
      %mul3A_721 = arith.mulf %get3A_716, %get3A_720 : vector<16xf32>
      %add3A_722 = arith.addf %add3A_712, %mul3A_721 : vector<16xf32>
      %add3A_723 = arith.constant 48 : i32
      %add3A_724 = arith.addi %mul3A_697, %add3A_723 : i32
      %get3A_725 = arith.index_cast %add3A_724 : i32 to index
      %get3A_726 = tpu.vector_load %arg5[%get3A_725] {strides = array<i32>} : memref<32768xf32, #tpu.memory_space<vmem>>, vector<16xf32>,
      %add3A_727 = arith.constant 48 : i32
      %add3A_728 = arith.addi %mul3A_697, %add3A_727 : i32
      %get3A_729 = arith.index_cast %add3A_728 : i32 to index
      %get3A_730 = tpu.vector_load %arg6[%get3A_729] {strides = array<i32>} : memref<32768xf32, #tpu.memory_space<vmem>>, vector<16xf32>,
      %mul3A_731 = arith.mulf %get3A_726, %get3A_730 : vector<16xf32>
      %add3A_732 = arith.addf %add3A_722, %mul3A_731 : vector<16xf32>
      %broadcast_in_dim3A_733 = vector.shape_cast %xor3A_8 : vector<16xi32> to vector<16x1xi32>
      %gather3A_734 = vector.shape_cast %broadcast_in_dim3A_733 : vector<16x1xi32> to vector<16xi32>
      %gather3A_735 = tpu.dynamic_gather %add3A_732[%gather3A_734] in [0] : vector<16xf32>, vector<16xi32> -> vector<16xf32>
      %add3A_736 = arith.addf %add3A_732, %gather3A_735 : vector<16xf32>
      %broadcast_in_dim3A_737 = vector.shape_cast %xor3A_11 : vector<16xi32> to vector<16x1xi32>
      %gather3A_738 = vector.shape_cast %broadcast_in_dim3A_737 : vector<16x1xi32> to vector<16xi32>
      %gather3A_739 = tpu.dynamic_gather %add3A_736[%gather3A_738] in [0] : vector<16xf32>, vector<16xi32> -> vector<16xf32>
      %add3A_740 = arith.addf %add3A_736, %gather3A_739 : vector<16xf32>
      %broadcast_in_dim3A_741 = vector.shape_cast %xor3A_14 : vector<16xi32> to vector<16x1xi32>
      %gather3A_742 = vector.shape_cast %broadcast_in_dim3A_741 : vector<16x1xi32> to vector<16xi32>
      %gather3A_743 = tpu.dynamic_gather %add3A_740[%gather3A_742] in [0] : vector<16xf32>, vector<16xi32> -> vector<16xf32>
      %add3A_744 = arith.addf %add3A_740, %gather3A_743 : vector<16xf32>
      %broadcast_in_dim3A_745 = vector.shape_cast %xor3A_17 : vector<16xi32> to vector<16x1xi32>
      %gather3A_746 = vector.shape_cast %broadcast_in_dim3A_745 : vector<16x1xi32> to vector<16xi32>
      %gather3A_747 = tpu.dynamic_gather %add3A_744[%gather3A_746] in [0] : vector<16xf32>, vector<16xi32> -> vector<16xf32>
      %add3A_748 = arith.addf %add3A_744, %gather3A_747 : vector<16xf32>
      %eq3A_749 = arith.constant 11 : i32
      %eq3A_750 = vector.broadcast %eq3A_749 : i32 to vector<16xi32>
      %eq3A_751 = arith.cmpi eq, %iota3A, %eq3A_750 : vector<16xi32>
      %select_n3A_752 = arith.select %eq3A_751, %add3A_748, %select_n3A_691 : vector<16xi1>, vector<16xf32>
      %mul3A_753 = arith.constant 16 : i32
      %mul3A_754 = arith.muli %scan3A_23, %mul3A_753 : i32
      %add3A_755 = arith.constant 12 : i32
      %add3A_756 = arith.addi %mul3A_754, %add3A_755 : i32
      %mul3A_757 = arith.constant 64 : i32
      %mul3A_758 = arith.muli %add3A_756, %mul3A_757 : i32
      %get3A_759 = arith.index_cast %mul3A_758 : i32 to index
      %get3A_760 = tpu.vector_load %arg5[%get3A_759] {strides = array<i32>} : memref<32768xf32, #tpu.memory_space<vmem>>, vector<16xf32>,
      %get3A_761 = arith.index_cast %mul3A_758 : i32 to index
      %get3A_762 = tpu.vector_load %arg6[%get3A_761] {strides = array<i32>} : memref<32768xf32, #tpu.memory_space<vmem>>, vector<16xf32>,
      %mul3A_763 = arith.mulf %get3A_760, %get3A_762 : vector<16xf32>
      %add3A_764 = arith.constant 16 : i32
      %add3A_765 = arith.addi %mul3A_758, %add3A_764 : i32
      %get3A_766 = arith.index_cast %add3A_765 : i32 to index
      %get3A_767 = tpu.vector_load %arg5[%get3A_766] {strides = array<i32>} : memref<32768xf32, #tpu.memory_space<vmem>>, vector<16xf32>,
      %add3A_768 = arith.constant 16 : i32
      %add3A_769 = arith.addi %mul3A_758, %add3A_768 : i32
      %get3A_770 = arith.index_cast %add3A_769 : i32 to index
      %get3A_771 = tpu.vector_load %arg6[%get3A_770] {strides = array<i32>} : memref<32768xf32, #tpu.memory_space<vmem>>, vector<16xf32>,
      %mul3A_772 = arith.mulf %get3A_767, %get3A_771 : vector<16xf32>
      %add3A_773 = arith.addf %mul3A_763, %mul3A_772 : vector<16xf32>
      %add3A_774 = arith.constant 32 : i32
      %add3A_775 = arith.addi %mul3A_758, %add3A_774 : i32
      %get3A_776 = arith.index_cast %add3A_775 : i32 to index
      %get3A_777 = tpu.vector_load %arg5[%get3A_776] {strides = array<i32>} : memref<32768xf32, #tpu.memory_space<vmem>>, vector<16xf32>,
      %add3A_778 = arith.constant 32 : i32
      %add3A_779 = arith.addi %mul3A_758, %add3A_778 : i32
      %get3A_780 = arith.index_cast %add3A_779 : i32 to index
      %get3A_781 = tpu.vector_load %arg6[%get3A_780] {strides = array<i32>} : memref<32768xf32, #tpu.memory_space<vmem>>, vector<16xf32>,
      %mul3A_782 = arith.mulf %get3A_777, %get3A_781 : vector<16xf32>
      %add3A_783 = arith.addf %add3A_773, %mul3A_782 : vector<16xf32>
      %add3A_784 = arith.constant 48 : i32
      %add3A_785 = arith.addi %mul3A_758, %add3A_784 : i32
      %get3A_786 = arith.index_cast %add3A_785 : i32 to index
      %get3A_787 = tpu.vector_load %arg5[%get3A_786] {strides = array<i32>} : memref<32768xf32, #tpu.memory_space<vmem>>, vector<16xf32>,
      %add3A_788 = arith.constant 48 : i32
      %add3A_789 = arith.addi %mul3A_758, %add3A_788 : i32
      %get3A_790 = arith.index_cast %add3A_789 : i32 to index
      %get3A_791 = tpu.vector_load %arg6[%get3A_790] {strides = array<i32>} : memref<32768xf32, #tpu.memory_space<vmem>>, vector<16xf32>,
      %mul3A_792 = arith.mulf %get3A_787, %get3A_791 : vector<16xf32>
      %add3A_793 = arith.addf %add3A_783, %mul3A_792 : vector<16xf32>
      %broadcast_in_dim3A_794 = vector.shape_cast %xor3A_8 : vector<16xi32> to vector<16x1xi32>
      %gather3A_795 = vector.shape_cast %broadcast_in_dim3A_794 : vector<16x1xi32> to vector<16xi32>
      %gather3A_796 = tpu.dynamic_gather %add3A_793[%gather3A_795] in [0] : vector<16xf32>, vector<16xi32> -> vector<16xf32>
      %add3A_797 = arith.addf %add3A_793, %gather3A_796 : vector<16xf32>
      %broadcast_in_dim3A_798 = vector.shape_cast %xor3A_11 : vector<16xi32> to vector<16x1xi32>
      %gather3A_799 = vector.shape_cast %broadcast_in_dim3A_798 : vector<16x1xi32> to vector<16xi32>
      %gather3A_800 = tpu.dynamic_gather %add3A_797[%gather3A_799] in [0] : vector<16xf32>, vector<16xi32> -> vector<16xf32>
      %add3A_801 = arith.addf %add3A_797, %gather3A_800 : vector<16xf32>
      %broadcast_in_dim3A_802 = vector.shape_cast %xor3A_14 : vector<16xi32> to vector<16x1xi32>
      %gather3A_803 = vector.shape_cast %broadcast_in_dim3A_802 : vector<16x1xi32> to vector<16xi32>
      %gather3A_804 = tpu.dynamic_gather %add3A_801[%gather3A_803] in [0] : vector<16xf32>, vector<16xi32> -> vector<16xf32>
      %add3A_805 = arith.addf %add3A_801, %gather3A_804 : vector<16xf32>
      %broadcast_in_dim3A_806 = vector.shape_cast %xor3A_17 : vector<16xi32> to vector<16x1xi32>
      %gather3A_807 = vector.shape_cast %broadcast_in_dim3A_806 : vector<16x1xi32> to vector<16xi32>
      %gather3A_808 = tpu.dynamic_gather %add3A_805[%gather3A_807] in [0] : vector<16xf32>, vector<16xi32> -> vector<16xf32>
      %add3A_809 = arith.addf %add3A_805, %gather3A_808 : vector<16xf32>
      %eq3A_810 = arith.constant 12 : i32
      %eq3A_811 = vector.broadcast %eq3A_810 : i32 to vector<16xi32>
      %eq3A_812 = arith.cmpi eq, %iota3A, %eq3A_811 : vector<16xi32>
      %select_n3A_813 = arith.select %eq3A_812, %add3A_809, %select_n3A_752 : vector<16xi1>, vector<16xf32>
      %mul3A_814 = arith.constant 16 : i32
      %mul3A_815 = arith.muli %scan3A_23, %mul3A_814 : i32
      %add3A_816 = arith.constant 13 : i32
      %add3A_817 = arith.addi %mul3A_815, %add3A_816 : i32
      %mul3A_818 = arith.constant 64 : i32
      %mul3A_819 = arith.muli %add3A_817, %mul3A_818 : i32
      %get3A_820 = arith.index_cast %mul3A_819 : i32 to index
      %get3A_821 = tpu.vector_load %arg5[%get3A_820] {strides = array<i32>} : memref<32768xf32, #tpu.memory_space<vmem>>, vector<16xf32>,
      %get3A_822 = arith.index_cast %mul3A_819 : i32 to index
      %get3A_823 = tpu.vector_load %arg6[%get3A_822] {strides = array<i32>} : memref<32768xf32, #tpu.memory_space<vmem>>, vector<16xf32>,
      %mul3A_824 = arith.mulf %get3A_821, %get3A_823 : vector<16xf32>
      %add3A_825 = arith.constant 16 : i32
      %add3A_826 = arith.addi %mul3A_819, %add3A_825 : i32
      %get3A_827 = arith.index_cast %add3A_826 : i32 to index
      %get3A_828 = tpu.vector_load %arg5[%get3A_827] {strides = array<i32>} : memref<32768xf32, #tpu.memory_space<vmem>>, vector<16xf32>,
      %add3A_829 = arith.constant 16 : i32
      %add3A_830 = arith.addi %mul3A_819, %add3A_829 : i32
      %get3A_831 = arith.index_cast %add3A_830 : i32 to index
      %get3A_832 = tpu.vector_load %arg6[%get3A_831] {strides = array<i32>} : memref<32768xf32, #tpu.memory_space<vmem>>, vector<16xf32>,
      %mul3A_833 = arith.mulf %get3A_828, %get3A_832 : vector<16xf32>
      %add3A_834 = arith.addf %mul3A_824, %mul3A_833 : vector<16xf32>
      %add3A_835 = arith.constant 32 : i32
      %add3A_836 = arith.addi %mul3A_819, %add3A_835 : i32
      %get3A_837 = arith.index_cast %add3A_836 : i32 to index
      %get3A_838 = tpu.vector_load %arg5[%get3A_837] {strides = array<i32>} : memref<32768xf32, #tpu.memory_space<vmem>>, vector<16xf32>,
      %add3A_839 = arith.constant 32 : i32
      %add3A_840 = arith.addi %mul3A_819, %add3A_839 : i32
      %get3A_841 = arith.index_cast %add3A_840 : i32 to index
      %get3A_842 = tpu.vector_load %arg6[%get3A_841] {strides = array<i32>} : memref<32768xf32, #tpu.memory_space<vmem>>, vector<16xf32>,
      %mul3A_843 = arith.mulf %get3A_838, %get3A_842 : vector<16xf32>
      %add3A_844 = arith.addf %add3A_834, %mul3A_843 : vector<16xf32>
      %add3A_845 = arith.constant 48 : i32
      %add3A_846 = arith.addi %mul3A_819, %add3A_845 : i32
      %get3A_847 = arith.index_cast %add3A_846 : i32 to index
      %get3A_848 = tpu.vector_load %arg5[%get3A_847] {strides = array<i32>} : memref<32768xf32, #tpu.memory_space<vmem>>, vector<16xf32>,
      %add3A_849 = arith.constant 48 : i32
      %add3A_850 = arith.addi %mul3A_819, %add3A_849 : i32
      %get3A_851 = arith.index_cast %add3A_850 : i32 to index
      %get3A_852 = tpu.vector_load %arg6[%get3A_851] {strides = array<i32>} : memref<32768xf32, #tpu.memory_space<vmem>>, vector<16xf32>,
      %mul3A_853 = arith.mulf %get3A_848, %get3A_852 : vector<16xf32>
      %add3A_854 = arith.addf %add3A_844, %mul3A_853 : vector<16xf32>
      %broadcast_in_dim3A_855 = vector.shape_cast %xor3A_8 : vector<16xi32> to vector<16x1xi32>
      %gather3A_856 = vector.shape_cast %broadcast_in_dim3A_855 : vector<16x1xi32> to vector<16xi32>
      %gather3A_857 = tpu.dynamic_gather %add3A_854[%gather3A_856] in [0] : vector<16xf32>, vector<16xi32> -> vector<16xf32>
      %add3A_858 = arith.addf %add3A_854, %gather3A_857 : vector<16xf32>
      %broadcast_in_dim3A_859 = vector.shape_cast %xor3A_11 : vector<16xi32> to vector<16x1xi32>
      %gather3A_860 = vector.shape_cast %broadcast_in_dim3A_859 : vector<16x1xi32> to vector<16xi32>
      %gather3A_861 = tpu.dynamic_gather %add3A_858[%gather3A_860] in [0] : vector<16xf32>, vector<16xi32> -> vector<16xf32>
      %add3A_862 = arith.addf %add3A_858, %gather3A_861 : vector<16xf32>
      %broadcast_in_dim3A_863 = vector.shape_cast %xor3A_14 : vector<16xi32> to vector<16x1xi32>
      %gather3A_864 = vector.shape_cast %broadcast_in_dim3A_863 : vector<16x1xi32> to vector<16xi32>
      %gather3A_865 = tpu.dynamic_gather %add3A_862[%gather3A_864] in [0] : vector<16xf32>, vector<16xi32> -> vector<16xf32>
      %add3A_866 = arith.addf %add3A_862, %gather3A_865 : vector<16xf32>
      %broadcast_in_dim3A_867 = vector.shape_cast %xor3A_17 : vector<16xi32> to vector<16x1xi32>
      %gather3A_868 = vector.shape_cast %broadcast_in_dim3A_867 : vector<16x1xi32> to vector<16xi32>
      %gather3A_869 = tpu.dynamic_gather %add3A_866[%gather3A_868] in [0] : vector<16xf32>, vector<16xi32> -> vector<16xf32>
      %add3A_870 = arith.addf %add3A_866, %gather3A_869 : vector<16xf32>
      %eq3A_871 = arith.constant 13 : i32
      %eq3A_872 = vector.broadcast %eq3A_871 : i32 to vector<16xi32>
      %eq3A_873 = arith.cmpi eq, %iota3A, %eq3A_872 : vector<16xi32>
      %select_n3A_874 = arith.select %eq3A_873, %add3A_870, %select_n3A_813 : vector<16xi1>, vector<16xf32>
      %mul3A_875 = arith.constant 16 : i32
      %mul3A_876 = arith.muli %scan3A_23, %mul3A_875 : i32
      %add3A_877 = arith.constant 14 : i32
      %add3A_878 = arith.addi %mul3A_876, %add3A_877 : i32
      %mul3A_879 = arith.constant 64 : i32
      %mul3A_880 = arith.muli %add3A_878, %mul3A_879 : i32
      %get3A_881 = arith.index_cast %mul3A_880 : i32 to index
      %get3A_882 = tpu.vector_load %arg5[%get3A_881] {strides = array<i32>} : memref<32768xf32, #tpu.memory_space<vmem>>, vector<16xf32>,
      %get3A_883 = arith.index_cast %mul3A_880 : i32 to index
      %get3A_884 = tpu.vector_load %arg6[%get3A_883] {strides = array<i32>} : memref<32768xf32, #tpu.memory_space<vmem>>, vector<16xf32>,
      %mul3A_885 = arith.mulf %get3A_882, %get3A_884 : vector<16xf32>
      %add3A_886 = arith.constant 16 : i32
      %add3A_887 = arith.addi %mul3A_880, %add3A_886 : i32
      %get3A_888 = arith.index_cast %add3A_887 : i32 to index
      %get3A_889 = tpu.vector_load %arg5[%get3A_888] {strides = array<i32>} : memref<32768xf32, #tpu.memory_space<vmem>>, vector<16xf32>,
      %add3A_890 = arith.constant 16 : i32
      %add3A_891 = arith.addi %mul3A_880, %add3A_890 : i32
      %get3A_892 = arith.index_cast %add3A_891 : i32 to index
      %get3A_893 = tpu.vector_load %arg6[%get3A_892] {strides = array<i32>} : memref<32768xf32, #tpu.memory_space<vmem>>, vector<16xf32>,
      %mul3A_894 = arith.mulf %get3A_889, %get3A_893 : vector<16xf32>
      %add3A_895 = arith.addf %mul3A_885, %mul3A_894 : vector<16xf32>
      %add3A_896 = arith.constant 32 : i32
      %add3A_897 = arith.addi %mul3A_880, %add3A_896 : i32
      %get3A_898 = arith.index_cast %add3A_897 : i32 to index
      %get3A_899 = tpu.vector_load %arg5[%get3A_898] {strides = array<i32>} : memref<32768xf32, #tpu.memory_space<vmem>>, vector<16xf32>,
      %add3A_900 = arith.constant 32 : i32
      %add3A_901 = arith.addi %mul3A_880, %add3A_900 : i32
      %get3A_902 = arith.index_cast %add3A_901 : i32 to index
      %get3A_903 = tpu.vector_load %arg6[%get3A_902] {strides = array<i32>} : memref<32768xf32, #tpu.memory_space<vmem>>, vector<16xf32>,
      %mul3A_904 = arith.mulf %get3A_899, %get3A_903 : vector<16xf32>
      %add3A_905 = arith.addf %add3A_895, %mul3A_904 : vector<16xf32>
      %add3A_906 = arith.constant 48 : i32
      %add3A_907 = arith.addi %mul3A_880, %add3A_906 : i32
      %get3A_908 = arith.index_cast %add3A_907 : i32 to index
      %get3A_909 = tpu.vector_load %arg5[%get3A_908] {strides = array<i32>} : memref<32768xf32, #tpu.memory_space<vmem>>, vector<16xf32>,
      %add3A_910 = arith.constant 48 : i32
      %add3A_911 = arith.addi %mul3A_880, %add3A_910 : i32
      %get3A_912 = arith.index_cast %add3A_911 : i32 to index
      %get3A_913 = tpu.vector_load %arg6[%get3A_912] {strides = array<i32>} : memref<32768xf32, #tpu.memory_space<vmem>>, vector<16xf32>,
      %mul3A_914 = arith.mulf %get3A_909, %get3A_913 : vector<16xf32>
      %add3A_915 = arith.addf %add3A_905, %mul3A_914 : vector<16xf32>
      %broadcast_in_dim3A_916 = vector.shape_cast %xor3A_8 : vector<16xi32> to vector<16x1xi32>
      %gather3A_917 = vector.shape_cast %broadcast_in_dim3A_916 : vector<16x1xi32> to vector<16xi32>
      %gather3A_918 = tpu.dynamic_gather %add3A_915[%gather3A_917] in [0] : vector<16xf32>, vector<16xi32> -> vector<16xf32>
      %add3A_919 = arith.addf %add3A_915, %gather3A_918 : vector<16xf32>
      %broadcast_in_dim3A_920 = vector.shape_cast %xor3A_11 : vector<16xi32> to vector<16x1xi32>
      %gather3A_921 = vector.shape_cast %broadcast_in_dim3A_920 : vector<16x1xi32> to vector<16xi32>
      %gather3A_922 = tpu.dynamic_gather %add3A_919[%gather3A_921] in [0] : vector<16xf32>, vector<16xi32> -> vector<16xf32>
      %add3A_923 = arith.addf %add3A_919, %gather3A_922 : vector<16xf32>
      %broadcast_in_dim3A_924 = vector.shape_cast %xor3A_14 : vector<16xi32> to vector<16x1xi32>
      %gather3A_925 = vector.shape_cast %broadcast_in_dim3A_924 : vector<16x1xi32> to vector<16xi32>
      %gather3A_926 = tpu.dynamic_gather %add3A_923[%gather3A_925] in [0] : vector<16xf32>, vector<16xi32> -> vector<16xf32>
      %add3A_927 = arith.addf %add3A_923, %gather3A_926 : vector<16xf32>
      %broadcast_in_dim3A_928 = vector.shape_cast %xor3A_17 : vector<16xi32> to vector<16x1xi32>
      %gather3A_929 = vector.shape_cast %broadcast_in_dim3A_928 : vector<16x1xi32> to vector<16xi32>
      %gather3A_930 = tpu.dynamic_gather %add3A_927[%gather3A_929] in [0] : vector<16xf32>, vector<16xi32> -> vector<16xf32>
      %add3A_931 = arith.addf %add3A_927, %gather3A_930 : vector<16xf32>
      %eq3A_932 = arith.constant 14 : i32
      %eq3A_933 = vector.broadcast %eq3A_932 : i32 to vector<16xi32>
      %eq3A_934 = arith.cmpi eq, %iota3A, %eq3A_933 : vector<16xi32>
      %select_n3A_935 = arith.select %eq3A_934, %add3A_931, %select_n3A_874 : vector<16xi1>, vector<16xf32>
      %mul3A_936 = arith.constant 16 : i32
      %mul3A_937 = arith.muli %scan3A_23, %mul3A_936 : i32
      %add3A_938 = arith.constant 15 : i32
      %add3A_939 = arith.addi %mul3A_937, %add3A_938 : i32
      %mul3A_940 = arith.constant 64 : i32
      %mul3A_941 = arith.muli %add3A_939, %mul3A_940 : i32
      %get3A_942 = arith.index_cast %mul3A_941 : i32 to index
      %get3A_943 = tpu.vector_load %arg5[%get3A_942] {strides = array<i32>} : memref<32768xf32, #tpu.memory_space<vmem>>, vector<16xf32>,
      %get3A_944 = arith.index_cast %mul3A_941 : i32 to index
      %get3A_945 = tpu.vector_load %arg6[%get3A_944] {strides = array<i32>} : memref<32768xf32, #tpu.memory_space<vmem>>, vector<16xf32>,
      %mul3A_946 = arith.mulf %get3A_943, %get3A_945 : vector<16xf32>
      %add3A_947 = arith.constant 16 : i32
      %add3A_948 = arith.addi %mul3A_941, %add3A_947 : i32
      %get3A_949 = arith.index_cast %add3A_948 : i32 to index
      %get3A_950 = tpu.vector_load %arg5[%get3A_949] {strides = array<i32>} : memref<32768xf32, #tpu.memory_space<vmem>>, vector<16xf32>,
      %add3A_951 = arith.constant 16 : i32
      %add3A_952 = arith.addi %mul3A_941, %add3A_951 : i32
      %get3A_953 = arith.index_cast %add3A_952 : i32 to index
      %get3A_954 = tpu.vector_load %arg6[%get3A_953] {strides = array<i32>} : memref<32768xf32, #tpu.memory_space<vmem>>, vector<16xf32>,
      %mul3A_955 = arith.mulf %get3A_950, %get3A_954 : vector<16xf32>
      %add3A_956 = arith.addf %mul3A_946, %mul3A_955 : vector<16xf32>
      %add3A_957 = arith.constant 32 : i32
      %add3A_958 = arith.addi %mul3A_941, %add3A_957 : i32
      %get3A_959 = arith.index_cast %add3A_958 : i32 to index
      %get3A_960 = tpu.vector_load %arg5[%get3A_959] {strides = array<i32>} : memref<32768xf32, #tpu.memory_space<vmem>>, vector<16xf32>,
      %add3A_961 = arith.constant 32 : i32
      %add3A_962 = arith.addi %mul3A_941, %add3A_961 : i32
      %get3A_963 = arith.index_cast %add3A_962 : i32 to index
      %get3A_964 = tpu.vector_load %arg6[%get3A_963] {strides = array<i32>} : memref<32768xf32, #tpu.memory_space<vmem>>, vector<16xf32>,
      %mul3A_965 = arith.mulf %get3A_960, %get3A_964 : vector<16xf32>
      %add3A_966 = arith.addf %add3A_956, %mul3A_965 : vector<16xf32>
      %add3A_967 = arith.constant 48 : i32
      %add3A_968 = arith.addi %mul3A_941, %add3A_967 : i32
      %get3A_969 = arith.index_cast %add3A_968 : i32 to index
      %get3A_970 = tpu.vector_load %arg5[%get3A_969] {strides = array<i32>} : memref<32768xf32, #tpu.memory_space<vmem>>, vector<16xf32>,
      %add3A_971 = arith.constant 48 : i32
      %add3A_972 = arith.addi %mul3A_941, %add3A_971 : i32
      %get3A_973 = arith.index_cast %add3A_972 : i32 to index
      %get3A_974 = tpu.vector_load %arg6[%get3A_973] {strides = array<i32>} : memref<32768xf32, #tpu.memory_space<vmem>>, vector<16xf32>,
      %mul3A_975 = arith.mulf %get3A_970, %get3A_974 : vector<16xf32>
      %add3A_976 = arith.addf %add3A_966, %mul3A_975 : vector<16xf32>
      %broadcast_in_dim3A_977 = vector.shape_cast %xor3A_8 : vector<16xi32> to vector<16x1xi32>
      %gather3A_978 = vector.shape_cast %broadcast_in_dim3A_977 : vector<16x1xi32> to vector<16xi32>
      %gather3A_979 = tpu.dynamic_gather %add3A_976[%gather3A_978] in [0] : vector<16xf32>, vector<16xi32> -> vector<16xf32>
      %add3A_980 = arith.addf %add3A_976, %gather3A_979 : vector<16xf32>
      %broadcast_in_dim3A_981 = vector.shape_cast %xor3A_11 : vector<16xi32> to vector<16x1xi32>
      %gather3A_982 = vector.shape_cast %broadcast_in_dim3A_981 : vector<16x1xi32> to vector<16xi32>
      %gather3A_983 = tpu.dynamic_gather %add3A_980[%gather3A_982] in [0] : vector<16xf32>, vector<16xi32> -> vector<16xf32>
      %add3A_984 = arith.addf %add3A_980, %gather3A_983 : vector<16xf32>
      %broadcast_in_dim3A_985 = vector.shape_cast %xor3A_14 : vector<16xi32> to vector<16x1xi32>
      %gather3A_986 = vector.shape_cast %broadcast_in_dim3A_985 : vector<16x1xi32> to vector<16xi32>
      %gather3A_987 = tpu.dynamic_gather %add3A_984[%gather3A_986] in [0] : vector<16xf32>, vector<16xi32> -> vector<16xf32>
      %add3A_988 = arith.addf %add3A_984, %gather3A_987 : vector<16xf32>
      %broadcast_in_dim3A_989 = vector.shape_cast %xor3A_17 : vector<16xi32> to vector<16x1xi32>
      %gather3A_990 = vector.shape_cast %broadcast_in_dim3A_989 : vector<16x1xi32> to vector<16xi32>
      %gather3A_991 = tpu.dynamic_gather %add3A_988[%gather3A_990] in [0] : vector<16xf32>, vector<16xi32> -> vector<16xf32>
      %add3A_992 = arith.addf %add3A_988, %gather3A_991 : vector<16xf32>
      %eq3A_993 = arith.constant 15 : i32
      %eq3A_994 = vector.broadcast %eq3A_993 : i32 to vector<16xi32>
      %eq3A_995 = arith.cmpi eq, %iota3A, %eq3A_994 : vector<16xi32>
      %select_n3A_996 = arith.select %eq3A_995, %add3A_992, %select_n3A_935 : vector<16xi1>, vector<16xf32>
      %mul3A_997 = arith.constant 16 : i32
      %mul3A_998 = arith.muli %scan3A_23, %mul3A_997 : i32
      %swap3A = arith.index_cast %mul3A_998 : i32 to index
      %swap3A_999 = tpu.vector_load %arg7[%swap3A] {strides = array<i32>} : memref<512xf32, #tpu.memory_space<vmem>>, vector<16xf32>,
      tpu.vector_store %arg7[%swap3A], %select_n3A_996 {strides = array<i32>} : memref<512xf32, #tpu.memory_space<vmem>>, vector<16xf32>,
    }
    %scan3A_22 = arith.constant 32 : i32
    "tpu.region"() ({
      %run_scoped3A = tpu.sem_alloc : memref<!tpu.dma_semaphore, #tpu.memory_space<semaphore_mem>>
      %dma_start3A = tpu.memref_slice %arg4[%mul3A_2] : memref<16384xf32, #tpu.memory_space<hbm>> -> memref<512xf32, #tpu.memory_space<hbm>>
      %dma_start3A_23 = tpu.memref_slice %arg4[%mul3A_2] : memref<16384xf32, #tpu.memory_space<hbm>> -> memref<512xf32, #tpu.memory_space<hbm>>
      tpu.enqueue_dma source(%arg7 : memref<512xf32, #tpu.memory_space<vmem>>) target(%dma_start3A_23 : memref<512xf32, #tpu.memory_space<hbm>>) target_semaphore(%run_scoped3A : memref<!tpu.dma_semaphore, #tpu.memory_space<semaphore_mem>>)
      %dma_wait3A = tpu.memref_slice %arg4[%mul3A_2] : memref<16384xf32, #tpu.memory_space<hbm>> -> memref<512xf32, #tpu.memory_space<hbm>>
      %dma_wait3A_24 = tpu.memref_slice %arg4[%mul3A_2] : memref<16384xf32, #tpu.memory_space<hbm>> -> memref<512xf32, #tpu.memory_space<hbm>>
      tpu.wait_dma2 semaphore(%run_scoped3A : memref<!tpu.dma_semaphore, #tpu.memory_space<semaphore_mem>>) src(%arg7 : memref<512xf32, #tpu.memory_space<vmem>>) dst(%dma_wait3A_24 : memref<512xf32, #tpu.memory_space<hbm>>)
      tpu.yield
    }) : () -> ()
    return
  }
}

</mosaic_0001>

<sc_bundles>
// kernel: kernel.4.cloned.1.call-start
scs
__scs_entry_jumppad:
0x0: {  	(pc) =	sbr.rel $0x88, $3  }
0x1: {  	(tag) =	ssettag $0x0;
	lr =	simm.s32 $0x1  }
0x2: {  	[smem:$0x3F9D] =	sst lr;
	_ =	strace $0xD0000000  }
0x3: {  	_ = 	snop  }
0x4: {  	_ = 	snop  }
0x5: {  	_ = 	snop  }
0x6: {  	_ = 	snop  }
0x7: {  	_ = 	snop  }
__scs_overlays_trampoline_lowered:
0x8: {  	[smem:$0x3FAC] =	sst s0  }
0x9: {  	[smem:$0x3FAD] =	sst s1  }
0xa: {  	[smem:$0x3FAE] =	sst s2  }
0xb: {  	[smem:$0x3FAF] =	sst s3  }
0xc: {  	[smem:$0x3FB0] =	sst s4  }
0xd: {  	[smem:$0x3FB1] =	sst s5  }
0xe: {  	[smem:$0x3FB2] =	sst s6  }
0xf: {  	[smem:$0x3FB3] =	sst s7  }
0x10: {  	[smem:$0x3FB4] =	sst s8  }
0x11: {  	[smem:$0x3FB5] =	sst s9;
	s0 =	simm.s32 @!p0 $0x0  }
0x12: {  	s1 =	sld [smem:$0x3F9B];
	s0 =	simm.s32 @p0 $0x1  }
0x13: {  	[smem:$0x3FB6] =	sst s0;
	s0 =	simm.s32 @!p1 $0x0  }
0x14: {  	s2 =	sld [smem:$0x3F9A];
	s0 =	simm.s32 @p1 $0x1  }
0x15: {  	[smem:$0x3FB7] =	sst s0;
	s0 =	simm.s32 @!p2 $0x0  }
0x16: {  	s3 =	sld [smem:$0x3FDB];
	s0 =	simm.s32 @p2 $0x1  }
0x17: {  	s4 =	simm.s32 $0x1BF5;
	[smem:$0x3FB9] =	sst s0  }
0x18: {  	s0 =	sld [smem:$0x3F9C];
	_ =	swait.ge [sflag:s4], $0x0  }
0x19: {  	s7 =	sld [smem:$0x3F9D]  }
0x1a: {  	s8 =	sadd.s32 $0xFFFFE003, lr  }
0x1b: {  	s9 =	sadd.s32 $0xFFFFFEF7, lr;
	s5 =	simm.s32 $0xFFFFFFFF;
	p2 =	slt.u32 s8, $0xFFFFF086  }
0x1c: {  	p1 =	slt.u32 s9, $0xF7A;
	s5 =	simm.s32 @!p2 $0x0  }
0x1d: {  	s5 =	simm.s32 @p1 $0x1;
	p0 =	seq.s32 s7, s2  }
0x1e: {  	s7 =	smul.u32 @!p0 $0xF7A, s2;
	p2 =	seq.s32 @!p0 s5, $0x0  }
0x1f: {  	s9 =	smul.u32 $0xF7A, s1;
	s8 =	simm.s32 @!p0 $0x1BF5;
	p2 =	por !p2, p0  }
0x20: {  	[sflag:s8] =	ssyncset.s32 @!p0 $0xFFFFF086;
	s6 =	sadd.s32 @!p0 s3, s7;
	s7 =	simm.s32 @!p0 $0x108  }
0x21: {  	s3 =	sadd.s32 s3, s9;
	s6 =	sadd.s32 @!p0 $0x88, s6;
	s7 =	simm.s32 @p2 $0x1082  }
0x22: {  	[simem:s7], [sflag:s8] =	dma.local @!p0 [hbm:s6], $0xF7A  }
0x23: {  	s9 =	sor.u32 $0xD0000000, s2;
	s6 =	simm.s32 $0x108;
	_ =	swait.ge @!p0 [sflag:s8], $0x0  }
0x24: {  	s3 =	sadd.s32 $0x88, s3;
	s6 =	simm.s32 @!p1 $0x1082;
	[sflag:s4] =	ssyncset.s32 $0xFFFFF086  }
0x25: {  	[simem:s6], [sflag:s4] =	dma.local [hbm:s3], $0xF7A  }
0x26: {  	[smem:$0x3F9D] =	sst s1;
	(tag) =	ssettag s2;
	_ =	strace s9  }
0x27: {  	s1 =	sld [smem:$0x3FAD]  }
0x28: {  	s2 =	sld [smem:$0x3FAE]  }
0x29: {  	s4 =	sld [smem:$0x3FB0]  }
0x2a: {  	p0 =	seq.s32 s5, $0x0;
	s5 =	sld [smem:$0x3FB1]  }
0x2b: {  	s6 =	sld [smem:$0x3FB2]  }
0x2c: {  	s7 =	sld [smem:$0x3FB3]  }
0x2d: {  	s3 =	simm.s32 $0x108;
	s8 =	sld [smem:$0x3FB4]  }
0x2e: {  	s3 =	simm.s32 @!p0 $0x1082;
	s9 =	sld [smem:$0x3FB5]  }
0x2f: {  	lr =	sadd.s32 s0, s3;
	s0 =	sld [smem:$0x3FAC]  }
0x30: {  	s3 =	sld [smem:$0x3FAF]  }
0x31: {  	[smem:$0x3FB8] =	sst s10  }
0x32: {  	s10 =	sld [smem:$0x3FB6];
	_ =	sdelay $0x3  }
0x33: {  	p0 =	seq.s32 s10, $0x1;
	s10 =	sld [smem:$0x3FB8];
	_ =	sdelay $0x3  }
0x34: {  	[smem:$0x3FB8] =	sst s10  }
0x35: {  	s10 =	sld [smem:$0x3FB7];
	_ =	sdelay $0x3  }
0x36: {  	p1 =	seq.s32 s10, $0x1;
	s10 =	sld [smem:$0x3FB8];
	_ =	sdelay $0x3  }
0x37: {  	[smem:$0x3FB8] =	sst s10  }
0x38: {  	s10 =	sld [smem:$0x3FB9]  }
0x39: {  	_ = 	snop;
	(pc) =	sbr.ind lr, $3  }
0x3a: {  	_ = 	snop  }
0x3b: {  	_ = 	snop  }
0x3c: {  	p2 =	seq.s32 s10, $0x1;
	s10 =	sld [smem:$0x3FB8]  }
0x3d: {  	_ =	shalt  }
0x3e: {  	_ =	shalt  }
0x3f: {  	_ =	shalt  }
0x40: {  	_ =	shalt  }
0x41: {  	_ =	shalt  }
0x42: {  	_ =	shalt  }
0x43: {  	_ =	shalt  }
0x44: {  	_ =	shalt  }
0x45: {  	_ =	shalt  }
0x46: {  	_ =	shalt  }
0x47: {  	_ =	shalt  }
0x48: {  	_ =	shalt  }
0x49: {  	_ =	shalt  }
0x4a: {  	_ =	shalt  }
0x4b: {  	_ =	shalt  }
0x4c: {  	_ =	shalt  }
0x4d: {  	_ =	shalt  }
0x4e: {  	_ =	shalt  }
0x4f: {  	_ =	shalt  }
0x50: {  	_ =	shalt  }
0x51: {  	_ =	shalt  }
0x52: {  	_ =	shalt  }
0x53: {  	_ =	shalt  }
0x54: {  	_ =	shalt  }
0x55: {  	_ =	shalt  }
0x56: {  	_ =	shalt  }
0x57: {  	_ =	shalt  }
0x58: {  	_ =	shalt  }
0x59: {  	_ =	shalt  }
0x5a: {  	_ =	shalt  }
0x5b: {  	_ =	shalt  }
0x5c: {  	_ =	shalt  }
0x5d: {  	_ =	shalt  }
0x5e: {  	_ =	shalt  }
0x5f: {  	_ =	shalt  }
0x60: {  	_ =	shalt  }
0x61: {  	_ =	shalt  }
0x62: {  	_ =	shalt  }
0x63: {  	_ =	shalt  }
0x64: {  	_ =	shalt  }
0x65: {  	_ =	shalt  }
0x66: {  	_ =	shalt  }
0x67: {  	_ =	shalt  }
0x68: {  	_ =	shalt  }
0x69: {  	_ =	shalt  }
0x6a: {  	_ =	shalt  }
0x6b: {  	_ =	shalt  }
0x6c: {  	_ =	shalt  }
0x6d: {  	_ =	shalt  }
0x6e: {  	_ =	shalt  }
0x6f: {  	_ =	shalt  }
0x70: {  	_ =	shalt  }
0x71: {  	_ =	shalt  }
0x72: {  	_ =	shalt  }
0x73: {  	_ =	shalt  }
0x74: {  	_ =	shalt  }
0x75: {  	_ =	shalt  }
0x76: {  	_ =	shalt  }
0x77: {  	_ =	shalt  }
0x78: {  	_ =	shalt  }
0x79: {  	_ =	shalt  }
0x7a: {  	_ =	shalt  }
0x7b: {  	_ =	shalt  }
0x7c: {  	_ =	shalt  }
0x7d: {  	_ =	shalt  }
0x7e: {  	_ =	shalt  }
0x7f: {  	_ =	shalt  }
0x80: {  	_ =	shalt  }
0x81: {  	_ =	shalt  }
0x82: {  	_ =	shalt  }
0x83: {  	_ =	shalt  }
0x84: {  	_ =	shalt  }
0x85: {  	_ =	shalt  }
0x86: {  	_ =	shalt  }
0x87: {  	_ =	shalt  }
.Lfunc_end0:
.L_simem_size_0:
called_computation_lowered:
.L_overlay_start_0:
0x88: {  	s2 =	sld [smem:$0x3FD9]  }
0x89: {  	s3 =	sld [smem:$0x3FFE];
	_ =	sdelay $0x1  }
0x8a: {  	s1 =	srdreg.scid  }
0x8b: {  	s0 =	sand.u32 $0x1, s1  }
0x8c: {  	s17 =	sshll.u32 s0, $0xA;
	s2 =	sadd.s32 s3, s2  }
0x8d: {  	s2 =	sadd.s32 s2, s17  }
0x8e: {  	[smem:$0x3FC4] =	sst s2  }
0x8f: {  	_ = 	snop  }
0x90: {  	s2 =	sld [smem:$0x3FC9]  }
0x91: {  	s18 =	sld [smem:$0x3FC8]  }
0x92: {  	s4 =	sld [smem:$0x3FC7]  }
0x93: {  	s5 =	sld [smem:$0x3FC6];
	(tm) =	ssettm $0x1  }
0x94: {  	s6 =	sld [smem:$0x3FFB];
	_ =	sdelay $0x3  }
0x95: {  	_ =	strace s6  }
0x96: {  	s6 =	sld [smem:$0x3FFC];
	_ =	sdelay $0x3  }
0x97: {  	_ =	strace s6  }
0x98: {  	s6 =	sld [smem:$0x3FFD];
	_ =	sdelay $0x3  }
0x99: {  	_ =	strace s6  }
0x9a: {  	_ =	strace $0x8FFFFFFF  }
0x9b: {  	s19 =	sld [smem:$0x3FDB];
	_ =	sdelay $0x1  }
0x9c: {  	s7 =	simm.s32 $_scs_section_size  }
0x9d: {  	s8 =	simm.s32 $_size__tile_overlayer_lowered;
	s9 =	simm.s32 $_tile_overlayer_lowered  }
0x9e: {  	s22 =	simm.s32 $0x1BFF;
	s21 =	sshll.u32 s9, $0x1;
	s6 =	sadd.s32 s7, s19  }
0x9f: {  	s10 =	simm.s32 $0x0;
	s20 =	sshll.u32 s8, $0x1;
	s8 =	sadd.s32 s21, s6  }
0xa0: {  	[timem:s10], [sflag:s22] =	dma.local [hbm:s8], s20  }
0xa1: {  	_ =	swait.ge [sflag:s22], s20  }
0xa2: {  	s7 =	ssub.s32 $0x0, s20;
	[sflag:s22] =	ssyncset.done $0x0  }
0xa3: {  	[sflag:s22] =	ssyncadd.s32 s7;
	_ =	sdelay $0x1  }
0xa4: {  	s23 =	simm.s32 $0x1B8B  }
0xa5: {  	_ =	swait.ge [sflag:s23], $0x1  }
0xa6: {  	[sflag:s23] =	ssyncset.done $0x0  }
0xa7: {  	s25 =	simm.s32 $0x1B8E;
	s24 =	sld [smem:$0x3FFE];
	[sflag:s23] =	ssyncadd.s32 $0xFFFFFFFF  }
0xa8: {  	s26 =	simm.s32 $execute0_lowered;
	[smem:$0x3FD2] =	sst s25  }
0xa9: {  	s8 =	sshll.u32 s26, $0x1;
	_ =	strace $0x80000046;
	[dreg:$0x1] =	wrdreg $0xFFFFFFFF  }
0xaa: {  	s28 =	simm.s32 $_size_execute0_lowered;
	s6 =	sadd.s32 s6, s8;
	[dreg:$0x0] =	wrdreg $0x0  }
0xab: {  	s8 =	sshll.u32 s28, $0x1;
	[dreg:$0x2] =	wrdreg s6  }
0xac: {  	[dreg:$0x3] =	wrdreg s8  }
0xad: {  	[dreg:$0x4] =	wrdreg $0xC0  }
0xae: {  	_ =	task [dreg:s10], $0x5FFFF  }
0xaf: {  	[dreg:$0x1] =	wrdreg $0xFFFFFFFF  }
0xb0: {  	[dreg:$0x0] =	wrdreg $0x60  }
0xb1: {  	[dreg:$0x2] =	wrdreg s2  }
0xb2: {  	[dreg:$0x3] =	wrdreg s18  }
0xb3: {  	[dreg:$0x4] =	wrdreg s4  }
0xb4: {  	[dreg:$0x5] =	wrdreg s5  }
0xb5: {  	[dreg:$0x6] =	wrdreg s24  }
0xb6: {  	[dreg:$0x7] =	wrdreg $0x9  }
0xb7: {  	_ =	task.clear_ibuf [dreg:s10], $0x8FFFF;
	_ =	strace $0x90000046  }
0xb8: {  	s29 =	simm.s32 $0x9;
	_ =	strace $0x80000048  }
0xb9: {  	_ =	swait.ge [sflag:s29], $0x1  }
0xba: {  	[sflag:s29] =	ssyncadd.s32 $0xFFFFFFFF  }
0xbb: {  	_ =	strace $0x90000048  }
0xbc: {  	_ =	sfence  }
0xbd: {  	s30 =	sld [smem:$0x0];
	_ =	sdelay $0x2  }
0xbe: {  	s31 =	sshll.u32 s1, $0xD;
	s1 =	sshrl.u32 s1, $0x2  }
0xbf: {  	s3 =	sand.u32 $0x4000, s31;
	s1 =	sadd.s32 s1, s30  }
0xc0: {  	s0 =	sor.u32 s3, s0;
	s1 =	sshll.u32 s1, $0x11  }
0xc1: {  	s0 =	sor.u32 s1, s0  }
0xc2: {  	s0 =	sadd.s32 $0x8F2B, s0  }
0xc3: {  	[sflag:s0] =	ssyncadd.remote.s32 $0x1  }
0xc4: {  	_ =	sfence.sel $0xFFFF  }
0xc5: {  	[dreg:$0x0] =	wrdreg $0xFFFFFFFF;
	(pc) =	sbr.abs _section_cstart, $3  }
0xc6: {  	[dreg:$0x1] =	wrdreg $0xFFFFFFFF  }
0xc7: {  	_ =	task.clear_ibuf [dreg:s10], $0x2FFFF;
	_ =	strace $0x9FFFFFFF  }
0xc8: {  	(tm) =	ssettm $0x7FFFFFFF  }
0xc9: {  	_ =	shalt  }
tec
execute0_lowered:
.L_overlay_start_1:
0x0: {  	(tag) =	ssettag $0x1  }
0x1: {  	v5 =	vimm.s32 $0xEDCBA987;
	v4 =	vimm.s32 $0x0  }
0x2: {  	v6 =	vimm.s32 $0x65432100;
	v9 =	vimm.s32 $0x54321000;
	v11 =	vimm.s32 $0x43210000  }
0x3: {  	v12 =	vimm.s32 $0xCBA98765;
	vm5 =	vcmask $0x3F04;
	v13 =	vimm.s32 $0x39000  }
0x4: {  	vm6 =	vcmask $0x3F08;
	v14 =	vimm.s32 $0xE4000;
	v15 =	vimm.s32 $0x98765400  }
0x5: {  	v7 =	vunpack.c.l.s4.s8 v5;
	v8 =	vunpack.c.l.s4.s8 v6;
	v6 =	vimm.s32 $0xDCBA9876  }
0x6: {  	vm0 =	vcmask $0x3F24;
	vm7 =	vcmask $0x3F10;
	v10 =	vunpack.c.l.s4.s8 v6  }
0x7: {  	vm9 =	vcmask $0x3F14;
	v9 =	vunpack.c.l.s4.s8 v9;
	v7 =	vunpack.c.0.s8.s32 v7  }
0x8: {  	v16 =	vimm.s32 $0xE40000;
	v8 =	vunpack.c.0.s8.s32 v8;
	v10 =	vunpack.c.0.s8.s32 v10  }
0x9: {  	v11 =	vunpack.c.l.s4.s8 v11;
	v9 =	vunpack.c.0.s8.s32 v9;
	v7 =	vand.u32 $0xF, v7  }
0xa: {  	v7 =	vcombine.low v8, v7;
	v8 =	vand.u32 $0xF, v10;
	v10 =	vunpack.c.l.s4.s8 v12  }
0xb: {  	vm11 =	vcmask $0x3F18;
	v12 =	vimm.s32 $0xBA987654;
	v8 =	vcombine.low v9, v8  }
0xc: {  	v9 =	vunpack.c.0.s8.s32 v11;
	v11 =	vimm.s32 $0x32100000;
	v10 =	vunpack.c.0.s8.s32 v10  }
0xd: {  	vm12 =	vcmask $0x3F1C;
	v12 =	vunpack.c.l.s4.s8 v12;
	v11 =	vunpack.c.l.s4.s8 v11  }
0xe: {  	v17 =	vimm.s32 $0xE400000;
	v13 =	vunpack.c.l.s2.s4 v13;
	v10 =	vand.u32 $0xF, v10  }
0xf: {  	v9 =	vcombine.low v9, v10;
	v10 =	vunpack.c.0.s8.s32 v11;
	v11 =	vunpack.c.0.s8.s32 v12  }
0x10: {  	vm13 =	vcmask $0x3F30;
	v18 =	vimm.s32 $0x6050400;
	v14 =	vunpack.c.l.s2.s4 v14  }
0x11: {  	v13 =	vunpack.c.l.s4.s8 v13;
	v12 =	vimm.s32 $0xA9876540;
	v11 =	vand.u32 $0xF, v11  }
0x12: {  	vm14 =	vcmask $0x3F20;
	v12 =	vunpack.c.l.s4.s8 v12;
	v10 =	vcombine.low v10, v11  }
0x13: {  	v11 =	vunpack.c.0.s8.s32 v13;
	v13 =	vunpack.c.l.s4.s8 v14;
	v14 =	vimm.s32 $0x390000  }
0x14: {  	v15 =	vunpack.c.l.s4.s8 v15;
	v12 =	vunpack.c.0.s8.s32 v12;
	v14 =	vunpack.c.l.s2.s4 v14  }
0x15: {  	v19 =	vimm.s32 $0xE4000000;
	v11 =	vand.u32 $0x3, v11;
	v13 =	vunpack.c.0.s8.s32 v13  }
0x16: {  	v11 =	vsel vm0, v12, v11;
	v12 =	vunpack.c.l.s4.s8 v14;
	v14 =	vunpack.c.0.s8.s32 v15  }
0x17: {  	vm2 =	vcmask $0x3F34;
	vm0 =	vcmask $0x3F28;
	v13 =	vand.u32 $0x3, v13  }
0x18: {  	s0 =	srdreg.scid;
	s1 =	stileid.u32;
	v15 =	vunpack.c.0.s8.s32 v12;
	v12 =	vsel vm0, v14, v13;
	v14 =	vunpack.c.l.s2.s4 v16  }
0x19: {  	s5 =	rddreg [dreg:$0x2];
	s3 =	sand.u32 $0x1, s0;
	s18 =	sshll.u32 s1, $0x1;
	v17 =	vunpack.c.l.s2.s4 v17;
	v13 =	vimm.s32 $0x4070605;
	vm0 =	vcmask $0x2B00  }
0x1a: {  	s6 =	rddreg [dreg:$0x3];
	s0 =	sor.u32 s3, s18;
	v13 =	vunpack.c.0.s8.s32 v13;
	v15 =	vand.u32 $0x3, v15;
	v14 =	vunpack.c.l.s4.s8 v14  }
0x1b: {  	s20 =	rddreg [dreg:$0x4];
	s8 =	simm.s32 $0x0;
	s1 =	smul.u32 $0xF5, s0;
	v16 =	vimm.s32 $0x3900000;
	v15 =	vnsel vm0, $0x8, v15;
	vm0 =	vcmask $0x3B2C  }
0x1c: {  	s28 =	simm.s32 $0x8080;
	s29 =	simm.s32 $0xC580;
	s2 =	smul.u32 $0x19, s0;
	v13 =	vsel vm0, v13, v15;
	v15 =	vimm.s32 $0x7060504;
	v14 =	vunpack.c.0.s8.s32 v14  }
0x1d: {  	vm1 =	vcmask $0x3B38;
	s30 =	simm.s32 $0x2;
	s31 =	simm.s32 $0x0;
	s7 =	smul.u32 $0x3D400, s0;
	v16 =	vunpack.c.l.s2.s4 v16;
	v15 =	vunpack.c.0.s8.s32 v15  }
0x1e: {  	vm4 =	vcmask $0x3F38;
	[smem:$0x7FF] =	sst s8;
	s9 =	sadd.s32 $0xC00, s20;
	v17 =	vunpack.c.l.s4.s8 v17;
	s21 =	smul.u32 $0x7A80, s0;
	v14 =	vand.u32 $0x3, v14  }
0x1f: {  	s10 =	sadd.s32 $0x20C00, s20;
	s3 =	ssub.s32 $0x2, s3;
	s12 =	smul.u32 $0x6400, s0;
	v14 =	vsel vm13, v15, v14;
	v15 =	vunpack.c.l.s4.s8 v16;
	v16 =	vimm.s32 $0x39000000  }
0x20: {  	v5 =	vlaneseq.u32;
	v18 =	vunpack.c.0.s8.s32 v18;
	_ =	strace $0x80000047;
	s11 =	sshrl.u32 s3, $0x1;
	s0 =	smul.u32 $0xC80, s0;
	v16 =	vunpack.c.l.s2.s4 v16  }
0x21: {  	v19 =	vunpack.c.l.s2.s4 v19;
	s3 =	ssub.s32 s3, s11;
	s4 =	sadd.s32 $0xF5, s1;
	s7 =	sshrl.u32 s7, $0x3;
	v17 =	vunpack.c.0.s8.s32 v17;
	v15 =	vunpack.c.0.s8.s32 v15  }
0x22: {  	v6 =	vimm.s32 $0x1;
	s19 =	sadd.s32 $0x19, s2;
	v1 =	vmov s4;
	s7 =	sadd.s32 s5, s7;
	s4 =	sadd.s32 s5, s21;
	v16 =	vunpack.c.l.s4.s8 v16  }
0x23: {  	s24 =	sshrl.u32 s12, $0x3;
	[dreg:$0x6] =	wrdreg s4;
	s22 =	sadd.s32 $0x80, s7;
	v17 =	vand.u32 $0x3, v17;
	vm0 =	vcmask $0x3700;
	v15 =	vand.u32 $0x3, v15  }
0x24: {  	s17 =	sadd.s32 s6, s0;
	s23 =	sadd.s32 $0x100, s7;
	[dreg:$0x7] =	wrdreg s22;
	v20 =	vunpack.c.0.s8.s32 v16;
	v16 =	vnsel vm0, $0x5, v17;
	v17 =	vunpack.c.l.s4.s8 v19  }
0x25: {  	v0 =	vmov s1;
	s25 =	sadd.s32 $0x180, s7;
	s26 =	sadd.s32 $0x200, s7;
	[dreg:$0x8] =	wrdreg s23;
	v15 =	vsel vm2, v18, v15;
	vm2 =	vcmask $0x3B00  }
.Ltmp0:
0x26: {  	s4 =	sadd.s32 s6, s24;
	[dreg:$0x9] =	wrdreg s25;
	v18 =	vand.u32 $0x3, v20;
	v19 =	vunpack.c.0.s8.s32 v17;
	v20 =	vimm.s32 $0x2;
	(pc) =	sbr.rel .LBB2_1-.Ltmp0, $4  }
0x27: {  	v3 =	vmov s19;
	s7 =	sadd.s32 $0x280, s7;
	s24 =	simm.s32 $0x3;
	[dreg:$0xa] =	wrdreg s26;
	v17 =	vnsel vm2, $0x4, v18;
	v20 =	vsel vm0, $0x0, v20  }
0x28: {  	[dreg:$0xb] =	wrdreg s7;
	s18 =	sadd.s32 $0x80, s4;
	s19 =	sadd.s32 $0x100, s4;
	v18 =	vand.u32 $0x3, v19;
	v19 =	vsel vm1, $0x1, v20;
	v20 =	vmul.u32 $0x80, v5  }
0x29: {  	v2 =	vmov s2;
	s20 =	sadd.s32 $0x180, s4;
	s21 =	sadd.s32 $0x200, s4;
	s22 =	sadd.s32 $0x280, s4;
	v16 =	vsel vm1, $0x4, v16;
	v21 =	vsel vm2, $0x0, v6  }
0x2a: {  	s23 =	smax.u32 s3, $0x1;
	s25 =	simm.s32 $0xC100;
	s26 =	simm.s32 $0xC280;
	v22 =	vor.u32 $0x800, v20;
	v23 =	vor.u32 $0x1000, v20;
	v24 =	vor.u32 $0x1800, v20  }
.LBB2_58:
0x2b: {  	[sflag:s30] =	ssyncadd.s32 $0xFFFFFFC0  }
.LBB2_59:
0x2c: {  	s31 =	sadd.s32 $0x1, s31  }
0x2d: {  	p0 =	sne.s32 s31, s23  }
.Ltmp1:
0x2e: {  	_ = 	snop;
	(pc) =	sbr.rel @!p0 .LBB2_60-.Ltmp1, $1  }
0x2f: {  	_ =	sdelay $0x3  }
.LBB2_1:
0x30: {  	s0 =	rddreg [dreg:$0x0]  }
0x31: {  	[tilespmem:s8], [sflag:$0x3] =	stream.linear.gather [hbm4b:s0+s8], $0x4000, $0x38;
	[tilespmem:$0x1D580] =	vst v63  }
0x32: {  	_ =	swait.ge [sflag:s24], $0x4000  }
0x33: {  	[sflag:s24] =	ssyncset.done $0x0  }
0x34: {  	[sflag:s24] =	ssyncadd.s32 $0xFFFFC000  }
0x35: {  	[tilespmem:$0xC100] =	vst v4  }
0x36: {  	[tilespmem:$0xC110] =	vst v4  }
0x37: {  	[tilespmem:$0xC120] =	vst v4  }
0x38: {  	[tilespmem:$0xC130] =	vst v4  }
0x39: {  	[tilespmem:$0xC140] =	vst v4  }
0x3a: {  	[tilespmem:$0xC150] =	vst v4  }
0x3b: {  	[tilespmem:$0xC160] =	vst v4  }
0x3c: {  	[tilespmem:$0xC170] =	vst v4  }
0x3d: {  	[tilespmem:$0xC180] =	vst v4  }
0x3e: {  	[tilespmem:$0xC190] =	vst v4  }
0x3f: {  	[tilespmem:$0xC1A0] =	vst v4  }
0x40: {  	[tilespmem:$0xC1B0] =	vst v4  }
0x41: {  	[tilespmem:$0xC1C0] =	vst v4  }
0x42: {  	[tilespmem:$0xC1D0] =	vst v4  }
0x43: {  	[tilespmem:$0xC1E0] =	vst v4  }
0x44: {  	[tilespmem:$0xC1F0] =	vst v4  }
0x45: {  	[tilespmem:$0xC200] =	vst v4  }
0x46: {  	v25 =	vld [tilespmem:s8+$0x0];
	_ =	sdelay $0x4  }
0x47: {  	v26 =	vshra.s32 v25, $0x7  }
0x48: {  	vm0 =	vge.s32 v26, v0;
	vm1 =	vlt.s32 v26, v1  }
0x49: {  	vm0 =	vmand vm0, vm1  }
0x4a: {  	v27 =	vsel vm0, $0x1, v4  }
0x4b: {  	(xrf0) =	vadd.scan.msk.s32 $0xffff, v27;
	_ =	sdelay $0x2  }
0x4c: {  	v25 =	vshll.u32 v25, $0xE;
	v26 =	vsub.s32 v26, v0  }
0x4d: {  	v25 =	vand.u32 $0x1FC000, v25;
	v26 =	vshll.u32 v26, $0x15  }
0x4e: {  	v25 =	vor.u32 v25, v26  }
0x4f: {  	v25 =	vadd.s32 s8, v25;
	v27, _, _ =	vpop (xrf0)  }
0x50: {  	v25 =	vadd.s32 v5, v25;
	(v2sf) =	vpush v27, $0xF  }
0x51: {  	s0 =	simm.s32 $0x10;
	[tilespmem:s8+$0x4000] =	vst.msk vm0, v25  }
0x52: {  	v25 =	vld [tilespmem:s0+$0x0];
	_ =	sdelay $0x4  }
0x53: {  	v26 =	vshra.s32 v25, $0x7;
	v25 =	vshll.u32 v25, $0xE  }
0x54: {  	vm0 =	vge.s32 v26, v0;
	v27 =	vsub.s32 v26, v0;
	vm1 =	vlt.s32 v26, v1  }
0x55: {  	v25 =	vand.u32 $0x1FC000, v25;
	v26 =	vshll.u32 v27, $0x15;
	vm0 =	vmand vm0, vm1  }
0x56: {  	v25 =	vor.u32 v25, v26;
	v26 =	vsel vm0, $0x1, v4  }
0x57: {  	(xrf0) =	vadd.scan.msk.s32 $0xffff, v26;
	_ =	sdelay $0x2  }
0x58: {  	v25 =	vadd.s32 s0, v25  }
0x59: {  	s3 =	simm.s32 $0x20;
	s4 =	simm.s32 $0x0;
	v25 =	vadd.s32 v5, v25;
	s7 =	spop (v2sf)  }
.LBB2_2:
0x5a: {  	p0 =	sne.s32 s3, $0x3FF0  }
0x5b: {  	v26, _, _ =	vpop (xrf0);
	s4 =	sadd.s32 s4, s7;
	s7 =	smov.u32 s3;
	s3 =	sadd.s32 $0x10, s3  }
0x5c: {  	s0 =	sadd.s32 $0x10, s0;
	[tilespmem:s4+$0x4000] =	vst.msk vm0, v25;
	(v2sf) =	vpush v26, $0xF  }
0x5d: {  	v25 =	vld [tilespmem:s0+$0x0];
	_ =	sdelay $0x4  }
0x5e: {  	v26 =	vshra.s32 v25, $0x7;
	v25 =	vshll.u32 v25, $0xE  }
0x5f: {  	vm0 =	vge.s32 v26, v0;
	vm1 =	vlt.s32 v26, v1;
	v26 =	vsub.s32 v26, v0  }
0x60: {  	v25 =	vand.u32 $0x1FC000, v25;
	vm0 =	vmand vm0, vm1;
	v26 =	vshll.u32 v26, $0x15  }
0x61: {  	v25 =	vor.u32 v25, v26;
	v26 =	vsel vm0, $0x1, v4  }
0x62: {  	v25 =	vadd.s32 s7, v25;
	(xrf0) =	vadd.scan.msk.s32 $0xffff, v26  }
.Ltmp2:
0x63: {  	v25 =	vadd.s32 v5, v25;
	(pc) =	sbr.rel @p0 .LBB2_2-.Ltmp2, $2  }
0x64: {  	_ =	sdelay $0x2  }
0x65: {  	s7 =	spop (v2sf)  }
0x66: {  	v26, _, _ =	vpop (xrf0)  }
0x67: {  	(v2sf) =	vpush v26, $0xF;
	_ =	sdelay $0xe  }
0x68: {  	s3 =	sadd.s32 s4, s7;
	s0 =	spop (v2sf)  }
0x69: {  	s4 =	sadd.s32 s3, s0  }
0x6a: {  	s0 =	sadd.s32 $0xF, s4  }
0x6b: {  	s15 =	sand.u32 $0xF, s0  }
0x6c: {  	s16 =	sshra.s32 s0, $0x1F;
	p1 =	slt.s32 s0, $0x1;
	p0 =	sne.s32 s15, $0x0  }
0x6d: {  	s7 =	sshrl.u32 s16, $0x1C;
	p0 =	por !p1, !p0  }
0x6e: {  	s0 =	sadd.s32 s7, s0;
	s7 =	simm.s32 $0x1;
	p0 =	por !p0, !p0  }
0x6f: {  	s0 =	sshra.s32 s0, $0x4;
	s7 =	simm.s32 @!p0 $0x0  }
0x70: {  	s0 =	ssub.s32 s0, s7  }
0x71: {  	p0 =	sgt.s32 s0, $0x0  }
.Ltmp3:
0x72: {  	_ = 	snop;
	(pc) =	sbr.rel @!p0 .LBB2_4-.Ltmp3, $2  }
0x73: {  	_ =	sdelay $0x2  }
0x74: {  	[tilespmem:s3+$0x4000] =	vst.msk vm0, v25;
	v25 =	vmov s4  }
0x75: {  	p1 =	seq.s32 s0, $0x1  }
.Ltmp4:
0x76: {  	_ = 	snop;
	(pc) =	sbr.rel @p1 .LBB2_10-.Ltmp4, $3  }
0x77: {  	_ =	sdelay $0x1  }
0x78: {  	s4 =	simm.s32 $0x4000  }
0x79: {  	s3 =	simm.s32 $0x0;
	p0 =	por $0x0, $0x0;
	v26 =	vld [tilespmem:s4+$0x0];
	s4 =	sadd.s32 $0xFFFFFFFF, s0  }
0x7a: {  	_ =	sdelay $0x2  }
0x7b: {  	v27 =	vor.u32 s3, v5  }
0x7c: {  	vm0 =	vlt.s32 v27, v25;
	v26 =	vshra.s32 v26, $0x15  }
0x7d: {  	v26 =	vnsel vm0, $0x10F, v26  }
0x7e: {  	p1 =	seq.s32 s4, $0x1  }
.Ltmp5:
0x7f: {  	_ = 	snop;
	(pc) =	sbr.rel @p1 .LBB2_12-.Ltmp5, $3  }
0x80: {  	_ =	sdelay $0x1  }
0x81: {  	s7 =	simm.s32 $0x4010;
	[tilespmem:v26+s25+$0x0] =	vst.idx.add.s32.msk vm0, v6  }
0x82: {  	s11 =	sadd.s32 $0xFFFFFFFF, s4;
	p0 =	por $0x1, $0x1;
	s4 =	simm.s32 $0x0;
	v26 =	vld [tilespmem:s7+$0x0]  }
.LBB2_13:
0x83: {  	p1 =	seq.s32 s11, $0x1;
	_ =	sdelay $0x1  }
0x84: {  	s4 =	sadd.s32 $0x10, s4  }
0x85: {  	v27 =	vor.u32 s4, v5  }
0x86: {  	vm0 =	vlt.s32 v27, v25;
	v26 =	vshra.s32 v26, $0x15  }
0x87: {  	v26 =	vnsel vm0, $0x10F, v26;
	_ =	sdelay $0x1  }
.Ltmp6:
0x88: {  	(pc) =	sbr.rel @!p1 .LBB2_13-.Ltmp6, $3  }
0x89: {  	_ =	sdelay $0x1  }
0x8a: {  	s7 =	sadd.s32 $0x10, s7;
	[tilespmem:v26+s25+$0x0] =	vst.idx.add.s32.msk vm0, v6  }
0x8b: {  	s11 =	sadd.s32 $0xFFFFFFFF, s11;
	v26 =	vld [tilespmem:s7+$0x0]  }
.LBB2_14:
0x8c: {  	_ = 	snop  }
0x8d: {  	s4 =	sadd.s32 @p0 $0x10, s4  }
0x8e: {  	s3 =	smov.u32 @p0 s4  }
0x8f: {  	v27 =	vor.u32 s3, v5  }
0x90: {  	vm0 =	vlt.s32 v27, v25;
	v26 =	vshra.s32 v26, $0x15  }
0x91: {  	v26 =	vnsel vm0, $0x10F, v26;
	_ =	sdelay $0x4  }
0x92: {  	[tilespmem:v26+s25+$0x0] =	vst.idx.add.s32.msk vm0, v6  }
.LBB2_4:
0x93: {  	s12 =	simm.s32 $0x0  }
0x94: {  	s4 =	simm.s32 $0x10;
	v27 =	vld [tilespmem:s12+$0xC100]  }
0x95: {  	v29 =	vld [tilespmem:s4+$0xC100];
	_ =	sdelay $0x3  }
0x96: {  	(xrf0) =	vadd.scan.msk.s32 $0xffff, v27  }
0x97: {  	(xrf0) =	vadd.scan.msk.s32 $0xffff, v29;
	_ =	sdelay $0x4  }
0x98: {  	s3 =	simm.s32 $0x20;
	v28, _, _ =	vpop (xrf0)  }
0x99: {  	v26 =	vld [tilespmem:s3+$0xC100];
	(v2sf) =	vpush v28, $0xF;
	v30, _, _ =	vpop (xrf0)  }
0x9a: {  	(v2sf) =	vpush v30, $0xF;
	_ =	sdelay $0x3  }
0x9b: {  	s7 =	simm.s32 $0x30;
	(xrf0) =	vadd.scan.msk.s32 $0xffff, v26  }
0x9c: {  	v28 =	vsub.s32 v28, v27;
	v27 =	vld [tilespmem:s7+$0xC100];
	_ =	sdelay $0x3  }
0x9d: {  	s11 =	simm.s32 $0x0;
	s13 =	simm.s32 $0x100;
	v29 =	vsub.s32 v30, v29  }
.LBB2_5:
0x9e: {  	s14 =	sshra.s32 s13, $0x2;
	p0 =	seq.s32 s13, $0x400;
	s13 =	sadd.s32 $0x40, s13;
	(xrf0) =	vadd.scan.msk.s32 $0xffff, v27;
	v30, _, _ =	vpop (xrf0);
	v31 =	vadd.s32 s11, v28;
	v28 =	vmov v29  }
.Ltmp7:
0x9f: {  	v29 =	vsub.s32 v30, v26;
	(v2sf) =	vpush v30, $0xF;
	[tilespmem:s12+$0xC280] =	vst v31;
	v26 =	vmov v27;
	v27 =	vld [tilespmem:s14+$0xC100];
	(pc) =	sbr.rel @!p0 .LBB2_5-.Ltmp7, $4  }
0xa0: {  	[tilespmem:s12+$0xC400] =	vst v31;
	s12 =	smov.u32 s4;
	s4 =	smov.u32 s3;
	s3 =	smov.u32 s7  }
0xa1: {  	s7 =	smov.u32 s14  }
0xa2: {  	s14 =	spop (v2sf)  }
0xa3: {  	s11 =	sadd.s32 s11, s14  }
0xa4: {  	(xrf0) =	vadd.scan.msk.s32 $0xffff, v27;
	_ =	sdelay $0x1  }
0xa5: {  	v30, _, _ =	vpop (xrf0)  }
0xa6: {  	(v2sf) =	vpush v30, $0xF;
	_ =	sdelay $0x2  }
0xa7: {  	v31, _, _ =	vpop (xrf0)  }
0xa8: {  	(v2sf) =	vpush v31, $0xF;
	_ =	sdelay $0x6  }
0xa9: {  	s13 =	spop (v2sf);
	v28 =	vadd.s32 s11, v28  }
0xaa: {  	s13 =	sadd.s32 s11, s13;
	[tilespmem:s12+$0xC280] =	vst v28  }
0xab: {  	[tilespmem:s12+$0xC400] =	vst v28;
	v63 =	vadd.s32 s13, v29;
	s14 =	spop (v2sf)  }
0xac: {  	p0 =	slt.s32 s0, $0x1;
	v26 =	vsub.s32 v30, v26;
	[tilespmem:s4+$0xC280] =	vst v63;
	s11 =	sadd.s32 s13, s14  }
.Ltmp8:
0xad: {  	[tilespmem:s4+$0xC400] =	vst v63;
	v26 =	vadd.s32 s11, v26;
	s15 =	spop (v2sf);
	(pc) =	sbr.rel @p0 .LBB2_20-.Ltmp8, $4  }
0xae: {  	v27 =	vsub.s32 v31, v27;
	[tilespmem:s3+$0xC280] =	vst v26;
	s4 =	sadd.s32 s11, s15  }
0xaf: {  	[tilespmem:s3+$0xC400] =	vst v26;
	v26 =	vadd.s32 s4, v27  }
0xb0: {  	[tilespmem:s7+$0xC280] =	vst v26  }
0xb1: {  	[tilespmem:s7+$0xC400] =	vst v26;
	s16 =	spop (v2sf)  }
0xb2: {  	p1 =	sne.s32 s0, $0x1  }
.Ltmp9:
0xb3: {  	_ = 	snop;
	(pc) =	sbr.rel @!p1 .LBB2_8-.Ltmp9, $4  }
0xb4: {  	s3 =	simm.s32 $0x0  }
0xb5: {  	v26 =	vor.u32 s3, v5  }
0xb6: {  	vm0 =	vlt.s32 v26, v25  }
0xb7: {  	s7 =	simm.s32 $0x4000;
	p0 =	por $0x0, $0x0;
	s3 =	sadd.s32 $0xFFFFFFFF, s0;
	vm15 =	vmmov vm0  }
0xb8: {  	v26 =	vld [tilespmem:s7+$0x0];
	_ =	sdelay $0x4  }
0xb9: {  	vm0 =	vmmov vm15;
	v27 =	vshra.s32 v26, $0x15  }
0xba: {  	s0 =	simm.s32 $0x10;
	v27 =	vnsel vm0, $0x10F, v27  }
0xbb: {  	v29 =	vor.u32 s0, v5;
	v31 =	vperm.xlane v27, v9  }
0xbc: {  	vm1 =	vlt.s32 v29, v25  }
0xbd: {  	vm15 =	vmmov vm1;
	vm1 =	veq.s32 v31, v27;
	v31 =	vimm.s32 $0x0  }
0xbe: {  	v30 =	vperm.xlane v27, v10;
	v31 =	vsel vm1, $0xFFFFFFFF, v31  }
0xbf: {  	[tilespmem:$0x1FFD0] =	vst v31  }
0xc0: {  	vm8 =	veq.s32 v30, v27;
	v30 =	vld [tilespmem:$0x1FFD0];
	_ =	sdelay $0x1  }
0xc1: {  	vm10 =	vmmov vm9  }
0xc2: {  	vm9 =	vmmov vm7;
	vm3 =	vcmask $0x3F0C;
	v33 =	vperm.xlane v27, v8  }
0xc3: {  	vm7 =	vmmov vm5;
	v62 =	vimm.s32 $0x0;
	v32 =	vperm.xlane v27, v17  }
0xc4: {  	v61 =	vperm.xlane v27, v11;
	vm2 =	veq.s32 v33, v27;
	vm5 =	vnez.u8 v30  }
0xc5: {  	vm1 =	veq.s32 v32, v27;
	vm2 =	vmand vm2, vm6;
	vm5 =	vmand vm5, vm3  }
0xc6: {  	v31 =	vperm.xlane v27, v13;
	v30 =	vsel vm5, $0x1, v4;
	vm5 =	veq.s32 v61, v27  }
0xc7: {  	v37 =	vsel vm2, $0x1, v4;
	vm2 =	vmand vm8, vm9;
	v32 =	vsel vm5, $0xFFFFFFFF, v62  }
0xc8: {  	[tilespmem:$0x1FFE0] =	vst v32;
	v32 =	vsel vm2, $0x1, v4;
	vm2 =	veq.s32 v31, v27;
	v31 =	vimm.s32 $0x0  }
0xc9: {  	v31 =	vsel vm2, $0xFFFFFFFF, v31  }
0xca: {  	[tilespmem:$0x1FFF0] =	vst v31;
	v31 =	vld [tilespmem:$0x1FFE0];
	_ =	sdelay $0x4  }
0xcb: {  	v35 =	vperm.xlane v27, v7;
	vm2 =	vnez.u8 v31;
	v31 =	vld [tilespmem:$0x1FFF0]  }
0xcc: {  	v28 =	vperm.xlane v27, v15  }
0xcd: {  	v34 =	vperm.xlane v27, v14;
	v29 =	vperm.xlane v27, v16;
	vm5 =	veq.s32 v35, v27  }
0xce: {  	v36 =	vperm.xlane v27, v12;
	vm8 =	vmand vm5, vm7;
	vm5 =	vmmov vm7  }
0xcf: {  	p1 =	sne.s32 s3, $0x1;
	v63 =	vsel vm8, $0x1, v4;
	vm8 =	vcmask $0x3F24;
	vm2 =	vmand vm2, vm10  }
.Ltmp10:
0xd0: {  	v33 =	vsel vm2, $0x1, v4;
	vm2 =	veq.s32 v36, v27;
	vm7 =	vnez.u8 v31;
	(pc) =	sbr.rel @!p1 .LBB2_16-.Ltmp10, $4  }
0xd1: {  	v35 =	vadd.s32 v37, v63;
	vm2 =	vmand vm2, vm11;
	vm7 =	vmand vm7, vm12  }
0xd2: {  	v31 =	vsel vm7, $0x1, v4;
	vm7 =	veq.s32 v34, v27;
	v34 =	vsel vm2, $0x1, v4  }
0xd3: {  	s7 =	simm.s32 $0x4010;
	vm2 =	vmand vm7, vm14;
	vm14 =	vmmov vm13;
	vm13 =	vmmov vm12  }
0xd4: {  	s3 =	sadd.s32 $0xFFFFFFFF, s3;
	p0 =	por $0x1, $0x1;
	s4 =	simm.s32 $0x4010;
	vm12 =	vmmov vm11;
	vm11 =	vcmask $0x3F28;
	vm7 =	vmmov vm3  }
.LBB2_17:
0xd5: {  	v30 =	vadd.s32 v30, v35  }
0xd6: {  	v35 =	vsel vm2, $0x1, v4;
	vm2 =	veq.s32 v28, v27;
	v28 =	vadd.s32 v32, v30  }
0xd7: {  	vm3 =	veq.s32 v29, v27;
	vm2 =	vmand vm2, vm8;
	v28 =	vadd.s32 v33, v28  }
0xd8: {  	p1 =	sne.s32 s3, $0x1;
	s4 =	sadd.s32 $0x10, s4;
	s0 =	sadd.s32 $0x10, s0;
	v29 =	vsel vm2, $0x1, v4;
	vm2 =	vmand vm3, vm11;
	v33 =	vperm.xlane v27, v19  }
0xd9: {  	s3 =	sadd.s32 $0xFFFFFFFF, s3;
	v28 =	vadd.s32 v34, v28;
	v32 =	vsel vm2, $0x1, v4;
	vm2 =	vcmask $0x3F2C  }
0xda: {  	v30 =	vld.idx.msk [tilespmem:v27+s26+$0x0], $0xffff;
	v34 =	vperm.xlane v27, v21;
	v28 =	vadd.s32 v31, v28;
	v31 =	vperm.xlane v27, v18  }
0xdb: {  	vm1 =	vmand vm1, vm2;
	vm3 =	veq.s32 v33, v27;
	v28 =	vadd.s32 v35, v28  }
0xdc: {  	v35 =	vperm.xlane v27, v4;
	v28 =	vadd.s32 v29, v28;
	vm2 =	veq.s32 v31, v27  }
0xdd: {  	v29 =	vsel vm1, $0x1, v4;
	v28 =	vadd.s32 v32, v28;
	vm1 =	vmand vm2, vm14  }
0xde: {  	v28 =	vadd.s32 v29, v28;
	v29 =	vsel vm1, $0x1, v4;
	vm1 =	vcmask $0x3F34  }
0xdf: {  	vm1 =	vmand vm3, vm1  }
0xe0: {  	v28 =	vadd.s32 v29, v28;
	v29 =	vsel vm1, $0x1, v4;
	vm1 =	veq.s32 v34, v27  }
0xe1: {  	vm2 =	veq.s32 v35, v27;
	vm1 =	vmand vm1, vm4  }
0xe2: {  	v28 =	vadd.s32 v29, v28;
	v29 =	vsel vm1, $0x1, v4;
	vm1 =	vcmask $0x3F3C  }
0xe3: {  	v28 =	vadd.s32 v30, v28;
	vm1 =	vmand vm2, vm1  }
0xe4: {  	v30 =	vor.u32 s0, v5;
	v28 =	vadd.s32 v29, v28;
	v31 =	vsel vm1, $0x1, v4  }
0xe5: {  	vm1 =	vlt.s32 v30, v25;
	v28 =	vadd.s32 v31, v28;
	_ =	sdelay $0x4  }
0xe6: {  	[tilespmem:v28+s28+$0x0] =	vst.idx.msk vm0, v26  }
0xe7: {  	[tilespmem:v27+s26+$0x0] =	vst.idx.add.s32.msk vm0, v6;
	vm0 =	vmmov vm15;
	vm15 =	vmmov vm1  }
0xe8: {  	v26 =	vld [tilespmem:s7+$0x0]  }
0xe9: {  	s7 =	smov.u32 s4;
	_ =	sdelay $0x3  }
0xea: {  	v27 =	vshra.s32 v26, $0x15  }
0xeb: {  	v27 =	vnsel vm0, $0x10F, v27  }
0xec: {  	v30 =	vperm.xlane v27, v10;
	v28 =	vperm.xlane v27, v15  }
0xed: {  	v31 =	vperm.xlane v27, v9;
	v32 =	vperm.xlane v27, v17  }
0xee: {  	v34 =	vperm.xlane v27, v14;
	v29 =	vperm.xlane v27, v16  }
0xef: {  	v33 =	vperm.xlane v27, v8;
	v35 =	vperm.xlane v27, v7;
	vm2 =	veq.s32 v31, v27  }
0xf0: {  	v31 =	vperm.xlane v27, v13;
	vm3 =	veq.s32 v30, v27;
	vm1 =	veq.s32 v32, v27  }
0xf1: {  	vm4 =	veq.s32 v33, v27;
	v32 =	vperm.xlane v27, v11;
	vm2 =	vmand vm2, vm7  }
0xf2: {  	v36 =	vperm.xlane v27, v12;
	vm4 =	vmand vm4, vm6;
	v30 =	vsel vm2, $0x1, v4  }
0xf3: {  	v37 =	vsel vm4, $0x1, v4;
	vm2 =	vmand vm3, vm9;
	vm3 =	veq.s32 v32, v27  }
0xf4: {  	vm4 =	veq.s32 v35, v27;
	v32 =	vsel vm2, $0x1, v4;
	vm2 =	veq.s32 v31, v27  }
.Ltmp11:
0xf5: {  	vm4 =	vmand vm4, vm5;
	vm3 =	vmand vm3, vm10;
	vm2 =	vmand vm2, vm13;
	(pc) =	sbr.rel @p1 .LBB2_17-.Ltmp11, $4  }
0xf6: {  	v33 =	vsel vm3, $0x1, v4;
	vm3 =	veq.s32 v36, v27;
	v35 =	vsel vm4, $0x1, v4  }
0xf7: {  	vm4 =	vcmask $0x3F38;
	v31 =	vsel vm2, $0x1, v4;
	vm2 =	vmand vm3, vm12  }
0xf8: {  	vm3 =	veq.s32 v34, v27;
	v34 =	vsel vm2, $0x1, v4;
	vm2 =	vcmask $0x3F20  }
0xf9: {  	v35 =	vadd.s32 v37, v35;
	vm2 =	vmand vm3, vm2  }
0xfa: {  	vm10 =	vmmov vm11;
	vm11 =	vmmov vm12  }
0xfb: {  	vm12 =	vmmov vm13;
	vm13 =	vmmov vm14;
	vm14 =	vcmask $0x3F20  }
.LBB2_19:
0xfc: {  	v25 =	vadd.s32 @p0 v30, v35  }
0xfd: {  	v30 =	vsel @p0 vm2, $0x1, v4;
	vm2 =	veq.s32 @p0 v28, v27;
	vm3 =	veq.s32 @p0 v29, v27  }
0xfe: {  	vm5 =	vcmask $0x3F2C;
	vm4 =	vcmask $0x3F38;
	vm6 =	vcmask $0x3F3C  }
0xff: {  	v25 =	vadd.s32 @p0 v32, v25;
	vm2 =	vmand @p0 vm2, vm8;
	vm1 =	vmand @p0 vm1, vm5  }
0x100: {  	v32 =	vperm.xlane @p0 v27, v19;
	v28 =	vsel @p0 vm2, $0x1, v4;
	v25 =	vadd.s32 @p0 v33, v25  }
0x101: {  	vm2 =	vmand @p0 vm3, vm10;
	v33 =	vperm.xlane @p0 v27, v4;
	v25 =	vadd.s32 @p0 v34, v25  }
0x102: {  	vm3 =	vcmask $0x3F34;
	v25 =	vadd.s32 @p0 v31, v25;
	v31 =	vperm.xlane @p0 v27, v18  }
0x103: {  	v29 =	vsel @p0 vm2, $0x1, v4;
	v25 =	vadd.s32 @p0 v30, v25;
	v30 =	vperm.xlane @p0 v27, v21  }
0x104: {  	v34 =	vld.idx.msk @p0 [tilespmem:v27+s26+$0x0], $0xffff;
	v25 =	vadd.s32 @p0 v28, v25;
	vm2 =	veq.s32 @p0 v31, v27;
	v28 =	vsel @p0 vm1, $0x1, v4  }
0x105: {  	vm1 =	veq.s32 @p0 v32, v27;
	v25 =	vadd.s32 @p0 v29, v25;
	vm2 =	vmand @p0 vm2, vm13  }
0x106: {  	vm1 =	vmand @p0 vm1, vm3;
	v25 =	vadd.s32 @p0 v28, v25;
	v28 =	vsel @p0 vm2, $0x1, v4  }
0x107: {  	v25 =	vadd.s32 @p0 v28, v25;
	v28 =	vsel @p0 vm1, $0x1, v4;
	vm1 =	veq.s32 @p0 v30, v27  }
0x108: {  	vm2 =	veq.s32 @p0 v33, v27;
	v25 =	vadd.s32 @p0 v28, v25;
	vm1 =	vmand @p0 vm1, vm4  }
0x109: {  	v28 =	vsel @p0 vm1, $0x1, v4;
	vm1 =	vmand @p0 vm2, vm6;
	v25 =	vadd.s32 @p0 v34, v25  }
0x10a: {  	v29 =	vsel @p0 vm1, $0x1, v4;
	v25 =	vadd.s32 @p0 v28, v25  }
0x10b: {  	v25 =	vadd.s32 @p0 v29, v25;
	_ =	sdelay $0x4  }
0x10c: {  	[tilespmem:v25+s28+$0x0] =	vst.idx.msk @p0 vm0, v26  }
0x10d: {  	[tilespmem:v27+s26+$0x0] =	vst.idx.add.s32.msk @p0 vm0, v6  }
0x10e: {  	v25 =	vld [tilespmem:s7+$0x0];
	_ =	sdelay $0x4  }
0x10f: {  	vm0 =	vmmov vm15;
	v26 =	vshra.s32 v25, $0x15  }
0x110: {  	v26 =	vnsel vm0, $0x10F, v26  }
0x111: {  	v27 =	vperm.xlane v26, v9  }
0x112: {  	v36 =	vperm.xlane v26, v10;
	v37 =	vperm.xlane v26, v15  }
0x113: {  	v38 =	vperm.xlane v26, v14;
	v39 =	vperm.xlane v26, v8  }
0x114: {  	v40 =	vperm.xlane v26, v7;
	v41 =	vperm.xlane v26, v11  }
0x115: {  	vm6 =	vcmask $0x3F08;
	v43 =	vperm.xlane v26, v12;
	v46 =	vperm.xlane v26, v17  }
0x116: {  	vm15 =	vmmov vm5;
	v49 =	vperm.xlane v26, v16;
	v54 =	vperm.xlane v26, v18  }
0x117: {  	vm5 =	vcmask $0x3F04;
	v55 =	vperm.xlane v26, v19;
	v56 =	vperm.xlane v26, v21  }
0x118: {  	vm1 =	veq.s32 v27, v26;
	v27 =	vperm.xlane v26, v13;
	vm2 =	veq.s32 v39, v26  }
0x119: {  	vm1 =	vmand vm1, vm7;
	vm2 =	vmand vm2, vm6;
	vm7 =	vmmov vm9  }
0x11a: {  	v42 =	vsel vm1, $0x1, v4;
	vm1 =	veq.s32 v36, v26;
	v44 =	vsel vm2, $0x1, v4  }
0x11b: {  	vm2 =	veq.s32 v41, v26;
	vm1 =	vmand vm1, vm9;
	vm9 =	vcmask $0x3F14  }
0x11c: {  	v45 =	vsel vm1, $0x1, v4;
	vm1 =	veq.s32 v27, v26;
	vm2 =	vmand vm2, vm9  }
0x11d: {  	v27 =	vsel vm2, $0x1, v4;
	vm2 =	veq.s32 v40, v26;
	vm1 =	vmand vm1, vm12  }
0x11e: {  	vm2 =	vmand vm2, vm5;
	v47 =	vsel vm1, $0x1, v4;
	vm1 =	veq.s32 v43, v26  }
0x11f: {  	v57 =	vperm.xlane v26, v4;
	v48 =	vsel vm2, $0x1, v4;
	vm1 =	vmand vm1, vm11  }
0x120: {  	vm2 =	veq.s32 v38, v26;
	v28 =	vadd.s32 v44, v48;
	v50 =	vsel vm1, $0x1, v4  }
0x121: {  	vm1 =	vmand vm2, vm14;
	vm2 =	veq.s32 v37, v26;
	v28 =	vadd.s32 v42, v28  }
0x122: {  	v51 =	vsel vm1, $0x1, v4;
	vm1 =	vmand vm2, vm8;
	v28 =	vadd.s32 v45, v28  }
0x123: {  	vm2 =	veq.s32 v49, v26;
	v52 =	vsel vm1, $0x1, v4;
	v27 =	vadd.s32 v27, v28  }
0x124: {  	vm1 =	veq.s32 v46, v26;
	vm2 =	vmand vm2, vm10;
	v27 =	vadd.s32 v50, v27  }
0x125: {  	v53 =	vsel vm2, $0x1, v4;
	vm1 =	vmand vm1, vm15;
	v27 =	vadd.s32 v47, v27  }
0x126: {  	vm2 =	veq.s32 v54, v26;
	v59 =	vsel vm1, $0x1, v4;
	v27 =	vadd.s32 v51, v27  }
0x127: {  	v58 =	vld.idx.msk [tilespmem:v26+s26+$0x0], $0xffff;
	vm1 =	veq.s32 v55, v26;
	vm2 =	vmand vm2, vm13;
	v27 =	vadd.s32 v52, v27  }
0x128: {  	v60 =	vsel vm2, $0x1, v4;
	vm1 =	vmand vm1, vm3;
	v27 =	vadd.s32 v53, v27  }
0x129: {  	v61 =	vsel vm1, $0x1, v4;
	vm1 =	veq.s32 v56, v26;
	v27 =	vadd.s32 v59, v27  }
0x12a: {  	vm2 =	veq.s32 v57, v26;
	vm1 =	vmand vm1, vm4;
	v27 =	vadd.s32 v60, v27  }
0x12b: {  	v62 =	vsel vm1, $0x1, v4;
	vm1 =	vcmask $0x3F3C;
	v27 =	vadd.s32 v61, v27  }
0x12c: {  	vm1 =	vmand vm2, vm1;
	v27 =	vadd.s32 v58, v27  }
0x12d: {  	v63 =	vsel vm1, $0x1, v4;
	v27 =	vadd.s32 v62, v27  }
0x12e: {  	v27 =	vadd.s32 v63, v27;
	_ =	sdelay $0x4  }
0x12f: {  	[tilespmem:v27+s28+$0x0] =	vst.idx.msk vm0, v25  }
0x130: {  	[tilespmem:v26+s26+$0x0] =	vst.idx.add.s32.msk vm0, v6  }
.LBB2_20:
0x131: {  	v25 =	vld [tilespmem:$0xC100];
	_ =	sdelay $0x4  }
0x132: {  	(v2sf) =	vpush v25, $0x0;
	_ =	sdelay $0xe  }
0x133: {  	s0 =	spop (v2sf)  }
0x134: {  	s7 =	rddreg [dreg:$0x6];
	p0 =	slt.s32 s0, $0x1  }
0x135: {  	s0 =	simm.s32 @!p0 $0x400;
	s3 =	simm.s32 @!p0 $0x7A1400;
	s4 =	simm.s32 @!p0 $0xC580  }
0x136: {  	[tilespmem:s4], [sflag:$0x1] =	stream.strided.gather @!p0 [hbm4b:s7+s0], $0x2000, s3, s0, $0x38;
	[tilespmem:$0x1D580] =	vst v63  }
0x137: {  	v25 =	vld [tilespmem:$0xC101];
	_ =	sdelay $0x4  }
0x138: {  	(v2sf) =	vpush v25, $0x0;
	_ =	sdelay $0xe  }
0x139: {  	s12 =	spop (v2sf)  }
0x13a: {  	s7 =	rddreg [dreg:$0x7];
	p0 =	slt.s32 s12, $0x1  }
0x13b: {  	s0 =	simm.s32 @!p0 $0x400;
	s3 =	simm.s32 @!p0 $0x7A1400;
	s4 =	simm.s32 @!p0 $0xE580  }
0x13c: {  	[tilespmem:s4], [sflag:$0x1] =	stream.strided.gather @!p0 [hbm4b:s7+s0], $0x2000, s3, s0, $0x38;
	[tilespmem:$0x1D580] =	vst v63  }
0x13d: {  	v25 =	vld [tilespmem:$0xC102];
	_ =	sdelay $0x4  }
0x13e: {  	(v2sf) =	vpush v25, $0x0;
	_ =	sdelay $0xe  }
0x13f: {  	s13 =	spop (v2sf)  }
0x140: {  	s7 =	rddreg [dreg:$0x8];
	p0 =	slt.s32 s13, $0x1  }
0x141: {  	s0 =	simm.s32 @!p0 $0x400;
	s3 =	simm.s32 @!p0 $0x7A1400;
	s4 =	simm.s32 @!p0 $0x10580  }
0x142: {  	[tilespmem:s4], [sflag:$0x1] =	stream.strided.gather @!p0 [hbm4b:s7+s0], $0x2000, s3, s0, $0x38;
	[tilespmem:$0x1D580] =	vst v63  }
0x143: {  	v25 =	vld [tilespmem:$0xC103];
	_ =	sdelay $0x4  }
0x144: {  	(v2sf) =	vpush v25, $0x0;
	_ =	sdelay $0xe  }
0x145: {  	s14 =	spop (v2sf)  }
0x146: {  	s7 =	rddreg [dreg:$0x9];
	p0 =	slt.s32 s14, $0x1  }
0x147: {  	s0 =	simm.s32 @!p0 $0x400;
	s3 =	simm.s32 @!p0 $0x7A1400;
	s4 =	simm.s32 @!p0 $0x12580  }
0x148: {  	[tilespmem:s4], [sflag:$0x1] =	stream.strided.gather @!p0 [hbm4b:s7+s0], $0x2000, s3, s0, $0x38;
	[tilespmem:$0x1D580] =	vst v63  }
0x149: {  	v25 =	vld [tilespmem:$0xC104];
	_ =	sdelay $0x4  }
0x14a: {  	(v2sf) =	vpush v25, $0x0;
	_ =	sdelay $0xe  }
0x14b: {  	s15 =	spop (v2sf)  }
0x14c: {  	s7 =	rddreg [dreg:$0xa];
	p0 =	slt.s32 s15, $0x1  }
0x14d: {  	s0 =	simm.s32 @!p0 $0x400;
	s3 =	simm.s32 @!p0 $0x7A1400;
	s4 =	simm.s32 @!p0 $0x14580  }
0x14e: {  	[tilespmem:s4], [sflag:$0x1] =	stream.strided.gather @!p0 [hbm4b:s7+s0], $0x2000, s3, s0, $0x38;
	[tilespmem:$0x1D580] =	vst v63  }
0x14f: {  	v25 =	vld [tilespmem:$0xC105];
	_ =	sdelay $0x4  }
0x150: {  	(v2sf) =	vpush v25, $0x0;
	_ =	sdelay $0xe  }
.Ltmp12:
0x151: {  	s16 =	spop (v2sf);
	(pc) =	sbr.rel .LBB2_21-.Ltmp12, $4  }
0x152: {  	s7 =	rddreg [dreg:$0xb];
	p0 =	slt.s32 s16, $0x1  }
0x153: {  	s0 =	simm.s32 @!p0 $0x400;
	s3 =	simm.s32 @!p0 $0x7A1400;
	s4 =	simm.s32 @!p0 $0x16580  }
0x154: {  	[tilespmem:s4], [sflag:$0x1] =	stream.strided.gather @!p0 [hbm4b:s7+s0], $0x2000, s3, s0, $0x38;
	[tilespmem:$0x1D580] =	vst v63  }
0x155: {  	s7 =	simm.s32 $0x0;
	s0 =	simm.s32 $0x0  }
.LBB2_24:
0x156: {  	[sflag:s13] =	ssyncset.done @!p1 $0x0  }
0x157: {  	s7 =	smov.u32 s4;
	[sflag:s13] =	ssyncadd.s32 @!p1 $0xFFFFFFC0  }
.LBB2_25:
0x158: {  	s0 =	sadd.s32 $0x1, s0  }
0x159: {  	p0 =	sne.s32 s0, $0xF5  }
.Ltmp13:
0x15a: {  	_ = 	snop;
	(pc) =	sbr.rel @!p0 .LBB2_26-.Ltmp13, $1  }
0x15b: {  	_ =	sdelay $0x3  }
.LBB2_21:
0x15c: {  	v25 =	vld [tilespmem:s0+$0xC106];
	_ =	sdelay $0x4  }
0x15d: {  	(v2sf) =	vpush v25, $0x0;
	_ =	sdelay $0xe  }
0x15e: {  	p0 =	sgt.u32 s0, $0xEE;
	s3 =	spop (v2sf)  }
0x15f: {  	p1 =	slt.s32 @!p0 s3, $0x1  }
0x160: {  	s3 =	sadd.s32 $0x6, s0;
	p0 =	por p1, p0  }
0x161: {  	s4 =	sshll.u32 @!p0 s3, $0xD;
	s3 =	sadd.s32 @!p0 s1, s3  }
0x162: {  	s3 =	sshll.u32 @!p0 s3, $0x7  }
0x163: {  	s11 =	simm.s32 @!p0 $0x400;
	s4 =	sand.u32 @!p0 $0xE000, s4;
	s3 =	sand.u32 @!p0 $0x1FFFFF80, s3  }
0x164: {  	s12 =	simm.s32 @!p0 $0x7A1400;
	s4 =	sadd.s32 @!p0 $0xC580, s4;
	s3 =	sadd.s32 @!p0 s5, s3  }
0x165: {  	[tilespmem:s4], [sflag:$0x1] =	stream.strided.gather @!p0 [hbm4b:s3+s11], $0x2000, s12, s11, $0x38;
	[tilespmem:$0x1D580] =	vst v63  }
0x166: {  	v25 =	vld [tilespmem:s0+$0xC100]  }
0x167: {  	v26 =	vld [tilespmem:s0+$0xC400];
	_ =	sdelay $0x3  }
0x168: {  	(v2sf) =	vpush v25, $0x0  }
0x169: {  	(v2sf) =	vpush v26, $0x0;
	_ =	sdelay $0xd  }
0x16a: {  	s4 =	spop (v2sf)  }
0x16b: {  	s3 =	spop (v2sf)  }
0x16c: {  	s16 =	sadd.s32 s4, s3  }
0x16d: {  	p1 =	sge.s32 s3, s16  }
.Ltmp14:
0x16e: {  	p0 =	slt.s32 s4, $0x1;
	(pc) =	sbr.rel @p1 .LBB2_25-.Ltmp14, $4  }
0x16f: {  	s11 =	simm.s32 @!p0 $0x1  }
0x170: {  	_ =	swait.ge @!p0 [sflag:s11], $0x2000  }
0x171: {  	[sflag:s11] =	ssyncset.done @!p0 $0x0  }
0x172: {  	[sflag:s11] =	ssyncadd.s32 @!p0 $0xFFFFE000  }
0x173: {  	s3 =	sshll.u32 s3, $0x2  }
0x174: {  	s3 =	sshra.s32 s3, $0x2  }
0x175: {  	s12 =	sadd.s32 $0x8080, s3  }
0x176: {  	v25 =	vld [tilespmem:s12+$0x0];
	_ =	sdelay $0x4  }
0x177: {  	(v2sf) =	vpush v25, $0x0;
	_ =	sdelay $0xe  }
0x178: {  	s15 =	sand.u32 $0x7, s0;
	s11 =	spop (v2sf)  }
0x179: {  	s3 =	sshll.u32 s15, $0xD;
	s13 =	sshrl.u32 s11, $0xE  }
0x17a: {  	v25 =	vor.u32 s3, v20;
	s13 =	sand.u32 $0x7F, s13  }
0x17b: {  	v27 =	vor.u32 s13, v25;
	_ =	sdelay $0x4  }
0x17c: {  	v26 =	vor.u32 s3, v22;
	v27 =	vld.idx.msk [tilespmem:v27+s29+$0x0], $0xffff  }
0x17d: {  	v28 =	vor.u32 s13, v26;
	_ =	sdelay $0x1  }
0x17e: {  	s14 =	sshll.u32 s7, $0x7  }
0x17f: {  	s15 =	sand.u32 $0xF80, s14  }
0x180: {  	[tilespmem:s15+$0x1C580] =	vst v27  }
0x181: {  	v27 =	vor.u32 s3, v23;
	v28 =	vld.idx.msk [tilespmem:v28+s29+$0x0], $0xffff  }
0x182: {  	v29 =	vor.u32 s13, v27;
	_ =	sdelay $0x3  }
0x183: {  	[tilespmem:s15+$0x1C590] =	vst v28  }
0x184: {  	v28 =	vor.u32 s3, v24;
	v29 =	vld.idx.msk [tilespmem:v29+s29+$0x0], $0xffff  }
0x185: {  	v30 =	vor.u32 s13, v28;
	_ =	sdelay $0x3  }
0x186: {  	[tilespmem:s15+$0x1C5A0] =	vst v29  }
0x187: {  	v29 =	vld.idx.msk [tilespmem:v30+s29+$0x0], $0xffff  }
0x188: {  	s3 =	sadd.s32 $0xFFFFFFFF, s4  }
0x189: {  	p0 =	sne.s32 s3, $0x0  }
.Ltmp15:
0x18a: {  	s11 =	sshll.u32 s11, $0x3;
	(pc) =	sbr.rel @!p0 .LBB2_24-.Ltmp15, $4  }
0x18b: {  	p1 =	slt.s32 s7, $0x18;
	s16 =	sadd.s32 $0x1C580, s15;
	s11 =	sand.u32 $0x1FFF8, s11  }
0x18c: {  	s12 =	sadd.s32 $0x1, s12;
	s11 =	sadd.s32 s9, s11;
	s13 =	simm.s32 @!p1 $0x2;
	[tilespmem:s15+$0x1C5B0] =	vst v29  }
0x18d: {  	[hbm4b:s11+s8] =	stream.linear.scatter [tilespmem:s16], [sflag:$0x2], $0x40, $0x38;
	[tilespmem:$0x1D580] =	vst v63  }
0x18e: {  	s4 =	sadd.s32 s7, s4;
	s11 =	sadd.s32 $0x80, s14;
	_ =	swait.ge @!p1 [sflag:s13], $0x40  }
.LBB2_23:
0x18f: {  	s3 =	sadd.s32 $0xFFFFFFFF, s3;
	[sflag:s13] =	ssyncset.done @!p1 $0x0;
	s7 =	sadd.s32 $0x1, s7  }
0x190: {  	p0 =	sne.s32 s3, $0x0;
	[sflag:s13] =	ssyncadd.s32 @!p1 $0xFFFFFFC0  }
0x191: {  	v29 =	vld [tilespmem:s12+$0x0];
	_ =	sdelay $0x4  }
0x192: {  	(v2sf) =	vpush v29, $0x0;
	_ =	sdelay $0xe  }
0x193: {  	s13 =	spop (v2sf)  }
0x194: {  	s14 =	sshrl.u32 s13, $0xE;
	s13 =	sshll.u32 s13, $0x3  }
0x195: {  	s14 =	sand.u32 $0x7F, s14  }
0x196: {  	v29 =	vor.u32 s14, v25;
	_ =	sdelay $0x4  }
0x197: {  	v29 =	vld.idx.msk [tilespmem:v29+s29+$0x0], $0xffff  }
0x198: {  	v30 =	vor.u32 s14, v26;
	_ =	sdelay $0x2  }
0x199: {  	s15 =	sand.u32 $0xF80, s11;
	_ =	sdelay $0x1  }
0x19a: {  	[tilespmem:s15+$0x1C580] =	vst v29  }
0x19b: {  	v29 =	vld.idx.msk [tilespmem:v30+s29+$0x0], $0xffff  }
0x19c: {  	v30 =	vor.u32 s14, v27;
	_ =	sdelay $0x4  }
0x19d: {  	[tilespmem:s15+$0x1C590] =	vst v29  }
0x19e: {  	v29 =	vld.idx.msk [tilespmem:v30+s29+$0x0], $0xffff  }
0x19f: {  	v30 =	vor.u32 s14, v28;
	_ =	sdelay $0x4  }
0x1a0: {  	[tilespmem:s15+$0x1C5A0] =	vst v29  }
0x1a1: {  	v29 =	vld.idx.msk [tilespmem:v30+s29+$0x0], $0xffff;
	_ =	sdelay $0x3  }
.Ltmp16:
0x1a2: {  	s13 =	sand.u32 $0x1FFF8, s13;
	(pc) =	sbr.rel @p0 .LBB2_23-.Ltmp16, $4  }
0x1a3: {  	p1 =	slt.s32 s7, $0x18;
	s16 =	sadd.s32 s9, s13;
	s14 =	sadd.s32 $0x1C580, s15  }
0x1a4: {  	s13 =	simm.s32 @!p1 $0x2;
	[tilespmem:s15+$0x1C5B0] =	vst v29  }
0x1a5: {  	[hbm4b:s16+s8] =	stream.linear.scatter [tilespmem:s14], [sflag:$0x2], $0x40, $0x38;
	[tilespmem:$0x1D580] =	vst v63  }
0x1a6: {  	s11 =	sadd.s32 $0x80, s11;
	s12 =	sadd.s32 $0x1, s12;
	_ =	swait.ge @!p1 [sflag:s13], $0x40  }
.Ltmp17:
0x1a7: {  	_ = 	snop;
	(pc) =	sbr.rel .LBB2_24-.Ltmp17, $1  }
0x1a8: {  	_ =	sdelay $0x3  }
.LBB2_26:
0x1a9: {  	p0 =	slt.s32 s7, $0x1  }
.Ltmp18:
0x1aa: {  	_ = 	snop;
	(pc) =	sbr.rel @p0 .LBB2_30-.Ltmp18, $1  }
0x1ab: {  	_ =	sdelay $0x3  }
0x1ac: {  	p0 =	slt.s32 s7, $0x18  }
0x1ad: {  	s7 =	simm.s32 @!p0 $0x18  }
0x1ae: {  	p0 =	sne.s32 s7, $0x1  }
.Ltmp19:
0x1af: {  	_ = 	snop;
	(pc) =	sbr.rel @!p0 .LBB2_29-.Ltmp19, $3  }
0x1b0: {  	_ =	sdelay $0x1  }
0x1b1: {  	_ =	swait.ge [sflag:s30], $0x40  }
0x1b2: {  	[sflag:s30] =	ssyncset.done $0x0;
	s0 =	sadd.s32 $0xFFFFFFFF, s7  }
.LBB2_28:
0x1b3: {  	p0 =	sne.s32 s0, $0x1;
	s0 =	sadd.s32 $0xFFFFFFFF, s0;
	[sflag:s30] =	ssyncadd.s32 $0xFFFFFFC0  }
.Ltmp20:
0x1b4: {  	(pc) =	sbr.rel @p0 .LBB2_28-.Ltmp20, $3  }
0x1b5: {  	_ =	sdelay $0x1  }
0x1b6: {  	_ =	swait.ge [sflag:s30], $0x40  }
0x1b7: {  	[sflag:s30] =	ssyncset.done $0x0  }
.LBB2_29:
0x1b8: {  	[sflag:s30] =	ssyncadd.s32 $0xFFFFFFC0  }
.LBB2_30:
0x1b9: {  	s0 =	simm.s32 $0x0;
	s3 =	rddreg [dreg:$0x1]  }
0x1ba: {  	[tilespmem:s0], [sflag:$0x3] =	stream.linear.gather [hbm4b:s3+s0], $0x4000, $0x38;
	[tilespmem:$0x1D580] =	vst v63  }
0x1bb: {  	_ =	swait.ge [sflag:s24], $0x4000  }
0x1bc: {  	[sflag:s24] =	ssyncset.done $0x0  }
0x1bd: {  	[sflag:s24] =	ssyncadd.s32 $0xFFFFC000  }
0x1be: {  	[tilespmem:$0xC100] =	vst v4  }
0x1bf: {  	[tilespmem:$0xC110] =	vst v4  }
0x1c0: {  	[tilespmem:$0xC120] =	vst v4  }
0x1c1: {  	[tilespmem:$0xC130] =	vst v4  }
0x1c2: {  	[tilespmem:$0xC140] =	vst v4  }
0x1c3: {  	[tilespmem:$0xC150] =	vst v4  }
0x1c4: {  	[tilespmem:$0xC160] =	vst v4  }
0x1c5: {  	[tilespmem:$0xC170] =	vst v4  }
0x1c6: {  	[tilespmem:$0xC180] =	vst v4  }
0x1c7: {  	[tilespmem:$0xC190] =	vst v4  }
0x1c8: {  	[tilespmem:$0xC1A0] =	vst v4  }
0x1c9: {  	[tilespmem:$0xC1B0] =	vst v4  }
0x1ca: {  	[tilespmem:$0xC1C0] =	vst v4  }
0x1cb: {  	[tilespmem:$0xC1D0] =	vst v4  }
0x1cc: {  	[tilespmem:$0xC1E0] =	vst v4  }
0x1cd: {  	[tilespmem:$0xC1F0] =	vst v4  }
0x1ce: {  	[tilespmem:$0xC200] =	vst v4  }
0x1cf: {  	v25 =	vld [tilespmem:s0+$0x0];
	_ =	sdelay $0x4  }
0x1d0: {  	v26 =	vshra.s32 v25, $0x7  }
0x1d1: {  	vm0 =	vge.s32 v26, v2;
	vm1 =	vlt.s32 v26, v3  }
0x1d2: {  	vm0 =	vmand vm0, vm1  }
0x1d3: {  	v27 =	vsel vm0, $0x1, v4  }
0x1d4: {  	(xrf0) =	vadd.scan.msk.s32 $0xffff, v27;
	_ =	sdelay $0x2  }
0x1d5: {  	v25 =	vshll.u32 v25, $0xE;
	v26 =	vsub.s32 v26, v2  }
0x1d6: {  	v25 =	vand.u32 $0x1FC000, v25;
	v26 =	vshll.u32 v26, $0x15  }
0x1d7: {  	v25 =	vor.u32 v25, v26  }
0x1d8: {  	v25 =	vadd.s32 s0, v25;
	v27, _, _ =	vpop (xrf0)  }
0x1d9: {  	v25 =	vadd.s32 v5, v25;
	(v2sf) =	vpush v27, $0xF  }
0x1da: {  	s3 =	simm.s32 $0x10;
	[tilespmem:s0+$0x4000] =	vst.msk vm0, v25  }
0x1db: {  	v25 =	vld [tilespmem:s3+$0x0];
	_ =	sdelay $0x4  }
0x1dc: {  	v26 =	vshra.s32 v25, $0x7;
	v25 =	vshll.u32 v25, $0xE  }
0x1dd: {  	vm0 =	vge.s32 v26, v2;
	v27 =	vsub.s32 v26, v2;
	vm1 =	vlt.s32 v26, v3  }
0x1de: {  	v25 =	vand.u32 $0x1FC000, v25;
	v26 =	vshll.u32 v27, $0x15;
	vm0 =	vmand vm0, vm1  }
0x1df: {  	v25 =	vor.u32 v25, v26;
	v26 =	vsel vm0, $0x1, v4  }
0x1e0: {  	(xrf0) =	vadd.scan.msk.s32 $0xffff, v26;
	_ =	sdelay $0x2  }
0x1e1: {  	v25 =	vadd.s32 s3, v25  }
0x1e2: {  	s4 =	simm.s32 $0x20;
	v25 =	vadd.s32 v5, v25;
	s7 =	spop (v2sf)  }
.LBB2_31:
0x1e3: {  	p0 =	sne.s32 s4, $0x3FF0  }
0x1e4: {  	v26, _, _ =	vpop (xrf0);
	s0 =	sadd.s32 s0, s7;
	s7 =	smov.u32 s4;
	s4 =	sadd.s32 $0x10, s4  }
0x1e5: {  	s3 =	sadd.s32 $0x10, s3;
	[tilespmem:s0+$0x4000] =	vst.msk vm0, v25;
	(v2sf) =	vpush v26, $0xF  }
0x1e6: {  	v25 =	vld [tilespmem:s3+$0x0];
	_ =	sdelay $0x4  }
0x1e7: {  	v26 =	vshra.s32 v25, $0x7;
	v25 =	vshll.u32 v25, $0xE  }
0x1e8: {  	vm0 =	vge.s32 v26, v2;
	vm1 =	vlt.s32 v26, v3;
	v26 =	vsub.s32 v26, v2  }
0x1e9: {  	v25 =	vand.u32 $0x1FC000, v25;
	vm0 =	vmand vm0, vm1;
	v26 =	vshll.u32 v26, $0x15  }
0x1ea: {  	v25 =	vor.u32 v25, v26;
	v26 =	vsel vm0, $0x1, v4  }
0x1eb: {  	v25 =	vadd.s32 s7, v25;
	(xrf0) =	vadd.scan.msk.s32 $0xffff, v26  }
.Ltmp21:
0x1ec: {  	v25 =	vadd.s32 v5, v25;
	(pc) =	sbr.rel @p0 .LBB2_31-.Ltmp21, $2  }
0x1ed: {  	_ =	sdelay $0x2  }
0x1ee: {  	s7 =	spop (v2sf)  }
0x1ef: {  	v26, _, _ =	vpop (xrf0)  }
0x1f0: {  	(v2sf) =	vpush v26, $0xF;
	_ =	sdelay $0xe  }
0x1f1: {  	s3 =	sadd.s32 s0, s7;
	s14 =	spop (v2sf)  }
0x1f2: {  	s4 =	sadd.s32 s3, s14  }
0x1f3: {  	s0 =	sadd.s32 $0xF, s4  }
0x1f4: {  	s15 =	sand.u32 $0xF, s0  }
0x1f5: {  	s16 =	sshra.s32 s0, $0x1F;
	p1 =	slt.s32 s0, $0x1;
	p0 =	sne.s32 s15, $0x0  }
0x1f6: {  	s7 =	sshrl.u32 s16, $0x1C;
	p0 =	por !p1, !p0  }
0x1f7: {  	s0 =	sadd.s32 s7, s0;
	s7 =	simm.s32 $0x1;
	p0 =	por !p0, !p0  }
0x1f8: {  	s0 =	sshra.s32 s0, $0x4;
	s7 =	simm.s32 @!p0 $0x0  }
0x1f9: {  	s0 =	ssub.s32 s0, s7  }
0x1fa: {  	p0 =	sgt.s32 s0, $0x0  }
.Ltmp22:
0x1fb: {  	_ = 	snop;
	(pc) =	sbr.rel @!p0 .LBB2_33-.Ltmp22, $2  }
0x1fc: {  	_ =	sdelay $0x2  }
0x1fd: {  	[tilespmem:s3+$0x4000] =	vst.msk vm0, v25;
	v25 =	vmov s4  }
0x1fe: {  	p1 =	seq.s32 s0, $0x1  }
.Ltmp23:
0x1ff: {  	_ = 	snop;
	(pc) =	sbr.rel @p1 .LBB2_39-.Ltmp23, $3  }
0x200: {  	_ =	sdelay $0x1  }
0x201: {  	s4 =	simm.s32 $0x4000  }
0x202: {  	s3 =	simm.s32 $0x0;
	p0 =	por $0x0, $0x0;
	v26 =	vld [tilespmem:s4+$0x0];
	s4 =	sadd.s32 $0xFFFFFFFF, s0  }
0x203: {  	_ =	sdelay $0x2  }
0x204: {  	v27 =	vor.u32 s3, v5  }
0x205: {  	vm0 =	vlt.s32 v27, v25;
	v26 =	vshra.s32 v26, $0x15  }
0x206: {  	v26 =	vnsel vm0, $0x10F, v26  }
0x207: {  	p1 =	seq.s32 s4, $0x1  }
.Ltmp24:
0x208: {  	_ = 	snop;
	(pc) =	sbr.rel @p1 .LBB2_41-.Ltmp24, $3  }
0x209: {  	_ =	sdelay $0x1  }
0x20a: {  	s7 =	simm.s32 $0x4010;
	[tilespmem:v26+s25+$0x0] =	vst.idx.add.s32.msk vm0, v6  }
0x20b: {  	s11 =	sadd.s32 $0xFFFFFFFF, s4;
	p0 =	por $0x1, $0x1;
	s4 =	simm.s32 $0x0;
	v26 =	vld [tilespmem:s7+$0x0]  }
.LBB2_42:
0x20c: {  	p1 =	seq.s32 s11, $0x1;
	_ =	sdelay $0x1  }
0x20d: {  	s4 =	sadd.s32 $0x10, s4  }
0x20e: {  	v27 =	vor.u32 s4, v5  }
0x20f: {  	vm0 =	vlt.s32 v27, v25;
	v26 =	vshra.s32 v26, $0x15  }
0x210: {  	v26 =	vnsel vm0, $0x10F, v26;
	_ =	sdelay $0x1  }
.Ltmp25:
0x211: {  	(pc) =	sbr.rel @!p1 .LBB2_42-.Ltmp25, $3  }
0x212: {  	_ =	sdelay $0x1  }
0x213: {  	s7 =	sadd.s32 $0x10, s7;
	[tilespmem:v26+s25+$0x0] =	vst.idx.add.s32.msk vm0, v6  }
0x214: {  	s11 =	sadd.s32 $0xFFFFFFFF, s11;
	v26 =	vld [tilespmem:s7+$0x0]  }
.LBB2_43:
0x215: {  	_ = 	snop  }
0x216: {  	s4 =	sadd.s32 @p0 $0x10, s4  }
0x217: {  	s3 =	smov.u32 @p0 s4  }
0x218: {  	v27 =	vor.u32 s3, v5  }
0x219: {  	vm0 =	vlt.s32 v27, v25;
	v26 =	vshra.s32 v26, $0x15  }
0x21a: {  	v26 =	vnsel vm0, $0x10F, v26;
	_ =	sdelay $0x4  }
0x21b: {  	[tilespmem:v26+s25+$0x0] =	vst.idx.add.s32.msk vm0, v6  }
.LBB2_33:
0x21c: {  	s12 =	simm.s32 $0x0  }
0x21d: {  	s4 =	simm.s32 $0x10;
	v27 =	vld [tilespmem:s12+$0xC100]  }
0x21e: {  	v29 =	vld [tilespmem:s4+$0xC100];
	_ =	sdelay $0x3  }
0x21f: {  	(xrf0) =	vadd.scan.msk.s32 $0xffff, v27  }
0x220: {  	(xrf0) =	vadd.scan.msk.s32 $0xffff, v29;
	_ =	sdelay $0x4  }
0x221: {  	s3 =	simm.s32 $0x20;
	v28, _, _ =	vpop (xrf0)  }
0x222: {  	v26 =	vld [tilespmem:s3+$0xC100];
	(v2sf) =	vpush v28, $0xF;
	v30, _, _ =	vpop (xrf0)  }
0x223: {  	(v2sf) =	vpush v30, $0xF;
	_ =	sdelay $0x3  }
0x224: {  	s7 =	simm.s32 $0x30;
	(xrf0) =	vadd.scan.msk.s32 $0xffff, v26  }
0x225: {  	v28 =	vsub.s32 v28, v27;
	v27 =	vld [tilespmem:s7+$0xC100];
	_ =	sdelay $0x3  }
0x226: {  	s11 =	simm.s32 $0x0;
	s13 =	simm.s32 $0x100;
	v29 =	vsub.s32 v30, v29  }
.LBB2_34:
0x227: {  	s14 =	sshra.s32 s13, $0x2;
	p0 =	seq.s32 s13, $0x400;
	s13 =	sadd.s32 $0x40, s13;
	(xrf0) =	vadd.scan.msk.s32 $0xffff, v27;
	v30, _, _ =	vpop (xrf0);
	v31 =	vadd.s32 s11, v28;
	v28 =	vmov v29  }
.Ltmp26:
0x228: {  	v29 =	vsub.s32 v30, v26;
	(v2sf) =	vpush v30, $0xF;
	[tilespmem:s12+$0xC280] =	vst v31;
	v26 =	vmov v27;
	v27 =	vld [tilespmem:s14+$0xC100];
	(pc) =	sbr.rel @!p0 .LBB2_34-.Ltmp26, $4  }
0x229: {  	[tilespmem:s12+$0xC400] =	vst v31;
	s12 =	smov.u32 s4;
	s4 =	smov.u32 s3;
	s3 =	smov.u32 s7  }
0x22a: {  	s7 =	smov.u32 s14  }
0x22b: {  	s14 =	spop (v2sf)  }
0x22c: {  	s11 =	sadd.s32 s11, s14  }
0x22d: {  	(xrf0) =	vadd.scan.msk.s32 $0xffff, v27;
	_ =	sdelay $0x1  }
0x22e: {  	v30, _, _ =	vpop (xrf0)  }
0x22f: {  	(v2sf) =	vpush v30, $0xF;
	_ =	sdelay $0x2  }
0x230: {  	v31, _, _ =	vpop (xrf0)  }
0x231: {  	(v2sf) =	vpush v31, $0xF;
	_ =	sdelay $0x6  }
0x232: {  	s13 =	spop (v2sf);
	v28 =	vadd.s32 s11, v28  }
0x233: {  	s13 =	sadd.s32 s11, s13;
	[tilespmem:s12+$0xC280] =	vst v28  }
0x234: {  	[tilespmem:s12+$0xC400] =	vst v28;
	v63 =	vadd.s32 s13, v29;
	s14 =	spop (v2sf)  }
0x235: {  	p0 =	slt.s32 s0, $0x1;
	v26 =	vsub.s32 v30, v26;
	[tilespmem:s4+$0xC280] =	vst v63;
	s11 =	sadd.s32 s13, s14  }
.Ltmp27:
0x236: {  	[tilespmem:s4+$0xC400] =	vst v63;
	v26 =	vadd.s32 s11, v26;
	s15 =	spop (v2sf);
	(pc) =	sbr.rel @p0 .LBB2_49-.Ltmp27, $4  }
0x237: {  	v27 =	vsub.s32 v31, v27;
	[tilespmem:s3+$0xC280] =	vst v26;
	s4 =	sadd.s32 s11, s15  }
0x238: {  	[tilespmem:s3+$0xC400] =	vst v26;
	v26 =	vadd.s32 s4, v27  }
0x239: {  	[tilespmem:s7+$0xC280] =	vst v26  }
0x23a: {  	[tilespmem:s7+$0xC400] =	vst v26;
	s16 =	spop (v2sf)  }
0x23b: {  	p1 =	sne.s32 s0, $0x1  }
.Ltmp28:
0x23c: {  	_ = 	snop;
	(pc) =	sbr.rel @!p1 .LBB2_37-.Ltmp28, $4  }
0x23d: {  	s3 =	simm.s32 $0x0  }
0x23e: {  	v26 =	vor.u32 s3, v5  }
0x23f: {  	vm8 =	vmmov vm7;
	vm0 =	vlt.s32 v26, v25  }
0x240: {  	s7 =	simm.s32 $0x4000;
	p0 =	por $0x0, $0x0;
	vm7 =	vcmask $0x3F0C;
	vm4 =	vcmask $0x3F24;
	s3 =	sadd.s32 $0xFFFFFFFF, s0;
	vm15 =	vmmov vm0  }
0x241: {  	v26 =	vld [tilespmem:s7+$0x0];
	_ =	sdelay $0x4  }
0x242: {  	vm0 =	vmmov vm15;
	v27 =	vshra.s32 v26, $0x15  }
0x243: {  	v27 =	vnsel vm0, $0x10F, v27  }
0x244: {  	vm10 =	vcmask $0x3F28;
	v30 =	vperm.xlane v27, v10  }
0x245: {  	s0 =	simm.s32 $0x10;
	vm13 =	vmmov vm4;
	v28 =	vperm.xlane v27, v15;
	v31 =	vperm.xlane v27, v9  }
0x246: {  	v29 =	vor.u32 s0, v5;
	v32 =	vperm.xlane v27, v17;
	v34 =	vperm.xlane v27, v14  }
0x247: {  	vm1 =	vlt.s32 v29, v25;
	v29 =	vperm.xlane v27, v16;
	v33 =	vperm.xlane v27, v8  }
0x248: {  	vm15 =	vmmov vm1;
	v35 =	vperm.xlane v27, v7;
	v62 =	vperm.xlane v27, v11  }
0x249: {  	v36 =	vperm.xlane v27, v12;
	vm2 =	veq.s32 v31, v27;
	v31 =	vperm.xlane v27, v13  }
0x24a: {  	vm3 =	veq.s32 v30, v27;
	vm4 =	veq.s32 v33, v27;
	vm2 =	vmand vm2, vm7  }
0x24b: {  	vm1 =	veq.s32 v32, v27;
	vm4 =	vmand vm4, vm6;
	v30 =	vsel vm2, $0x1, v4  }
0x24c: {  	p1 =	sne.s32 s3, $0x1;
	v37 =	vsel vm4, $0x1, v4;
	vm2 =	vmand vm3, vm8;
	vm3 =	veq.s32 v62, v27  }
.Ltmp29:
0x24d: {  	vm4 =	veq.s32 v35, v27;
	v32 =	vsel vm2, $0x1, v4;
	vm2 =	veq.s32 v31, v27;
	(pc) =	sbr.rel @!p1 .LBB2_45-.Ltmp29, $4  }
0x24e: {  	vm4 =	vmand vm4, vm5;
	vm3 =	vmand vm3, vm9;
	vm2 =	vmand vm2, vm12  }
0x24f: {  	v33 =	vsel vm3, $0x1, v4;
	vm3 =	veq.s32 v36, v27;
	v63 =	vsel vm4, $0x1, v4  }
0x250: {  	s7 =	simm.s32 $0x4010;
	v31 =	vsel vm2, $0x1, v4;
	vm2 =	vmand vm3, vm11;
	vm3 =	veq.s32 v34, v27  }
0x251: {  	s3 =	sadd.s32 $0xFFFFFFFF, s3;
	p0 =	por $0x1, $0x1;
	s4 =	simm.s32 $0x4010;
	v35 =	vadd.s32 v37, v63;
	v34 =	vsel vm2, $0x1, v4;
	vm2 =	vmand vm3, vm14  }
.LBB2_46:
0x252: {  	v30 =	vadd.s32 v30, v35;
	v35 =	vsel vm2, $0x1, v4;
	vm2 =	veq.s32 v28, v27  }
0x253: {  	v28 =	vadd.s32 v32, v30;
	vm2 =	vmand vm2, vm13  }
0x254: {  	vm3 =	veq.s32 v29, v27;
	v28 =	vadd.s32 v33, v28;
	v29 =	vsel vm2, $0x1, v4  }
0x255: {  	p1 =	sne.s32 s3, $0x1;
	s4 =	sadd.s32 $0x10, s4;
	s0 =	sadd.s32 $0x10, s0;
	vm2 =	vmand vm3, vm10;
	v33 =	vperm.xlane v27, v19;
	v28 =	vadd.s32 v34, v28  }
0x256: {  	s3 =	sadd.s32 $0xFFFFFFFF, s3;
	v32 =	vsel vm2, $0x1, v4;
	vm2 =	vcmask $0x3F2C;
	v28 =	vadd.s32 v31, v28  }
0x257: {  	v30 =	vld.idx.msk [tilespmem:v27+s26+$0x0], $0xffff;
	v34 =	vperm.xlane v27, v21;
	v31 =	vperm.xlane v27, v18;
	v28 =	vadd.s32 v35, v28  }
0x258: {  	vm1 =	vmand vm1, vm2;
	vm3 =	veq.s32 v33, v27;
	v28 =	vadd.s32 v29, v28  }
0x259: {  	vm2 =	veq.s32 v31, v27;
	v29 =	vsel vm1, $0x1, v4;
	vm1 =	vcmask $0x3F30  }
0x25a: {  	v35 =	vperm.xlane v27, v4;
	v28 =	vadd.s32 v32, v28;
	vm1 =	vmand vm2, vm1  }
0x25b: {  	v28 =	vadd.s32 v29, v28;
	v29 =	vsel vm1, $0x1, v4;
	vm1 =	vcmask $0x3F34  }
0x25c: {  	vm2 =	vcmask $0x3F38;
	vm1 =	vmand vm3, vm1  }
0x25d: {  	v28 =	vadd.s32 v29, v28;
	v29 =	vsel vm1, $0x1, v4;
	vm1 =	veq.s32 v34, v27  }
0x25e: {  	v28 =	vadd.s32 v29, v28;
	vm1 =	vmand vm1, vm2  }
0x25f: {  	vm2 =	veq.s32 v35, v27;
	v29 =	vsel vm1, $0x1, v4;
	vm1 =	vcmask $0x3F3C  }
0x260: {  	v28 =	vadd.s32 v30, v28;
	vm1 =	vmand vm2, vm1  }
0x261: {  	v30 =	vor.u32 s0, v5;
	v28 =	vadd.s32 v29, v28;
	v31 =	vsel vm1, $0x1, v4  }
0x262: {  	vm1 =	vlt.s32 v30, v25;
	v28 =	vadd.s32 v31, v28;
	_ =	sdelay $0x4  }
0x263: {  	[tilespmem:v28+s28+$0x0] =	vst.idx.msk vm0, v26  }
0x264: {  	[tilespmem:v27+s26+$0x0] =	vst.idx.add.s32.msk vm0, v6;
	vm0 =	vmmov vm15;
	vm15 =	vmmov vm1  }
0x265: {  	v26 =	vld [tilespmem:s7+$0x0];
	s7 =	smov.u32 s4;
	_ =	sdelay $0x4  }
0x266: {  	v27 =	vshra.s32 v26, $0x15  }
0x267: {  	v27 =	vnsel vm0, $0x10F, v27  }
0x268: {  	v30 =	vperm.xlane v27, v10;
	v28 =	vperm.xlane v27, v15  }
0x269: {  	v31 =	vperm.xlane v27, v9;
	v32 =	vperm.xlane v27, v17  }
0x26a: {  	v34 =	vperm.xlane v27, v14;
	v29 =	vperm.xlane v27, v16  }
0x26b: {  	v33 =	vperm.xlane v27, v8;
	vm2 =	veq.s32 v31, v27;
	v31 =	vperm.xlane v27, v13  }
0x26c: {  	v35 =	vperm.xlane v27, v7;
	vm3 =	veq.s32 v30, v27;
	vm1 =	veq.s32 v32, v27  }
0x26d: {  	vm4 =	veq.s32 v33, v27;
	v32 =	vperm.xlane v27, v11;
	vm2 =	vmand vm2, vm7  }
0x26e: {  	v36 =	vperm.xlane v27, v12;
	vm4 =	vmand vm4, vm6;
	v30 =	vsel vm2, $0x1, v4  }
0x26f: {  	v37 =	vsel vm4, $0x1, v4;
	vm2 =	vmand vm3, vm8;
	vm3 =	veq.s32 v32, v27  }
.Ltmp30:
0x270: {  	vm4 =	veq.s32 v35, v27;
	v32 =	vsel vm2, $0x1, v4;
	vm2 =	veq.s32 v31, v27;
	(pc) =	sbr.rel @p1 .LBB2_46-.Ltmp30, $4  }
0x271: {  	vm4 =	vmand vm4, vm5;
	vm3 =	vmand vm3, vm9;
	vm2 =	vmand vm2, vm12  }
0x272: {  	v33 =	vsel vm3, $0x1, v4;
	vm3 =	veq.s32 v36, v27;
	v31 =	vsel vm2, $0x1, v4  }
0x273: {  	v35 =	vsel vm4, $0x1, v4;
	vm2 =	vmand vm3, vm11;
	vm3 =	veq.s32 v34, v27  }
0x274: {  	v35 =	vadd.s32 v37, v35;
	v34 =	vsel vm2, $0x1, v4;
	vm2 =	vmand vm3, vm14  }
0x275: {  	vm4 =	vmmov vm13;
	vm13 =	vcmask $0x3F30  }
.LBB2_48:
0x276: {  	v25 =	vadd.s32 @p0 v30, v35;
	v30 =	vsel @p0 vm2, $0x1, v4;
	vm2 =	veq.s32 @p0 v28, v27  }
0x277: {  	vm3 =	veq.s32 @p0 v29, v27;
	vm10 =	vcmask $0x3F28;
	vm8 =	vmmov vm4  }
0x278: {  	vm5 =	vcmask $0x3F38;
	vm6 =	vcmask $0x3F3C;
	v25 =	vadd.s32 @p0 v32, v25  }
0x279: {  	vm2 =	vmand @p0 vm2, vm4;
	vm4 =	vcmask $0x3F2C;
	v32 =	vperm.xlane @p0 v27, v19  }
0x27a: {  	v28 =	vsel @p0 vm2, $0x1, v4;
	v25 =	vadd.s32 @p0 v33, v25;
	vm2 =	vmand @p0 vm3, vm10  }
0x27b: {  	vm1 =	vmand @p0 vm1, vm4;
	v33 =	vperm.xlane @p0 v27, v4;
	v25 =	vadd.s32 @p0 v34, v25  }
0x27c: {  	vm3 =	vcmask $0x3F34;
	v25 =	vadd.s32 @p0 v31, v25;
	v31 =	vperm.xlane @p0 v27, v18  }
0x27d: {  	v29 =	vsel @p0 vm2, $0x1, v4;
	v25 =	vadd.s32 @p0 v30, v25;
	v30 =	vperm.xlane @p0 v27, v21  }
0x27e: {  	v34 =	vld.idx.msk @p0 [tilespmem:v27+s26+$0x0], $0xffff;
	v25 =	vadd.s32 @p0 v28, v25;
	vm2 =	veq.s32 @p0 v31, v27;
	v28 =	vsel @p0 vm1, $0x1, v4  }
0x27f: {  	vm1 =	veq.s32 @p0 v32, v27;
	v25 =	vadd.s32 @p0 v29, v25;
	vm2 =	vmand @p0 vm2, vm13  }
0x280: {  	vm1 =	vmand @p0 vm1, vm3;
	v25 =	vadd.s32 @p0 v28, v25;
	v28 =	vsel @p0 vm2, $0x1, v4  }
0x281: {  	v25 =	vadd.s32 @p0 v28, v25;
	v28 =	vsel @p0 vm1, $0x1, v4;
	vm1 =	veq.s32 @p0 v30, v27  }
0x282: {  	vm2 =	veq.s32 @p0 v33, v27;
	v25 =	vadd.s32 @p0 v28, v25;
	vm1 =	vmand @p0 vm1, vm5  }
0x283: {  	v28 =	vsel @p0 vm1, $0x1, v4;
	vm1 =	vmand @p0 vm2, vm6;
	v25 =	vadd.s32 @p0 v34, v25  }
0x284: {  	v29 =	vsel @p0 vm1, $0x1, v4;
	v25 =	vadd.s32 @p0 v28, v25  }
0x285: {  	v25 =	vadd.s32 @p0 v29, v25;
	_ =	sdelay $0x4  }
0x286: {  	[tilespmem:v25+s28+$0x0] =	vst.idx.msk @p0 vm0, v26  }
0x287: {  	[tilespmem:v27+s26+$0x0] =	vst.idx.add.s32.msk @p0 vm0, v6  }
0x288: {  	v25 =	vld [tilespmem:s7+$0x0];
	_ =	sdelay $0x4  }
0x289: {  	vm0 =	vmmov vm15;
	v26 =	vshra.s32 v25, $0x15  }
0x28a: {  	v26 =	vnsel vm0, $0x10F, v26  }
0x28b: {  	v27 =	vperm.xlane v26, v9;
	v36 =	vperm.xlane v26, v10  }
0x28c: {  	v37 =	vperm.xlane v26, v15;
	v38 =	vperm.xlane v26, v14  }
0x28d: {  	vm6 =	vcmask $0x3F08;
	v39 =	vperm.xlane v26, v8;
	v40 =	vperm.xlane v26, v7  }
0x28e: {  	vm15 =	vmmov vm4;
	v41 =	vperm.xlane v26, v11;
	v43 =	vperm.xlane v26, v12  }
0x28f: {  	vm4 =	vmmov vm5;
	v46 =	vperm.xlane v26, v17;
	v49 =	vperm.xlane v26, v16  }
0x290: {  	vm5 =	vcmask $0x3F04;
	v54 =	vperm.xlane v26, v18;
	v55 =	vperm.xlane v26, v19  }
0x291: {  	v56 =	vperm.xlane v26, v21;
	vm1 =	veq.s32 v27, v26;
	vm2 =	veq.s32 v39, v26  }
0x292: {  	v27 =	vperm.xlane v26, v13;
	vm1 =	vmand vm1, vm7;
	vm2 =	vmand vm2, vm6  }
0x293: {  	vm7 =	vcmask $0x3F10;
	v42 =	vsel vm1, $0x1, v4;
	vm1 =	veq.s32 v36, v26  }
0x294: {  	v44 =	vsel vm2, $0x1, v4;
	vm2 =	veq.s32 v41, v26;
	vm1 =	vmand vm1, vm7  }
0x295: {  	vm2 =	vmand vm2, vm9;
	v45 =	vsel vm1, $0x1, v4;
	vm1 =	veq.s32 v27, v26  }
0x296: {  	v27 =	vsel vm2, $0x1, v4;
	vm2 =	veq.s32 v40, v26;
	vm1 =	vmand vm1, vm12  }
0x297: {  	vm2 =	vmand vm2, vm5;
	v47 =	vsel vm1, $0x1, v4;
	vm1 =	veq.s32 v43, v26  }
0x298: {  	v57 =	vperm.xlane v26, v4;
	v48 =	vsel vm2, $0x1, v4;
	vm1 =	vmand vm1, vm11  }
0x299: {  	vm2 =	veq.s32 v38, v26;
	v28 =	vadd.s32 v44, v48;
	v50 =	vsel vm1, $0x1, v4  }
0x29a: {  	vm1 =	vmand vm2, vm14;
	vm2 =	veq.s32 v37, v26;
	v28 =	vadd.s32 v42, v28  }
0x29b: {  	v51 =	vsel vm1, $0x1, v4;
	vm1 =	vmand vm2, vm8;
	v28 =	vadd.s32 v45, v28  }
0x29c: {  	vm2 =	veq.s32 v49, v26;
	v52 =	vsel vm1, $0x1, v4;
	v27 =	vadd.s32 v27, v28  }
0x29d: {  	vm1 =	veq.s32 v46, v26;
	vm2 =	vmand vm2, vm10;
	v27 =	vadd.s32 v50, v27  }
0x29e: {  	v53 =	vsel vm2, $0x1, v4;
	vm1 =	vmand vm1, vm15;
	v27 =	vadd.s32 v47, v27  }
0x29f: {  	vm2 =	veq.s32 v54, v26;
	v59 =	vsel vm1, $0x1, v4;
	v27 =	vadd.s32 v51, v27  }
0x2a0: {  	v58 =	vld.idx.msk [tilespmem:v26+s26+$0x0], $0xffff;
	vm1 =	veq.s32 v55, v26;
	vm2 =	vmand vm2, vm13;
	v27 =	vadd.s32 v52, v27  }
0x2a1: {  	v60 =	vsel vm2, $0x1, v4;
	vm1 =	vmand vm1, vm3;
	v27 =	vadd.s32 v53, v27  }
0x2a2: {  	v61 =	vsel vm1, $0x1, v4;
	vm1 =	veq.s32 v56, v26;
	v27 =	vadd.s32 v59, v27  }
0x2a3: {  	vm2 =	veq.s32 v57, v26;
	vm1 =	vmand vm1, vm4;
	v27 =	vadd.s32 v60, v27  }
0x2a4: {  	v62 =	vsel vm1, $0x1, v4;
	vm1 =	vcmask $0x3F3C;
	v27 =	vadd.s32 v61, v27  }
0x2a5: {  	vm1 =	vmand vm2, vm1;
	v27 =	vadd.s32 v58, v27  }
0x2a6: {  	v63 =	vsel vm1, $0x1, v4;
	v27 =	vadd.s32 v62, v27  }
0x2a7: {  	v27 =	vadd.s32 v63, v27;
	_ =	sdelay $0x4  }
0x2a8: {  	[tilespmem:v27+s28+$0x0] =	vst.idx.msk vm0, v25  }
0x2a9: {  	[tilespmem:v26+s26+$0x0] =	vst.idx.add.s32.msk vm0, v6  }
.LBB2_49:
0x2aa: {  	v25 =	vld [tilespmem:$0xC100];
	_ =	sdelay $0x4  }
0x2ab: {  	(v2sf) =	vpush v25, $0x0;
	_ =	sdelay $0xe  }
0x2ac: {  	s0 =	spop (v2sf)  }
0x2ad: {  	p0 =	slt.s32 s0, $0x1  }
0x2ae: {  	s0 =	simm.s32 @!p0 $0x400;
	s3 =	simm.s32 @!p0 $0xC3800;
	s4 =	simm.s32 @!p0 $0xC580  }
0x2af: {  	[tilespmem:s4], [sflag:$0x1] =	stream.strided.gather @!p0 [hbm4b:s17+s0], $0x2000, s3, s0, $0x38;
	[tilespmem:$0x1D580] =	vst v63  }
0x2b0: {  	v25 =	vld [tilespmem:$0xC101];
	_ =	sdelay $0x4  }
0x2b1: {  	(v2sf) =	vpush v25, $0x0;
	_ =	sdelay $0xe  }
0x2b2: {  	s12 =	spop (v2sf)  }
0x2b3: {  	p0 =	slt.s32 s12, $0x1  }
0x2b4: {  	s0 =	simm.s32 @!p0 $0x400;
	s3 =	simm.s32 @!p0 $0xC3800;
	s4 =	simm.s32 @!p0 $0xE580  }
0x2b5: {  	[tilespmem:s4], [sflag:$0x1] =	stream.strided.gather @!p0 [hbm4b:s18+s0], $0x2000, s3, s0, $0x38;
	[tilespmem:$0x1D580] =	vst v63  }
0x2b6: {  	v25 =	vld [tilespmem:$0xC102];
	_ =	sdelay $0x4  }
0x2b7: {  	(v2sf) =	vpush v25, $0x0;
	_ =	sdelay $0xe  }
0x2b8: {  	s13 =	spop (v2sf)  }
0x2b9: {  	p0 =	slt.s32 s13, $0x1  }
0x2ba: {  	s0 =	simm.s32 @!p0 $0x400;
	s3 =	simm.s32 @!p0 $0xC3800;
	s4 =	simm.s32 @!p0 $0x10580  }
0x2bb: {  	[tilespmem:s4], [sflag:$0x1] =	stream.strided.gather @!p0 [hbm4b:s19+s0], $0x2000, s3, s0, $0x38;
	[tilespmem:$0x1D580] =	vst v63  }
0x2bc: {  	v25 =	vld [tilespmem:$0xC103];
	_ =	sdelay $0x4  }
0x2bd: {  	(v2sf) =	vpush v25, $0x0;
	_ =	sdelay $0xe  }
0x2be: {  	s14 =	spop (v2sf)  }
0x2bf: {  	p0 =	slt.s32 s14, $0x1  }
0x2c0: {  	s0 =	simm.s32 @!p0 $0x400;
	s3 =	simm.s32 @!p0 $0xC3800;
	s4 =	simm.s32 @!p0 $0x12580  }
0x2c1: {  	[tilespmem:s4], [sflag:$0x1] =	stream.strided.gather @!p0 [hbm4b:s20+s0], $0x2000, s3, s0, $0x38;
	[tilespmem:$0x1D580] =	vst v63  }
0x2c2: {  	v25 =	vld [tilespmem:$0xC104];
	_ =	sdelay $0x4  }
0x2c3: {  	(v2sf) =	vpush v25, $0x0;
	_ =	sdelay $0xe  }
0x2c4: {  	s15 =	spop (v2sf)  }
0x2c5: {  	p0 =	slt.s32 s15, $0x1  }
0x2c6: {  	s0 =	simm.s32 @!p0 $0x400;
	s3 =	simm.s32 @!p0 $0xC3800;
	s4 =	simm.s32 @!p0 $0x14580  }
0x2c7: {  	[tilespmem:s4], [sflag:$0x1] =	stream.strided.gather @!p0 [hbm4b:s21+s0], $0x2000, s3, s0, $0x38;
	[tilespmem:$0x1D580] =	vst v63  }
0x2c8: {  	v25 =	vld [tilespmem:$0xC105];
	_ =	sdelay $0x4  }
0x2c9: {  	(v2sf) =	vpush v25, $0x0;
	_ =	sdelay $0xe  }
.Ltmp31:
0x2ca: {  	s16 =	spop (v2sf);
	(pc) =	sbr.rel .LBB2_50-.Ltmp31, $4  }
0x2cb: {  	p0 =	slt.s32 s16, $0x1  }
0x2cc: {  	s0 =	simm.s32 @!p0 $0x400;
	s3 =	simm.s32 @!p0 $0xC3800;
	s4 =	simm.s32 @!p0 $0x16580  }
0x2cd: {  	[tilespmem:s4], [sflag:$0x1] =	stream.strided.gather @!p0 [hbm4b:s22+s0], $0x2000, s3, s0, $0x38;
	[tilespmem:$0x1D580] =	vst v63  }
0x2ce: {  	s7 =	simm.s32 $0x0;
	s0 =	simm.s32 $0x0  }
.LBB2_53:
0x2cf: {  	[sflag:s13] =	ssyncset.done @!p1 $0x0  }
0x2d0: {  	s7 =	smov.u32 s4;
	[sflag:s13] =	ssyncadd.s32 @!p1 $0xFFFFFFC0  }
.LBB2_54:
0x2d1: {  	s0 =	sadd.s32 $0x1, s0  }
0x2d2: {  	p0 =	sne.s32 s0, $0x19  }
.Ltmp32:
0x2d3: {  	_ = 	snop;
	(pc) =	sbr.rel @!p0 .LBB2_55-.Ltmp32, $1  }
0x2d4: {  	_ =	sdelay $0x3  }
.LBB2_50:
0x2d5: {  	v25 =	vld [tilespmem:s0+$0xC106];
	_ =	sdelay $0x4  }
0x2d6: {  	(v2sf) =	vpush v25, $0x0;
	_ =	sdelay $0xe  }
0x2d7: {  	p0 =	sgt.u32 s0, $0x12;
	s3 =	spop (v2sf)  }
0x2d8: {  	p1 =	slt.s32 @!p0 s3, $0x1  }
0x2d9: {  	s3 =	sadd.s32 $0x6, s0;
	p0 =	por p1, p0  }
0x2da: {  	s4 =	sshll.u32 @!p0 s3, $0xD;
	s3 =	sadd.s32 @!p0 s2, s3  }
0x2db: {  	s3 =	sshll.u32 @!p0 s3, $0x7  }
0x2dc: {  	s11 =	simm.s32 @!p0 $0x400;
	s4 =	sand.u32 @!p0 $0xE000, s4;
	s3 =	sand.u32 @!p0 $0x1FFFFF80, s3  }
0x2dd: {  	s12 =	simm.s32 @!p0 $0xC3800;
	s4 =	sadd.s32 @!p0 $0xC580, s4;
	s3 =	sadd.s32 @!p0 s6, s3  }
0x2de: {  	[tilespmem:s4], [sflag:$0x1] =	stream.strided.gather @!p0 [hbm4b:s3+s11], $0x2000, s12, s11, $0x38;
	[tilespmem:$0x1D580] =	vst v63  }
0x2df: {  	v25 =	vld [tilespmem:s0+$0xC100]  }
0x2e0: {  	v26 =	vld [tilespmem:s0+$0xC400];
	_ =	sdelay $0x3  }
0x2e1: {  	(v2sf) =	vpush v25, $0x0  }
0x2e2: {  	(v2sf) =	vpush v26, $0x0;
	_ =	sdelay $0xd  }
0x2e3: {  	s4 =	spop (v2sf)  }
0x2e4: {  	s3 =	spop (v2sf)  }
0x2e5: {  	s16 =	sadd.s32 s4, s3  }
0x2e6: {  	p1 =	sge.s32 s3, s16  }
.Ltmp33:
0x2e7: {  	p0 =	slt.s32 s4, $0x1;
	(pc) =	sbr.rel @p1 .LBB2_54-.Ltmp33, $4  }
0x2e8: {  	s11 =	simm.s32 @!p0 $0x1  }
0x2e9: {  	_ =	swait.ge @!p0 [sflag:s11], $0x2000  }
0x2ea: {  	[sflag:s11] =	ssyncset.done @!p0 $0x0  }
0x2eb: {  	[sflag:s11] =	ssyncadd.s32 @!p0 $0xFFFFE000  }
0x2ec: {  	s3 =	sshll.u32 s3, $0x2  }
0x2ed: {  	s3 =	sshra.s32 s3, $0x2  }
0x2ee: {  	s12 =	sadd.s32 $0x8080, s3  }
0x2ef: {  	v25 =	vld [tilespmem:s12+$0x0];
	_ =	sdelay $0x4  }
0x2f0: {  	(v2sf) =	vpush v25, $0x0;
	_ =	sdelay $0xe  }
0x2f1: {  	s15 =	sand.u32 $0x7, s0;
	s11 =	spop (v2sf)  }
0x2f2: {  	s3 =	sshll.u32 s15, $0xD;
	s13 =	sshrl.u32 s11, $0xE  }
0x2f3: {  	v25 =	vor.u32 s3, v20;
	s13 =	sand.u32 $0x7F, s13  }
0x2f4: {  	v27 =	vor.u32 s13, v25;
	_ =	sdelay $0x4  }
0x2f5: {  	v26 =	vor.u32 s3, v22;
	v27 =	vld.idx.msk [tilespmem:v27+s29+$0x0], $0xffff  }
0x2f6: {  	v28 =	vor.u32 s13, v26;
	_ =	sdelay $0x1  }
0x2f7: {  	s14 =	sshll.u32 s7, $0x7  }
0x2f8: {  	s15 =	sand.u32 $0xF80, s14  }
0x2f9: {  	[tilespmem:s15+$0x1C580] =	vst v27  }
0x2fa: {  	v27 =	vor.u32 s3, v23;
	v28 =	vld.idx.msk [tilespmem:v28+s29+$0x0], $0xffff  }
0x2fb: {  	v29 =	vor.u32 s13, v27;
	_ =	sdelay $0x3  }
0x2fc: {  	[tilespmem:s15+$0x1C590] =	vst v28  }
0x2fd: {  	v28 =	vor.u32 s3, v24;
	v29 =	vld.idx.msk [tilespmem:v29+s29+$0x0], $0xffff  }
0x2fe: {  	v30 =	vor.u32 s13, v28;
	_ =	sdelay $0x3  }
0x2ff: {  	[tilespmem:s15+$0x1C5A0] =	vst v29  }
0x300: {  	v29 =	vld.idx.msk [tilespmem:v30+s29+$0x0], $0xffff  }
0x301: {  	s3 =	sadd.s32 $0xFFFFFFFF, s4  }
0x302: {  	p0 =	sne.s32 s3, $0x0  }
.Ltmp34:
0x303: {  	s11 =	sshll.u32 s11, $0x3;
	(pc) =	sbr.rel @!p0 .LBB2_53-.Ltmp34, $4  }
0x304: {  	p1 =	slt.s32 s7, $0x18;
	s16 =	sadd.s32 $0x1C580, s15;
	s11 =	sand.u32 $0x1FFF8, s11  }
0x305: {  	s12 =	sadd.s32 $0x1, s12;
	s11 =	sadd.s32 s10, s11;
	s13 =	simm.s32 @!p1 $0x2;
	[tilespmem:s15+$0x1C5B0] =	vst v29  }
0x306: {  	[hbm4b:s11+s8] =	stream.linear.scatter [tilespmem:s16], [sflag:$0x2], $0x40, $0x38;
	[tilespmem:$0x1D580] =	vst v63  }
0x307: {  	s4 =	sadd.s32 s7, s4;
	s11 =	sadd.s32 $0x80, s14;
	_ =	swait.ge @!p1 [sflag:s13], $0x40  }
.LBB2_52:
0x308: {  	s3 =	sadd.s32 $0xFFFFFFFF, s3;
	[sflag:s13] =	ssyncset.done @!p1 $0x0;
	s7 =	sadd.s32 $0x1, s7  }
0x309: {  	p0 =	sne.s32 s3, $0x0;
	[sflag:s13] =	ssyncadd.s32 @!p1 $0xFFFFFFC0  }
0x30a: {  	v29 =	vld [tilespmem:s12+$0x0];
	_ =	sdelay $0x4  }
0x30b: {  	(v2sf) =	vpush v29, $0x0;
	_ =	sdelay $0xe  }
0x30c: {  	s13 =	spop (v2sf)  }
0x30d: {  	s14 =	sshrl.u32 s13, $0xE;
	s13 =	sshll.u32 s13, $0x3  }
0x30e: {  	s14 =	sand.u32 $0x7F, s14  }
0x30f: {  	v29 =	vor.u32 s14, v25;
	_ =	sdelay $0x4  }
0x310: {  	v29 =	vld.idx.msk [tilespmem:v29+s29+$0x0], $0xffff  }
0x311: {  	v30 =	vor.u32 s14, v26;
	_ =	sdelay $0x2  }
0x312: {  	s15 =	sand.u32 $0xF80, s11;
	_ =	sdelay $0x1  }
0x313: {  	[tilespmem:s15+$0x1C580] =	vst v29  }
0x314: {  	v29 =	vld.idx.msk [tilespmem:v30+s29+$0x0], $0xffff  }
0x315: {  	v30 =	vor.u32 s14, v27;
	_ =	sdelay $0x4  }
0x316: {  	[tilespmem:s15+$0x1C590] =	vst v29  }
0x317: {  	v29 =	vld.idx.msk [tilespmem:v30+s29+$0x0], $0xffff  }
0x318: {  	v30 =	vor.u32 s14, v28;
	_ =	sdelay $0x4  }
0x319: {  	[tilespmem:s15+$0x1C5A0] =	vst v29  }
0x31a: {  	v29 =	vld.idx.msk [tilespmem:v30+s29+$0x0], $0xffff;
	_ =	sdelay $0x3  }
.Ltmp35:
0x31b: {  	s13 =	sand.u32 $0x1FFF8, s13;
	(pc) =	sbr.rel @p0 .LBB2_52-.Ltmp35, $4  }
0x31c: {  	p1 =	slt.s32 s7, $0x18;
	s16 =	sadd.s32 s10, s13;
	s14 =	sadd.s32 $0x1C580, s15  }
0x31d: {  	s13 =	simm.s32 @!p1 $0x2;
	[tilespmem:s15+$0x1C5B0] =	vst v29  }
0x31e: {  	[hbm4b:s16+s8] =	stream.linear.scatter [tilespmem:s14], [sflag:$0x2], $0x40, $0x38;
	[tilespmem:$0x1D580] =	vst v63  }
0x31f: {  	s11 =	sadd.s32 $0x80, s11;
	s12 =	sadd.s32 $0x1, s12;
	_ =	swait.ge @!p1 [sflag:s13], $0x40  }
.Ltmp36:
0x320: {  	_ = 	snop;
	(pc) =	sbr.rel .LBB2_53-.Ltmp36, $1  }
0x321: {  	_ =	sdelay $0x3  }
.LBB2_55:
0x322: {  	p0 =	slt.s32 s7, $0x1  }
.Ltmp37:
0x323: {  	_ = 	snop;
	(pc) =	sbr.rel @p0 .LBB2_59-.Ltmp37, $1  }
0x324: {  	_ =	sdelay $0x3  }
0x325: {  	p0 =	slt.s32 s7, $0x18  }
0x326: {  	s7 =	simm.s32 @!p0 $0x18  }
0x327: {  	p0 =	sne.s32 s7, $0x1  }
.Ltmp38:
0x328: {  	_ = 	snop;
	(pc) =	sbr.rel @!p0 .LBB2_58-.Ltmp38, $3  }
0x329: {  	_ =	sdelay $0x1  }
0x32a: {  	_ =	swait.ge [sflag:s30], $0x40  }
0x32b: {  	[sflag:s30] =	ssyncset.done $0x0;
	s0 =	sadd.s32 $0xFFFFFFFF, s7  }
.LBB2_57:
0x32c: {  	p0 =	sne.s32 s0, $0x1;
	s0 =	sadd.s32 $0xFFFFFFFF, s0;
	[sflag:s30] =	ssyncadd.s32 $0xFFFFFFC0  }
.Ltmp39:
0x32d: {  	(pc) =	sbr.rel @p0 .LBB2_57-.Ltmp39, $3  }
0x32e: {  	_ =	sdelay $0x1  }
0x32f: {  	_ =	swait.ge [sflag:s30], $0x40  }
0x330: {  	[sflag:s30] =	ssyncset.done $0x0  }
.Ltmp40:
0x331: {  	_ = 	snop;
	(pc) =	sbr.rel .LBB2_58-.Ltmp40, $1  }
0x332: {  	_ =	sdelay $0x3  }
.LBB2_10:
.Ltmp41:
0x333: {  	(pc) =	sbr.rel .LBB2_14-.Ltmp41, $2  }
0x334: {  	_ =	sdelay $0x2  }
0x335: {  	s4 =	simm.s32 $0x0  }
.LBB2_8:
.Ltmp42:
0x336: {  	(pc) =	sbr.rel .LBB2_19-.Ltmp42, $3  }
0x337: {  	_ =	sdelay $0x1  }
0x338: {  	vm10 =	vcmask $0x3F28  }
0x339: {  	vm9 =	vmmov vm7;
	vm7 =	vcmask $0x3F0C;
	vm8 =	vcmask $0x3F24  }
.LBB2_39:
.Ltmp43:
0x33a: {  	(pc) =	sbr.rel .LBB2_43-.Ltmp43, $2  }
0x33b: {  	_ =	sdelay $0x2  }
0x33c: {  	s4 =	simm.s32 $0x0  }
.LBB2_37:
.Ltmp44:
0x33d: {  	(pc) =	sbr.rel .LBB2_48-.Ltmp44, $2  }
0x33e: {  	_ =	sdelay $0x2  }
0x33f: {  	_ = 	snop  }
.LBB2_12:
.Ltmp45:
0x340: {  	(pc) =	sbr.rel .LBB2_14-.Ltmp45, $2  }
0x341: {  	_ =	sdelay $0x2  }
0x342: {  	s4 =	simm.s32 $0x0  }
.LBB2_16:
.Ltmp46:
0x343: {  	(pc) =	sbr.rel .LBB2_19-.Ltmp46, $3  }
0x344: {  	_ =	sdelay $0x1  }
0x345: {  	vm10 =	vmmov vm11;
	vm11 =	vmmov vm12  }
0x346: {  	s7 =	simm.s32 $0x4010;
	vm12 =	vmmov vm13;
	vm13 =	vmmov vm14;
	vm14 =	vcmask $0x3F20  }
.LBB2_41:
.Ltmp47:
0x347: {  	(pc) =	sbr.rel .LBB2_43-.Ltmp47, $2  }
0x348: {  	_ =	sdelay $0x2  }
0x349: {  	s4 =	simm.s32 $0x0  }
.LBB2_45:
.Ltmp48:
0x34a: {  	(pc) =	sbr.rel .LBB2_48-.Ltmp48, $2  }
0x34b: {  	_ =	sdelay $0x2  }
0x34c: {  	s7 =	simm.s32 $0x4010;
	vm4 =	vmmov vm13;
	vm13 =	vcmask $0x3F30  }
.LBB2_60:
0x34d: {  	_ =	sfence.sel $0x180000  }
0x34e: {  	[bflag:$0x0] =	sbarrier.arrive $0xFFFF  }
0x34f: {  	_ =	strace $0x90000047  }
0x350: {  	s0 =	stileid.u32;
	[bflag:$0x2] =	sbarrier.arrive $0xFFFF  }
0x351: {  	p0 =	sne.s32 s0, $0x0;
	s0 =	rddreg [dreg:$0x5]  }
0x352: {  	s0 =	sadd.s32 @!p0 $0x100000, s0  }
0x353: {  	[sflag:s0] =	ssyncadd.tile.s32 @!p0 $0x1;
	_ =	shalt  }
.Lfunc_end2:
_tile_overlayer_lowered:
.L_overlay_start_2:
0x354: {  	(tag) =	ssettag $0x2  }
0x355: {  	s0 =	rddreg [dreg:$0x0];
	s2 =	stileid.u32  }
0x356: {  	s1 =	rddreg [dreg:$0x1];
	p0 =	sne.s32 s2, $0x0  }
0x357: {  	s3 =	rddreg [dreg:$0x2];
	[bflag:$0x3] =	sbarrier.arrive $0xFFFF;
	s2 =	simm.s32 @!p0 $0x1C03  }
0x358: {  	[timem:s3], [sflag:s2] =	dma.local @!p0 [hbm:s0], s1  }
0x359: {  	s0 =	simm.s32 @!p0 $0x3  }
0x35a: {  	_ =	swait.ge @!p0 [sflag:s0], s1  }
0x35b: {  	s1 =	ssub.s32 @!p0 $0x0, s1;
	[sflag:s0] =	ssyncset.done @!p0 $0x0  }
0x35c: {  	[sflag:s0] =	ssyncadd.s32 @!p0 s1  }
0x35d: {  	[bflag:$0x3] =	sbarrier.arrive $0xFFFF  }
0x35e: {  	_ =	shalt  }

// kernel: kernel.7.cloned.1.call-start
scs
__scs_entry_jumppad:
0x0: {  	(pc) =	sbr.rel $0x88, $3  }
0x1: {  	(tag) =	ssettag $0x0;
	lr =	simm.s32 $0x1  }
0x2: {  	[smem:$0x3F9D] =	sst lr;
	_ =	strace $0xD0000000  }
0x3: {  	_ = 	snop  }
0x4: {  	_ = 	snop  }
0x5: {  	_ = 	snop  }
0x6: {  	_ = 	snop  }
0x7: {  	_ = 	snop  }
__scs_overlays_trampoline_lowered:
0x8: {  	[smem:$0x3FAC] =	sst s0  }
0x9: {  	[smem:$0x3FAD] =	sst s1  }
0xa: {  	[smem:$0x3FAE] =	sst s2  }
0xb: {  	[smem:$0x3FAF] =	sst s3  }
0xc: {  	[smem:$0x3FB0] =	sst s4  }
0xd: {  	[smem:$0x3FB1] =	sst s5  }
0xe: {  	[smem:$0x3FB2] =	sst s6  }
0xf: {  	[smem:$0x3FB3] =	sst s7  }
0x10: {  	[smem:$0x3FB4] =	sst s8  }
0x11: {  	[smem:$0x3FB5] =	sst s9;
	s0 =	simm.s32 @!p0 $0x0  }
0x12: {  	s1 =	sld [smem:$0x3F9B];
	s0 =	simm.s32 @p0 $0x1  }
0x13: {  	[smem:$0x3FB6] =	sst s0;
	s0 =	simm.s32 @!p1 $0x0  }
0x14: {  	s2 =	sld [smem:$0x3F9A];
	s0 =	simm.s32 @p1 $0x1  }
0x15: {  	[smem:$0x3FB7] =	sst s0;
	s0 =	simm.s32 @!p2 $0x0  }
0x16: {  	s3 =	sld [smem:$0x3FDB];
	s0 =	simm.s32 @p2 $0x1  }
0x17: {  	s4 =	simm.s32 $0x1BF5;
	[smem:$0x3FB9] =	sst s0  }
0x18: {  	s0 =	sld [smem:$0x3F9C];
	_ =	swait.ge [sflag:s4], $0x0  }
0x19: {  	s7 =	sld [smem:$0x3F9D]  }
0x1a: {  	s8 =	sadd.s32 $0xFFFFE003, lr  }
0x1b: {  	s9 =	sadd.s32 $0xFFFFFEF7, lr;
	s5 =	simm.s32 $0xFFFFFFFF;
	p2 =	slt.u32 s8, $0xFFFFF086  }
0x1c: {  	p1 =	slt.u32 s9, $0xF7A;
	s5 =	simm.s32 @!p2 $0x0  }
0x1d: {  	s5 =	simm.s32 @p1 $0x1;
	p0 =	seq.s32 s7, s2  }
0x1e: {  	s7 =	smul.u32 @!p0 $0xF7A, s2;
	p2 =	seq.s32 @!p0 s5, $0x0  }
0x1f: {  	s9 =	smul.u32 $0xF7A, s1;
	s8 =	simm.s32 @!p0 $0x1BF5;
	p2 =	por !p2, p0  }
0x20: {  	[sflag:s8] =	ssyncset.s32 @!p0 $0xFFFFF086;
	s6 =	sadd.s32 @!p0 s3, s7;
	s7 =	simm.s32 @!p0 $0x108  }
0x21: {  	s3 =	sadd.s32 s3, s9;
	s6 =	sadd.s32 @!p0 $0x88, s6;
	s7 =	simm.s32 @p2 $0x1082  }
0x22: {  	[simem:s7], [sflag:s8] =	dma.local @!p0 [hbm:s6], $0xF7A  }
0x23: {  	s9 =	sor.u32 $0xD0000000, s2;
	s6 =	simm.s32 $0x108;
	_ =	swait.ge @!p0 [sflag:s8], $0x0  }
0x24: {  	s3 =	sadd.s32 $0x88, s3;
	s6 =	simm.s32 @!p1 $0x1082;
	[sflag:s4] =	ssyncset.s32 $0xFFFFF086  }
0x25: {  	[simem:s6], [sflag:s4] =	dma.local [hbm:s3], $0xF7A  }
0x26: {  	[smem:$0x3F9D] =	sst s1;
	(tag) =	ssettag s2;
	_ =	strace s9  }
0x27: {  	s1 =	sld [smem:$0x3FAD]  }
0x28: {  	s2 =	sld [smem:$0x3FAE]  }
0x29: {  	s4 =	sld [smem:$0x3FB0]  }
0x2a: {  	p0 =	seq.s32 s5, $0x0;
	s5 =	sld [smem:$0x3FB1]  }
0x2b: {  	s6 =	sld [smem:$0x3FB2]  }
0x2c: {  	s7 =	sld [smem:$0x3FB3]  }
0x2d: {  	s3 =	simm.s32 $0x108;
	s8 =	sld [smem:$0x3FB4]  }
0x2e: {  	s3 =	simm.s32 @!p0 $0x1082;
	s9 =	sld [smem:$0x3FB5]  }
0x2f: {  	lr =	sadd.s32 s0, s3;
	s0 =	sld [smem:$0x3FAC]  }
0x30: {  	s3 =	sld [smem:$0x3FAF]  }
0x31: {  	[smem:$0x3FB8] =	sst s10  }
0x32: {  	s10 =	sld [smem:$0x3FB6];
	_ =	sdelay $0x3  }
0x33: {  	p0 =	seq.s32 s10, $0x1;
	s10 =	sld [smem:$0x3FB8];
	_ =	sdelay $0x3  }
0x34: {  	[smem:$0x3FB8] =	sst s10  }
0x35: {  	s10 =	sld [smem:$0x3FB7];
	_ =	sdelay $0x3  }
0x36: {  	p1 =	seq.s32 s10, $0x1;
	s10 =	sld [smem:$0x3FB8];
	_ =	sdelay $0x3  }
0x37: {  	[smem:$0x3FB8] =	sst s10  }
0x38: {  	s10 =	sld [smem:$0x3FB9]  }
0x39: {  	_ = 	snop;
	(pc) =	sbr.ind lr, $3  }
0x3a: {  	_ = 	snop  }
0x3b: {  	_ = 	snop  }
0x3c: {  	p2 =	seq.s32 s10, $0x1;
	s10 =	sld [smem:$0x3FB8]  }
0x3d: {  	_ =	shalt  }
0x3e: {  	_ =	shalt  }
0x3f: {  	_ =	shalt  }
0x40: {  	_ =	shalt  }
0x41: {  	_ =	shalt  }
0x42: {  	_ =	shalt  }
0x43: {  	_ =	shalt  }
0x44: {  	_ =	shalt  }
0x45: {  	_ =	shalt  }
0x46: {  	_ =	shalt  }
0x47: {  	_ =	shalt  }
0x48: {  	_ =	shalt  }
0x49: {  	_ =	shalt  }
0x4a: {  	_ =	shalt  }
0x4b: {  	_ =	shalt  }
0x4c: {  	_ =	shalt  }
0x4d: {  	_ =	shalt  }
0x4e: {  	_ =	shalt  }
0x4f: {  	_ =	shalt  }
0x50: {  	_ =	shalt  }
0x51: {  	_ =	shalt  }
0x52: {  	_ =	shalt  }
0x53: {  	_ =	shalt  }
0x54: {  	_ =	shalt  }
0x55: {  	_ =	shalt  }
0x56: {  	_ =	shalt  }
0x57: {  	_ =	shalt  }
0x58: {  	_ =	shalt  }
0x59: {  	_ =	shalt  }
0x5a: {  	_ =	shalt  }
0x5b: {  	_ =	shalt  }
0x5c: {  	_ =	shalt  }
0x5d: {  	_ =	shalt  }
0x5e: {  	_ =	shalt  }
0x5f: {  	_ =	shalt  }
0x60: {  	_ =	shalt  }
0x61: {  	_ =	shalt  }
0x62: {  	_ =	shalt  }
0x63: {  	_ =	shalt  }
0x64: {  	_ =	shalt  }
0x65: {  	_ =	shalt  }
0x66: {  	_ =	shalt  }
0x67: {  	_ =	shalt  }
0x68: {  	_ =	shalt  }
0x69: {  	_ =	shalt  }
0x6a: {  	_ =	shalt  }
0x6b: {  	_ =	shalt  }
0x6c: {  	_ =	shalt  }
0x6d: {  	_ =	shalt  }
0x6e: {  	_ =	shalt  }
0x6f: {  	_ =	shalt  }
0x70: {  	_ =	shalt  }
0x71: {  	_ =	shalt  }
0x72: {  	_ =	shalt  }
0x73: {  	_ =	shalt  }
0x74: {  	_ =	shalt  }
0x75: {  	_ =	shalt  }
0x76: {  	_ =	shalt  }
0x77: {  	_ =	shalt  }
0x78: {  	_ =	shalt  }
0x79: {  	_ =	shalt  }
0x7a: {  	_ =	shalt  }
0x7b: {  	_ =	shalt  }
0x7c: {  	_ =	shalt  }
0x7d: {  	_ =	shalt  }
0x7e: {  	_ =	shalt  }
0x7f: {  	_ =	shalt  }
0x80: {  	_ =	shalt  }
0x81: {  	_ =	shalt  }
0x82: {  	_ =	shalt  }
0x83: {  	_ =	shalt  }
0x84: {  	_ =	shalt  }
0x85: {  	_ =	shalt  }
0x86: {  	_ =	shalt  }
0x87: {  	_ =	shalt  }
.Lfunc_end0:
.L_simem_size_0:
called_computation.1_lowered:
.L_overlay_start_0:
0x88: {  	s2 =	sld [smem:$0x3FD9]  }
0x89: {  	s3 =	sld [smem:$0x3FFE];
	_ =	sdelay $0x1  }
0x8a: {  	s1 =	srdreg.scid  }
0x8b: {  	s0 =	sand.u32 $0x1, s1  }
0x8c: {  	s17 =	sshll.u32 s0, $0xA;
	s2 =	sadd.s32 s3, s2  }
0x8d: {  	s2 =	sadd.s32 s2, s17  }
0x8e: {  	[smem:$0x3FC4] =	sst s2  }
0x8f: {  	_ = 	snop  }
0x90: {  	s2 =	sld [smem:$0x3FD0];
	(tm) =	ssettm $0x1  }
0x91: {  	s18 =	sld [smem:$0x3FFB];
	_ =	sdelay $0x3  }
0x92: {  	_ =	strace s18  }
0x93: {  	s3 =	sld [smem:$0x3FFC];
	_ =	sdelay $0x3  }
0x94: {  	_ =	strace s3  }
0x95: {  	s3 =	sld [smem:$0x3FFD];
	_ =	sdelay $0x3  }
0x96: {  	_ =	strace s3  }
0x97: {  	_ =	strace $0x8FFFFFFF  }
0x98: {  	s19 =	sld [smem:$0x3FDB];
	_ =	sdelay $0x1  }
0x99: {  	s4 =	simm.s32 $_scs_section_size  }
0x9a: {  	s5 =	simm.s32 $_size__tile_overlayer_lowered;
	s6 =	simm.s32 $_tile_overlayer_lowered  }
0x9b: {  	s22 =	simm.s32 $0x1BFF;
	s21 =	sshll.u32 s6, $0x1;
	s3 =	sadd.s32 s4, s19  }
0x9c: {  	s7 =	simm.s32 $0x0;
	s20 =	sshll.u32 s5, $0x1;
	s5 =	sadd.s32 s21, s3  }
0x9d: {  	[timem:s7], [sflag:s22] =	dma.local [hbm:s5], s20  }
0x9e: {  	_ =	swait.ge [sflag:s22], s20  }
0x9f: {  	s4 =	ssub.s32 $0x0, s20;
	[sflag:s22] =	ssyncset.done $0x0  }
0xa0: {  	[sflag:s22] =	ssyncadd.s32 s4;
	_ =	sdelay $0x1  }
0xa1: {  	s23 =	simm.s32 $0x1B8B  }
0xa2: {  	_ =	swait.ge [sflag:s23], $0x1  }
0xa3: {  	[sflag:s23] =	ssyncset.done $0x0  }
0xa4: {  	s25 =	simm.s32 $0x1B8E;
	s24 =	sld [smem:$0x3FFE];
	[sflag:s23] =	ssyncadd.s32 $0xFFFFFFFF  }
0xa5: {  	s26 =	simm.s32 $execute0_lowered;
	[smem:$0x3FD2] =	sst s25  }
0xa6: {  	s5 =	sshll.u32 s26, $0x1;
	_ =	strace $0x80000049;
	[dreg:$0x1] =	wrdreg $0xFFFFFFFF  }
0xa7: {  	s28 =	simm.s32 $_size_execute0_lowered;
	s3 =	sadd.s32 s3, s5;
	[dreg:$0x0] =	wrdreg $0x0  }
0xa8: {  	s5 =	sshll.u32 s28, $0x1;
	[dreg:$0x2] =	wrdreg s3  }
0xa9: {  	[dreg:$0x3] =	wrdreg s5  }
0xaa: {  	[dreg:$0x4] =	wrdreg $0xC0  }
0xab: {  	_ =	task [dreg:s7], $0x5FFFF  }
0xac: {  	[dreg:$0x1] =	wrdreg $0xFFFFFFFF  }
0xad: {  	[dreg:$0x0] =	wrdreg $0x60  }
0xae: {  	[dreg:$0x2] =	wrdreg s24  }
0xaf: {  	[dreg:$0x3] =	wrdreg s2  }
0xb0: {  	[dreg:$0x4] =	wrdreg $0x9  }
0xb1: {  	_ =	task.clear_ibuf [dreg:s7], $0x5FFFF;
	_ =	strace $0x90000049  }
0xb2: {  	s29 =	simm.s32 $0x9;
	_ =	strace $0x8000004B  }
0xb3: {  	_ =	swait.ge [sflag:s29], $0x1  }
0xb4: {  	[sflag:s29] =	ssyncadd.s32 $0xFFFFFFFF  }
0xb5: {  	_ =	strace $0x9000004B  }
0xb6: {  	_ =	sfence  }
0xb7: {  	s30 =	sld [smem:$0x0];
	_ =	sdelay $0x2  }
0xb8: {  	s31 =	sshll.u32 s1, $0xD;
	s1 =	sshrl.u32 s1, $0x2  }
0xb9: {  	s3 =	sand.u32 $0x4000, s31;
	s1 =	sadd.s32 s1, s30  }
0xba: {  	s0 =	sor.u32 s3, s0;
	s1 =	sshll.u32 s1, $0x11  }
0xbb: {  	s0 =	sor.u32 s1, s0  }
0xbc: {  	s0 =	sadd.s32 $0x8F2B, s0  }
0xbd: {  	[sflag:s0] =	ssyncadd.remote.s32 $0x1  }
0xbe: {  	_ =	sfence.sel $0xFFFF  }
0xbf: {  	[dreg:$0x0] =	wrdreg $0xFFFFFFFF;
	(pc) =	sbr.abs _section_cstart, $3  }
0xc0: {  	[dreg:$0x1] =	wrdreg $0xFFFFFFFF  }
0xc1: {  	_ =	task.clear_ibuf [dreg:s7], $0x2FFFF;
	_ =	strace $0x9FFFFFFF  }
0xc2: {  	(tm) =	ssettm $0x7FFFFFFF  }
0xc3: {  	_ =	shalt  }
tec
execute0_lowered:
.L_overlay_start_1:
0x0: {  	(tag) =	ssettag $0x1  }
0x1: {  	v0 =	vimm.s32 $0xFEDCBA98;
	v1 =	vimm.s32 $0x76543210  }
0x2: {  	v2 =	vimm.s32 $0xBA98FEDC;
	v3 =	vimm.s32 $0x32107654;
	v4 =	vimm.s32 $0xDCFE98BA  }
0x3: {  	v5 =	vimm.s32 $0x54761032;
	v6 =	vimm.s32 $0xEFCDAB89;
	v7 =	vimm.s32 $0x67452301  }
0x4: {  	vm0 =	vmmov $0x1;
	vm1 =	vmmov $0x3;
	v0 =	vunpack.c.l.s4.s8 v0  }
0x5: {  	v1 =	vunpack.c.l.s4.s8 v1;
	v2 =	vunpack.c.l.s4.s8 v2;
	v3 =	vunpack.c.l.s4.s8 v3  }
0x6: {  	v4 =	vunpack.c.l.s4.s8 v4;
	v5 =	vunpack.c.l.s4.s8 v5;
	v6 =	vunpack.c.l.s4.s8 v6  }
0x7: {  	s3 =	rddreg [dreg:$0x0];
	v7 =	vunpack.c.l.s4.s8 v7;
	v0 =	vunpack.c.0.s8.s32 v0;
	v2 =	vunpack.c.0.s8.s32 v2  }
0x8: {  	s5 =	rddreg [dreg:$0x1];
	v3 =	vunpack.c.0.s8.s32 v3;
	v4 =	vunpack.c.0.s8.s32 v4;
	v1 =	vunpack.c.0.s8.s32 v1  }
0x9: {  	s2 =	srdreg.scid;
	s1 =	stileid.u32;
	v5 =	vunpack.c.0.s8.s32 v5;
	v6 =	vunpack.c.0.s8.s32 v6;
	v0 =	vand.u32 $0xF, v0  }
0xa: {  	s0 =	rddreg [dreg:$0x2];
	s9 =	simm.s32 $0x10000;
	s10 =	simm.s32 $0x0;
	v7 =	vunpack.c.0.s8.s32 v7;
	v2 =	vcombine.low v3, v2;
	v0 =	vcombine.low v0, v1  }
0xb: {  	vm2 =	vmmov $0x7;
	vm3 =	vmmov $0xf;
	s4 =	sand.u32 $0x1, s2;
	s6 =	sshll.u32 s1, $0x1;
	s2 =	simm.s32 $0x0;
	v59 =	vcombine.low v5, v4  }
0xc: {  	vm4 =	vmmov $0x1f;
	s6 =	sor.u32 s4, s6;
	s4 =	ssub.s32 $0x2, s4;
	[smem:$0x7FF] =	sst s2;
	v60 =	vcombine.low v7, v6;
	v61 =	vand.u32 $0xF, v2;
	[tilespmem:$0x1FFC0] =	vst v0  }
0xd: {  	vm5 =	vmmov $0x3f;
	vm6 =	vmmov $0x7f;
	s7 =	sshll.u32 s6, $0xC;
	s8 =	sshrl.u32 s4, $0x1;
	s6 =	sshll.u32 s6, $0x6;
	v62 =	vand.u32 $0xF, v59;
	[tilespmem:$0x1FFD0] =	vst v61  }
0xe: {  	vm7 =	vmmov $0xff;
	vm8 =	vmmov $0x1ff;
	s7 =	sadd.s32 s7, s3;
	s8 =	ssub.s32 s4, s8;
	s5 =	sadd.s32 s5, s6;
	v63 =	vand.u32 $0xF, v60;
	[tilespmem:$0x1FFE0] =	vst v62  }
0xf: {  	vm9 =	vmmov $0x3ff;
	vm10 =	vmmov $0x7ff;
	vm11 =	vmmov $0xfff;
	s3 =	sadd.s32 $0xC00, s7;
	s4 =	sadd.s32 $0x20C00, s7;
	s6 =	smax.u32 s8, $0x1;
	[tilespmem:$0x1FFF0] =	vst v63  }
0x10: {  	vm12 =	vmmov $0x1fff;
	vm13 =	vmmov $0x3fff;
	vm14 =	vmmov $0x7fff;
	s7 =	simm.s32 $0x1;
	s8 =	simm.s32 $0x8000;
	_ =	strace $0x8000004A  }
.LBB2_1:
0x11: {  	[tilespmem:s2], [sflag:$0x1] =	stream.linear.gather [hbm4b:s3+s2], $0x8000, $0x38;
	[tilespmem:$0x10200] =	vst v63  }
0x12: {  	_ =	swait.ge [sflag:s7], $0x8000  }
0x13: {  	[sflag:s7] =	ssyncset.done $0x0  }
0x14: {  	[sflag:s7] =	ssyncadd.s32 $0xFFFF8000  }
0x15: {  	[tilespmem:s8], [sflag:$0x1] =	stream.linear.gather [hbm4b:s4+s2], $0x8000, $0x38;
	[tilespmem:$0x10200] =	vst v63  }
0x16: {  	_ =	swait.ge [sflag:s7], $0x8000  }
0x17: {  	[sflag:s7] =	ssyncset.done $0x0  }
0x18: {  	s11 =	simm.s32 $0x0;
	v3 =	vld [tilespmem:$0x1FFE0];
	[sflag:s7] =	ssyncadd.s32 $0xFFFF8000  }
0x19: {  	v4 =	vld [tilespmem:s11+$0x3F0]  }
0x1a: {  	v5 =	vld [tilespmem:s11+$0x83F0]  }
0x1b: {  	v6 =	vld [tilespmem:s11+$0x3B0]  }
0x1c: {  	v7 =	vld [tilespmem:s11+$0x83B0]  }
0x1d: {  	v10 =	vld [tilespmem:s11+$0x3E0]  }
0x1e: {  	v13 =	vld [tilespmem:s11+$0x83E0]  }
0x1f: {  	v15 =	vld [tilespmem:s11+$0x370]  }
0x20: {  	v23 =	vld [tilespmem:s11+$0x8370]  }
0x21: {  	v14 =	vld [tilespmem:s11+$0x3A0]  }
0x22: {  	v16 =	vld [tilespmem:s11+$0x83A0]  }
0x23: {  	v24 =	vld [tilespmem:s11+$0x3C0]  }
0x24: {  	v25 =	vld [tilespmem:s11+$0x83C0]  }
0x25: {  	v26 =	vld [tilespmem:s11+$0x3D0]  }
0x26: {  	v27 =	vld [tilespmem:s11+$0x83D0]  }
0x27: {  	v28 =	vld [tilespmem:s11+$0x330]  }
0x28: {  	v29 =	vld [tilespmem:s11+$0x8330]  }
0x29: {  	v30 =	vld [tilespmem:s11+$0x360]  }
0x2a: {  	v31 =	vld [tilespmem:s11+$0x8360]  }
0x2b: {  	v32 =	vld [tilespmem:s11+$0x380]  }
0x2c: {  	v33 =	vld [tilespmem:s11+$0x8380]  }
0x2d: {  	v34 =	vld [tilespmem:s11+$0x390]  }
0x2e: {  	v35 =	vld [tilespmem:s11+$0x8390]  }
0x2f: {  	v36 =	vld [tilespmem:s11+$0x2F0]  }
0x30: {  	v37 =	vld [tilespmem:s11+$0x82F0]  }
0x31: {  	v38 =	vld [tilespmem:s11+$0x320]  }
0x32: {  	v39 =	vld [tilespmem:s11+$0x8320]  }
0x33: {  	v40 =	vld [tilespmem:s11+$0x340]  }
0x34: {  	v41 =	vld [tilespmem:s11+$0x8340]  }
0x35: {  	v42 =	vld [tilespmem:s11+$0x350]  }
0x36: {  	v43 =	vld [tilespmem:s11+$0x8350]  }
0x37: {  	v0 =	vld [tilespmem:s11+$0x2B0]  }
0x38: {  	v45 =	vld [tilespmem:s11+$0x82B0]  }
0x39: {  	v46 =	vld [tilespmem:s11+$0x2E0]  }
0x3a: {  	v47 =	vld [tilespmem:s11+$0x82E0]  }
0x3b: {  	v48 =	vld [tilespmem:s11+$0x300]  }
0x3c: {  	v49 =	vld [tilespmem:s11+$0x8300]  }
0x3d: {  	v50 =	vld [tilespmem:s11+$0x310]  }
0x3e: {  	v51 =	vld [tilespmem:s11+$0x8310]  }
0x3f: {  	v52 =	vld [tilespmem:s11+$0x270]  }
0x40: {  	v53 =	vld [tilespmem:s11+$0x8270]  }
0x41: {  	v54 =	vld [tilespmem:s11+$0x2A0]  }
0x42: {  	v55 =	vld [tilespmem:s11+$0x82A0]  }
0x43: {  	v56 =	vld [tilespmem:s11+$0x2C0]  }
0x44: {  	v57 =	vld [tilespmem:s11+$0x82C0]  }
0x45: {  	v58 =	vld [tilespmem:s11+$0x2D0]  }
0x46: {  	v59 =	vld [tilespmem:s11+$0x82D0]  }
0x47: {  	v62 =	vld [tilespmem:s11+$0x230]  }
0x48: {  	v63 =	vld [tilespmem:s11+$0x8230]  }
0x49: {  	v60 =	vld [tilespmem:s11+$0x260]  }
0x4a: {  	v61 =	vld [tilespmem:s11+$0x8260]  }
0x4b: {  	v44 =	vld [tilespmem:s11+$0x290]  }
0x4c: {  	v22 =	vld [tilespmem:s11+$0x8290]  }
0x4d: {  	v21 =	vld [tilespmem:s11+$0x240]  }
0x4e: {  	v19 =	vld [tilespmem:s11+$0x8240]  }
0x4f: {  	v20 =	vld [tilespmem:s11+$0x250]  }
0x50: {  	v18 =	vld [tilespmem:s11+$0x8250]  }
0x51: {  	v17 =	vld [tilespmem:s11+$0x200]  }
0x52: {  	v11 =	vld [tilespmem:s11+$0x8200]  }
0x53: {  	v12 =	vld [tilespmem:s11+$0x210]  }
0x54: {  	v9 =	vld [tilespmem:s11+$0x8210]  }
0x55: {  	v1 =	vld [tilespmem:s11+$0x8170]  }
0x56: {  	v8 =	vld [tilespmem:s11+$0x1C0]  }
0x57: {  	[tilespmem:$0x1FE10] =	vst v62;
	v62 =	vld [tilespmem:s11+$0x280]  }
0x58: {  	[tilespmem:$0x1FE20] =	vst v63;
	v63 =	vld [tilespmem:s11+$0x8280]  }
0x59: {  	[tilespmem:$0x1FDC0] =	vst v0;
	v0 =	vld [tilespmem:s11+$0x1F0]  }
0x5a: {  	[tilespmem:$0x1FE90] =	vst v1;
	v1 =	vld [tilespmem:s11+$0x1A0]  }
0x5b: {  	v6 =	vmul.f32 v7, v6;
	v7 =	vld [tilespmem:s11+$0x81C0]  }
0x5c: {  	v4 =	vmul.f32 v5, v4;
	v5 =	vmul.f32 v25, v24;
	v25 =	vld [tilespmem:s11+$0x1D0]  }
0x5d: {  	v24 =	vmul.f32 v27, v26;
	v27 =	vld [tilespmem:s11+$0x81D0]  }
0x5e: {  	v26 =	vmul.f32 v16, v14;
	v14 =	vmul.f32 v13, v10;
	v10 =	vld [tilespmem:s11+$0x130]  }
0x5f: {  	v13 =	vld [tilespmem:s11+$0x8130]  }
0x60: {  	v16 =	vmul.f32 v33, v32;
	v32 =	vmul.f32 v35, v34;
	v34 =	vld [tilespmem:s11+$0x180]  }
0x61: {  	v35 =	vld [tilespmem:s11+$0x8180]  }
0x62: {  	v28 =	vmul.f32 v29, v28;
	v29 =	vld [tilespmem:s11+$0x8190]  }
0x63: {  	v33 =	vld [tilespmem:s11+$0x8140]  }
0x64: {  	v22 =	vmul.f32 v22, v44;
	v44 =	vld [tilespmem:s11+$0x30]  }
0x65: {  	v18 =	vmul.f32 v18, v20;
	v20 =	vld [tilespmem:s11+$0x8030]  }
0x66: {  	[tilespmem:$0x1FE30] =	vst v0;
	v0 =	vld [tilespmem:s11+$0x81F0]  }
0x67: {  	v11 =	vmul.f32 v11, v17;
	v17 =	vld [tilespmem:s11+$0x70]  }
0x68: {  	v30 =	vmul.f32 v31, v30;
	v19 =	vmul.f32 v19, v21;
	v31 =	vadd.f32 v32, v16;
	v16 =	vld [tilespmem:s11+$0x8160]  }
0x69: {  	v32 =	vld [tilespmem:s11+$0x150]  }
0x6a: {  	v5 =	vadd.f32 v24, v5;
	v18 =	vadd.f32 v18, v19;
	v19 =	vld [tilespmem:s11+$0xA0]  }
0x6b: {  	v2 =	vmul.f32 v49, v48;
	[tilespmem:$0x1FE40] =	vst v0;
	v0 =	vld [tilespmem:s11+$0x220]  }
0x6c: {  	v24 =	vmul.f32 v41, v40;
	v40 =	vmul.f32 v51, v50;
	v5 =	vadd.f32 v14, v5;
	v14 =	vld [tilespmem:s11+$0x160]  }
0x6d: {  	v15 =	vmul.f32 v23, v15;
	v23 =	vadd.f32 v26, v31;
	v26 =	vld [tilespmem:s11+$0x190]  }
0x6e: {  	v41 =	vadd.f32 v40, v2;
	v2 =	vld [tilespmem:$0x1FFD0]  }
0x6f: {  	v40 =	vld [tilespmem:s11+$0x8150]  }
0x70: {  	[tilespmem:$0x1FDD0] =	vst v0;
	v0 =	vld [tilespmem:s11+$0x8220]  }
0x71: {  	v31 =	vmul.f32 v57, v56;
	v56 =	vld [tilespmem:$0x1FDC0]  }
0x72: {  	[tilespmem:$0x1FE50] =	vst v1;
	v1 =	vld [tilespmem:s11+$0x81A0]  }
0x73: {  	v7 =	vmul.f32 v7, v8;
	v8 =	vmul.f32 v27, v25;
	v25 =	vld [tilespmem:$0x1FE20]  }
0x74: {  	v34 =	vmul.f32 v35, v34;
	v35 =	vld [tilespmem:s11+$0x8020]  }
0x75: {  	[tilespmem:$0x1FDE0] =	vst v0;
	v0 =	vld [tilespmem:s11+$0x1B0]  }
0x76: {  	v6 =	vadd.f32 v6, v23;
	v23 =	vld [tilespmem:s11+$0x120]  }
0x77: {  	[tilespmem:$0x1FE60] =	vst v1;
	v1 =	vmul.f32 v43, v42;
	v42 =	vmul.f32 v39, v38;
	v38 =	vld [tilespmem:s11+$0x8120]  }
0x78: {  	v39 =	vld [tilespmem:s11+$0x140]  }
0x79: {  	v43 =	vmul.f32 v59, v58;
	v58 =	vmul.f32 v53, v52;
	v52 =	vld [tilespmem:s11+$0x110]  }
0x7a: {  	[tilespmem:$0x1FE70] =	vst v0;
	v0 =	vld [tilespmem:s11+$0x81B0]  }
0x7b: {  	v59 =	vmul.f32 v55, v54;
	v54 =	vld [tilespmem:s11+$0x8110]  }
0x7c: {  	v24 =	vadd.f32 v1, v24;
	v1 =	vld [tilespmem:$0x1FFC0]  }
0x7d: {  	v55 =	vld [tilespmem:$0x1FE50]  }
0x7e: {  	v53 =	vld [tilespmem:s11+$0x8010]  }
0x7f: {  	v4 =	vadd.f32 v4, v5;
	v5 =	vadd.f32 v30, v24;
	[tilespmem:$0x1FE80] =	vst v0;
	v0 =	vld [tilespmem:s11+$0x1E0]  }
0x80: {  	v9 =	vmul.f32 v9, v12;
	v27 =	vld [tilespmem:$0x1FE40]  }
0x81: {  	v24 =	vld [tilespmem:s11+$0xF0];
	v5 =	vadd.f32 v15, v5;
	v15 =	vperm.xlane v4, v1  }
0x82: {  	v9 =	vadd.f32 v9, v11;
	v30 =	vadd.f32 v42, v41;
	v11 =	vld [tilespmem:$0x1FDD0]  }
0x83: {  	v4 =	vadd.f32 v4, v15;
	v15 =	vadd.f32 v43, v31;
	v31 =	vmul.f32 v47, v46;
	v46 =	vld [tilespmem:s11+$0x100]  }
0x84: {  	v61 =	vmul.f32 v61, v60;
	v28 =	vadd.f32 v28, v30;
	[tilespmem:$0x1FDF0] =	vst v0;
	v0 =	vld [tilespmem:s11+$0x81E0]  }
0x85: {  	v63 =	vmul.f32 v63, v62;
	v43 =	vmul.f32 v45, v56;
	v56 =	vld [tilespmem:$0x1FE60]  }
0x86: {  	v18 =	vadd.f32 v61, v18;
	v49 =	vperm.xlane v28, v1;
	v45 =	vld [tilespmem:s11+$0x90]  }
0x87: {  	v10 =	vmul.f32 v13, v10;
	v20 =	vmul.f32 v20, v44;
	v12 =	vadd.f32 v22, v63;
	v21 =	vld [tilespmem:$0x1FDE0]  }
0x88: {  	v26 =	vmul.f32 v29, v26;
	v14 =	vmul.f32 v16, v14;
	v28 =	vadd.f32 v28, v49;
	v49 =	vld [tilespmem:s11+$0x10]  }
0x89: {  	v7 =	vadd.f32 v8, v7;
	v32 =	vmul.f32 v40, v32;
	v30 =	vperm.xlane v5, v1;
	v8 =	vld [tilespmem:$0x1FDF0];
	[tilespmem:$0x1FE00] =	vst v0  }
0x8a: {  	v26 =	vadd.f32 v26, v34;
	v12 =	vadd.f32 v59, v12;
	v48 =	vperm.xlane v6, v1;
	v22 =	vld [tilespmem:$0x1FE00]  }
0x8b: {  	v5 =	vadd.f32 v5, v30;
	v15 =	vadd.f32 v31, v15;
	v31 =	vmul.f32 v37, v36;
	v37 =	vld [tilespmem:s11+$0xE0]  }
0x8c: {  	v30 =	vperm.xlane v4, v2;
	v12 =	vadd.f32 v43, v12;
	v43 =	vld [tilespmem:s11+$0x0];
	v11 =	vmul.f32 v21, v11  }
0x8d: {  	v6 =	vadd.f32 v6, v48;
	v50 =	vperm.xlane v5, v2;
	v31 =	vadd.f32 v31, v15;
	v15 =	vld [tilespmem:s11+$0xB0]  }
0x8e: {  	v4 =	vadd.f32 v4, v30;
	v30 =	vperm.xlane v28, v2;
	v9 =	vadd.f32 v11, v9;
	v11 =	vld [tilespmem:$0x1FE10]  }
0x8f: {  	v51 =	vperm.xlane v6, v2;
	v36 =	vadd.f32 v5, v50;
	v50 =	vld [tilespmem:s11+$0x8100];
	v8 =	vmul.f32 v22, v8  }
0x90: {  	v18 =	vadd.f32 v58, v18;
	v29 =	vperm.xlane v12, v1;
	v28 =	vadd.f32 v28, v30;
	v30 =	vld [tilespmem:s11+$0x80E0]  }
0x91: {  	v5 =	vadd.f32 v6, v51;
	v6 =	vperm.xlane v31, v1;
	v7 =	vadd.f32 v8, v7;
	v8 =	vld [tilespmem:$0x1FE30]  }
0x92: {  	v23 =	vmul.f32 v38, v23;
	v34 =	vmul.f32 v56, v55;
	v12 =	vadd.f32 v12, v29;
	v21 =	vld [tilespmem:s11+$0xC0]  }
0x93: {  	v41 =	vperm.xlane v4, v3;
	v29 =	vld [tilespmem:$0x1FE70];
	v31 =	vadd.f32 v31, v6;
	v11 =	vmul.f32 v25, v11  }
0x94: {  	v57 =	vperm.xlane v5, v3;
	v26 =	vadd.f32 v34, v26;
	v61 =	vperm.xlane v12, v2;
	v59 =	vld [tilespmem:$0x1FE80]  }
0x95: {  	v34 =	vld [tilespmem:s11+$0x8080];
	v4 =	vadd.f32 v4, v41;
	v41 =	vperm.xlane v31, v2;
	v9 =	vadd.f32 v11, v9  }
0x96: {  	v33 =	vmul.f32 v33, v39;
	v12 =	vadd.f32 v12, v61;
	v61 =	vld [tilespmem:s11+$0x40];
	v8 =	vmul.f32 v27, v8  }
0x97: {  	v5 =	vadd.f32 v5, v57;
	v31 =	vadd.f32 v31, v41;
	v41 =	vld [tilespmem:s11+$0x8000];
	v57 =	vperm.xlane v9, v1  }
0x98: {  	v51 =	vmul.f32 v53, v49;
	v42 =	vperm.xlane v36, v3;
	v25 =	vld [tilespmem:s11+$0xD0];
	v7 =	vadd.f32 v8, v7  }
0x99: {  	v11 =	vld [tilespmem:s11+$0x20];
	v29 =	vmul.f32 v59, v29;
	v9 =	vadd.f32 v9, v57;
	v8 =	vperm.xlane v18, v1  }
0x9a: {  	v48 =	vperm.xlane v28, v3;
	v59 =	vld [tilespmem:$0x1FE90];
	v58 =	vperm.xlane v7, v1  }
0x9b: {  	v26 =	vadd.f32 v29, v26;
	v0 =	vld [tilespmem:s11+$0x170];
	v29 =	vperm.xlane v9, v2;
	v8 =	vadd.f32 v18, v8  }
0x9c: {  	v6 =	vadd.f32 v36, v42;
	v63 =	vperm.xlane v12, v3;
	v22 =	vld [tilespmem:s11+$0x80C0];
	v7 =	vadd.f32 v7, v58  }
0x9d: {  	v9 =	vadd.f32 v9, v29;
	v29 =	vperm.xlane v31, v3;
	v27 =	vld [tilespmem:s11+$0x80D0];
	v60 =	vperm.xlane v8, v2  }
0x9e: {  	v30 =	vmul.f32 v30, v37;
	v12 =	vadd.f32 v12, v63;
	v63 =	vld [tilespmem:s11+$0x8090];
	v62 =	vperm.xlane v7, v2  }
0x9f: {  	v29 =	vadd.f32 v31, v29;
	v31 =	vld [tilespmem:s11+$0x50];
	v36 =	vadd.f32 v8, v60;
	v8 =	vperm.xlane v26, v1  }
0xa0: {  	v11 =	vmul.f32 v35, v11;
	v55 =	vmul.f32 v59, v0;
	v18 =	vld [tilespmem:s11+$0x80];
	v7 =	vadd.f32 v7, v62  }
0xa1: {  	v21 =	vmul.f32 v22, v21;
	v26 =	vadd.f32 v26, v8;
	v8 =	vadd.f32 v28, v48;
	v28 =	vld [tilespmem:s11+$0x8040]  }
0xa2: {  	v22 =	vmul.f32 v27, v25;
	v25 =	vadd.f32 v32, v33;
	v27 =	vmul.f32 v41, v43;
	v62 =	vld [tilespmem:s11+$0x8050]  }
0xa3: {  	v42 =	vld [tilespmem:s11+$0x60];
	v0 =	vmul.f32 v50, v46;
	v13 =	vperm.xlane v7, v3  }
0xa4: {  	v50 =	vld [tilespmem:s11+$0x8060];
	v14 =	vadd.f32 v14, v25;
	v25 =	vmul.f32 v63, v45;
	v27 =	vadd.f32 v51, v27  }
0xa5: {  	v60 =	vperm.xlane v9, v3;
	v16 =	vperm.xlane v26, v2;
	v7 =	vadd.f32 v7, v13;
	v13 =	vld [tilespmem:s11+$0x80A0]  }
0xa6: {  	v18 =	vmul.f32 v34, v18;
	v11 =	vadd.f32 v11, v27;
	v48 =	vmul.f32 v54, v52;
	v52 =	vld [tilespmem:s11+$0x8070]  }
0xa7: {  	v16 =	vadd.f32 v26, v16;
	v26 =	vmul.f32 v28, v61;
	v28 =	vmul.f32 v62, v31;
	v31 =	vld [tilespmem:s11+$0x80B0]  }
0xa8: {  	v53 =	vld [tilespmem:s11+$0x80F0];
	v14 =	vadd.f32 v55, v14;
	v47 =	vperm.xlane v36, v3;
	v9 =	vadd.f32 v9, v60  }
0xa9: {  	v18 =	vadd.f32 v25, v18;
	v26 =	vadd.f32 v28, v26;
	v28 =	vmul.f32 v50, v42  }
0xaa: {  	v11 =	vadd.f32 v20, v11;
	v36 =	vadd.f32 v36, v47;
	v13 =	vmul.f32 v13, v19  }
0xab: {  	v17 =	vmul.f32 v52, v17;
	v19 =	vadd.f32 v22, v21;
	v21 =	vadd.f32 v28, v26  }
0xac: {  	v54 =	vadd.f32 v48, v0;
	v15 =	vmul.f32 v31, v15;
	v13 =	vadd.f32 v13, v18  }
0xad: {  	v18 =	vadd.f32 v30, v19;
	v17 =	vadd.f32 v17, v21;
	v19 =	vmul.f32 v53, v24  }
0xae: {  	v13 =	vadd.f32 v15, v13;
	v15 =	vadd.f32 v23, v54  }
0xaf: {  	v21 =	vperm.xlane v11, v1;
	v22 =	vperm.xlane v17, v1;
	v18 =	vadd.f32 v19, v18  }
0xb0: {  	v20 =	vperm.xlane v16, v3;
	v19 =	vperm.xlane v13, v1;
	v10 =	vadd.f32 v10, v15  }
0xb1: {  	v11 =	vadd.f32 v11, v21;
	v15 =	vadd.f32 v17, v22;
	v17 =	vperm.xlane v18, v1  }
0xb2: {  	v21 =	vperm.xlane v14, v1;
	v13 =	vadd.f32 v13, v19;
	v19 =	vperm.xlane v10, v1  }
0xb3: {  	v22 =	vperm.xlane v11, v2;
	v23 =	vperm.xlane v15, v2;
	v17 =	vadd.f32 v18, v17  }
0xb4: {  	v14 =	vadd.f32 v14, v21;
	v18 =	vperm.xlane v13, v2;
	v10 =	vadd.f32 v10, v19  }
0xb5: {  	v11 =	vadd.f32 v11, v22;
	v15 =	vadd.f32 v15, v23;
	v19 =	vperm.xlane v17, v2  }
0xb6: {  	v55 =	vld [tilespmem:$0x1FFF0];
	v21 =	vperm.xlane v14, v2;
	v13 =	vadd.f32 v13, v18;
	v18 =	vperm.xlane v10, v2  }
0xb7: {  	v22 =	vperm.xlane v11, v3;
	v23 =	vperm.xlane v15, v3;
	v17 =	vadd.f32 v17, v19  }
0xb8: {  	v14 =	vadd.f32 v14, v21;
	v19 =	vperm.xlane v13, v3;
	v10 =	vadd.f32 v10, v18  }
0xb9: {  	v11 =	vadd.f32 v11, v22;
	v15 =	vadd.f32 v15, v23;
	v18 =	vperm.xlane v17, v3  }
0xba: {  	v21 =	vperm.xlane v14, v3;
	v13 =	vadd.f32 v13, v19;
	v19 =	vperm.xlane v10, v3  }
0xbb: {  	v22 =	vperm.xlane v11, v55;
	v23 =	vperm.xlane v15, v55;
	v17 =	vadd.f32 v17, v18  }
0xbc: {  	v14 =	vadd.f32 v14, v21;
	v18 =	vperm.xlane v13, v55;
	v10 =	vadd.f32 v10, v19  }
0xbd: {  	v11 =	vadd.f32 v11, v22;
	v15 =	vadd.f32 v15, v23;
	v19 =	vperm.xlane v17, v55  }
0xbe: {  	v16 =	vadd.f32 v16, v20;
	v13 =	vadd.f32 v13, v18;
	v18 =	vperm.xlane v10, v55  }
0xbf: {  	v11 =	vsel vm0, v11, v15;
	v15 =	vadd.f32 v17, v19;
	v17 =	vperm.xlane v14, v55  }
0xc0: {  	v11 =	vsel vm1, v11, v13;
	v10 =	vadd.f32 v10, v18;
	v13 =	vperm.xlane v16, v55  }
0xc1: {  	v14 =	vadd.f32 v14, v17;
	v11 =	vsel vm2, v11, v15;
	v15 =	vperm.xlane v7, v55  }
0xc2: {  	v10 =	vsel vm3, v11, v10;
	v11 =	vadd.f32 v16, v13;
	v13 =	vperm.xlane v9, v55  }
0xc3: {  	v10 =	vsel vm4, v10, v14;
	v7 =	vadd.f32 v7, v15;
	v14 =	vperm.xlane v36, v55  }
0xc4: {  	v10 =	vsel vm5, v10, v11;
	v9 =	vadd.f32 v9, v13;
	v11 =	vperm.xlane v12, v55  }
0xc5: {  	v13 =	vperm.xlane v29, v55;
	v7 =	vsel vm6, v10, v7;
	v10 =	vadd.f32 v36, v14  }
0xc6: {  	v7 =	vsel vm7, v7, v9;
	v9 =	vadd.f32 v12, v11;
	v11 =	vperm.xlane v8, v55  }
0xc7: {  	v12 =	vperm.xlane v6, v55;
	v7 =	vsel vm8, v7, v10;
	v10 =	vadd.f32 v29, v13  }
0xc8: {  	v7 =	vsel vm9, v7, v9;
	v8 =	vadd.f32 v8, v11;
	v9 =	vperm.xlane v5, v55  }
0xc9: {  	v6 =	vadd.f32 v6, v12;
	v7 =	vsel vm10, v7, v10;
	v10 =	vperm.xlane v4, v55  }
0xca: {  	v7 =	vsel vm11, v7, v8;
	v5 =	vadd.f32 v5, v9  }
0xcb: {  	v6 =	vsel vm12, v7, v6;
	v4 =	vadd.f32 v4, v10  }
0xcc: {  	v5 =	vsel vm13, v6, v5  }
0xcd: {  	v4 =	vsel vm14, v5, v4  }
0xce: {  	s11 =	simm.s32 $0x400;
	[tilespmem:s9+$0x0] =	vst v4  }
0xcf: {  	v4 =	vld [tilespmem:s11+$0x3F0]  }
0xd0: {  	v5 =	vld [tilespmem:s11+$0x83F0]  }
0xd1: {  	v6 =	vld [tilespmem:s11+$0x3B0]  }
0xd2: {  	v7 =	vld [tilespmem:s11+$0x83B0]  }
0xd3: {  	v8 =	vld [tilespmem:s11+$0x3E0]  }
0xd4: {  	v12 =	vld [tilespmem:s11+$0x83E0]  }
0xd5: {  	v13 =	vld [tilespmem:s11+$0x370]  }
0xd6: {  	v14 =	vld [tilespmem:s11+$0x8370]  }
0xd7: {  	v11 =	vld [tilespmem:s11+$0x3A0]  }
0xd8: {  	v15 =	vld [tilespmem:s11+$0x83A0]  }
0xd9: {  	v16 =	vld [tilespmem:s11+$0x3C0]  }
0xda: {  	v17 =	vld [tilespmem:s11+$0x83C0]  }
0xdb: {  	v18 =	vld [tilespmem:s11+$0x3D0]  }
0xdc: {  	v19 =	vld [tilespmem:s11+$0x83D0]  }
0xdd: {  	v20 =	vld [tilespmem:s11+$0x330]  }
0xde: {  	v21 =	vld [tilespmem:s11+$0x8330]  }
0xdf: {  	v22 =	vld [tilespmem:s11+$0x360]  }
0xe0: {  	v9 =	vld [tilespmem:s11+$0x230]  }
0xe1: {  	v23 =	vld [tilespmem:s11+$0x8360]  }
0xe2: {  	v27 =	vld [tilespmem:s11+$0x380]  }
0xe3: {  	v29 =	vld [tilespmem:s11+$0x8380]  }
0xe4: {  	v33 =	vld [tilespmem:s11+$0x390]  }
0xe5: {  	[tilespmem:$0x1FF20] =	vst v9;
	v9 =	vld [tilespmem:s11+$0x8230]  }
0xe6: {  	v34 =	vld [tilespmem:s11+$0x8390]  }
0xe7: {  	v56 =	vld [tilespmem:s11+$0x2F0]  }
0xe8: {  	v45 =	vld [tilespmem:s11+$0x82F0]  }
0xe9: {  	v39 =	vld [tilespmem:s11+$0x320]  }
0xea: {  	[tilespmem:$0x1FF30] =	vst v9;
	v9 =	vld [tilespmem:s11+$0x290]  }
0xeb: {  	v40 =	vld [tilespmem:s11+$0x8320]  }
0xec: {  	v26 =	vld [tilespmem:s11+$0x340]  }
0xed: {  	v41 =	vld [tilespmem:s11+$0x8340]  }
0xee: {  	v42 =	vld [tilespmem:s11+$0x350]  }
0xef: {  	[tilespmem:$0x1FED0] =	vst v9;
	v9 =	vld [tilespmem:s11+$0x1F0]  }
0xf0: {  	v43 =	vld [tilespmem:s11+$0x8350]  }
0xf1: {  	v57 =	vld [tilespmem:s11+$0x2B0]  }
0xf2: {  	v58 =	vld [tilespmem:s11+$0x82B0]  }
0xf3: {  	v46 =	vld [tilespmem:s11+$0x2E0]  }
0xf4: {  	[tilespmem:$0x1FF40] =	vst v9;
	v9 =	vld [tilespmem:s11+$0x81F0]  }
0xf5: {  	v47 =	vld [tilespmem:s11+$0x82E0]  }
0xf6: {  	v48 =	vld [tilespmem:s11+$0x300]  }
0xf7: {  	v49 =	vld [tilespmem:s11+$0x8300]  }
0xf8: {  	v50 =	vld [tilespmem:s11+$0x310]  }
0xf9: {  	[tilespmem:$0x1FF50] =	vst v9;
	v9 =	vld [tilespmem:s11+$0x220]  }
0xfa: {  	v51 =	vld [tilespmem:s11+$0x8310]  }
0xfb: {  	v52 =	vld [tilespmem:s11+$0x270]  }
0xfc: {  	v53 =	vld [tilespmem:s11+$0x8270]  }
0xfd: {  	v54 =	vld [tilespmem:s11+$0x2A0]  }
0xfe: {  	[tilespmem:$0x1FEE0] =	vst v9;
	v9 =	vld [tilespmem:s11+$0x8220]  }
0xff: {  	v55 =	vld [tilespmem:s11+$0x82A0]  }
0x100: {  	v0 =	vld [tilespmem:s11+$0x82C0]  }
0x101: {  	v59 =	vld [tilespmem:s11+$0x82D0]  }
0x102: {  	v60 =	vld [tilespmem:s11+$0x260]  }
0x103: {  	[tilespmem:$0x1FEF0] =	vst v9;
	v9 =	vld [tilespmem:s11+$0x1B0]  }
0x104: {  	v61 =	vld [tilespmem:s11+$0x8260]  }
0x105: {  	v62 =	vld [tilespmem:s11+$0x280]  }
0x106: {  	v63 =	vld [tilespmem:s11+$0x8280]  }
0x107: {  	v44 =	vld [tilespmem:s11+$0x8290]  }
0x108: {  	[tilespmem:$0x1FF80] =	vst v9;
	v9 =	vld [tilespmem:s11+$0x81B0]  }
0x109: {  	v38 =	vld [tilespmem:s11+$0x240]  }
0x10a: {  	v37 =	vld [tilespmem:s11+$0x8240]  }
0x10b: {  	v36 =	vld [tilespmem:s11+$0x250]  }
0x10c: {  	v35 =	vld [tilespmem:s11+$0x8250]  }
0x10d: {  	[tilespmem:$0x1FF90] =	vst v9;
	v9 =	vld [tilespmem:s11+$0x1E0]  }
0x10e: {  	v32 =	vld [tilespmem:s11+$0x200]  }
0x10f: {  	v31 =	vld [tilespmem:s11+$0x8200]  }
0x110: {  	v30 =	vld [tilespmem:s11+$0x210]  }
0x111: {  	v28 =	vld [tilespmem:s11+$0x8210]  }
0x112: {  	[tilespmem:$0x1FF00] =	vst v9;
	v9 =	vld [tilespmem:s11+$0x81E0]  }
0x113: {  	v25 =	vld [tilespmem:s11+$0x1C0]  }
0x114: {  	v24 =	vld [tilespmem:s11+$0x81C0]  }
0x115: {  	v10 =	vld [tilespmem:s11+$0x1D0];
	v6 =	vmul.f32 v7, v6  }
0x116: {  	[tilespmem:$0x1FEA0] =	vst v56;
	v56 =	vld [tilespmem:s11+$0x2C0];
	v4 =	vmul.f32 v5, v4;
	v5 =	vmul.f32 v17, v16  }
0x117: {  	v7 =	vmul.f32 v19, v18;
	v15 =	vmul.f32 v15, v11;
	[tilespmem:$0x1FF10] =	vst v9;
	v9 =	vld [tilespmem:s11+$0x170]  }
0x118: {  	[tilespmem:$0x1FEC0] =	vst v58;
	v58 =	vld [tilespmem:s11+$0x2D0];
	v16 =	vmul.f32 v41, v26;
	v17 =	vmul.f32 v43, v42  }
0x119: {  	v11 =	vld [tilespmem:s11+$0x130];
	v8 =	vmul.f32 v12, v8;
	v12 =	vmul.f32 v29, v27;
	v5 =	vadd.f32 v7, v5  }
0x11a: {  	v26 =	vld [tilespmem:s11+$0x8130];
	v7 =	vmul.f32 v34, v33;
	v16 =	vadd.f32 v17, v16;
	v17 =	vmul.f32 v23, v22  }
0x11b: {  	v27 =	vld [tilespmem:s11+$0x160];
	v18 =	vmul.f32 v49, v48;
	v19 =	vmul.f32 v51, v50;
	v5 =	vadd.f32 v8, v5  }
0x11c: {  	v7 =	vadd.f32 v7, v12;
	v8 =	vadd.f32 v17, v16;
	[tilespmem:$0x1FFA0] =	vst v9;
	v9 =	vld [tilespmem:s11+$0x8170]  }
0x11d: {  	v29 =	vld [tilespmem:s11+$0x8160];
	v12 =	vmul.f32 v14, v13;
	v13 =	vadd.f32 v19, v18;
	v14 =	vmul.f32 v40, v39  }
0x11e: {  	v41 =	vld [tilespmem:s11+$0x180];
	v4 =	vadd.f32 v4, v5;
	v5 =	vadd.f32 v15, v7  }
0x11f: {  	v15 =	vmul.f32 v21, v20;
	v8 =	vadd.f32 v12, v8;
	v12 =	vadd.f32 v14, v13;
	v7 =	vld [tilespmem:$0x1FEA0]  }
0x120: {  	v42 =	vld [tilespmem:s11+$0x8180];
	v13 =	vmul.f32 v0, v56;
	v14 =	vmul.f32 v59, v58;
	v5 =	vadd.f32 v6, v5  }
0x121: {  	v6 =	vperm.xlane v4, v1;
	v16 =	vperm.xlane v8, v1;
	v15 =	vadd.f32 v15, v12;
	[tilespmem:$0x1FFB0] =	vst v9;
	v9 =	vld [tilespmem:s11+$0x1A0]  }
0x122: {  	[tilespmem:$0x1FEB0] =	vst v57;
	v57 =	vld [tilespmem:s11+$0xF0];
	v12 =	vadd.f32 v14, v13;
	v13 =	vmul.f32 v47, v46  }
0x123: {  	v43 =	vld [tilespmem:s11+$0x120];
	v4 =	vadd.f32 v4, v6;
	v6 =	vadd.f32 v8, v16;
	v8 =	vperm.xlane v15, v1  }
0x124: {  	v14 =	vperm.xlane v5, v1;
	v16 =	vmul.f32 v45, v7;
	v7 =	vld [tilespmem:$0x1FEB0]  }
0x125: {  	v18 =	vadd.f32 v15, v8;
	v8 =	vld [tilespmem:$0x1FEC0]  }
0x126: {  	v13 =	vadd.f32 v13, v12;
	v5 =	vadd.f32 v5, v14;
	v14 =	vperm.xlane v4, v2;
	[tilespmem:$0x1FF60] =	vst v9;
	v9 =	vld [tilespmem:s11+$0x81A0]  }
0x127: {  	v48 =	vld [tilespmem:s11+$0x8120];
	v54 =	vmul.f32 v55, v54;
	v55 =	vmul.f32 v61, v60  }
0x128: {  	v60 =	vld [tilespmem:s11+$0x20];
	v19 =	vadd.f32 v16, v13;
	v4 =	vadd.f32 v4, v14;
	v14 =	vperm.xlane v5, v2  }
0x129: {  	v35 =	vmul.f32 v35, v36;
	v36 =	vld [tilespmem:s11+$0x80]  }
0x12a: {  	v5 =	vadd.f32 v5, v14;
	v14 =	vperm.xlane v19, v1;
	v59 =	vmul.f32 v8, v7;
	v7 =	vld [tilespmem:$0x1FED0]  }
0x12b: {  	v16 =	vperm.xlane v18, v2;
	[tilespmem:$0x1FF70] =	vst v9;
	v9 =	vld [tilespmem:s11+$0x81D0]  }
0x12c: {  	v22 =	vld [tilespmem:s11+$0x30];
	v15 =	vperm.xlane v6, v2;
	v47 =	vadd.f32 v19, v14;
	v14 =	vperm.xlane v5, v3  }
0x12d: {  	v23 =	vmul.f32 v63, v62;
	v63 =	vld [tilespmem:s11+$0x8030];
	v49 =	vadd.f32 v18, v16;
	v18 =	vperm.xlane v4, v3  }
0x12e: {  	v33 =	vld [tilespmem:s11+$0xC0];
	v6 =	vadd.f32 v6, v15;
	v5 =	vadd.f32 v5, v14;
	v14 =	vmul.f32 v37, v38  }
0x12f: {  	v4 =	vadd.f32 v4, v18;
	v44 =	vmul.f32 v44, v7;
	v7 =	vld [tilespmem:$0x1FEE0]  }
0x130: {  	v18 =	vperm.xlane v6, v3;
	v9 =	vmul.f32 v9, v10;
	v10 =	vadd.f32 v35, v14;
	v14 =	vld [tilespmem:$0x1FEF0]  }
0x131: {  	v34 =	vld [tilespmem:s11+$0xD0]  }
0x132: {  	v28 =	vmul.f32 v28, v30;
	v39 =	vld [tilespmem:s11+$0x190];
	v6 =	vadd.f32 v6, v18;
	v18 =	vmul.f32 v31, v32  }
0x133: {  	v40 =	vld [tilespmem:s11+$0x8190]  }
0x134: {  	v24 =	vmul.f32 v24, v25;
	v25 =	vadd.f32 v28, v18;
	v18 =	vld [tilespmem:$0x1FF10]  }
0x135: {  	v28 =	vmul.f32 v14, v7;
	v7 =	vld [tilespmem:$0x1FF00]  }
0x136: {  	v17 =	vld [tilespmem:s11+$0x80E0]  }
0x137: {  	v0 =	vld [tilespmem:s11+$0x140]  }
0x138: {  	v58 =	vld [tilespmem:s11+$0x8140]  }
0x139: {  	v30 =	vadd.f32 v44, v23;
	v23 =	vld [tilespmem:$0x1FF30]  }
0x13a: {  	v9 =	vadd.f32 v9, v24;
	v24 =	vmul.f32 v18, v7;
	v7 =	vld [tilespmem:$0x1FF20]  }
0x13b: {  	v20 =	vld [tilespmem:s11+$0x110]  }
0x13c: {  	v21 =	vld [tilespmem:s11+$0x8110]  }
0x13d: {  	v40 =	vmul.f32 v40, v39;
	v39 =	vld [tilespmem:s11+$0x8020]  }
0x13e: {  	v12 =	vld [tilespmem:s11+$0x150]  }
0x13f: {  	v25 =	vadd.f32 v28, v25;
	v28 =	vmul.f32 v23, v7;
	v7 =	vld [tilespmem:$0x1FF40]  }
0x140: {  	v23 =	vld [tilespmem:$0x1FF50]  }
0x141: {  	v13 =	vld [tilespmem:s11+$0x8150]  }
0x142: {  	v15 =	vld [tilespmem:s11+$0xE0]  }
0x143: {  	v16 =	vld [tilespmem:s11+$0x100]  }
0x144: {  	v8 =	vld [tilespmem:s11+$0xB0]  }
0x145: {  	v38 =	vperm.xlane v47, v2;
	v9 =	vadd.f32 v24, v9;
	v24 =	vmul.f32 v23, v7;
	v7 =	vld [tilespmem:$0x1FF60]  }
0x146: {  	v23 =	vld [tilespmem:$0x1FF70]  }
0x147: {  	v19 =	vld [tilespmem:s11+$0x8100];
	v38 =	vadd.f32 v47, v38  }
0x148: {  	v53 =	vmul.f32 v53, v52;
	v47 =	vld [tilespmem:s11+$0x8010];
	v30 =	vadd.f32 v54, v30;
	v10 =	vadd.f32 v55, v10  }
0x149: {  	v44 =	vld [tilespmem:s11+$0x10]  }
0x14a: {  	v56 =	vadd.f32 v59, v30;
	v30 =	vld [tilespmem:s11+$0x80D0];
	v10 =	vadd.f32 v53, v10  }
0x14b: {  	v62 =	vmul.f32 v23, v7;
	v7 =	vld [tilespmem:$0x1FF80]  }
0x14c: {  	v9 =	vadd.f32 v24, v9;
	v24 =	vperm.xlane v10, v1;
	v23 =	vld [tilespmem:$0x1FF90]  }
0x14d: {  	v59 =	vmul.f32 v42, v41;
	v41 =	vld [tilespmem:s11+$0x8000];
	v28 =	vadd.f32 v28, v25  }
0x14e: {  	v42 =	vld [tilespmem:s11+$0x0];
	v61 =	vperm.xlane v56, v1;
	v51 =	vperm.xlane v9, v1;
	v10 =	vadd.f32 v10, v24  }
0x14f: {  	v26 =	vmul.f32 v26, v11;
	v37 =	vadd.f32 v40, v59;
	v40 =	vld [tilespmem:s11+$0x90];
	v50 =	vperm.xlane v28, v1  }
0x150: {  	v35 =	vld [tilespmem:s11+$0x80C0];
	v24 =	vadd.f32 v56, v61;
	v9 =	vadd.f32 v9, v51;
	v54 =	vperm.xlane v10, v2  }
0x151: {  	v14 =	vld [tilespmem:s11+$0x70];
	v28 =	vadd.f32 v28, v50;
	v52 =	vadd.f32 v62, v37;
	v53 =	vmul.f32 v23, v7  }
0x152: {  	v61 =	vld [tilespmem:$0x1FFA0];
	v55 =	vperm.xlane v24, v2;
	v59 =	vperm.xlane v9, v2;
	v51 =	vadd.f32 v10, v54  }
0x153: {  	v32 =	vperm.xlane v49, v3;
	v56 =	vperm.xlane v28, v2;
	v7 =	vld [tilespmem:$0x1FFB0];
	v45 =	vadd.f32 v53, v52  }
0x154: {  	v18 =	vld [tilespmem:s11+$0xA0];
	v50 =	vadd.f32 v9, v59;
	v54 =	vperm.xlane v51, v3;
	v53 =	vadd.f32 v24, v55  }
0x155: {  	v25 =	vld [tilespmem:s11+$0x60];
	v52 =	vadd.f32 v28, v56;
	v55 =	vperm.xlane v38, v3;
	v10 =	vperm.xlane v45, v1  }
0x156: {  	v37 =	vld [tilespmem:s11+$0x8080];
	v9 =	vadd.f32 v49, v32;
	v28 =	vmul.f32 v29, v27;
	v27 =	vmul.f32 v48, v43  }
0x157: {  	v49 =	vld [tilespmem:s11+$0x40];
	v62 =	vperm.xlane v53, v3;
	v56 =	vperm.xlane v52, v3;
	v46 =	vadd.f32 v45, v10  }
0x158: {  	v29 =	vld [tilespmem:s11+$0x8040];
	v24 =	vmul.f32 v7, v61;
	v10 =	vadd.f32 v38, v55;
	v55 =	vperm.xlane v50, v3  }
0x159: {  	s13 =	simm.s32 $0x2000;
	s12 =	simm.s32 $0x10000;
	v38 =	vmul.f32 v58, v0;
	v11 =	vadd.f32 v53, v62;
	v53 =	vld [tilespmem:s11+$0x50];
	v32 =	vperm.xlane v46, v2  }
.LBB2_2:
0x15a: {  	v43 =	vld [tilespmem:s11+$0x8050];
	v15 =	vmul.f32 v17, v15  }
0x15b: {  	v45 =	vld [tilespmem:s11+$0x8090];
	v1 =	vadd.f32 v50, v55;
	v17 =	vmul.f32 v13, v12;
	v16 =	vmul.f32 v19, v16  }
0x15c: {  	v0 =	vadd.f32 v46, v32;
	v19 =	vmul.f32 v21, v20;
	v20 =	vmul.f32 v63, v22  }
0x15d: {  	v12 =	vadd.f32 v51, v54;
	v21 =	vld [tilespmem:s11+$0x8060];
	v22 =	vmul.f32 v35, v33;
	v31 =	vmul.f32 v39, v60  }
0x15e: {  	v62 =	vld [tilespmem:s11+$0x80A0];
	v13 =	vadd.f32 v52, v56;
	v30 =	vmul.f32 v30, v34;
	v63 =	vmul.f32 v41, v42  }
0x15f: {  	v44 =	vmul.f32 v47, v44;
	v47 =	vld [tilespmem:s11+$0x8070];
	v29 =	vmul.f32 v29, v49;
	v17 =	vadd.f32 v17, v38  }
0x160: {  	v49 =	vld [tilespmem:s11+$0x80B0];
	v48 =	vmul.f32 v43, v53;
	v50 =	vmul.f32 v45, v40;
	v16 =	vadd.f32 v19, v16  }
0x161: {  	v51 =	vld [tilespmem:s11+$0x80F0];
	v19 =	vadd.f32 v44, v63;
	v17 =	vadd.f32 v28, v17;
	v28 =	vmul.f32 v37, v36  }
0x162: {  	v22 =	vadd.f32 v30, v22;
	v29 =	vadd.f32 v48, v29;
	v21 =	vmul.f32 v21, v25  }
0x163: {  	v23 =	vld [tilespmem:$0x1FFC0];
	v18 =	vmul.f32 v62, v18;
	v19 =	vadd.f32 v31, v19;
	v25 =	vadd.f32 v50, v28  }
0x164: {  	v32 =	vld [tilespmem:$0x1FFE0];
	v15 =	vadd.f32 v15, v22;
	v14 =	vmul.f32 v47, v14;
	v21 =	vadd.f32 v21, v29  }
0x165: {  	v16 =	vadd.f32 v27, v16;
	v8 =	vmul.f32 v49, v8;
	v18 =	vadd.f32 v18, v25  }
0x166: {  	v7 =	vmul.f32 v51, v57;
	v19 =	vadd.f32 v20, v19;
	v14 =	vadd.f32 v14, v21  }
0x167: {  	v31 =	vld [tilespmem:$0x1FFD0];
	v16 =	vadd.f32 v26, v16;
	v8 =	vadd.f32 v8, v18  }
0x168: {  	v7 =	vadd.f32 v7, v15;
	v20 =	vperm.xlane v19, v23;
	v21 =	vperm.xlane v14, v23  }
0x169: {  	v17 =	vadd.f32 v24, v17;
	v18 =	vperm.xlane v0, v32;
	v15 =	vperm.xlane v8, v23  }
0x16a: {  	v19 =	vadd.f32 v19, v20;
	v20 =	vperm.xlane v7, v23;
	v14 =	vadd.f32 v14, v21  }
0x16b: {  	v21 =	vperm.xlane v17, v23;
	v8 =	vadd.f32 v8, v15;
	v15 =	vperm.xlane v16, v23  }
0x16c: {  	v22 =	vperm.xlane v19, v31;
	v7 =	vadd.f32 v7, v20;
	v24 =	vperm.xlane v14, v31  }
0x16d: {  	v20 =	vperm.xlane v8, v31;
	v15 =	vadd.f32 v16, v15;
	v16 =	vadd.f32 v17, v21  }
0x16e: {  	v17 =	vadd.f32 v19, v22;
	v19 =	vperm.xlane v7, v31;
	v14 =	vadd.f32 v14, v24  }
0x16f: {  	v2 =	vld [tilespmem:$0x1FFF0];
	v8 =	vadd.f32 v8, v20;
	v20 =	vperm.xlane v15, v31;
	v21 =	vperm.xlane v16, v31  }
0x170: {  	v22 =	vperm.xlane v17, v32;
	v7 =	vadd.f32 v7, v19;
	v24 =	vperm.xlane v14, v32  }
0x171: {  	v19 =	vperm.xlane v8, v32;
	v15 =	vadd.f32 v15, v20;
	v16 =	vadd.f32 v16, v21  }
0x172: {  	v17 =	vadd.f32 v17, v22;
	v20 =	vperm.xlane v7, v32;
	v14 =	vadd.f32 v14, v24  }
0x173: {  	v8 =	vadd.f32 v8, v19;
	v19 =	vperm.xlane v15, v32;
	v21 =	vperm.xlane v16, v32  }
0x174: {  	v22 =	vperm.xlane v17, v2;
	v7 =	vadd.f32 v7, v20;
	v24 =	vperm.xlane v14, v2  }
0x175: {  	v20 =	vperm.xlane v8, v2;
	v15 =	vadd.f32 v15, v19;
	v16 =	vadd.f32 v16, v21  }
0x176: {  	v17 =	vadd.f32 v17, v22;
	v19 =	vperm.xlane v7, v2;
	v14 =	vadd.f32 v14, v24  }
0x177: {  	v18 =	vadd.f32 v0, v18;
	v8 =	vadd.f32 v8, v20;
	v20 =	vperm.xlane v15, v2  }
0x178: {  	v7 =	vadd.f32 v7, v19;
	v14 =	vsel vm0, v17, v14;
	v17 =	vperm.xlane v16, v2  }
0x179: {  	v8 =	vsel vm1, v14, v8;
	v14 =	vadd.f32 v15, v20;
	v15 =	vperm.xlane v18, v2  }
0x17a: {  	v7 =	vsel vm2, v8, v7;
	v8 =	vadd.f32 v16, v17;
	v16 =	vperm.xlane v1, v2  }
0x17b: {  	v7 =	vsel vm3, v7, v14;
	v14 =	vadd.f32 v18, v15;
	v15 =	vperm.xlane v13, v2  }
0x17c: {  	v7 =	vsel vm4, v7, v8;
	v8 =	vadd.f32 v1, v16;
	v16 =	vperm.xlane v12, v2  }
0x17d: {  	v7 =	vsel vm5, v7, v14;
	v13 =	vadd.f32 v13, v15;
	v14 =	vperm.xlane v11, v2  }
0x17e: {  	v7 =	vsel vm6, v7, v8;
	v8 =	vadd.f32 v12, v16;
	v12 =	vperm.xlane v10, v2  }
0x17f: {  	v7 =	vsel vm7, v7, v13;
	v11 =	vadd.f32 v11, v14;
	v13 =	vperm.xlane v9, v2  }
0x180: {  	v7 =	vsel vm8, v7, v8;
	v8 =	vadd.f32 v10, v12;
	v10 =	vperm.xlane v6, v2  }
0x181: {  	v7 =	vsel vm9, v7, v11;
	v9 =	vadd.f32 v9, v13;
	v11 =	vperm.xlane v5, v2  }
0x182: {  	v7 =	vsel vm10, v7, v8;
	v6 =	vadd.f32 v6, v10;
	v8 =	vperm.xlane v4, v2  }
0x183: {  	v7 =	vsel vm11, v7, v9;
	v5 =	vadd.f32 v5, v11  }
0x184: {  	v6 =	vsel vm12, v7, v6;
	v4 =	vadd.f32 v4, v8  }
0x185: {  	v5 =	vsel vm13, v6, v5  }
0x186: {  	s12 =	sadd.s32 $0x10, s12;
	v4 =	vsel vm14, v5, v4  }
0x187: {  	s11 =	sshra.s32 s13, $0x2;
	[tilespmem:s12+$0x0] =	vst v4  }
0x188: {  	v17 =	vld [tilespmem:s11+$0x3F0]  }
0x189: {  	v27 =	vld [tilespmem:s11+$0x83F0]  }
0x18a: {  	v28 =	vld [tilespmem:s11+$0x3B0]  }
0x18b: {  	v29 =	vld [tilespmem:s11+$0x83B0]  }
0x18c: {  	v16 =	vld [tilespmem:s11+$0x3E0]  }
0x18d: {  	v19 =	vld [tilespmem:s11+$0x83E0]  }
0x18e: {  	v52 =	vld [tilespmem:s11+$0x370]  }
0x18f: {  	v24 =	vld [tilespmem:s11+$0x8370]  }
0x190: {  	v15 =	vld [tilespmem:s11+$0x3A0]  }
0x191: {  	v51 =	vld [tilespmem:s11+$0x83A0]  }
0x192: {  	v57 =	vld [tilespmem:s11+$0x3C0]  }
0x193: {  	v59 =	vld [tilespmem:s11+$0x83C0]  }
0x194: {  	v60 =	vld [tilespmem:s11+$0x3D0]  }
0x195: {  	v61 =	vld [tilespmem:s11+$0x83D0]  }
0x196: {  	v25 =	vld [tilespmem:s11+$0x330]  }
0x197: {  	v20 =	vld [tilespmem:s11+$0x8330]  }
0x198: {  	v38 =	vld [tilespmem:s11+$0x360]  }
0x199: {  	v43 =	vld [tilespmem:s11+$0x8360]  }
0x19a: {  	v63 =	vld [tilespmem:s11+$0x380]  }
0x19b: {  	v14 =	vld [tilespmem:s11+$0x8380]  }
0x19c: {  	v13 =	vld [tilespmem:s11+$0x390]  }
0x19d: {  	v12 =	vld [tilespmem:s11+$0x8390]  }
0x19e: {  	v53 =	vld [tilespmem:s11+$0x2F0]  }
0x19f: {  	v54 =	vld [tilespmem:s11+$0x82F0]  }
0x1a0: {  	v56 =	vld [tilespmem:s11+$0x320]  }
0x1a1: {  	v58 =	vld [tilespmem:s11+$0x8320]  }
0x1a2: {  	v10 =	vld [tilespmem:s11+$0x340]  }
0x1a3: {  	v8 =	vld [tilespmem:s11+$0x8340]  }
0x1a4: {  	v6 =	vld [tilespmem:s11+$0x350]  }
0x1a5: {  	v4 =	vld [tilespmem:s11+$0x8350]  }
0x1a6: {  	v55 =	vld [tilespmem:s11+$0x2B0]  }
0x1a7: {  	v62 =	vld [tilespmem:s11+$0x82B0]  }
0x1a8: {  	v45 =	vld [tilespmem:s11+$0x2E0]  }
0x1a9: {  	v48 =	vld [tilespmem:s11+$0x82E0]  }
0x1aa: {  	v3 =	vld [tilespmem:s11+$0x300]  }
0x1ab: {  	v2 =	vld [tilespmem:s11+$0x8300]  }
0x1ac: {  	v1 =	vld [tilespmem:s11+$0x310]  }
0x1ad: {  	v0 =	vld [tilespmem:s11+$0x8310]  }
0x1ae: {  	v5 =	vld [tilespmem:s11+$0x270]  }
0x1af: {  	v26 =	vld [tilespmem:s11+$0x8270]  }
0x1b0: {  	v30 =	vld [tilespmem:s11+$0x82A0]  }
0x1b1: {  	v11 =	vld [tilespmem:s11+$0x2C0]  }
0x1b2: {  	v9 =	vld [tilespmem:s11+$0x82C0]  }
0x1b3: {  	v7 =	vld [tilespmem:s11+$0x2D0]  }
0x1b4: {  	v18 =	vld [tilespmem:s11+$0x230]  }
0x1b5: {  	v21 =	vld [tilespmem:s11+$0x260]  }
0x1b6: {  	v40 =	vld [tilespmem:s11+$0x8260]  }
0x1b7: {  	v22 =	vld [tilespmem:s11+$0x280]  }
0x1b8: {  	v39 =	vld [tilespmem:s11+$0x8280]  }
0x1b9: {  	v41 =	vld [tilespmem:s11+$0x290]  }
0x1ba: {  	v44 =	vld [tilespmem:s11+$0x8290]  }
0x1bb: {  	v33 =	vld [tilespmem:s11+$0x220]  }
0x1bc: {  	v34 =	vld [tilespmem:s11+$0x8220]  }
0x1bd: {  	v46 =	vld [tilespmem:s11+$0x240]  }
0x1be: {  	v47 =	vld [tilespmem:s11+$0x8240]  }
0x1bf: {  	v49 =	vld [tilespmem:s11+$0x250]  }
0x1c0: {  	v50 =	vld [tilespmem:s11+$0x8250]  }
0x1c1: {  	v35 =	vld [tilespmem:s11+$0x1E0]  }
0x1c2: {  	v42 =	vld [tilespmem:s11+$0x81E0]  }
0x1c3: {  	v36 =	vld [tilespmem:s11+$0x1A0]  }
0x1c4: {  	v37 =	vld [tilespmem:s11+$0x81A0]  }
0x1c5: {  	[tilespmem:$0x1FD00] =	vst v5;
	v5 =	vld [tilespmem:s11+$0x2A0]  }
0x1c6: {  	[tilespmem:$0x1FD20] =	vst v18;
	v18 =	vld [tilespmem:s11+$0x8230]  }
0x1c7: {  	[tilespmem:$0x1FCB0] =	vst v52;
	v52 =	vld [tilespmem:s11+$0x200]  }
0x1c8: {  	[tilespmem:$0x1FCC0] =	vst v53;
	v53 =	vld [tilespmem:s11+$0x8200]  }
0x1c9: {  	[tilespmem:$0x1FCD0] =	vst v54;
	v54 =	vld [tilespmem:s11+$0x210]  }
0x1ca: {  	[tilespmem:$0x1FCE0] =	vst v55;
	v55 =	vld [tilespmem:s11+$0x8210];
	v8 =	vmul.f32 v8, v10;
	v4 =	vmul.f32 v4, v6  }
0x1cb: {  	[tilespmem:$0x1FCF0] =	vst v62;
	v62 =	vld [tilespmem:s11+$0x1C0];
	v17 =	vmul.f32 v27, v17  }
0x1cc: {  	v27 =	vld [tilespmem:s11+$0x1D0];
	v2 =	vmul.f32 v2, v3;
	v3 =	vadd.f32 v4, v8;
	v4 =	vmul.f32 v43, v38  }
0x1cd: {  	v28 =	vmul.f32 v29, v28;
	v6 =	vld [tilespmem:s11+$0x160]  }
0x1ce: {  	v29 =	vmul.f32 v59, v57;
	v59 =	vmul.f32 v61, v60;
	v3 =	vadd.f32 v4, v3;
	v4 =	vld [tilespmem:$0x1FCB0]  }
0x1cf: {  	v16 =	vmul.f32 v19, v16;
	[tilespmem:$0x1FD30] =	vst v18;
	v18 =	vld [tilespmem:s11+$0x1F0]  }
0x1d0: {  	v14 =	vmul.f32 v14, v63;
	v12 =	vmul.f32 v12, v13;
	v13 =	vadd.f32 v59, v29;
	[tilespmem:$0x1FD10] =	vst v5;
	v5 =	vld [tilespmem:s11+$0x82D0]  }
0x1d1: {  	v60 =	vld [tilespmem:s11+$0x81D0]  }
0x1d2: {  	v51 =	vmul.f32 v51, v15;
	v15 =	vld [tilespmem:s11+$0x130];
	v63 =	vadd.f32 v16, v13;
	[tilespmem:$0x1FDB0] =	vst v6;
	v6 =	vadd.f32 v12, v14  }
0x1d3: {  	v0 =	vmul.f32 v0, v1;
	v10 =	vld [tilespmem:s11+$0x8160];
	v9 =	vmul.f32 v9, v11  }
0x1d4: {  	v1 =	vadd.f32 v17, v63;
	v6 =	vadd.f32 v51, v6;
	v4 =	vmul.f32 v24, v4;
	[tilespmem:$0x1FD40] =	vst v18;
	v18 =	vld [tilespmem:s11+$0x81F0]  }
0x1d5: {  	v57 =	vld [tilespmem:s11+$0xF0];
	v0 =	vadd.f32 v0, v2;
	v38 =	vmul.f32 v58, v56;
	v5 =	vmul.f32 v5, v7  }
0x1d6: {  	v19 =	vld [tilespmem:$0x1FCF0];
	v3 =	vadd.f32 v4, v3;
	v4 =	vadd.f32 v28, v6;
	v6 =	vperm.xlane v1, v23  }
0x1d7: {  	v29 =	vld [tilespmem:s11+$0x8130];
	v8 =	vmul.f32 v20, v25;
	v2 =	vadd.f32 v38, v0  }
0x1d8: {  	v59 =	vld [tilespmem:s11+$0x180];
	v5 =	vadd.f32 v5, v9;
	v1 =	vadd.f32 v1, v6;
	v6 =	vmul.f32 v48, v45  }
0x1d9: {  	v2 =	vadd.f32 v8, v2;
	v8 =	vperm.xlane v4, v23;
	[tilespmem:$0x1FD50] =	vst v18;
	v18 =	vld [tilespmem:s11+$0x1B0]  }
0x1da: {  	v5 =	vadd.f32 v6, v5;
	v6 =	vld [tilespmem:$0x1FCC0]  }
0x1db: {  	v4 =	vadd.f32 v4, v8;
	v8 =	vld [tilespmem:$0x1FCD0]  }
0x1dc: {  	v56 =	vld [tilespmem:s11+$0x8180]  }
0x1dd: {  	v43 =	vld [tilespmem:s11+$0x8120]  }
0x1de: {  	v20 =	vld [tilespmem:s11+$0x110]  }
0x1df: {  	v0 =	vld [tilespmem:s11+$0x8190];
	v7 =	vperm.xlane v3, v23  }
0x1e0: {  	[tilespmem:$0x1FD60] =	vst v18;
	v18 =	vld [tilespmem:s11+$0x81B0];
	v6 =	vmul.f32 v8, v6  }
0x1e1: {  	v38 =	vld [tilespmem:s11+$0x120];
	v3 =	vadd.f32 v3, v7  }
0x1e2: {  	v13 =	vld [tilespmem:s11+$0x8150];
	v7 =	vperm.xlane v1, v31;
	v11 =	vperm.xlane v4, v31;
	v5 =	vadd.f32 v6, v5  }
0x1e3: {  	v16 =	vld [tilespmem:s11+$0x100]  }
0x1e4: {  	v12 =	vld [tilespmem:s11+$0x150];
	v1 =	vadd.f32 v1, v7;
	v7 =	vadd.f32 v4, v11;
	v4 =	vperm.xlane v5, v23  }
0x1e5: {  	[tilespmem:$0x1FD70] =	vst v18;
	v18 =	vld [tilespmem:s11+$0x170]  }
0x1e6: {  	v51 =	vadd.f32 v5, v4;
	v4 =	vld [tilespmem:$0x1FD00]  }
0x1e7: {  	[tilespmem:$0x1FDA0] =	vst v15;
	v15 =	vld [tilespmem:s11+$0xE0]  }
0x1e8: {  	v14 =	vld [tilespmem:$0x1FCE0];
	v9 =	vperm.xlane v2, v23  }
0x1e9: {  	v27 =	vmul.f32 v60, v27;
	v60 =	vld [tilespmem:s11+$0x20]  }
0x1ea: {  	v2 =	vadd.f32 v2, v9;
	[tilespmem:$0x1FD80] =	vst v18;
	v18 =	vld [tilespmem:s11+$0x8170]  }
0x1eb: {  	v9 =	vperm.xlane v3, v31;
	v26 =	vmul.f32 v26, v4;
	v4 =	vld [tilespmem:$0x1FD10]  }
0x1ec: {  	v17 =	vld [tilespmem:s11+$0x80E0];
	v6 =	vperm.xlane v2, v31  }
0x1ed: {  	v63 =	vld [tilespmem:s11+$0x8030];
	v3 =	vadd.f32 v3, v9  }
0x1ee: {  	v24 =	vld [tilespmem:s11+$0x190];
	v28 =	vmul.f32 v19, v14;
	v2 =	vadd.f32 v2, v6;
	v6 =	vperm.xlane v1, v32  }
0x1ef: {  	v14 =	vmul.f32 v44, v41;
	v9 =	vperm.xlane v3, v32;
	[tilespmem:$0x1FD90] =	vst v18;
	v18 =	vld [tilespmem:s11+$0x81C0]  }
0x1f0: {  	v19 =	vld [tilespmem:s11+$0x8100];
	v11 =	vperm.xlane v7, v32;
	v25 =	vmul.f32 v30, v4;
	v4 =	vadd.f32 v1, v6  }
0x1f1: {  	v41 =	vld [tilespmem:s11+$0x8000];
	v6 =	vadd.f32 v3, v9;
	v3 =	vmul.f32 v53, v52;
	v9 =	vmul.f32 v55, v54  }
0x1f2: {  	v44 =	vld [tilespmem:s11+$0x10];
	v5 =	vadd.f32 v7, v11;
	v7 =	vmul.f32 v47, v46;
	v11 =	vmul.f32 v50, v49  }
0x1f3: {  	v45 =	vld [tilespmem:s11+$0x140];
	v30 =	vmul.f32 v40, v21;
	v3 =	vadd.f32 v9, v3;
	v9 =	vmul.f32 v34, v33  }
0x1f4: {  	v48 =	vld [tilespmem:s11+$0x8140];
	v40 =	vmul.f32 v39, v22;
	v53 =	vmul.f32 v18, v62  }
0x1f5: {  	v7 =	vadd.f32 v11, v7;
	v3 =	vadd.f32 v9, v3;
	v9 =	vld [tilespmem:$0x1FD20]  }
0x1f6: {  	v1 =	vadd.f32 v14, v40;
	v11 =	vadd.f32 v27, v53;
	v27 =	vld [tilespmem:$0x1FD30]  }
0x1f7: {  	v8 =	vld [tilespmem:s11+$0xB0]  }
0x1f8: {  	v47 =	vld [tilespmem:s11+$0x8010];
	v1 =	vadd.f32 v25, v1;
	v25 =	vmul.f32 v42, v35  }
0x1f9: {  	v49 =	vld [tilespmem:s11+$0x40]  }
0x1fa: {  	v11 =	vadd.f32 v25, v11;
	v25 =	vld [tilespmem:$0x1FD40]  }
0x1fb: {  	v9 =	vmul.f32 v27, v9;
	v27 =	vld [tilespmem:$0x1FD50]  }
0x1fc: {  	v21 =	vld [tilespmem:s11+$0x8110]  }
0x1fd: {  	v22 =	vld [tilespmem:s11+$0x30];
	v7 =	vadd.f32 v30, v7  }
0x1fe: {  	v39 =	vld [tilespmem:s11+$0x8020]  }
0x1ff: {  	v24 =	vmul.f32 v0, v24;
	v55 =	vld [tilespmem:$0x1FD60];
	v7 =	vadd.f32 v26, v7;
	v26 =	vmul.f32 v56, v59  }
0x200: {  	v14 =	vld [tilespmem:s11+$0x70];
	v25 =	vmul.f32 v27, v25  }
0x201: {  	v33 =	vld [tilespmem:s11+$0xC0];
	v1 =	vadd.f32 v28, v1;
	v24 =	vadd.f32 v24, v26;
	v26 =	vmul.f32 v37, v36  }
0x202: {  	v34 =	vld [tilespmem:s11+$0xD0];
	v3 =	vadd.f32 v9, v3;
	v9 =	vadd.f32 v25, v11;
	v11 =	vperm.xlane v7, v23  }
0x203: {  	v30 =	vld [tilespmem:s11+$0x80D0]  }
0x204: {  	v27 =	vperm.xlane v1, v23;
	v7 =	vadd.f32 v7, v11;
	v11 =	vadd.f32 v26, v24;
	v24 =	vld [tilespmem:$0x1FD70]  }
0x205: {  	v40 =	vld [tilespmem:s11+$0x90];
	v54 =	vperm.xlane v9, v23  }
0x206: {  	v61 =	vperm.xlane v51, v31;
	v18 =	vld [tilespmem:s11+$0xA0];
	v1 =	vadd.f32 v1, v27  }
0x207: {  	v35 =	vld [tilespmem:s11+$0x80C0];
	v28 =	vperm.xlane v3, v23;
	v9 =	vadd.f32 v9, v54  }
0x208: {  	v58 =	vperm.xlane v2, v32;
	v53 =	vadd.f32 v51, v61;
	v61 =	vld [tilespmem:$0x1FDA0];
	v27 =	vperm.xlane v1, v31  }
0x209: {  	v62 =	vld [tilespmem:$0x1FDB0];
	v3 =	vadd.f32 v3, v28;
	v28 =	vperm.xlane v9, v31;
	v24 =	vmul.f32 v24, v55  }
0x20a: {  	v56 =	vld [tilespmem:$0x1FD80];
	v26 =	vperm.xlane v7, v31;
	v1 =	vadd.f32 v1, v27;
	v27 =	vmul.f32 v43, v38  }
0x20b: {  	v38 =	vmul.f32 v48, v45;
	v50 =	vadd.f32 v9, v28;
	v9 =	vld [tilespmem:$0x1FD90];
	v11 =	vadd.f32 v24, v11  }
0x20c: {  	p0 =	sne.s32 s13, $0x1F000;
	v42 =	vld [tilespmem:s11+$0x0];
	v51 =	vadd.f32 v7, v26;
	v59 =	vperm.xlane v1, v32;
	v24 =	vperm.xlane v3, v31  }
.Ltmp0:
0x20d: {  	v36 =	vld [tilespmem:s11+$0x80];
	v26 =	vmul.f32 v29, v61;
	v7 =	vperm.xlane v11, v23;
	(pc) =	sbr.rel @p0 .LBB2_2-.Ltmp0, $4  }
0x20e: {  	v37 =	vld [tilespmem:s11+$0x8080];
	v54 =	vperm.xlane v51, v32;
	v28 =	vmul.f32 v10, v62;
	v52 =	vadd.f32 v3, v24  }
0x20f: {  	v25 =	vld [tilespmem:s11+$0x60];
	v55 =	vperm.xlane v50, v32;
	v3 =	vperm.xlane v53, v32;
	v46 =	vadd.f32 v11, v7  }
0x210: {  	v29 =	vld [tilespmem:s11+$0x8040];
	v24 =	vmul.f32 v9, v56;
	v56 =	vperm.xlane v52, v32;
	v9 =	vadd.f32 v2, v58  }
0x211: {  	s13 =	sadd.s32 $0x1000, s13;
	v10 =	vadd.f32 v53, v3;
	v53 =	vld [tilespmem:s11+$0x50];
	v11 =	vadd.f32 v1, v59;
	v32 =	vperm.xlane v46, v31  }
0x212: {  	v1 =	vld [tilespmem:s11+$0x8050];
	v2 =	vmul.f32 v17, v15;
	v3 =	vmul.f32 v13, v12  }
0x213: {  	v7 =	vadd.f32 v51, v54;
	v59 =	vld [tilespmem:s11+$0x8090];
	v61 =	vmul.f32 v19, v16;
	v62 =	vmul.f32 v21, v20  }
0x214: {  	v16 =	vadd.f32 v52, v56;
	v63 =	vmul.f32 v63, v22;
	v43 =	vld [tilespmem:s11+$0x8060];
	v45 =	vmul.f32 v35, v33  }
0x215: {  	v21 =	vadd.f32 v50, v55;
	v23 =	vld [tilespmem:s11+$0x80A0];
	v31 =	vmul.f32 v41, v42;
	v50 =	vmul.f32 v47, v44  }
0x216: {  	v30 =	vmul.f32 v30, v34;
	v51 =	vld [tilespmem:s11+$0x8070];
	v32 =	vadd.f32 v46, v32;
	v3 =	vadd.f32 v3, v38  }
0x217: {  	v48 =	vmul.f32 v39, v60;
	v54 =	vld [tilespmem:s11+$0x80F0];
	v13 =	vadd.f32 v62, v61;
	v55 =	vadd.f32 v50, v31  }
0x218: {  	v52 =	vld [tilespmem:s11+$0x80B0];
	v20 =	vadd.f32 v30, v45;
	v29 =	vmul.f32 v29, v49;
	v1 =	vmul.f32 v1, v53  }
0x219: {  	v3 =	vadd.f32 v28, v3;
	v53 =	vmul.f32 v37, v36;
	v12 =	vmul.f32 v59, v40  }
0x21a: {  	v15 =	vadd.f32 v48, v55;
	v19 =	vmul.f32 v43, v25;
	v1 =	vadd.f32 v1, v29  }
0x21b: {  	v2 =	vadd.f32 v2, v20;
	v18 =	vmul.f32 v23, v18;
	v59 =	vld [tilespmem:$0x1FFC0];
	v12 =	vadd.f32 v12, v53  }
0x21c: {  	v14 =	vmul.f32 v51, v14;
	v0 =	vmul.f32 v54, v57;
	v57 =	vld [tilespmem:$0x1FFE0];
	v1 =	vadd.f32 v19, v1  }
0x21d: {  	v56 =	vadd.f32 v27, v13;
	v8 =	vmul.f32 v52, v8;
	v12 =	vadd.f32 v18, v12  }
0x21e: {  	v15 =	vadd.f32 v63, v15;
	v1 =	vadd.f32 v14, v1  }
0x21f: {  	v8 =	vadd.f32 v8, v12;
	v12 =	vadd.f32 v26, v56;
	v26 =	vld [tilespmem:$0x1FFD0]  }
0x220: {  	v0 =	vadd.f32 v0, v2;
	v60 =	vperm.xlane v15, v59;
	v61 =	vperm.xlane v1, v59  }
0x221: {  	v3 =	vadd.f32 v24, v3;
	v58 =	vperm.xlane v32, v57;
	v62 =	vperm.xlane v8, v59  }
0x222: {  	v63 =	vperm.xlane v0, v59;
	v14 =	vadd.f32 v15, v60;
	v1 =	vadd.f32 v1, v61  }
0x223: {  	v25 =	vperm.xlane v3, v59;
	v24 =	vperm.xlane v12, v59;
	v2 =	vadd.f32 v8, v62  }
0x224: {  	v0 =	vadd.f32 v0, v63;
	v27 =	vperm.xlane v14, v26;
	v28 =	vperm.xlane v1, v26  }
0x225: {  	v3 =	vadd.f32 v3, v25;
	v8 =	vadd.f32 v12, v24;
	v29 =	vperm.xlane v2, v26  }
0x226: {  	v31 =	vperm.xlane v0, v26;
	v30 =	vadd.f32 v14, v27;
	v1 =	vadd.f32 v1, v28  }
0x227: {  	v37 =	vld [tilespmem:$0x1FFF0];
	v17 =	vperm.xlane v3, v26;
	v33 =	vperm.xlane v8, v26;
	v2 =	vadd.f32 v2, v29  }
0x228: {  	v0 =	vadd.f32 v0, v31;
	v18 =	vperm.xlane v30, v57;
	v19 =	vperm.xlane v1, v57  }
0x229: {  	v3 =	vadd.f32 v3, v17;
	v8 =	vadd.f32 v8, v33;
	v34 =	vperm.xlane v2, v57  }
0x22a: {  	v35 =	vperm.xlane v0, v57;
	v12 =	vadd.f32 v30, v18;
	v1 =	vadd.f32 v1, v19  }
0x22b: {  	v17 =	vperm.xlane v3, v57;
	v36 =	vperm.xlane v8, v57;
	v2 =	vadd.f32 v2, v34  }
0x22c: {  	v0 =	vadd.f32 v0, v35;
	v18 =	vperm.xlane v12, v37;
	v19 =	vperm.xlane v1, v37  }
0x22d: {  	v3 =	vadd.f32 v3, v17;
	v8 =	vadd.f32 v8, v36;
	v38 =	vperm.xlane v2, v37  }
0x22e: {  	v39 =	vperm.xlane v0, v37;
	v12 =	vadd.f32 v12, v18;
	v1 =	vadd.f32 v1, v19  }
0x22f: {  	v13 =	vadd.f32 v32, v58;
	v40 =	vperm.xlane v8, v37;
	v2 =	vadd.f32 v2, v38  }
0x230: {  	v41 =	vperm.xlane v3, v37;
	v0 =	vadd.f32 v0, v39;
	v1 =	vsel vm0, v12, v1  }
0x231: {  	v43 =	vperm.xlane v13, v37;
	v42 =	vadd.f32 v8, v40;
	v1 =	vsel vm1, v1, v2  }
0x232: {  	v45 =	vperm.xlane v21, v37;
	v44 =	vadd.f32 v3, v41;
	v0 =	vsel vm2, v1, v0  }
0x233: {  	v47 =	vperm.xlane v16, v37;
	v46 =	vadd.f32 v13, v43;
	v0 =	vsel vm3, v0, v42  }
0x234: {  	v49 =	vperm.xlane v7, v37;
	v48 =	vadd.f32 v21, v45;
	v0 =	vsel vm4, v0, v44  }
0x235: {  	v51 =	vperm.xlane v11, v37;
	v50 =	vadd.f32 v16, v47;
	v0 =	vsel vm5, v0, v46  }
0x236: {  	v53 =	vperm.xlane v10, v37;
	v52 =	vadd.f32 v7, v49;
	v0 =	vsel vm6, v0, v48  }
0x237: {  	v55 =	vperm.xlane v9, v37;
	v54 =	vadd.f32 v11, v51;
	v0 =	vsel vm7, v0, v50  }
0x238: {  	v56 =	vadd.f32 v10, v53;
	v57 =	vperm.xlane v6, v37;
	v0 =	vsel vm8, v0, v52  }
0x239: {  	v58 =	vadd.f32 v9, v55;
	v59 =	vperm.xlane v5, v37;
	v0 =	vsel vm9, v0, v54  }
0x23a: {  	v61 =	vperm.xlane v4, v37;
	v60 =	vadd.f32 v6, v57;
	v0 =	vsel vm10, v0, v56  }
0x23b: {  	v62 =	vadd.f32 v5, v59;
	v0 =	vsel vm11, v0, v58  }
0x23c: {  	v63 =	vadd.f32 v4, v61;
	v0 =	vsel vm12, v0, v60  }
0x23d: {  	s10 =	sadd.s32 $0x1, s10;
	v0 =	vsel vm13, v0, v62  }
0x23e: {  	s31 =	sadd.s32 $0x10, s12;
	p0 =	sne.s32 s10, s6;
	v0 =	vsel vm14, v0, v63  }
.Ltmp1:
0x23f: {  	[tilespmem:s31+$0x0] =	vst v0;
	(pc) =	sbr.rel @p0 .LBB2_1-.Ltmp1, $4  }
0x240: {  	[hbm4b:s5+s2] =	stream.linear.scatter [tilespmem:s9], [sflag:$0x1], $0x200, $0x38;
	[tilespmem:$0x10200] =	vst v63  }
0x241: {  	_ =	swait.ge [sflag:s7], $0x200  }
0x242: {  	[sflag:s7] =	ssyncset.done $0x0  }
0x243: {  	[sflag:s7] =	ssyncadd.s32 $0xFFFFFE00  }
0x244: {  	_ =	sfence.sel $0x180000  }
0x245: {  	[bflag:$0x0] =	sbarrier.arrive $0xFFFF  }
0x246: {  	p0 =	sne.s32 s1, $0x0;
	_ =	strace $0x9000004A  }
0x247: {  	s0 =	sadd.s32 @!p0 $0x100000, s0;
	[bflag:$0x2] =	sbarrier.arrive $0xFFFF  }
0x248: {  	[sflag:s0] =	ssyncadd.tile.s32 @!p0 $0x1;
	_ =	shalt  }
.Lfunc_end2:
_tile_overlayer_lowered:
.L_overlay_start_2:
0x249: {  	(tag) =	ssettag $0x2  }
0x24a: {  	s0 =	rddreg [dreg:$0x0];
	s2 =	stileid.u32  }
0x24b: {  	s1 =	rddreg [dreg:$0x1];
	p0 =	sne.s32 s2, $0x0  }
0x24c: {  	s3 =	rddreg [dreg:$0x2];
	[bflag:$0x3] =	sbarrier.arrive $0xFFFF;
	s2 =	simm.s32 @!p0 $0x1C01  }
0x24d: {  	[timem:s3], [sflag:s2] =	dma.local @!p0 [hbm:s0], s1  }
0x24e: {  	s0 =	simm.s32 @!p0 $0x1  }
0x24f: {  	_ =	swait.ge @!p0 [sflag:s0], s1  }
0x250: {  	s1 =	ssub.s32 @!p0 $0x0, s1;
	[sflag:s0] =	ssyncset.done @!p0 $0x0  }
0x251: {  	[sflag:s0] =	ssyncadd.s32 @!p0 s1  }
0x252: {  	[bflag:$0x3] =	sbarrier.arrive $0xFFFF  }
0x253: {  	_ =	shalt  }

</sc_bundles>
